<compile_context>
chip_gen: v7x
topology: tpu7x:2x2x1
jax: 0.10.2.dev20260603
libtpu: 0.0.44.dev20260713+nightly
codegen_flags: <defaults>
</compile_context>

<pallas_src>
import functools

import jax
import jax.numpy as jnp
from jax import lax
from jax.experimental import pallas as pl
from jax.experimental.pallas import tpu as pltpu
from jax.experimental.pallas import tpu_sc as plsc

D = 64
NC = 2
NS = 16
NW = NC * NS
CHUNK = 128
GRP = 16
NQ = D // GRP
W2 = 12800


def _rsqrt_nr(s):
    i = lax.bitcast_convert_type(s, jnp.int32)
    i = jnp.int32(0x5F3759DF) - lax.shift_right_logical(i, 1)
    y = lax.bitcast_convert_type(i, jnp.float32)
    half_s = jnp.float32(0.5) * s
    for _ in range(3):
        y = y * (jnp.float32(1.5) - half_s * y * y)
    return y


def _transpose_table(x1t):
    n = x1t.shape[1]
    n_blocks = (n + W2 - 1) // W2
    grid = (n_blocks + 1) // 2
    last = n_blocks - 1

    def body(a_ref, b_ref, o_ref):
        o_ref[:, :D] = a_ref[...].T
        o_ref[:, D:] = b_ref[...].T

    return pl.pallas_call(
        body,
        grid=(grid,),
        in_specs=[
            pl.BlockSpec((D, W2), lambda i: (0, jnp.minimum(2 * i, last))),
            pl.BlockSpec((D, W2), lambda i: (0, jnp.minimum(2 * i + 1, last))),
        ],
        out_specs=pl.BlockSpec((W2, 2 * D), lambda i: (i, 0)),
        out_shape=jax.ShapeDtypeStruct((grid * W2, 2 * D), jnp.float32),
    )(x1t, x1t)


@functools.partial(jax.jit, static_argnums=(2,))
def _gather_normalize(tflat, woff3d, b_each):
    n_chunks = woff3d.shape[1]
    n_pairs = n_chunks // 2
    w_per_arr = NW // 4
    mesh = plsc.VectorSubcoreMesh(core_axis_name="c", subcore_axis_name="s")
    out_sds = jax.ShapeDtypeStruct((b_each // 2, 2 * D), jnp.float32)

    @functools.partial(
        pl.kernel,
        mesh=mesh,
        out_type=(out_sds, out_sds, out_sds, out_sds),
        compiler_params=pltpu.CompilerParams(use_tc_tiling_on_sc=False),
        scratch_types=[
            pltpu.VMEM((n_chunks, CHUNK), jnp.int32),
            pltpu.VMEM((CHUNK * D,), jnp.float32),
            pltpu.VMEM((CHUNK * D,), jnp.float32),
            pltpu.VMEM((CHUNK // 2, 2 * D), jnp.float32),
            pltpu.SemaphoreType.DMA,
            pltpu.SemaphoreType.DMA,
        ],
    )
    def k(tflat_hbm, woff_hbm, o0, o1, o2, o3, woff_v, b0, b1, ob, g0, g1):
        wid = lax.axis_index("s") * NC + lax.axis_index("c")
        aid = wid // w_per_arr
        arow = (wid % w_per_arr) * (n_chunks * CHUNK)
        pltpu.sync_copy(woff_hbm.at[wid], woff_v)

        lane = lax.iota(jnp.int32, GRP)
        perms = [lax.bitwise_xor(lane, jnp.int32(off)) for off in (8, 4, 2, 1)]

        def fire(c, buf, sem):
            def rows(g, carry):
                wv = woff_v[c, pl.ds(g * GRP, GRP)]
                for u in range(GRP):
                    pltpu.async_copy(
                        tflat_hbm.at[pl.ds(pl.multiple_of(wv[u], D), D)],
                        buf.at[pl.ds((g * GRP + u) * D, D)],
                        sem,
                    )
                return carry

            lax.fori_loop(0, CHUNK // GRP, rows, 0)

        def drain(buf, sem):
            pltpu.make_async_copy(
                tflat_hbm.at[pl.ds(0, CHUNK * D)], buf, sem
            ).wait()

        def normalize(buf):
            def rows_body(i, carry):
                for u in range(4):
                    r = i * 4 + u
                    vs = [
                        buf[pl.ds(r * D + q * GRP, GRP)] for q in range(NQ)
                    ]
                    s = jnp.zeros((GRP,), jnp.float32)
                    for v in vs:
                        s = s + v * v
                    for p in perms:
                        s = s + jnp.take_along_axis(
                            s, p, axis=0, mode="promise_in_bounds"
                        )
                    rs = _rsqrt_nr(jnp.maximum(s, jnp.float32(1e-24)))
                    base = (r % 2) * D
                    for q, v in enumerate(vs):
                        ob[r // 2, pl.ds(base + q * GRP, GRP)] = v * rs
                return carry

            lax.fori_loop(0, CHUNK // 4, rows_body, 0)

        def write_out(c):
            dst_row = (arow + c * CHUNK) // 2
            for a, out in enumerate((o0, o1, o2, o3)):
                @pl.when(aid == a)
                def _():
                    pltpu.sync_copy(ob, out.at[pl.ds(dst_row, CHUNK // 2)])

        fire(0, b0, g0)

        def body(i, carry):
            c0 = 2 * i
            c1 = 2 * i + 1
            drain(b0, g0)
            fire(c1, b1, g1)
            normalize(b0)
            write_out(c0)
            drain(b1, g1)

            @pl.when(i + 1 < n_pairs)
            def _():
                fire(c0 + 2, b0, g0)

            normalize(b1)
            write_out(c1)
            return carry

        lax.fori_loop(0, n_pairs, body, 0)

    return k(tflat, woff3d)


def kernel(x1, adj, pos_src, pos_dst, neg_src, neg_dst):
    del adj
    b_each = pos_src.shape[0]
    idx = jnp.concatenate([
        pos_src.astype(jnp.int32), pos_dst.astype(jnp.int32),
        neg_src.astype(jnp.int32), neg_dst.astype(jnp.int32),
    ])
    per_w = (4 * b_each) // NW
    kblk = idx // W2
    j = idx - kblk * W2
    woff = ((kblk >> 1) * W2 + j) * (2 * D) + (kblk & 1) * D
    woff3d = woff.reshape(NW, per_w // CHUNK, CHUNK)
    table2 = _transpose_table(x1.T)
    tflat = table2.reshape(-1)
    outs = _gather_normalize(tflat, woff3d, b_each)
    return tuple(o.reshape(b_each, D) for o in outs)

# --- scband reference (transcript-rebuilt; emitter-appended) ---
"""Pipeline reference for scband-mymodel-tune-41068477285178 (READ-ONLY COPY).

The authoritative reference and input builder live on the scoring server;
editing this copy changes nothing except your own understanding.
"""

import jax, jax.numpy as jnp
import numpy as np

N = 1000000
D = 64
B = 16384

def setup_inputs(seed: int = 0) -> dict:
    key = jax.random.key(seed)
    k1, k2, k3, k4, k5 = jax.random.split(key, 5)
    x1 = jax.random.normal(k1, (N, D), dtype=jnp.float32)
    adj = jnp.zeros((128, 128), dtype=jnp.float32)
    pos_src = jax.random.randint(k2, (B,), 0, N)
    pos_dst = jax.random.randint(k3, (B,), 0, N)
    neg_src = jax.random.randint(k4, (B,), 0, N)
    neg_dst = jax.random.randint(k5, (B,), 0, N)
    return {"x1": x1, "adj": adj, "pos_src": pos_src, "pos_dst": pos_dst, "neg_src": neg_src, "neg_dst": neg_dst}

def _l2_normalize(v):
    # matches torch F.normalize(v, p=2, dim=1), eps=1e-12
    n = jnp.linalg.norm(v, ord=2, axis=1, keepdims=True)
    return v / jnp.maximum(n, 1e-12)

def reference(x1, adj, pos_src, pos_dst, neg_src, neg_dst):
    src_emb = _l2_normalize(jnp.take(x1, pos_src, axis=0))
    dst_emb = _l2_normalize(jnp.take(x1, pos_dst, axis=0))
    src_neg_emb = _l2_normalize(jnp.take(x1, neg_src, axis=0))
    dst_neg_emb = _l2_normalize(jnp.take(x1, neg_dst, axis=0))
    # original returns ([src],[dst],[src_neg],[dst_neg]); each list has one element
    return (src_emb, dst_emb, src_neg_emb, dst_neg_emb)

if __name__ == "__main__":
    import jax
    _d = setup_inputs()
    print(jax.jit(kernel)(*tuple(_d.values())))

</pallas_src>

<mosaic_0001>
#map = affine_map<(d0, d1) -> (0)>
#map1 = affine_map<(d0, d1) -> (0, 0, 0)>
#map2 = affine_map<(d0, d1) -> (0, 0)>
module attributes {stable_mosaic.version = 14 : i64} {
  func.func @k(%arg0: i32, %arg1: i32, %arg2: memref<65536000xf32, #tpu.memory_space<hbm>>, %arg3: memref<32x16x128xi32, #tpu.memory_space<hbm>>, %arg4: memref<8192x128xf32, #tpu.memory_space<hbm>>, %arg5: memref<8192x128xf32, #tpu.memory_space<hbm>>, %arg6: memref<8192x128xf32, #tpu.memory_space<hbm>>, %arg7: memref<8192x128xf32, #tpu.memory_space<hbm>>, %arg8: memref<16x128xi32, #tpu.memory_space<vmem>>, %arg9: memref<8192xf32, #tpu.memory_space<vmem>>, %arg10: memref<8192xf32, #tpu.memory_space<vmem>>, %arg11: memref<64x128xf32, #tpu.memory_space<vmem>>, %arg12: memref<!tpu.dma_semaphore, #tpu.memory_space<semaphore_mem>>, %arg13: memref<!tpu.dma_semaphore, #tpu.memory_space<semaphore_mem>>) attributes {dimension_semantics = [#tpu.dimension_semantics<core_parallel>, #tpu.dimension_semantics<subcore_parallel>], iteration_bounds = array<i64: 2, 16>, scalar_prefetch = 0 : i64, scratch_operands = 6 : i64, tpu.core_type = #tpu.core_type<sc_vector_subcore>, window_params = [{transform_indices = #map}, {transform_indices = #map1}, {transform_indices = #map2}, {transform_indices = #map2}, {transform_indices = #map2}, {transform_indices = #map2}]} {
    %mul3A = arith.constant 2 : i32
    %mul3A_0 = arith.muli %arg1, %mul3A : i32
    %add3A = arith.addi %mul3A_0, %arg0 : i32
    %jit3A = arith.constant 8 : i32
    %div3A = arith.divsi %add3A, %jit3A : i32
    %sign3A = arith.constant 0 : i32
    %sign3A_1 = arith.cmpi sgt, %add3A, %sign3A : i32
    %sign3A_2 = arith.extui %sign3A_1 : i1 to i32
    %sign3A_3 = arith.constant 0 : i32
    %sign3A_4 = arith.cmpi slt, %add3A, %sign3A_3 : i32
    %sign3A_5 = arith.extui %sign3A_4 : i1 to i32
    %sign3A_6 = arith.subi %sign3A_2, %sign3A_5 : i32
    %sign3A_7 = arith.constant 0 : i32
    %sign3A_8 = arith.cmpi sgt, %jit3A, %sign3A_7 : i32
    %sign3A_9 = arith.extui %sign3A_8 : i1 to i32
    %sign3A_10 = arith.constant 0 : i32
    %sign3A_11 = arith.cmpi slt, %jit3A, %sign3A_10 : i32
    %sign3A_12 = arith.extui %sign3A_11 : i1 to i32
    %sign3A_13 = arith.subi %sign3A_9, %sign3A_12 : i32
    %ne3A = arith.cmpi ne, %sign3A_6, %sign3A_13 : i32
    %rem3A = arith.remsi %add3A, %jit3A : i32
    %ne3A_14 = arith.constant 0 : i32
    %ne3A_15 = arith.cmpi ne, %rem3A, %ne3A_14 : i32
    %and3A = arith.andi %ne3A, %ne3A_15 : i1
    %sub3A = arith.constant 1 : i32
    %sub3A_16 = arith.subi %div3A, %sub3A : i32
    %select_n3A = arith.select %and3A, %sub3A_16, %div3A : i32
    %jit3A_17 = arith.constant 8 : i32
    %eq3A = arith.constant 0 : i32
    %eq3A_18 = arith.cmpi eq, %jit3A_17, %eq3A : i32
    %jit3A_19 = arith.constant 1 : i32
    %select_n3A_20 = arith.select %eq3A_18, %jit3A_19, %jit3A_17 : i32
    %rem3A_21 = arith.remsi %add3A, %select_n3A_20 : i32
    %ne3A_22 = arith.constant 0 : i32
    %ne3A_23 = arith.cmpi ne, %rem3A_21, %ne3A_22 : i32
    %lt3A = arith.constant 0 : i32
    %lt3A_24 = arith.cmpi slt, %rem3A_21, %lt3A : i32
    %lt3A_25 = arith.constant 0 : i32
    %lt3A_26 = arith.cmpi slt, %select_n3A_20, %lt3A_25 : i32
    %ne3A_27 = arith.xori %lt3A_24, %lt3A_26 : i1
    %and3A_28 = arith.andi %ne3A_27, %ne3A_23 : i1
    %add3A_29 = arith.addi %rem3A_21, %select_n3A_20 : i32
    %select_n3A_30 = arith.select %and3A_28, %add3A_29, %rem3A_21 : i32
    %mul3A_31 = arith.constant 2048 : i32
    %mul3A_32 = arith.muli %select_n3A_30, %mul3A_31 : i32
    "tpu.region"() ({
      %run_scoped3A = tpu.sem_alloc : memref<!tpu.dma_semaphore, #tpu.memory_space<semaphore_mem>>
      %dma_start3A = arith.constant 0 : i32
      %dma_start3A_55 = arith.constant 0 : i32
      %dma_start3A_56 = tpu.memref_slice %arg3[%add3A, %dma_start3A, %dma_start3A_55] : memref<32x16x128xi32, #tpu.memory_space<hbm>> -> memref<1x16x128xi32, #tpu.memory_space<hbm>>
      %dma_start3A_57 = tpu.memref_squeeze %dma_start3A_56 : memref<1x16x128xi32, #tpu.memory_space<hbm>> -> memref<16x128xi32, #tpu.memory_space<hbm>>
      %dma_start3A_58 = arith.constant 0 : i32
      %dma_start3A_59 = arith.constant 0 : i32
      %dma_start3A_60 = tpu.memref_slice %arg3[%add3A, %dma_start3A_58, %dma_start3A_59] : memref<32x16x128xi32, #tpu.memory_space<hbm>> -> memref<1x16x128xi32, #tpu.memory_space<hbm>>
      %dma_start3A_61 = tpu.memref_squeeze %dma_start3A_60 : memref<1x16x128xi32, #tpu.memory_space<hbm>> -> memref<16x128xi32, #tpu.memory_space<hbm>>
      tpu.enqueue_dma source(%dma_start3A_61 : memref<16x128xi32, #tpu.memory_space<hbm>>) target(%arg8 : memref<16x128xi32, #tpu.memory_space<vmem>>) target_semaphore(%run_scoped3A : memref<!tpu.dma_semaphore, #tpu.memory_space<semaphore_mem>>)
      %dma_wait3A = arith.constant 0 : i32
      %dma_wait3A_62 = arith.constant 0 : i32
      %dma_wait3A_63 = tpu.memref_slice %arg3[%add3A, %dma_wait3A, %dma_wait3A_62] : memref<32x16x128xi32, #tpu.memory_space<hbm>> -> memref<1x16x128xi32, #tpu.memory_space<hbm>>
      %dma_wait3A_64 = tpu.memref_squeeze %dma_wait3A_63 : memref<1x16x128xi32, #tpu.memory_space<hbm>> -> memref<16x128xi32, #tpu.memory_space<hbm>>
      %dma_wait3A_65 = arith.constant 0 : i32
      %dma_wait3A_66 = arith.constant 0 : i32
      %dma_wait3A_67 = tpu.memref_slice %arg3[%add3A, %dma_wait3A_65, %dma_wait3A_66] : memref<32x16x128xi32, #tpu.memory_space<hbm>> -> memref<1x16x128xi32, #tpu.memory_space<hbm>>
      %dma_wait3A_68 = tpu.memref_squeeze %dma_wait3A_67 : memref<1x16x128xi32, #tpu.memory_space<hbm>> -> memref<16x128xi32, #tpu.memory_space<hbm>>
      tpu.wait_dma2 semaphore(%run_scoped3A : memref<!tpu.dma_semaphore, #tpu.memory_space<semaphore_mem>>) src(%dma_wait3A_68 : memref<16x128xi32, #tpu.memory_space<hbm>>) dst(%arg8 : memref<16x128xi32, #tpu.memory_space<vmem>>)
      tpu.yield
    }) : () -> ()
    %iota3A = tpu.iota {dimensions = array<i32: 0>} : vector<16xi32>
    %xor3A = arith.constant 8 : i32
    %xor3A_33 = vector.broadcast %xor3A : i32 to vector<16xi32>
    %xor3A_34 = arith.xori %iota3A, %xor3A_33 : vector<16xi32>
    %xor3A_35 = arith.constant 4 : i32
    %xor3A_36 = vector.broadcast %xor3A_35 : i32 to vector<16xi32>
    %xor3A_37 = arith.xori %iota3A, %xor3A_36 : vector<16xi32>
    %xor3A_38 = arith.constant 2 : i32
    %xor3A_39 = vector.broadcast %xor3A_38 : i32 to vector<16xi32>
    %xor3A_40 = arith.xori %iota3A, %xor3A_39 : vector<16xi32>
    %xor3A_41 = arith.constant 1 : i32
    %xor3A_42 = vector.broadcast %xor3A_41 : i32 to vector<16xi32>
    %xor3A_43 = arith.xori %iota3A, %xor3A_42 : vector<16xi32>
    %scan3A = arith.constant 0 : i32
    %scan3A_44 = arith.constant 0 : i32
    %scan3A_45 = arith.constant 8 : i32
    %scan3A_46 = arith.addi %scan3A_44, %scan3A_45 : i32
    %scan3A_47 = arith.constant 1 : i32
    scf.for %scan3A_55 = %scan3A_44 to %scan3A_46 step %scan3A_47  : i32 {
      %mul3A_56 = arith.constant 16 : i32
      %mul3A_57 = arith.muli %scan3A_55, %mul3A_56 : i32
      %get3A = arith.constant 0 : i32
      %get3A_58 = arith.index_cast %get3A : i32 to index
      %get3A_59 = arith.index_cast %mul3A_57 : i32 to index
      %get3A_60 = tpu.vector_load %arg8[%get3A_58, %get3A_59] {strides = array<i32>} : memref<16x128xi32, #tpu.memory_space<vmem>>, vector<1x16xi32>,
      %get3A_61 = vector.shape_cast %get3A_60 : vector<1x16xi32> to vector<16xi32>
      %slice3A = vector.extract_strided_slice %get3A_61 {offsets = [0], sizes = [1], strides = [1]} : vector<16xi32> to vector<1xi32>
      %squeeze3A = vector.extract %slice3A[0] : i32 from vector<1xi32>
      %multiple_of3A = tpu.assume_multiple %squeeze3A, 64 : i32
      %mul3A_62 = arith.constant 16 : i32
      %mul3A_63 = arith.muli %scan3A_55, %mul3A_62 : i32
      %add3A_64 = arith.constant 0 : i32
      %add3A_65 = arith.addi %mul3A_63, %add3A_64 : i32
      %mul3A_66 = arith.constant 64 : i32
      %mul3A_67 = arith.muli %add3A_65, %mul3A_66 : i32
      %dma_start3A = tpu.memref_slice %arg9[%mul3A_67] : memref<8192xf32, #tpu.memory_space<vmem>> -> memref<64xf32, #tpu.memory_space<vmem>>
      %dma_start3A_68 = tpu.memref_slice %arg2[%multiple_of3A] : memref<65536000xf32, #tpu.memory_space<hbm>> -> memref<64xf32, #tpu.memory_space<hbm>>
      %dma_start3A_69 = tpu.memref_slice %arg9[%mul3A_67] : memref<8192xf32, #tpu.memory_space<vmem>> -> memref<64xf32, #tpu.memory_space<vmem>>
      %dma_start3A_70 = tpu.memref_slice %arg2[%multiple_of3A] : memref<65536000xf32, #tpu.memory_space<hbm>> -> memref<64xf32, #tpu.memory_space<hbm>>
      tpu.enqueue_dma source(%dma_start3A_70 : memref<64xf32, #tpu.memory_space<hbm>>) target(%dma_start3A_69 : memref<64xf32, #tpu.memory_space<vmem>>) target_semaphore(%arg12 : memref<!tpu.dma_semaphore, #tpu.memory_space<semaphore_mem>>)
      %slice3A_71 = vector.extract_strided_slice %get3A_61 {offsets = [1], sizes = [1], strides = [1]} : vector<16xi32> to vector<1xi32>
      %squeeze3A_72 = vector.extract %slice3A_71[0] : i32 from vector<1xi32>
      %multiple_of3A_73 = tpu.assume_multiple %squeeze3A_72, 64 : i32
      %mul3A_74 = arith.constant 16 : i32
      %mul3A_75 = arith.muli %scan3A_55, %mul3A_74 : i32
      %add3A_76 = arith.constant 1 : i32
      %add3A_77 = arith.addi %mul3A_75, %add3A_76 : i32
      %mul3A_78 = arith.constant 64 : i32
      %mul3A_79 = arith.muli %add3A_77, %mul3A_78 : i32
      %dma_start3A_80 = tpu.memref_slice %arg9[%mul3A_79] : memref<8192xf32, #tpu.memory_space<vmem>> -> memref<64xf32, #tpu.memory_space<vmem>>
      %dma_start3A_81 = tpu.memref_slice %arg2[%multiple_of3A_73] : memref<65536000xf32, #tpu.memory_space<hbm>> -> memref<64xf32, #tpu.memory_space<hbm>>
      %dma_start3A_82 = tpu.memref_slice %arg9[%mul3A_79] : memref<8192xf32, #tpu.memory_space<vmem>> -> memref<64xf32, #tpu.memory_space<vmem>>
      %dma_start3A_83 = tpu.memref_slice %arg2[%multiple_of3A_73] : memref<65536000xf32, #tpu.memory_space<hbm>> -> memref<64xf32, #tpu.memory_space<hbm>>
      tpu.enqueue_dma source(%dma_start3A_83 : memref<64xf32, #tpu.memory_space<hbm>>) target(%dma_start3A_82 : memref<64xf32, #tpu.memory_space<vmem>>) target_semaphore(%arg12 : memref<!tpu.dma_semaphore, #tpu.memory_space<semaphore_mem>>)
      %slice3A_84 = vector.extract_strided_slice %get3A_61 {offsets = [2], sizes = [1], strides = [1]} : vector<16xi32> to vector<1xi32>
      %squeeze3A_85 = vector.extract %slice3A_84[0] : i32 from vector<1xi32>
      %multiple_of3A_86 = tpu.assume_multiple %squeeze3A_85, 64 : i32
      %mul3A_87 = arith.constant 16 : i32
      %mul3A_88 = arith.muli %scan3A_55, %mul3A_87 : i32
      %add3A_89 = arith.constant 2 : i32
      %add3A_90 = arith.addi %mul3A_88, %add3A_89 : i32
      %mul3A_91 = arith.constant 64 : i32
      %mul3A_92 = arith.muli %add3A_90, %mul3A_91 : i32
      %dma_start3A_93 = tpu.memref_slice %arg9[%mul3A_92] : memref<8192xf32, #tpu.memory_space<vmem>> -> memref<64xf32, #tpu.memory_space<vmem>>
      %dma_start3A_94 = tpu.memref_slice %arg2[%multiple_of3A_86] : memref<65536000xf32, #tpu.memory_space<hbm>> -> memref<64xf32, #tpu.memory_space<hbm>>
      %dma_start3A_95 = tpu.memref_slice %arg9[%mul3A_92] : memref<8192xf32, #tpu.memory_space<vmem>> -> memref<64xf32, #tpu.memory_space<vmem>>
      %dma_start3A_96 = tpu.memref_slice %arg2[%multiple_of3A_86] : memref<65536000xf32, #tpu.memory_space<hbm>> -> memref<64xf32, #tpu.memory_space<hbm>>
      tpu.enqueue_dma source(%dma_start3A_96 : memref<64xf32, #tpu.memory_space<hbm>>) target(%dma_start3A_95 : memref<64xf32, #tpu.memory_space<vmem>>) target_semaphore(%arg12 : memref<!tpu.dma_semaphore, #tpu.memory_space<semaphore_mem>>)
      %slice3A_97 = vector.extract_strided_slice %get3A_61 {offsets = [3], sizes = [1], strides = [1]} : vector<16xi32> to vector<1xi32>
      %squeeze3A_98 = vector.extract %slice3A_97[0] : i32 from vector<1xi32>
      %multiple_of3A_99 = tpu.assume_multiple %squeeze3A_98, 64 : i32
      %mul3A_100 = arith.constant 16 : i32
      %mul3A_101 = arith.muli %scan3A_55, %mul3A_100 : i32
      %add3A_102 = arith.constant 3 : i32
      %add3A_103 = arith.addi %mul3A_101, %add3A_102 : i32
      %mul3A_104 = arith.constant 64 : i32
      %mul3A_105 = arith.muli %add3A_103, %mul3A_104 : i32
      %dma_start3A_106 = tpu.memref_slice %arg9[%mul3A_105] : memref<8192xf32, #tpu.memory_space<vmem>> -> memref<64xf32, #tpu.memory_space<vmem>>
      %dma_start3A_107 = tpu.memref_slice %arg2[%multiple_of3A_99] : memref<65536000xf32, #tpu.memory_space<hbm>> -> memref<64xf32, #tpu.memory_space<hbm>>
      %dma_start3A_108 = tpu.memref_slice %arg9[%mul3A_105] : memref<8192xf32, #tpu.memory_space<vmem>> -> memref<64xf32, #tpu.memory_space<vmem>>
      %dma_start3A_109 = tpu.memref_slice %arg2[%multiple_of3A_99] : memref<65536000xf32, #tpu.memory_space<hbm>> -> memref<64xf32, #tpu.memory_space<hbm>>
      tpu.enqueue_dma source(%dma_start3A_109 : memref<64xf32, #tpu.memory_space<hbm>>) target(%dma_start3A_108 : memref<64xf32, #tpu.memory_space<vmem>>) target_semaphore(%arg12 : memref<!tpu.dma_semaphore, #tpu.memory_space<semaphore_mem>>)
      %slice3A_110 = vector.extract_strided_slice %get3A_61 {offsets = [4], sizes = [1], strides = [1]} : vector<16xi32> to vector<1xi32>
      %squeeze3A_111 = vector.extract %slice3A_110[0] : i32 from vector<1xi32>
      %multiple_of3A_112 = tpu.assume_multiple %squeeze3A_111, 64 : i32
      %mul3A_113 = arith.constant 16 : i32
      %mul3A_114 = arith.muli %scan3A_55, %mul3A_113 : i32
      %add3A_115 = arith.constant 4 : i32
      %add3A_116 = arith.addi %mul3A_114, %add3A_115 : i32
      %mul3A_117 = arith.constant 64 : i32
      %mul3A_118 = arith.muli %add3A_116, %mul3A_117 : i32
      %dma_start3A_119 = tpu.memref_slice %arg9[%mul3A_118] : memref<8192xf32, #tpu.memory_space<vmem>> -> memref<64xf32, #tpu.memory_space<vmem>>
      %dma_start3A_120 = tpu.memref_slice %arg2[%multiple_of3A_112] : memref<65536000xf32, #tpu.memory_space<hbm>> -> memref<64xf32, #tpu.memory_space<hbm>>
      %dma_start3A_121 = tpu.memref_slice %arg9[%mul3A_118] : memref<8192xf32, #tpu.memory_space<vmem>> -> memref<64xf32, #tpu.memory_space<vmem>>
      %dma_start3A_122 = tpu.memref_slice %arg2[%multiple_of3A_112] : memref<65536000xf32, #tpu.memory_space<hbm>> -> memref<64xf32, #tpu.memory_space<hbm>>
      tpu.enqueue_dma source(%dma_start3A_122 : memref<64xf32, #tpu.memory_space<hbm>>) target(%dma_start3A_121 : memref<64xf32, #tpu.memory_space<vmem>>) target_semaphore(%arg12 : memref<!tpu.dma_semaphore, #tpu.memory_space<semaphore_mem>>)
      %slice3A_123 = vector.extract_strided_slice %get3A_61 {offsets = [5], sizes = [1], strides = [1]} : vector<16xi32> to vector<1xi32>
      %squeeze3A_124 = vector.extract %slice3A_123[0] : i32 from vector<1xi32>
      %multiple_of3A_125 = tpu.assume_multiple %squeeze3A_124, 64 : i32
      %mul3A_126 = arith.constant 16 : i32
      %mul3A_127 = arith.muli %scan3A_55, %mul3A_126 : i32
      %add3A_128 = arith.constant 5 : i32
      %add3A_129 = arith.addi %mul3A_127, %add3A_128 : i32
      %mul3A_130 = arith.constant 64 : i32
      %mul3A_131 = arith.muli %add3A_129, %mul3A_130 : i32
      %dma_start3A_132 = tpu.memref_slice %arg9[%mul3A_131] : memref<8192xf32, #tpu.memory_space<vmem>> -> memref<64xf32, #tpu.memory_space<vmem>>
      %dma_start3A_133 = tpu.memref_slice %arg2[%multiple_of3A_125] : memref<65536000xf32, #tpu.memory_space<hbm>> -> memref<64xf32, #tpu.memory_space<hbm>>
      %dma_start3A_134 = tpu.memref_slice %arg9[%mul3A_131] : memref<8192xf32, #tpu.memory_space<vmem>> -> memref<64xf32, #tpu.memory_space<vmem>>
      %dma_start3A_135 = tpu.memref_slice %arg2[%multiple_of3A_125] : memref<65536000xf32, #tpu.memory_space<hbm>> -> memref<64xf32, #tpu.memory_space<hbm>>
      tpu.enqueue_dma source(%dma_start3A_135 : memref<64xf32, #tpu.memory_space<hbm>>) target(%dma_start3A_134 : memref<64xf32, #tpu.memory_space<vmem>>) target_semaphore(%arg12 : memref<!tpu.dma_semaphore, #tpu.memory_space<semaphore_mem>>)
      %slice3A_136 = vector.extract_strided_slice %get3A_61 {offsets = [6], sizes = [1], strides = [1]} : vector<16xi32> to vector<1xi32>
      %squeeze3A_137 = vector.extract %slice3A_136[0] : i32 from vector<1xi32>
      %multiple_of3A_138 = tpu.assume_multiple %squeeze3A_137, 64 : i32
      %mul3A_139 = arith.constant 16 : i32
      %mul3A_140 = arith.muli %scan3A_55, %mul3A_139 : i32
      %add3A_141 = arith.constant 6 : i32
      %add3A_142 = arith.addi %mul3A_140, %add3A_141 : i32
      %mul3A_143 = arith.constant 64 : i32
      %mul3A_144 = arith.muli %add3A_142, %mul3A_143 : i32
      %dma_start3A_145 = tpu.memref_slice %arg9[%mul3A_144] : memref<8192xf32, #tpu.memory_space<vmem>> -> memref<64xf32, #tpu.memory_space<vmem>>
      %dma_start3A_146 = tpu.memref_slice %arg2[%multiple_of3A_138] : memref<65536000xf32, #tpu.memory_space<hbm>> -> memref<64xf32, #tpu.memory_space<hbm>>
      %dma_start3A_147 = tpu.memref_slice %arg9[%mul3A_144] : memref<8192xf32, #tpu.memory_space<vmem>> -> memref<64xf32, #tpu.memory_space<vmem>>
      %dma_start3A_148 = tpu.memref_slice %arg2[%multiple_of3A_138] : memref<65536000xf32, #tpu.memory_space<hbm>> -> memref<64xf32, #tpu.memory_space<hbm>>
      tpu.enqueue_dma source(%dma_start3A_148 : memref<64xf32, #tpu.memory_space<hbm>>) target(%dma_start3A_147 : memref<64xf32, #tpu.memory_space<vmem>>) target_semaphore(%arg12 : memref<!tpu.dma_semaphore, #tpu.memory_space<semaphore_mem>>)
      %slice3A_149 = vector.extract_strided_slice %get3A_61 {offsets = [7], sizes = [1], strides = [1]} : vector<16xi32> to vector<1xi32>
      %squeeze3A_150 = vector.extract %slice3A_149[0] : i32 from vector<1xi32>
      %multiple_of3A_151 = tpu.assume_multiple %squeeze3A_150, 64 : i32
      %mul3A_152 = arith.constant 16 : i32
      %mul3A_153 = arith.muli %scan3A_55, %mul3A_152 : i32
      %add3A_154 = arith.constant 7 : i32
      %add3A_155 = arith.addi %mul3A_153, %add3A_154 : i32
      %mul3A_156 = arith.constant 64 : i32
      %mul3A_157 = arith.muli %add3A_155, %mul3A_156 : i32
      %dma_start3A_158 = tpu.memref_slice %arg9[%mul3A_157] : memref<8192xf32, #tpu.memory_space<vmem>> -> memref<64xf32, #tpu.memory_space<vmem>>
      %dma_start3A_159 = tpu.memref_slice %arg2[%multiple_of3A_151] : memref<65536000xf32, #tpu.memory_space<hbm>> -> memref<64xf32, #tpu.memory_space<hbm>>
      %dma_start3A_160 = tpu.memref_slice %arg9[%mul3A_157] : memref<8192xf32, #tpu.memory_space<vmem>> -> memref<64xf32, #tpu.memory_space<vmem>>
      %dma_start3A_161 = tpu.memref_slice %arg2[%multiple_of3A_151] : memref<65536000xf32, #tpu.memory_space<hbm>> -> memref<64xf32, #tpu.memory_space<hbm>>
      tpu.enqueue_dma source(%dma_start3A_161 : memref<64xf32, #tpu.memory_space<hbm>>) target(%dma_start3A_160 : memref<64xf32, #tpu.memory_space<vmem>>) target_semaphore(%arg12 : memref<!tpu.dma_semaphore, #tpu.memory_space<semaphore_mem>>)
      %slice3A_162 = vector.extract_strided_slice %get3A_61 {offsets = [8], sizes = [1], strides = [1]} : vector<16xi32> to vector<1xi32>
      %squeeze3A_163 = vector.extract %slice3A_162[0] : i32 from vector<1xi32>
      %multiple_of3A_164 = tpu.assume_multiple %squeeze3A_163, 64 : i32
      %mul3A_165 = arith.constant 16 : i32
      %mul3A_166 = arith.muli %scan3A_55, %mul3A_165 : i32
      %add3A_167 = arith.constant 8 : i32
      %add3A_168 = arith.addi %mul3A_166, %add3A_167 : i32
      %mul3A_169 = arith.constant 64 : i32
      %mul3A_170 = arith.muli %add3A_168, %mul3A_169 : i32
      %dma_start3A_171 = tpu.memref_slice %arg9[%mul3A_170] : memref<8192xf32, #tpu.memory_space<vmem>> -> memref<64xf32, #tpu.memory_space<vmem>>
      %dma_start3A_172 = tpu.memref_slice %arg2[%multiple_of3A_164] : memref<65536000xf32, #tpu.memory_space<hbm>> -> memref<64xf32, #tpu.memory_space<hbm>>
      %dma_start3A_173 = tpu.memref_slice %arg9[%mul3A_170] : memref<8192xf32, #tpu.memory_space<vmem>> -> memref<64xf32, #tpu.memory_space<vmem>>
      %dma_start3A_174 = tpu.memref_slice %arg2[%multiple_of3A_164] : memref<65536000xf32, #tpu.memory_space<hbm>> -> memref<64xf32, #tpu.memory_space<hbm>>
      tpu.enqueue_dma source(%dma_start3A_174 : memref<64xf32, #tpu.memory_space<hbm>>) target(%dma_start3A_173 : memref<64xf32, #tpu.memory_space<vmem>>) target_semaphore(%arg12 : memref<!tpu.dma_semaphore, #tpu.memory_space<semaphore_mem>>)
      %slice3A_175 = vector.extract_strided_slice %get3A_61 {offsets = [9], sizes = [1], strides = [1]} : vector<16xi32> to vector<1xi32>
      %squeeze3A_176 = vector.extract %slice3A_175[0] : i32 from vector<1xi32>
      %multiple_of3A_177 = tpu.assume_multiple %squeeze3A_176, 64 : i32
      %mul3A_178 = arith.constant 16 : i32
      %mul3A_179 = arith.muli %scan3A_55, %mul3A_178 : i32
      %add3A_180 = arith.constant 9 : i32
      %add3A_181 = arith.addi %mul3A_179, %add3A_180 : i32
      %mul3A_182 = arith.constant 64 : i32
      %mul3A_183 = arith.muli %add3A_181, %mul3A_182 : i32
      %dma_start3A_184 = tpu.memref_slice %arg9[%mul3A_183] : memref<8192xf32, #tpu.memory_space<vmem>> -> memref<64xf32, #tpu.memory_space<vmem>>
      %dma_start3A_185 = tpu.memref_slice %arg2[%multiple_of3A_177] : memref<65536000xf32, #tpu.memory_space<hbm>> -> memref<64xf32, #tpu.memory_space<hbm>>
      %dma_start3A_186 = tpu.memref_slice %arg9[%mul3A_183] : memref<8192xf32, #tpu.memory_space<vmem>> -> memref<64xf32, #tpu.memory_space<vmem>>
      %dma_start3A_187 = tpu.memref_slice %arg2[%multiple_of3A_177] : memref<65536000xf32, #tpu.memory_space<hbm>> -> memref<64xf32, #tpu.memory_space<hbm>>
      tpu.enqueue_dma source(%dma_start3A_187 : memref<64xf32, #tpu.memory_space<hbm>>) target(%dma_start3A_186 : memref<64xf32, #tpu.memory_space<vmem>>) target_semaphore(%arg12 : memref<!tpu.dma_semaphore, #tpu.memory_space<semaphore_mem>>)
      %slice3A_188 = vector.extract_strided_slice %get3A_61 {offsets = [10], sizes = [1], strides = [1]} : vector<16xi32> to vector<1xi32>
      %squeeze3A_189 = vector.extract %slice3A_188[0] : i32 from vector<1xi32>
      %multiple_of3A_190 = tpu.assume_multiple %squeeze3A_189, 64 : i32
      %mul3A_191 = arith.constant 16 : i32
      %mul3A_192 = arith.muli %scan3A_55, %mul3A_191 : i32
      %add3A_193 = arith.constant 10 : i32
      %add3A_194 = arith.addi %mul3A_192, %add3A_193 : i32
      %mul3A_195 = arith.constant 64 : i32
      %mul3A_196 = arith.muli %add3A_194, %mul3A_195 : i32
      %dma_start3A_197 = tpu.memref_slice %arg9[%mul3A_196] : memref<8192xf32, #tpu.memory_space<vmem>> -> memref<64xf32, #tpu.memory_space<vmem>>
      %dma_start3A_198 = tpu.memref_slice %arg2[%multiple_of3A_190] : memref<65536000xf32, #tpu.memory_space<hbm>> -> memref<64xf32, #tpu.memory_space<hbm>>
      %dma_start3A_199 = tpu.memref_slice %arg9[%mul3A_196] : memref<8192xf32, #tpu.memory_space<vmem>> -> memref<64xf32, #tpu.memory_space<vmem>>
      %dma_start3A_200 = tpu.memref_slice %arg2[%multiple_of3A_190] : memref<65536000xf32, #tpu.memory_space<hbm>> -> memref<64xf32, #tpu.memory_space<hbm>>
      tpu.enqueue_dma source(%dma_start3A_200 : memref<64xf32, #tpu.memory_space<hbm>>) target(%dma_start3A_199 : memref<64xf32, #tpu.memory_space<vmem>>) target_semaphore(%arg12 : memref<!tpu.dma_semaphore, #tpu.memory_space<semaphore_mem>>)
      %slice3A_201 = vector.extract_strided_slice %get3A_61 {offsets = [11], sizes = [1], strides = [1]} : vector<16xi32> to vector<1xi32>
      %squeeze3A_202 = vector.extract %slice3A_201[0] : i32 from vector<1xi32>
      %multiple_of3A_203 = tpu.assume_multiple %squeeze3A_202, 64 : i32
      %mul3A_204 = arith.constant 16 : i32
      %mul3A_205 = arith.muli %scan3A_55, %mul3A_204 : i32
      %add3A_206 = arith.constant 11 : i32
      %add3A_207 = arith.addi %mul3A_205, %add3A_206 : i32
      %mul3A_208 = arith.constant 64 : i32
      %mul3A_209 = arith.muli %add3A_207, %mul3A_208 : i32
      %dma_start3A_210 = tpu.memref_slice %arg9[%mul3A_209] : memref<8192xf32, #tpu.memory_space<vmem>> -> memref<64xf32, #tpu.memory_space<vmem>>
      %dma_start3A_211 = tpu.memref_slice %arg2[%multiple_of3A_203] : memref<65536000xf32, #tpu.memory_space<hbm>> -> memref<64xf32, #tpu.memory_space<hbm>>
      %dma_start3A_212 = tpu.memref_slice %arg9[%mul3A_209] : memref<8192xf32, #tpu.memory_space<vmem>> -> memref<64xf32, #tpu.memory_space<vmem>>
      %dma_start3A_213 = tpu.memref_slice %arg2[%multiple_of3A_203] : memref<65536000xf32, #tpu.memory_space<hbm>> -> memref<64xf32, #tpu.memory_space<hbm>>
      tpu.enqueue_dma source(%dma_start3A_213 : memref<64xf32, #tpu.memory_space<hbm>>) target(%dma_start3A_212 : memref<64xf32, #tpu.memory_space<vmem>>) target_semaphore(%arg12 : memref<!tpu.dma_semaphore, #tpu.memory_space<semaphore_mem>>)
      %slice3A_214 = vector.extract_strided_slice %get3A_61 {offsets = [12], sizes = [1], strides = [1]} : vector<16xi32> to vector<1xi32>
      %squeeze3A_215 = vector.extract %slice3A_214[0] : i32 from vector<1xi32>
      %multiple_of3A_216 = tpu.assume_multiple %squeeze3A_215, 64 : i32
      %mul3A_217 = arith.constant 16 : i32
      %mul3A_218 = arith.muli %scan3A_55, %mul3A_217 : i32
      %add3A_219 = arith.constant 12 : i32
      %add3A_220 = arith.addi %mul3A_218, %add3A_219 : i32
      %mul3A_221 = arith.constant 64 : i32
      %mul3A_222 = arith.muli %add3A_220, %mul3A_221 : i32
      %dma_start3A_223 = tpu.memref_slice %arg9[%mul3A_222] : memref<8192xf32, #tpu.memory_space<vmem>> -> memref<64xf32, #tpu.memory_space<vmem>>
      %dma_start3A_224 = tpu.memref_slice %arg2[%multiple_of3A_216] : memref<65536000xf32, #tpu.memory_space<hbm>> -> memref<64xf32, #tpu.memory_space<hbm>>
      %dma_start3A_225 = tpu.memref_slice %arg9[%mul3A_222] : memref<8192xf32, #tpu.memory_space<vmem>> -> memref<64xf32, #tpu.memory_space<vmem>>
      %dma_start3A_226 = tpu.memref_slice %arg2[%multiple_of3A_216] : memref<65536000xf32, #tpu.memory_space<hbm>> -> memref<64xf32, #tpu.memory_space<hbm>>
      tpu.enqueue_dma source(%dma_start3A_226 : memref<64xf32, #tpu.memory_space<hbm>>) target(%dma_start3A_225 : memref<64xf32, #tpu.memory_space<vmem>>) target_semaphore(%arg12 : memref<!tpu.dma_semaphore, #tpu.memory_space<semaphore_mem>>)
      %slice3A_227 = vector.extract_strided_slice %get3A_61 {offsets = [13], sizes = [1], strides = [1]} : vector<16xi32> to vector<1xi32>
      %squeeze3A_228 = vector.extract %slice3A_227[0] : i32 from vector<1xi32>
      %multiple_of3A_229 = tpu.assume_multiple %squeeze3A_228, 64 : i32
      %mul3A_230 = arith.constant 16 : i32
      %mul3A_231 = arith.muli %scan3A_55, %mul3A_230 : i32
      %add3A_232 = arith.constant 13 : i32
      %add3A_233 = arith.addi %mul3A_231, %add3A_232 : i32
      %mul3A_234 = arith.constant 64 : i32
      %mul3A_235 = arith.muli %add3A_233, %mul3A_234 : i32
      %dma_start3A_236 = tpu.memref_slice %arg9[%mul3A_235] : memref<8192xf32, #tpu.memory_space<vmem>> -> memref<64xf32, #tpu.memory_space<vmem>>
      %dma_start3A_237 = tpu.memref_slice %arg2[%multiple_of3A_229] : memref<65536000xf32, #tpu.memory_space<hbm>> -> memref<64xf32, #tpu.memory_space<hbm>>
      %dma_start3A_238 = tpu.memref_slice %arg9[%mul3A_235] : memref<8192xf32, #tpu.memory_space<vmem>> -> memref<64xf32, #tpu.memory_space<vmem>>
      %dma_start3A_239 = tpu.memref_slice %arg2[%multiple_of3A_229] : memref<65536000xf32, #tpu.memory_space<hbm>> -> memref<64xf32, #tpu.memory_space<hbm>>
      tpu.enqueue_dma source(%dma_start3A_239 : memref<64xf32, #tpu.memory_space<hbm>>) target(%dma_start3A_238 : memref<64xf32, #tpu.memory_space<vmem>>) target_semaphore(%arg12 : memref<!tpu.dma_semaphore, #tpu.memory_space<semaphore_mem>>)
      %slice3A_240 = vector.extract_strided_slice %get3A_61 {offsets = [14], sizes = [1], strides = [1]} : vector<16xi32> to vector<1xi32>
      %squeeze3A_241 = vector.extract %slice3A_240[0] : i32 from vector<1xi32>
      %multiple_of3A_242 = tpu.assume_multiple %squeeze3A_241, 64 : i32
      %mul3A_243 = arith.constant 16 : i32
      %mul3A_244 = arith.muli %scan3A_55, %mul3A_243 : i32
      %add3A_245 = arith.constant 14 : i32
      %add3A_246 = arith.addi %mul3A_244, %add3A_245 : i32
      %mul3A_247 = arith.constant 64 : i32
      %mul3A_248 = arith.muli %add3A_246, %mul3A_247 : i32
      %dma_start3A_249 = tpu.memref_slice %arg9[%mul3A_248] : memref<8192xf32, #tpu.memory_space<vmem>> -> memref<64xf32, #tpu.memory_space<vmem>>
      %dma_start3A_250 = tpu.memref_slice %arg2[%multiple_of3A_242] : memref<65536000xf32, #tpu.memory_space<hbm>> -> memref<64xf32, #tpu.memory_space<hbm>>
      %dma_start3A_251 = tpu.memref_slice %arg9[%mul3A_248] : memref<8192xf32, #tpu.memory_space<vmem>> -> memref<64xf32, #tpu.memory_space<vmem>>
      %dma_start3A_252 = tpu.memref_slice %arg2[%multiple_of3A_242] : memref<65536000xf32, #tpu.memory_space<hbm>> -> memref<64xf32, #tpu.memory_space<hbm>>
      tpu.enqueue_dma source(%dma_start3A_252 : memref<64xf32, #tpu.memory_space<hbm>>) target(%dma_start3A_251 : memref<64xf32, #tpu.memory_space<vmem>>) target_semaphore(%arg12 : memref<!tpu.dma_semaphore, #tpu.memory_space<semaphore_mem>>)
      %slice3A_253 = vector.extract_strided_slice %get3A_61 {offsets = [15], sizes = [1], strides = [1]} : vector<16xi32> to vector<1xi32>
      %squeeze3A_254 = vector.extract %slice3A_253[0] : i32 from vector<1xi32>
      %multiple_of3A_255 = tpu.assume_multiple %squeeze3A_254, 64 : i32
      %mul3A_256 = arith.constant 16 : i32
      %mul3A_257 = arith.muli %scan3A_55, %mul3A_256 : i32
      %add3A_258 = arith.constant 15 : i32
      %add3A_259 = arith.addi %mul3A_257, %add3A_258 : i32
      %mul3A_260 = arith.constant 64 : i32
      %mul3A_261 = arith.muli %add3A_259, %mul3A_260 : i32
      %dma_start3A_262 = tpu.memref_slice %arg9[%mul3A_261] : memref<8192xf32, #tpu.memory_space<vmem>> -> memref<64xf32, #tpu.memory_space<vmem>>
      %dma_start3A_263 = tpu.memref_slice %arg2[%multiple_of3A_255] : memref<65536000xf32, #tpu.memory_space<hbm>> -> memref<64xf32, #tpu.memory_space<hbm>>
      %dma_start3A_264 = tpu.memref_slice %arg9[%mul3A_261] : memref<8192xf32, #tpu.memory_space<vmem>> -> memref<64xf32, #tpu.memory_space<vmem>>
      %dma_start3A_265 = tpu.memref_slice %arg2[%multiple_of3A_255] : memref<65536000xf32, #tpu.memory_space<hbm>> -> memref<64xf32, #tpu.memory_space<hbm>>
      tpu.enqueue_dma source(%dma_start3A_265 : memref<64xf32, #tpu.memory_space<hbm>>) target(%dma_start3A_264 : memref<64xf32, #tpu.memory_space<vmem>>) target_semaphore(%arg12 : memref<!tpu.dma_semaphore, #tpu.memory_space<semaphore_mem>>)
    }
    %scan3A_48 = arith.constant 8 : i32
    %scan3A_49 = arith.constant 0 : i32
    %scan3A_50 = arith.constant 0 : i32
    %scan3A_51 = arith.constant 8 : i32
    %scan3A_52 = arith.addi %scan3A_50, %scan3A_51 : i32
    %scan3A_53 = arith.constant 1 : i32
    scf.for %scan3A_55 = %scan3A_50 to %scan3A_52 step %scan3A_53  : i32 {
      %mul3A_56 = arith.constant 2 : i32
      %mul3A_57 = arith.muli %mul3A_56, %scan3A_55 : i32
      %mul3A_58 = arith.constant 2 : i32
      %mul3A_59 = arith.muli %mul3A_58, %scan3A_55 : i32
      %add3A_60 = arith.constant 1 : i32
      %add3A_61 = arith.addi %mul3A_59, %add3A_60 : i32
      %dma_wait3A = arith.constant 0 : i32
      %dma_wait3A_62 = tpu.memref_slice %arg2[%dma_wait3A] : memref<65536000xf32, #tpu.memory_space<hbm>> -> memref<8192xf32, #tpu.memory_space<hbm>>
      %dma_wait3A_63 = arith.constant 0 : i32
      %dma_wait3A_64 = tpu.memref_slice %arg2[%dma_wait3A_63] : memref<65536000xf32, #tpu.memory_space<hbm>> -> memref<8192xf32, #tpu.memory_space<hbm>>
      tpu.wait_dma2 semaphore(%arg12 : memref<!tpu.dma_semaphore, #tpu.memory_space<semaphore_mem>>) src(%dma_wait3A_64 : memref<8192xf32, #tpu.memory_space<hbm>>) dst(%arg9 : memref<8192xf32, #tpu.memory_space<vmem>>)
      %scan3A_65 = arith.constant 0 : i32
      %scan3A_66 = arith.constant 0 : i32
      %scan3A_67 = arith.constant 8 : i32
      %scan3A_68 = arith.addi %scan3A_66, %scan3A_67 : i32
      %scan3A_69 = arith.constant 1 : i32
      scf.for %scan3A_186 = %scan3A_66 to %scan3A_68 step %scan3A_69  : i32 {
        %mul3A_187 = arith.constant 16 : i32
        %mul3A_188 = arith.muli %scan3A_186, %mul3A_187 : i32
        %get3A = arith.index_cast %add3A_61 : i32 to index
        %get3A_189 = arith.index_cast %mul3A_188 : i32 to index
        %get3A_190 = tpu.vector_load %arg8[%get3A, %get3A_189] {strides = array<i32>} : memref<16x128xi32, #tpu.memory_space<vmem>>, vector<1x16xi32>,
        %get3A_191 = vector.shape_cast %get3A_190 : vector<1x16xi32> to vector<16xi32>
        %slice3A = vector.extract_strided_slice %get3A_191 {offsets = [0], sizes = [1], strides = [1]} : vector<16xi32> to vector<1xi32>
        %squeeze3A = vector.extract %slice3A[0] : i32 from vector<1xi32>
        %multiple_of3A = tpu.assume_multiple %squeeze3A, 64 : i32
        %mul3A_192 = arith.constant 16 : i32
        %mul3A_193 = arith.muli %scan3A_186, %mul3A_192 : i32
        %add3A_194 = arith.constant 0 : i32
        %add3A_195 = arith.addi %mul3A_193, %add3A_194 : i32
        %mul3A_196 = arith.constant 64 : i32
        %mul3A_197 = arith.muli %add3A_195, %mul3A_196 : i32
        %dma_start3A = tpu.memref_slice %arg10[%mul3A_197] : memref<8192xf32, #tpu.memory_space<vmem>> -> memref<64xf32, #tpu.memory_space<vmem>>
        %dma_start3A_198 = tpu.memref_slice %arg2[%multiple_of3A] : memref<65536000xf32, #tpu.memory_space<hbm>> -> memref<64xf32, #tpu.memory_space<hbm>>
        %dma_start3A_199 = tpu.memref_slice %arg10[%mul3A_197] : memref<8192xf32, #tpu.memory_space<vmem>> -> memref<64xf32, #tpu.memory_space<vmem>>
        %dma_start3A_200 = tpu.memref_slice %arg2[%multiple_of3A] : memref<65536000xf32, #tpu.memory_space<hbm>> -> memref<64xf32, #tpu.memory_space<hbm>>
        tpu.enqueue_dma source(%dma_start3A_200 : memref<64xf32, #tpu.memory_space<hbm>>) target(%dma_start3A_199 : memref<64xf32, #tpu.memory_space<vmem>>) target_semaphore(%arg13 : memref<!tpu.dma_semaphore, #tpu.memory_space<semaphore_mem>>)
        %slice3A_201 = vector.extract_strided_slice %get3A_191 {offsets = [1], sizes = [1], strides = [1]} : vector<16xi32> to vector<1xi32>
        %squeeze3A_202 = vector.extract %slice3A_201[0] : i32 from vector<1xi32>
        %multiple_of3A_203 = tpu.assume_multiple %squeeze3A_202, 64 : i32
        %mul3A_204 = arith.constant 16 : i32
        %mul3A_205 = arith.muli %scan3A_186, %mul3A_204 : i32
        %add3A_206 = arith.constant 1 : i32
        %add3A_207 = arith.addi %mul3A_205, %add3A_206 : i32
        %mul3A_208 = arith.constant 64 : i32
        %mul3A_209 = arith.muli %add3A_207, %mul3A_208 : i32
        %dma_start3A_210 = tpu.memref_slice %arg10[%mul3A_209] : memref<8192xf32, #tpu.memory_space<vmem>> -> memref<64xf32, #tpu.memory_space<vmem>>
        %dma_start3A_211 = tpu.memref_slice %arg2[%multiple_of3A_203] : memref<65536000xf32, #tpu.memory_space<hbm>> -> memref<64xf32, #tpu.memory_space<hbm>>
        %dma_start3A_212 = tpu.memref_slice %arg10[%mul3A_209] : memref<8192xf32, #tpu.memory_space<vmem>> -> memref<64xf32, #tpu.memory_space<vmem>>
        %dma_start3A_213 = tpu.memref_slice %arg2[%multiple_of3A_203] : memref<65536000xf32, #tpu.memory_space<hbm>> -> memref<64xf32, #tpu.memory_space<hbm>>
        tpu.enqueue_dma source(%dma_start3A_213 : memref<64xf32, #tpu.memory_space<hbm>>) target(%dma_start3A_212 : memref<64xf32, #tpu.memory_space<vmem>>) target_semaphore(%arg13 : memref<!tpu.dma_semaphore, #tpu.memory_space<semaphore_mem>>)
        %slice3A_214 = vector.extract_strided_slice %get3A_191 {offsets = [2], sizes = [1], strides = [1]} : vector<16xi32> to vector<1xi32>
        %squeeze3A_215 = vector.extract %slice3A_214[0] : i32 from vector<1xi32>
        %multiple_of3A_216 = tpu.assume_multiple %squeeze3A_215, 64 : i32
        %mul3A_217 = arith.constant 16 : i32
        %mul3A_218 = arith.muli %scan3A_186, %mul3A_217 : i32
        %add3A_219 = arith.constant 2 : i32
        %add3A_220 = arith.addi %mul3A_218, %add3A_219 : i32
        %mul3A_221 = arith.constant 64 : i32
        %mul3A_222 = arith.muli %add3A_220, %mul3A_221 : i32
        %dma_start3A_223 = tpu.memref_slice %arg10[%mul3A_222] : memref<8192xf32, #tpu.memory_space<vmem>> -> memref<64xf32, #tpu.memory_space<vmem>>
        %dma_start3A_224 = tpu.memref_slice %arg2[%multiple_of3A_216] : memref<65536000xf32, #tpu.memory_space<hbm>> -> memref<64xf32, #tpu.memory_space<hbm>>
        %dma_start3A_225 = tpu.memref_slice %arg10[%mul3A_222] : memref<8192xf32, #tpu.memory_space<vmem>> -> memref<64xf32, #tpu.memory_space<vmem>>
        %dma_start3A_226 = tpu.memref_slice %arg2[%multiple_of3A_216] : memref<65536000xf32, #tpu.memory_space<hbm>> -> memref<64xf32, #tpu.memory_space<hbm>>
        tpu.enqueue_dma source(%dma_start3A_226 : memref<64xf32, #tpu.memory_space<hbm>>) target(%dma_start3A_225 : memref<64xf32, #tpu.memory_space<vmem>>) target_semaphore(%arg13 : memref<!tpu.dma_semaphore, #tpu.memory_space<semaphore_mem>>)
        %slice3A_227 = vector.extract_strided_slice %get3A_191 {offsets = [3], sizes = [1], strides = [1]} : vector<16xi32> to vector<1xi32>
        %squeeze3A_228 = vector.extract %slice3A_227[0] : i32 from vector<1xi32>
        %multiple_of3A_229 = tpu.assume_multiple %squeeze3A_228, 64 : i32
        %mul3A_230 = arith.constant 16 : i32
        %mul3A_231 = arith.muli %scan3A_186, %mul3A_230 : i32
        %add3A_232 = arith.constant 3 : i32
        %add3A_233 = arith.addi %mul3A_231, %add3A_232 : i32
        %mul3A_234 = arith.constant 64 : i32
        %mul3A_235 = arith.muli %add3A_233, %mul3A_234 : i32
        %dma_start3A_236 = tpu.memref_slice %arg10[%mul3A_235] : memref<8192xf32, #tpu.memory_space<vmem>> -> memref<64xf32, #tpu.memory_space<vmem>>
        %dma_start3A_237 = tpu.memref_slice %arg2[%multiple_of3A_229] : memref<65536000xf32, #tpu.memory_space<hbm>> -> memref<64xf32, #tpu.memory_space<hbm>>
        %dma_start3A_238 = tpu.memref_slice %arg10[%mul3A_235] : memref<8192xf32, #tpu.memory_space<vmem>> -> memref<64xf32, #tpu.memory_space<vmem>>
        %dma_start3A_239 = tpu.memref_slice %arg2[%multiple_of3A_229] : memref<65536000xf32, #tpu.memory_space<hbm>> -> memref<64xf32, #tpu.memory_space<hbm>>
        tpu.enqueue_dma source(%dma_start3A_239 : memref<64xf32, #tpu.memory_space<hbm>>) target(%dma_start3A_238 : memref<64xf32, #tpu.memory_space<vmem>>) target_semaphore(%arg13 : memref<!tpu.dma_semaphore, #tpu.memory_space<semaphore_mem>>)
        %slice3A_240 = vector.extract_strided_slice %get3A_191 {offsets = [4], sizes = [1], strides = [1]} : vector<16xi32> to vector<1xi32>
        %squeeze3A_241 = vector.extract %slice3A_240[0] : i32 from vector<1xi32>
        %multiple_of3A_242 = tpu.assume_multiple %squeeze3A_241, 64 : i32
        %mul3A_243 = arith.constant 16 : i32
        %mul3A_244 = arith.muli %scan3A_186, %mul3A_243 : i32
        %add3A_245 = arith.constant 4 : i32
        %add3A_246 = arith.addi %mul3A_244, %add3A_245 : i32
        %mul3A_247 = arith.constant 64 : i32
        %mul3A_248 = arith.muli %add3A_246, %mul3A_247 : i32
        %dma_start3A_249 = tpu.memref_slice %arg10[%mul3A_248] : memref<8192xf32, #tpu.memory_space<vmem>> -> memref<64xf32, #tpu.memory_space<vmem>>
        %dma_start3A_250 = tpu.memref_slice %arg2[%multiple_of3A_242] : memref<65536000xf32, #tpu.memory_space<hbm>> -> memref<64xf32, #tpu.memory_space<hbm>>
        %dma_start3A_251 = tpu.memref_slice %arg10[%mul3A_248] : memref<8192xf32, #tpu.memory_space<vmem>> -> memref<64xf32, #tpu.memory_space<vmem>>
        %dma_start3A_252 = tpu.memref_slice %arg2[%multiple_of3A_242] : memref<65536000xf32, #tpu.memory_space<hbm>> -> memref<64xf32, #tpu.memory_space<hbm>>
        tpu.enqueue_dma source(%dma_start3A_252 : memref<64xf32, #tpu.memory_space<hbm>>) target(%dma_start3A_251 : memref<64xf32, #tpu.memory_space<vmem>>) target_semaphore(%arg13 : memref<!tpu.dma_semaphore, #tpu.memory_space<semaphore_mem>>)
        %slice3A_253 = vector.extract_strided_slice %get3A_191 {offsets = [5], sizes = [1], strides = [1]} : vector<16xi32> to vector<1xi32>
        %squeeze3A_254 = vector.extract %slice3A_253[0] : i32 from vector<1xi32>
        %multiple_of3A_255 = tpu.assume_multiple %squeeze3A_254, 64 : i32
        %mul3A_256 = arith.constant 16 : i32
        %mul3A_257 = arith.muli %scan3A_186, %mul3A_256 : i32
        %add3A_258 = arith.constant 5 : i32
        %add3A_259 = arith.addi %mul3A_257, %add3A_258 : i32
        %mul3A_260 = arith.constant 64 : i32
        %mul3A_261 = arith.muli %add3A_259, %mul3A_260 : i32
        %dma_start3A_262 = tpu.memref_slice %arg10[%mul3A_261] : memref<8192xf32, #tpu.memory_space<vmem>> -> memref<64xf32, #tpu.memory_space<vmem>>
        %dma_start3A_263 = tpu.memref_slice %arg2[%multiple_of3A_255] : memref<65536000xf32, #tpu.memory_space<hbm>> -> memref<64xf32, #tpu.memory_space<hbm>>
        %dma_start3A_264 = tpu.memref_slice %arg10[%mul3A_261] : memref<8192xf32, #tpu.memory_space<vmem>> -> memref<64xf32, #tpu.memory_space<vmem>>
        %dma_start3A_265 = tpu.memref_slice %arg2[%multiple_of3A_255] : memref<65536000xf32, #tpu.memory_space<hbm>> -> memref<64xf32, #tpu.memory_space<hbm>>
        tpu.enqueue_dma source(%dma_start3A_265 : memref<64xf32, #tpu.memory_space<hbm>>) target(%dma_start3A_264 : memref<64xf32, #tpu.memory_space<vmem>>) target_semaphore(%arg13 : memref<!tpu.dma_semaphore, #tpu.memory_space<semaphore_mem>>)
        %slice3A_266 = vector.extract_strided_slice %get3A_191 {offsets = [6], sizes = [1], strides = [1]} : vector<16xi32> to vector<1xi32>
        %squeeze3A_267 = vector.extract %slice3A_266[0] : i32 from vector<1xi32>
        %multiple_of3A_268 = tpu.assume_multiple %squeeze3A_267, 64 : i32
        %mul3A_269 = arith.constant 16 : i32
        %mul3A_270 = arith.muli %scan3A_186, %mul3A_269 : i32
        %add3A_271 = arith.constant 6 : i32
        %add3A_272 = arith.addi %mul3A_270, %add3A_271 : i32
        %mul3A_273 = arith.constant 64 : i32
        %mul3A_274 = arith.muli %add3A_272, %mul3A_273 : i32
        %dma_start3A_275 = tpu.memref_slice %arg10[%mul3A_274] : memref<8192xf32, #tpu.memory_space<vmem>> -> memref<64xf32, #tpu.memory_space<vmem>>
        %dma_start3A_276 = tpu.memref_slice %arg2[%multiple_of3A_268] : memref<65536000xf32, #tpu.memory_space<hbm>> -> memref<64xf32, #tpu.memory_space<hbm>>
        %dma_start3A_277 = tpu.memref_slice %arg10[%mul3A_274] : memref<8192xf32, #tpu.memory_space<vmem>> -> memref<64xf32, #tpu.memory_space<vmem>>
        %dma_start3A_278 = tpu.memref_slice %arg2[%multiple_of3A_268] : memref<65536000xf32, #tpu.memory_space<hbm>> -> memref<64xf32, #tpu.memory_space<hbm>>
        tpu.enqueue_dma source(%dma_start3A_278 : memref<64xf32, #tpu.memory_space<hbm>>) target(%dma_start3A_277 : memref<64xf32, #tpu.memory_space<vmem>>) target_semaphore(%arg13 : memref<!tpu.dma_semaphore, #tpu.memory_space<semaphore_mem>>)
        %slice3A_279 = vector.extract_strided_slice %get3A_191 {offsets = [7], sizes = [1], strides = [1]} : vector<16xi32> to vector<1xi32>
        %squeeze3A_280 = vector.extract %slice3A_279[0] : i32 from vector<1xi32>
        %multiple_of3A_281 = tpu.assume_multiple %squeeze3A_280, 64 : i32
        %mul3A_282 = arith.constant 16 : i32
        %mul3A_283 = arith.muli %scan3A_186, %mul3A_282 : i32
        %add3A_284 = arith.constant 7 : i32
        %add3A_285 = arith.addi %mul3A_283, %add3A_284 : i32
        %mul3A_286 = arith.constant 64 : i32
        %mul3A_287 = arith.muli %add3A_285, %mul3A_286 : i32
        %dma_start3A_288 = tpu.memref_slice %arg10[%mul3A_287] : memref<8192xf32, #tpu.memory_space<vmem>> -> memref<64xf32, #tpu.memory_space<vmem>>
        %dma_start3A_289 = tpu.memref_slice %arg2[%multiple_of3A_281] : memref<65536000xf32, #tpu.memory_space<hbm>> -> memref<64xf32, #tpu.memory_space<hbm>>
        %dma_start3A_290 = tpu.memref_slice %arg10[%mul3A_287] : memref<8192xf32, #tpu.memory_space<vmem>> -> memref<64xf32, #tpu.memory_space<vmem>>
        %dma_start3A_291 = tpu.memref_slice %arg2[%multiple_of3A_281] : memref<65536000xf32, #tpu.memory_space<hbm>> -> memref<64xf32, #tpu.memory_space<hbm>>
        tpu.enqueue_dma source(%dma_start3A_291 : memref<64xf32, #tpu.memory_space<hbm>>) target(%dma_start3A_290 : memref<64xf32, #tpu.memory_space<vmem>>) target_semaphore(%arg13 : memref<!tpu.dma_semaphore, #tpu.memory_space<semaphore_mem>>)
        %slice3A_292 = vector.extract_strided_slice %get3A_191 {offsets = [8], sizes = [1], strides = [1]} : vector<16xi32> to vector<1xi32>
        %squeeze3A_293 = vector.extract %slice3A_292[0] : i32 from vector<1xi32>
        %multiple_of3A_294 = tpu.assume_multiple %squeeze3A_293, 64 : i32
        %mul3A_295 = arith.constant 16 : i32
        %mul3A_296 = arith.muli %scan3A_186, %mul3A_295 : i32
        %add3A_297 = arith.constant 8 : i32
        %add3A_298 = arith.addi %mul3A_296, %add3A_297 : i32
        %mul3A_299 = arith.constant 64 : i32
        %mul3A_300 = arith.muli %add3A_298, %mul3A_299 : i32
        %dma_start3A_301 = tpu.memref_slice %arg10[%mul3A_300] : memref<8192xf32, #tpu.memory_space<vmem>> -> memref<64xf32, #tpu.memory_space<vmem>>
        %dma_start3A_302 = tpu.memref_slice %arg2[%multiple_of3A_294] : memref<65536000xf32, #tpu.memory_space<hbm>> -> memref<64xf32, #tpu.memory_space<hbm>>
        %dma_start3A_303 = tpu.memref_slice %arg10[%mul3A_300] : memref<8192xf32, #tpu.memory_space<vmem>> -> memref<64xf32, #tpu.memory_space<vmem>>
        %dma_start3A_304 = tpu.memref_slice %arg2[%multiple_of3A_294] : memref<65536000xf32, #tpu.memory_space<hbm>> -> memref<64xf32, #tpu.memory_space<hbm>>
        tpu.enqueue_dma source(%dma_start3A_304 : memref<64xf32, #tpu.memory_space<hbm>>) target(%dma_start3A_303 : memref<64xf32, #tpu.memory_space<vmem>>) target_semaphore(%arg13 : memref<!tpu.dma_semaphore, #tpu.memory_space<semaphore_mem>>)
        %slice3A_305 = vector.extract_strided_slice %get3A_191 {offsets = [9], sizes = [1], strides = [1]} : vector<16xi32> to vector<1xi32>
        %squeeze3A_306 = vector.extract %slice3A_305[0] : i32 from vector<1xi32>
        %multiple_of3A_307 = tpu.assume_multiple %squeeze3A_306, 64 : i32
        %mul3A_308 = arith.constant 16 : i32
        %mul3A_309 = arith.muli %scan3A_186, %mul3A_308 : i32
        %add3A_310 = arith.constant 9 : i32
        %add3A_311 = arith.addi %mul3A_309, %add3A_310 : i32
        %mul3A_312 = arith.constant 64 : i32
        %mul3A_313 = arith.muli %add3A_311, %mul3A_312 : i32
        %dma_start3A_314 = tpu.memref_slice %arg10[%mul3A_313] : memref<8192xf32, #tpu.memory_space<vmem>> -> memref<64xf32, #tpu.memory_space<vmem>>
        %dma_start3A_315 = tpu.memref_slice %arg2[%multiple_of3A_307] : memref<65536000xf32, #tpu.memory_space<hbm>> -> memref<64xf32, #tpu.memory_space<hbm>>
        %dma_start3A_316 = tpu.memref_slice %arg10[%mul3A_313] : memref<8192xf32, #tpu.memory_space<vmem>> -> memref<64xf32, #tpu.memory_space<vmem>>
        %dma_start3A_317 = tpu.memref_slice %arg2[%multiple_of3A_307] : memref<65536000xf32, #tpu.memory_space<hbm>> -> memref<64xf32, #tpu.memory_space<hbm>>
        tpu.enqueue_dma source(%dma_start3A_317 : memref<64xf32, #tpu.memory_space<hbm>>) target(%dma_start3A_316 : memref<64xf32, #tpu.memory_space<vmem>>) target_semaphore(%arg13 : memref<!tpu.dma_semaphore, #tpu.memory_space<semaphore_mem>>)
        %slice3A_318 = vector.extract_strided_slice %get3A_191 {offsets = [10], sizes = [1], strides = [1]} : vector<16xi32> to vector<1xi32>
        %squeeze3A_319 = vector.extract %slice3A_318[0] : i32 from vector<1xi32>
        %multiple_of3A_320 = tpu.assume_multiple %squeeze3A_319, 64 : i32
        %mul3A_321 = arith.constant 16 : i32
        %mul3A_322 = arith.muli %scan3A_186, %mul3A_321 : i32
        %add3A_323 = arith.constant 10 : i32
        %add3A_324 = arith.addi %mul3A_322, %add3A_323 : i32
        %mul3A_325 = arith.constant 64 : i32
        %mul3A_326 = arith.muli %add3A_324, %mul3A_325 : i32
        %dma_start3A_327 = tpu.memref_slice %arg10[%mul3A_326] : memref<8192xf32, #tpu.memory_space<vmem>> -> memref<64xf32, #tpu.memory_space<vmem>>
        %dma_start3A_328 = tpu.memref_slice %arg2[%multiple_of3A_320] : memref<65536000xf32, #tpu.memory_space<hbm>> -> memref<64xf32, #tpu.memory_space<hbm>>
        %dma_start3A_329 = tpu.memref_slice %arg10[%mul3A_326] : memref<8192xf32, #tpu.memory_space<vmem>> -> memref<64xf32, #tpu.memory_space<vmem>>
        %dma_start3A_330 = tpu.memref_slice %arg2[%multiple_of3A_320] : memref<65536000xf32, #tpu.memory_space<hbm>> -> memref<64xf32, #tpu.memory_space<hbm>>
        tpu.enqueue_dma source(%dma_start3A_330 : memref<64xf32, #tpu.memory_space<hbm>>) target(%dma_start3A_329 : memref<64xf32, #tpu.memory_space<vmem>>) target_semaphore(%arg13 : memref<!tpu.dma_semaphore, #tpu.memory_space<semaphore_mem>>)
        %slice3A_331 = vector.extract_strided_slice %get3A_191 {offsets = [11], sizes = [1], strides = [1]} : vector<16xi32> to vector<1xi32>
        %squeeze3A_332 = vector.extract %slice3A_331[0] : i32 from vector<1xi32>
        %multiple_of3A_333 = tpu.assume_multiple %squeeze3A_332, 64 : i32
        %mul3A_334 = arith.constant 16 : i32
        %mul3A_335 = arith.muli %scan3A_186, %mul3A_334 : i32
        %add3A_336 = arith.constant 11 : i32
        %add3A_337 = arith.addi %mul3A_335, %add3A_336 : i32
        %mul3A_338 = arith.constant 64 : i32
        %mul3A_339 = arith.muli %add3A_337, %mul3A_338 : i32
        %dma_start3A_340 = tpu.memref_slice %arg10[%mul3A_339] : memref<8192xf32, #tpu.memory_space<vmem>> -> memref<64xf32, #tpu.memory_space<vmem>>
        %dma_start3A_341 = tpu.memref_slice %arg2[%multiple_of3A_333] : memref<65536000xf32, #tpu.memory_space<hbm>> -> memref<64xf32, #tpu.memory_space<hbm>>
        %dma_start3A_342 = tpu.memref_slice %arg10[%mul3A_339] : memref<8192xf32, #tpu.memory_space<vmem>> -> memref<64xf32, #tpu.memory_space<vmem>>
        %dma_start3A_343 = tpu.memref_slice %arg2[%multiple_of3A_333] : memref<65536000xf32, #tpu.memory_space<hbm>> -> memref<64xf32, #tpu.memory_space<hbm>>
        tpu.enqueue_dma source(%dma_start3A_343 : memref<64xf32, #tpu.memory_space<hbm>>) target(%dma_start3A_342 : memref<64xf32, #tpu.memory_space<vmem>>) target_semaphore(%arg13 : memref<!tpu.dma_semaphore, #tpu.memory_space<semaphore_mem>>)
        %slice3A_344 = vector.extract_strided_slice %get3A_191 {offsets = [12], sizes = [1], strides = [1]} : vector<16xi32> to vector<1xi32>
        %squeeze3A_345 = vector.extract %slice3A_344[0] : i32 from vector<1xi32>
        %multiple_of3A_346 = tpu.assume_multiple %squeeze3A_345, 64 : i32
        %mul3A_347 = arith.constant 16 : i32
        %mul3A_348 = arith.muli %scan3A_186, %mul3A_347 : i32
        %add3A_349 = arith.constant 12 : i32
        %add3A_350 = arith.addi %mul3A_348, %add3A_349 : i32
        %mul3A_351 = arith.constant 64 : i32
        %mul3A_352 = arith.muli %add3A_350, %mul3A_351 : i32
        %dma_start3A_353 = tpu.memref_slice %arg10[%mul3A_352] : memref<8192xf32, #tpu.memory_space<vmem>> -> memref<64xf32, #tpu.memory_space<vmem>>
        %dma_start3A_354 = tpu.memref_slice %arg2[%multiple_of3A_346] : memref<65536000xf32, #tpu.memory_space<hbm>> -> memref<64xf32, #tpu.memory_space<hbm>>
        %dma_start3A_355 = tpu.memref_slice %arg10[%mul3A_352] : memref<8192xf32, #tpu.memory_space<vmem>> -> memref<64xf32, #tpu.memory_space<vmem>>
        %dma_start3A_356 = tpu.memref_slice %arg2[%multiple_of3A_346] : memref<65536000xf32, #tpu.memory_space<hbm>> -> memref<64xf32, #tpu.memory_space<hbm>>
        tpu.enqueue_dma source(%dma_start3A_356 : memref<64xf32, #tpu.memory_space<hbm>>) target(%dma_start3A_355 : memref<64xf32, #tpu.memory_space<vmem>>) target_semaphore(%arg13 : memref<!tpu.dma_semaphore, #tpu.memory_space<semaphore_mem>>)
        %slice3A_357 = vector.extract_strided_slice %get3A_191 {offsets = [13], sizes = [1], strides = [1]} : vector<16xi32> to vector<1xi32>
        %squeeze3A_358 = vector.extract %slice3A_357[0] : i32 from vector<1xi32>
        %multiple_of3A_359 = tpu.assume_multiple %squeeze3A_358, 64 : i32
        %mul3A_360 = arith.constant 16 : i32
        %mul3A_361 = arith.muli %scan3A_186, %mul3A_360 : i32
        %add3A_362 = arith.constant 13 : i32
        %add3A_363 = arith.addi %mul3A_361, %add3A_362 : i32
        %mul3A_364 = arith.constant 64 : i32
        %mul3A_365 = arith.muli %add3A_363, %mul3A_364 : i32
        %dma_start3A_366 = tpu.memref_slice %arg10[%mul3A_365] : memref<8192xf32, #tpu.memory_space<vmem>> -> memref<64xf32, #tpu.memory_space<vmem>>
        %dma_start3A_367 = tpu.memref_slice %arg2[%multiple_of3A_359] : memref<65536000xf32, #tpu.memory_space<hbm>> -> memref<64xf32, #tpu.memory_space<hbm>>
        %dma_start3A_368 = tpu.memref_slice %arg10[%mul3A_365] : memref<8192xf32, #tpu.memory_space<vmem>> -> memref<64xf32, #tpu.memory_space<vmem>>
        %dma_start3A_369 = tpu.memref_slice %arg2[%multiple_of3A_359] : memref<65536000xf32, #tpu.memory_space<hbm>> -> memref<64xf32, #tpu.memory_space<hbm>>
        tpu.enqueue_dma source(%dma_start3A_369 : memref<64xf32, #tpu.memory_space<hbm>>) target(%dma_start3A_368 : memref<64xf32, #tpu.memory_space<vmem>>) target_semaphore(%arg13 : memref<!tpu.dma_semaphore, #tpu.memory_space<semaphore_mem>>)
        %slice3A_370 = vector.extract_strided_slice %get3A_191 {offsets = [14], sizes = [1], strides = [1]} : vector<16xi32> to vector<1xi32>
        %squeeze3A_371 = vector.extract %slice3A_370[0] : i32 from vector<1xi32>
        %multiple_of3A_372 = tpu.assume_multiple %squeeze3A_371, 64 : i32
        %mul3A_373 = arith.constant 16 : i32
        %mul3A_374 = arith.muli %scan3A_186, %mul3A_373 : i32
        %add3A_375 = arith.constant 14 : i32
        %add3A_376 = arith.addi %mul3A_374, %add3A_375 : i32
        %mul3A_377 = arith.constant 64 : i32
        %mul3A_378 = arith.muli %add3A_376, %mul3A_377 : i32
        %dma_start3A_379 = tpu.memref_slice %arg10[%mul3A_378] : memref<8192xf32, #tpu.memory_space<vmem>> -> memref<64xf32, #tpu.memory_space<vmem>>
        %dma_start3A_380 = tpu.memref_slice %arg2[%multiple_of3A_372] : memref<65536000xf32, #tpu.memory_space<hbm>> -> memref<64xf32, #tpu.memory_space<hbm>>
        %dma_start3A_381 = tpu.memref_slice %arg10[%mul3A_378] : memref<8192xf32, #tpu.memory_space<vmem>> -> memref<64xf32, #tpu.memory_space<vmem>>
        %dma_start3A_382 = tpu.memref_slice %arg2[%multiple_of3A_372] : memref<65536000xf32, #tpu.memory_space<hbm>> -> memref<64xf32, #tpu.memory_space<hbm>>
        tpu.enqueue_dma source(%dma_start3A_382 : memref<64xf32, #tpu.memory_space<hbm>>) target(%dma_start3A_381 : memref<64xf32, #tpu.memory_space<vmem>>) target_semaphore(%arg13 : memref<!tpu.dma_semaphore, #tpu.memory_space<semaphore_mem>>)
        %slice3A_383 = vector.extract_strided_slice %get3A_191 {offsets = [15], sizes = [1], strides = [1]} : vector<16xi32> to vector<1xi32>
        %squeeze3A_384 = vector.extract %slice3A_383[0] : i32 from vector<1xi32>
        %multiple_of3A_385 = tpu.assume_multiple %squeeze3A_384, 64 : i32
        %mul3A_386 = arith.constant 16 : i32
        %mul3A_387 = arith.muli %scan3A_186, %mul3A_386 : i32
        %add3A_388 = arith.constant 15 : i32
        %add3A_389 = arith.addi %mul3A_387, %add3A_388 : i32
        %mul3A_390 = arith.constant 64 : i32
        %mul3A_391 = arith.muli %add3A_389, %mul3A_390 : i32
        %dma_start3A_392 = tpu.memref_slice %arg10[%mul3A_391] : memref<8192xf32, #tpu.memory_space<vmem>> -> memref<64xf32, #tpu.memory_space<vmem>>
        %dma_start3A_393 = tpu.memref_slice %arg2[%multiple_of3A_385] : memref<65536000xf32, #tpu.memory_space<hbm>> -> memref<64xf32, #tpu.memory_space<hbm>>
        %dma_start3A_394 = tpu.memref_slice %arg10[%mul3A_391] : memref<8192xf32, #tpu.memory_space<vmem>> -> memref<64xf32, #tpu.memory_space<vmem>>
        %dma_start3A_395 = tpu.memref_slice %arg2[%multiple_of3A_385] : memref<65536000xf32, #tpu.memory_space<hbm>> -> memref<64xf32, #tpu.memory_space<hbm>>
        tpu.enqueue_dma source(%dma_start3A_395 : memref<64xf32, #tpu.memory_space<hbm>>) target(%dma_start3A_394 : memref<64xf32, #tpu.memory_space<vmem>>) target_semaphore(%arg13 : memref<!tpu.dma_semaphore, #tpu.memory_space<semaphore_mem>>)
      }
      %scan3A_70 = arith.constant 8 : i32
      %scan3A_71 = arith.constant 0 : i32
      %scan3A_72 = arith.constant 0 : i32
      %scan3A_73 = arith.constant 32 : i32
      %scan3A_74 = arith.addi %scan3A_72, %scan3A_73 : i32
      %scan3A_75 = arith.constant 1 : i32
      scf.for %scan3A_186 = %scan3A_72 to %scan3A_74 step %scan3A_75  : i32 {
        %mul3A_187 = arith.constant 4 : i32
        %mul3A_188 = arith.muli %scan3A_186, %mul3A_187 : i32
        %add3A_189 = arith.constant 0 : i32
        %add3A_190 = arith.addi %mul3A_188, %add3A_189 : i32
        %mul3A_191 = arith.constant 64 : i32
        %mul3A_192 = arith.muli %add3A_190, %mul3A_191 : i32
        %add3A_193 = arith.constant 0 : i32
        %add3A_194 = arith.addi %mul3A_192, %add3A_193 : i32
        %get3A = arith.index_cast %add3A_194 : i32 to index
        %get3A_195 = tpu.vector_load %arg9[%get3A] {strides = array<i32>} : memref<8192xf32, #tpu.memory_space<vmem>>, vector<16xf32>,
        %get3A_196 = vector.shape_cast %get3A_195 : vector<16xf32> to vector<16xf32>
        %mul3A_197 = arith.constant 64 : i32
        %mul3A_198 = arith.muli %add3A_190, %mul3A_197 : i32
        %add3A_199 = arith.constant 16 : i32
        %add3A_200 = arith.addi %mul3A_198, %add3A_199 : i32
        %get3A_201 = arith.index_cast %add3A_200 : i32 to index
        %get3A_202 = tpu.vector_load %arg9[%get3A_201] {strides = array<i32>} : memref<8192xf32, #tpu.memory_space<vmem>>, vector<16xf32>,
        %get3A_203 = vector.shape_cast %get3A_202 : vector<16xf32> to vector<16xf32>
        %mul3A_204 = arith.constant 64 : i32
        %mul3A_205 = arith.muli %add3A_190, %mul3A_204 : i32
        %add3A_206 = arith.constant 32 : i32
        %add3A_207 = arith.addi %mul3A_205, %add3A_206 : i32
        %get3A_208 = arith.index_cast %add3A_207 : i32 to index
        %get3A_209 = tpu.vector_load %arg9[%get3A_208] {strides = array<i32>} : memref<8192xf32, #tpu.memory_space<vmem>>, vector<16xf32>,
        %get3A_210 = vector.shape_cast %get3A_209 : vector<16xf32> to vector<16xf32>
        %mul3A_211 = arith.constant 64 : i32
        %mul3A_212 = arith.muli %add3A_190, %mul3A_211 : i32
        %add3A_213 = arith.constant 48 : i32
        %add3A_214 = arith.addi %mul3A_212, %add3A_213 : i32
        %get3A_215 = arith.index_cast %add3A_214 : i32 to index
        %get3A_216 = tpu.vector_load %arg9[%get3A_215] {strides = array<i32>} : memref<8192xf32, #tpu.memory_space<vmem>>, vector<16xf32>,
        %get3A_217 = vector.shape_cast %get3A_216 : vector<16xf32> to vector<16xf32>
        %broadcast_in_dim3A = arith.constant 0.000000e+00 : f32
        %broadcast_in_dim3A_218 = vector.broadcast %broadcast_in_dim3A : f32 to vector<16xf32>
        %mul3A_219 = arith.mulf %get3A_196, %get3A_196 : vector<16xf32>
        %add3A_220 = arith.addf %broadcast_in_dim3A_218, %mul3A_219 : vector<16xf32>
        %mul3A_221 = arith.mulf %get3A_203, %get3A_203 : vector<16xf32>
        %add3A_222 = arith.addf %add3A_220, %mul3A_221 : vector<16xf32>
        %mul3A_223 = arith.mulf %get3A_210, %get3A_210 : vector<16xf32>
        %add3A_224 = arith.addf %add3A_222, %mul3A_223 : vector<16xf32>
        %mul3A_225 = arith.mulf %get3A_217, %get3A_217 : vector<16xf32>
        %add3A_226 = arith.addf %add3A_224, %mul3A_225 : vector<16xf32>
        %reshape3A = vector.shape_cast %xor3A_34 : vector<16xi32> to vector<16x1xi32>
        %gather3A = vector.shape_cast %reshape3A : vector<16x1xi32> to vector<16xi32>
        %gather3A_227 = tpu.dynamic_gather %add3A_226[%gather3A] in [0] : vector<16xf32>, vector<16xi32> -> vector<16xf32>
        %add3A_228 = arith.addf %add3A_226, %gather3A_227 : vector<16xf32>
        %reshape3A_229 = vector.shape_cast %xor3A_37 : vector<16xi32> to vector<16x1xi32>
        %gather3A_230 = vector.shape_cast %reshape3A_229 : vector<16x1xi32> to vector<16xi32>
        %gather3A_231 = tpu.dynamic_gather %add3A_228[%gather3A_230] in [0] : vector<16xf32>, vector<16xi32> -> vector<16xf32>
        %add3A_232 = arith.addf %add3A_228, %gather3A_231 : vector<16xf32>
        %reshape3A_233 = vector.shape_cast %xor3A_40 : vector<16xi32> to vector<16x1xi32>
        %gather3A_234 = vector.shape_cast %reshape3A_233 : vector<16x1xi32> to vector<16xi32>
        %gather3A_235 = tpu.dynamic_gather %add3A_232[%gather3A_234] in [0] : vector<16xf32>, vector<16xi32> -> vector<16xf32>
        %add3A_236 = arith.addf %add3A_232, %gather3A_235 : vector<16xf32>
        %reshape3A_237 = vector.shape_cast %xor3A_43 : vector<16xi32> to vector<16x1xi32>
        %gather3A_238 = vector.shape_cast %reshape3A_237 : vector<16x1xi32> to vector<16xi32>
        %gather3A_239 = tpu.dynamic_gather %add3A_236[%gather3A_238] in [0] : vector<16xf32>, vector<16xi32> -> vector<16xf32>
        %add3A_240 = arith.addf %add3A_236, %gather3A_239 : vector<16xf32>
        %max3A = arith.constant 1.000000e-24 : f32
        %max3A_241 = vector.broadcast %max3A : f32 to vector<16xf32>
        %max3A_242 = arith.maximumf %add3A_240, %max3A_241 : vector<16xf32>
        %bitcast_convert_type3A = tpu.bitcast %max3A_242 : vector<16xf32> -> vector<16xi32>
        %shift_right_logical3A = arith.constant 1 : i32
        %shift_right_logical3A_243 = vector.broadcast %shift_right_logical3A : i32 to vector<16xi32>
        %shift_right_logical3A_244 = arith.shrui %bitcast_convert_type3A, %shift_right_logical3A_243 : vector<16xi32>
        %sub3A_245 = arith.constant 1597463007 : i32
        %sub3A_246 = vector.broadcast %sub3A_245 : i32 to vector<16xi32>
        %sub3A_247 = arith.subi %sub3A_246, %shift_right_logical3A_244 : vector<16xi32>
        %bitcast_convert_type3A_248 = tpu.bitcast %sub3A_247 : vector<16xi32> -> vector<16xf32>
        %mul3A_249 = arith.constant 5.000000e-01 : f32
        %mul3A_250 = vector.broadcast %mul3A_249 : f32 to vector<16xf32>
        %mul3A_251 = arith.mulf %mul3A_250, %max3A_242 : vector<16xf32>
        %mul3A_252 = arith.mulf %mul3A_251, %bitcast_convert_type3A_248 : vector<16xf32>
        %mul3A_253 = arith.mulf %mul3A_252, %bitcast_convert_type3A_248 : vector<16xf32>
        %sub3A_254 = arith.constant 1.500000e+00 : f32
        %sub3A_255 = vector.broadcast %sub3A_254 : f32 to vector<16xf32>
        %sub3A_256 = arith.subf %sub3A_255, %mul3A_253 : vector<16xf32>
        %mul3A_257 = arith.mulf %bitcast_convert_type3A_248, %sub3A_256 : vector<16xf32>
        %mul3A_258 = arith.mulf %mul3A_251, %mul3A_257 : vector<16xf32>
        %mul3A_259 = arith.mulf %mul3A_258, %mul3A_257 : vector<16xf32>
        %sub3A_260 = arith.constant 1.500000e+00 : f32
        %sub3A_261 = vector.broadcast %sub3A_260 : f32 to vector<16xf32>
        %sub3A_262 = arith.subf %sub3A_261, %mul3A_259 : vector<16xf32>
        %mul3A_263 = arith.mulf %mul3A_257, %sub3A_262 : vector<16xf32>
        %mul3A_264 = arith.mulf %mul3A_251, %mul3A_263 : vector<16xf32>
        %mul3A_265 = arith.mulf %mul3A_264, %mul3A_263 : vector<16xf32>
        %sub3A_266 = arith.constant 1.500000e+00 : f32
        %sub3A_267 = vector.broadcast %sub3A_266 : f32 to vector<16xf32>
        %sub3A_268 = arith.subf %sub3A_267, %mul3A_265 : vector<16xf32>
        %mul3A_269 = arith.mulf %mul3A_263, %sub3A_268 : vector<16xf32>
        %jit3A_270 = arith.constant 2 : i32
        %eq3A_271 = arith.constant 0 : i32
        %eq3A_272 = arith.cmpi eq, %jit3A_270, %eq3A_271 : i32
        %jit3A_273 = arith.constant 1 : i32
        %select_n3A_274 = arith.select %eq3A_272, %jit3A_273, %jit3A_270 : i32
        %rem3A_275 = arith.remsi %add3A_190, %select_n3A_274 : i32
        %ne3A_276 = arith.constant 0 : i32
        %ne3A_277 = arith.cmpi ne, %rem3A_275, %ne3A_276 : i32
        %lt3A_278 = arith.constant 0 : i32
        %lt3A_279 = arith.cmpi slt, %rem3A_275, %lt3A_278 : i32
        %lt3A_280 = arith.constant 0 : i32
        %lt3A_281 = arith.cmpi slt, %select_n3A_274, %lt3A_280 : i32
        %ne3A_282 = arith.xori %lt3A_279, %lt3A_281 : i1
        %and3A_283 = arith.andi %ne3A_282, %ne3A_277 : i1
        %add3A_284 = arith.addi %rem3A_275, %select_n3A_274 : i32
        %select_n3A_285 = arith.select %and3A_283, %add3A_284, %rem3A_275 : i32
        %mul3A_286 = arith.constant 64 : i32
        %mul3A_287 = arith.muli %select_n3A_285, %mul3A_286 : i32
        %mul3A_288 = arith.mulf %get3A_196, %mul3A_269 : vector<16xf32>
        %jit3A_289 = arith.constant 2 : i32
        %div3A_290 = arith.divsi %add3A_190, %jit3A_289 : i32
        %sign3A_291 = arith.constant 0 : i32
        %sign3A_292 = arith.cmpi sgt, %add3A_190, %sign3A_291 : i32
        %sign3A_293 = arith.extui %sign3A_292 : i1 to i32
        %sign3A_294 = arith.constant 0 : i32
        %sign3A_295 = arith.cmpi slt, %add3A_190, %sign3A_294 : i32
        %sign3A_296 = arith.extui %sign3A_295 : i1 to i32
        %sign3A_297 = arith.subi %sign3A_293, %sign3A_296 : i32
        %sign3A_298 = arith.constant 0 : i32
        %sign3A_299 = arith.cmpi sgt, %jit3A_289, %sign3A_298 : i32
        %sign3A_300 = arith.extui %sign3A_299 : i1 to i32
        %sign3A_301 = arith.constant 0 : i32
        %sign3A_302 = arith.cmpi slt, %jit3A_289, %sign3A_301 : i32
        %sign3A_303 = arith.extui %sign3A_302 : i1 to i32
        %sign3A_304 = arith.subi %sign3A_300, %sign3A_303 : i32
        %ne3A_305 = arith.cmpi ne, %sign3A_297, %sign3A_304 : i32
        %rem3A_306 = arith.remsi %add3A_190, %jit3A_289 : i32
        %ne3A_307 = arith.constant 0 : i32
        %ne3A_308 = arith.cmpi ne, %rem3A_306, %ne3A_307 : i32
        %and3A_309 = arith.andi %ne3A_305, %ne3A_308 : i1
        %sub3A_310 = arith.constant 1 : i32
        %sub3A_311 = arith.subi %div3A_290, %sub3A_310 : i32
        %select_n3A_312 = arith.select %and3A_309, %sub3A_311, %div3A_290 : i32
        %add3A_313 = arith.constant 0 : i32
        %add3A_314 = arith.addi %mul3A_287, %add3A_313 : i32
        %swap3A = arith.index_cast %select_n3A_312 : i32 to index
        %swap3A_315 = arith.index_cast %add3A_314 : i32 to index
        %swap3A_316 = tpu.vector_load %arg11[%swap3A, %swap3A_315] {strides = array<i32>} : memref<64x128xf32, #tpu.memory_space<vmem>>, vector<1x16xf32>,
        %swap3A_317 = vector.shape_cast %swap3A_316 : vector<1x16xf32> to vector<16xf32>
        %swap3A_318 = vector.shape_cast %mul3A_288 : vector<16xf32> to vector<1x16xf32>
        tpu.vector_store %arg11[%swap3A, %swap3A_315], %swap3A_318 {strides = array<i32>} : memref<64x128xf32, #tpu.memory_space<vmem>>, vector<1x16xf32>,
        %mul3A_319 = arith.mulf %get3A_203, %mul3A_269 : vector<16xf32>
        %jit3A_320 = arith.constant 2 : i32
        %div3A_321 = arith.divsi %add3A_190, %jit3A_320 : i32
        %sign3A_322 = arith.constant 0 : i32
        %sign3A_323 = arith.cmpi sgt, %add3A_190, %sign3A_322 : i32
        %sign3A_324 = arith.extui %sign3A_323 : i1 to i32
        %sign3A_325 = arith.constant 0 : i32
        %sign3A_326 = arith.cmpi slt, %add3A_190, %sign3A_325 : i32
        %sign3A_327 = arith.extui %sign3A_326 : i1 to i32
        %sign3A_328 = arith.subi %sign3A_324, %sign3A_327 : i32
        %sign3A_329 = arith.constant 0 : i32
        %sign3A_330 = arith.cmpi sgt, %jit3A_320, %sign3A_329 : i32
        %sign3A_331 = arith.extui %sign3A_330 : i1 to i32
        %sign3A_332 = arith.constant 0 : i32
        %sign3A_333 = arith.cmpi slt, %jit3A_320, %sign3A_332 : i32
        %sign3A_334 = arith.extui %sign3A_333 : i1 to i32
        %sign3A_335 = arith.subi %sign3A_331, %sign3A_334 : i32
        %ne3A_336 = arith.cmpi ne, %sign3A_328, %sign3A_335 : i32
        %rem3A_337 = arith.remsi %add3A_190, %jit3A_320 : i32
        %ne3A_338 = arith.constant 0 : i32
        %ne3A_339 = arith.cmpi ne, %rem3A_337, %ne3A_338 : i32
        %and3A_340 = arith.andi %ne3A_336, %ne3A_339 : i1
        %sub3A_341 = arith.constant 1 : i32
        %sub3A_342 = arith.subi %div3A_321, %sub3A_341 : i32
        %select_n3A_343 = arith.select %and3A_340, %sub3A_342, %div3A_321 : i32
        %add3A_344 = arith.constant 16 : i32
        %add3A_345 = arith.addi %mul3A_287, %add3A_344 : i32
        %swap3A_346 = arith.index_cast %select_n3A_343 : i32 to index
        %swap3A_347 = arith.index_cast %add3A_345 : i32 to index
        %swap3A_348 = tpu.vector_load %arg11[%swap3A_346, %swap3A_347] {strides = array<i32>} : memref<64x128xf32, #tpu.memory_space<vmem>>, vector<1x16xf32>,
        %swap3A_349 = vector.shape_cast %swap3A_348 : vector<1x16xf32> to vector<16xf32>
        %swap3A_350 = vector.shape_cast %mul3A_319 : vector<16xf32> to vector<1x16xf32>
        tpu.vector_store %arg11[%swap3A_346, %swap3A_347], %swap3A_350 {strides = array<i32>} : memref<64x128xf32, #tpu.memory_space<vmem>>, vector<1x16xf32>,
        %mul3A_351 = arith.mulf %get3A_210, %mul3A_269 : vector<16xf32>
        %jit3A_352 = arith.constant 2 : i32
        %div3A_353 = arith.divsi %add3A_190, %jit3A_352 : i32
        %sign3A_354 = arith.constant 0 : i32
        %sign3A_355 = arith.cmpi sgt, %add3A_190, %sign3A_354 : i32
        %sign3A_356 = arith.extui %sign3A_355 : i1 to i32
        %sign3A_357 = arith.constant 0 : i32
        %sign3A_358 = arith.cmpi slt, %add3A_190, %sign3A_357 : i32
        %sign3A_359 = arith.extui %sign3A_358 : i1 to i32
        %sign3A_360 = arith.subi %sign3A_356, %sign3A_359 : i32
        %sign3A_361 = arith.constant 0 : i32
        %sign3A_362 = arith.cmpi sgt, %jit3A_352, %sign3A_361 : i32
        %sign3A_363 = arith.extui %sign3A_362 : i1 to i32
        %sign3A_364 = arith.constant 0 : i32
        %sign3A_365 = arith.cmpi slt, %jit3A_352, %sign3A_364 : i32
        %sign3A_366 = arith.extui %sign3A_365 : i1 to i32
        %sign3A_367 = arith.subi %sign3A_363, %sign3A_366 : i32
        %ne3A_368 = arith.cmpi ne, %sign3A_360, %sign3A_367 : i32
        %rem3A_369 = arith.remsi %add3A_190, %jit3A_352 : i32
        %ne3A_370 = arith.constant 0 : i32
        %ne3A_371 = arith.cmpi ne, %rem3A_369, %ne3A_370 : i32
        %and3A_372 = arith.andi %ne3A_368, %ne3A_371 : i1
        %sub3A_373 = arith.constant 1 : i32
        %sub3A_374 = arith.subi %div3A_353, %sub3A_373 : i32
        %select_n3A_375 = arith.select %and3A_372, %sub3A_374, %div3A_353 : i32
        %add3A_376 = arith.constant 32 : i32
        %add3A_377 = arith.addi %mul3A_287, %add3A_376 : i32
        %swap3A_378 = arith.index_cast %select_n3A_375 : i32 to index
        %swap3A_379 = arith.index_cast %add3A_377 : i32 to index
        %swap3A_380 = tpu.vector_load %arg11[%swap3A_378, %swap3A_379] {strides = array<i32>} : memref<64x128xf32, #tpu.memory_space<vmem>>, vector<1x16xf32>,
        %swap3A_381 = vector.shape_cast %swap3A_380 : vector<1x16xf32> to vector<16xf32>
        %swap3A_382 = vector.shape_cast %mul3A_351 : vector<16xf32> to vector<1x16xf32>
        tpu.vector_store %arg11[%swap3A_378, %swap3A_379], %swap3A_382 {strides = array<i32>} : memref<64x128xf32, #tpu.memory_space<vmem>>, vector<1x16xf32>,
        %mul3A_383 = arith.mulf %get3A_217, %mul3A_269 : vector<16xf32>
        %jit3A_384 = arith.constant 2 : i32
        %div3A_385 = arith.divsi %add3A_190, %jit3A_384 : i32
        %sign3A_386 = arith.constant 0 : i32
        %sign3A_387 = arith.cmpi sgt, %add3A_190, %sign3A_386 : i32
        %sign3A_388 = arith.extui %sign3A_387 : i1 to i32
        %sign3A_389 = arith.constant 0 : i32
        %sign3A_390 = arith.cmpi slt, %add3A_190, %sign3A_389 : i32
        %sign3A_391 = arith.extui %sign3A_390 : i1 to i32
        %sign3A_392 = arith.subi %sign3A_388, %sign3A_391 : i32
        %sign3A_393 = arith.constant 0 : i32
        %sign3A_394 = arith.cmpi sgt, %jit3A_384, %sign3A_393 : i32
        %sign3A_395 = arith.extui %sign3A_394 : i1 to i32
        %sign3A_396 = arith.constant 0 : i32
        %sign3A_397 = arith.cmpi slt, %jit3A_384, %sign3A_396 : i32
        %sign3A_398 = arith.extui %sign3A_397 : i1 to i32
        %sign3A_399 = arith.subi %sign3A_395, %sign3A_398 : i32
        %ne3A_400 = arith.cmpi ne, %sign3A_392, %sign3A_399 : i32
        %rem3A_401 = arith.remsi %add3A_190, %jit3A_384 : i32
        %ne3A_402 = arith.constant 0 : i32
        %ne3A_403 = arith.cmpi ne, %rem3A_401, %ne3A_402 : i32
        %and3A_404 = arith.andi %ne3A_400, %ne3A_403 : i1
        %sub3A_405 = arith.constant 1 : i32
        %sub3A_406 = arith.subi %div3A_385, %sub3A_405 : i32
        %select_n3A_407 = arith.select %and3A_404, %sub3A_406, %div3A_385 : i32
        %add3A_408 = arith.constant 48 : i32
        %add3A_409 = arith.addi %mul3A_287, %add3A_408 : i32
        %swap3A_410 = arith.index_cast %select_n3A_407 : i32 to index
        %swap3A_411 = arith.index_cast %add3A_409 : i32 to index
        %swap3A_412 = tpu.vector_load %arg11[%swap3A_410, %swap3A_411] {strides = array<i32>} : memref<64x128xf32, #tpu.memory_space<vmem>>, vector<1x16xf32>,
        %swap3A_413 = vector.shape_cast %swap3A_412 : vector<1x16xf32> to vector<16xf32>
        %swap3A_414 = vector.shape_cast %mul3A_383 : vector<16xf32> to vector<1x16xf32>
        tpu.vector_store %arg11[%swap3A_410, %swap3A_411], %swap3A_414 {strides = array<i32>} : memref<64x128xf32, #tpu.memory_space<vmem>>, vector<1x16xf32>,
        %mul3A_415 = arith.constant 4 : i32
        %mul3A_416 = arith.muli %scan3A_186, %mul3A_415 : i32
        %add3A_417 = arith.constant 1 : i32
        %add3A_418 = arith.addi %mul3A_416, %add3A_417 : i32
        %mul3A_419 = arith.constant 64 : i32
        %mul3A_420 = arith.muli %add3A_418, %mul3A_419 : i32
        %add3A_421 = arith.constant 0 : i32
        %add3A_422 = arith.addi %mul3A_420, %add3A_421 : i32
        %get3A_423 = arith.index_cast %add3A_422 : i32 to index
        %get3A_424 = tpu.vector_load %arg9[%get3A_423] {strides = array<i32>} : memref<8192xf32, #tpu.memory_space<vmem>>, vector<16xf32>,
        %get3A_425 = vector.shape_cast %get3A_424 : vector<16xf32> to vector<16xf32>
        %mul3A_426 = arith.constant 64 : i32
        %mul3A_427 = arith.muli %add3A_418, %mul3A_426 : i32
        %add3A_428 = arith.constant 16 : i32
        %add3A_429 = arith.addi %mul3A_427, %add3A_428 : i32
        %get3A_430 = arith.index_cast %add3A_429 : i32 to index
        %get3A_431 = tpu.vector_load %arg9[%get3A_430] {strides = array<i32>} : memref<8192xf32, #tpu.memory_space<vmem>>, vector<16xf32>,
        %get3A_432 = vector.shape_cast %get3A_431 : vector<16xf32> to vector<16xf32>
        %mul3A_433 = arith.constant 64 : i32
        %mul3A_434 = arith.muli %add3A_418, %mul3A_433 : i32
        %add3A_435 = arith.constant 32 : i32
        %add3A_436 = arith.addi %mul3A_434, %add3A_435 : i32
        %get3A_437 = arith.index_cast %add3A_436 : i32 to index
        %get3A_438 = tpu.vector_load %arg9[%get3A_437] {strides = array<i32>} : memref<8192xf32, #tpu.memory_space<vmem>>, vector<16xf32>,
        %get3A_439 = vector.shape_cast %get3A_438 : vector<16xf32> to vector<16xf32>
        %mul3A_440 = arith.constant 64 : i32
        %mul3A_441 = arith.muli %add3A_418, %mul3A_440 : i32
        %add3A_442 = arith.constant 48 : i32
        %add3A_443 = arith.addi %mul3A_441, %add3A_442 : i32
        %get3A_444 = arith.index_cast %add3A_443 : i32 to index
        %get3A_445 = tpu.vector_load %arg9[%get3A_444] {strides = array<i32>} : memref<8192xf32, #tpu.memory_space<vmem>>, vector<16xf32>,
        %get3A_446 = vector.shape_cast %get3A_445 : vector<16xf32> to vector<16xf32>
        %broadcast_in_dim3A_447 = arith.constant 0.000000e+00 : f32
        %broadcast_in_dim3A_448 = vector.broadcast %broadcast_in_dim3A_447 : f32 to vector<16xf32>
        %mul3A_449 = arith.mulf %get3A_425, %get3A_425 : vector<16xf32>
        %add3A_450 = arith.addf %broadcast_in_dim3A_448, %mul3A_449 : vector<16xf32>
        %mul3A_451 = arith.mulf %get3A_432, %get3A_432 : vector<16xf32>
        %add3A_452 = arith.addf %add3A_450, %mul3A_451 : vector<16xf32>
        %mul3A_453 = arith.mulf %get3A_439, %get3A_439 : vector<16xf32>
        %add3A_454 = arith.addf %add3A_452, %mul3A_453 : vector<16xf32>
        %mul3A_455 = arith.mulf %get3A_446, %get3A_446 : vector<16xf32>
        %add3A_456 = arith.addf %add3A_454, %mul3A_455 : vector<16xf32>
        %reshape3A_457 = vector.shape_cast %xor3A_34 : vector<16xi32> to vector<16x1xi32>
        %gather3A_458 = vector.shape_cast %reshape3A_457 : vector<16x1xi32> to vector<16xi32>
        %gather3A_459 = tpu.dynamic_gather %add3A_456[%gather3A_458] in [0] : vector<16xf32>, vector<16xi32> -> vector<16xf32>
        %add3A_460 = arith.addf %add3A_456, %gather3A_459 : vector<16xf32>
        %reshape3A_461 = vector.shape_cast %xor3A_37 : vector<16xi32> to vector<16x1xi32>
        %gather3A_462 = vector.shape_cast %reshape3A_461 : vector<16x1xi32> to vector<16xi32>
        %gather3A_463 = tpu.dynamic_gather %add3A_460[%gather3A_462] in [0] : vector<16xf32>, vector<16xi32> -> vector<16xf32>
        %add3A_464 = arith.addf %add3A_460, %gather3A_463 : vector<16xf32>
        %reshape3A_465 = vector.shape_cast %xor3A_40 : vector<16xi32> to vector<16x1xi32>
        %gather3A_466 = vector.shape_cast %reshape3A_465 : vector<16x1xi32> to vector<16xi32>
        %gather3A_467 = tpu.dynamic_gather %add3A_464[%gather3A_466] in [0] : vector<16xf32>, vector<16xi32> -> vector<16xf32>
        %add3A_468 = arith.addf %add3A_464, %gather3A_467 : vector<16xf32>
        %reshape3A_469 = vector.shape_cast %xor3A_43 : vector<16xi32> to vector<16x1xi32>
        %gather3A_470 = vector.shape_cast %reshape3A_469 : vector<16x1xi32> to vector<16xi32>
        %gather3A_471 = tpu.dynamic_gather %add3A_468[%gather3A_470] in [0] : vector<16xf32>, vector<16xi32> -> vector<16xf32>
        %add3A_472 = arith.addf %add3A_468, %gather3A_471 : vector<16xf32>
        %max3A_473 = arith.constant 1.000000e-24 : f32
        %max3A_474 = vector.broadcast %max3A_473 : f32 to vector<16xf32>
        %max3A_475 = arith.maximumf %add3A_472, %max3A_474 : vector<16xf32>
        %bitcast_convert_type3A_476 = tpu.bitcast %max3A_475 : vector<16xf32> -> vector<16xi32>
        %shift_right_logical3A_477 = arith.constant 1 : i32
        %shift_right_logical3A_478 = vector.broadcast %shift_right_logical3A_477 : i32 to vector<16xi32>
        %shift_right_logical3A_479 = arith.shrui %bitcast_convert_type3A_476, %shift_right_logical3A_478 : vector<16xi32>
        %sub3A_480 = arith.constant 1597463007 : i32
        %sub3A_481 = vector.broadcast %sub3A_480 : i32 to vector<16xi32>
        %sub3A_482 = arith.subi %sub3A_481, %shift_right_logical3A_479 : vector<16xi32>
        %bitcast_convert_type3A_483 = tpu.bitcast %sub3A_482 : vector<16xi32> -> vector<16xf32>
        %mul3A_484 = arith.constant 5.000000e-01 : f32
        %mul3A_485 = vector.broadcast %mul3A_484 : f32 to vector<16xf32>
        %mul3A_486 = arith.mulf %mul3A_485, %max3A_475 : vector<16xf32>
        %mul3A_487 = arith.mulf %mul3A_486, %bitcast_convert_type3A_483 : vector<16xf32>
        %mul3A_488 = arith.mulf %mul3A_487, %bitcast_convert_type3A_483 : vector<16xf32>
        %sub3A_489 = arith.constant 1.500000e+00 : f32
        %sub3A_490 = vector.broadcast %sub3A_489 : f32 to vector<16xf32>
        %sub3A_491 = arith.subf %sub3A_490, %mul3A_488 : vector<16xf32>
        %mul3A_492 = arith.mulf %bitcast_convert_type3A_483, %sub3A_491 : vector<16xf32>
        %mul3A_493 = arith.mulf %mul3A_486, %mul3A_492 : vector<16xf32>
        %mul3A_494 = arith.mulf %mul3A_493, %mul3A_492 : vector<16xf32>
        %sub3A_495 = arith.constant 1.500000e+00 : f32
        %sub3A_496 = vector.broadcast %sub3A_495 : f32 to vector<16xf32>
        %sub3A_497 = arith.subf %sub3A_496, %mul3A_494 : vector<16xf32>
        %mul3A_498 = arith.mulf %mul3A_492, %sub3A_497 : vector<16xf32>
        %mul3A_499 = arith.mulf %mul3A_486, %mul3A_498 : vector<16xf32>
        %mul3A_500 = arith.mulf %mul3A_499, %mul3A_498 : vector<16xf32>
        %sub3A_501 = arith.constant 1.500000e+00 : f32
        %sub3A_502 = vector.broadcast %sub3A_501 : f32 to vector<16xf32>
        %sub3A_503 = arith.subf %sub3A_502, %mul3A_500 : vector<16xf32>
        %mul3A_504 = arith.mulf %mul3A_498, %sub3A_503 : vector<16xf32>
        %jit3A_505 = arith.constant 2 : i32
        %eq3A_506 = arith.constant 0 : i32
        %eq3A_507 = arith.cmpi eq, %jit3A_505, %eq3A_506 : i32
        %jit3A_508 = arith.constant 1 : i32
        %select_n3A_509 = arith.select %eq3A_507, %jit3A_508, %jit3A_505 : i32
        %rem3A_510 = arith.remsi %add3A_418, %select_n3A_509 : i32
        %ne3A_511 = arith.constant 0 : i32
        %ne3A_512 = arith.cmpi ne, %rem3A_510, %ne3A_511 : i32
        %lt3A_513 = arith.constant 0 : i32
        %lt3A_514 = arith.cmpi slt, %rem3A_510, %lt3A_513 : i32
        %lt3A_515 = arith.constant 0 : i32
        %lt3A_516 = arith.cmpi slt, %select_n3A_509, %lt3A_515 : i32
        %ne3A_517 = arith.xori %lt3A_514, %lt3A_516 : i1
        %and3A_518 = arith.andi %ne3A_517, %ne3A_512 : i1
        %add3A_519 = arith.addi %rem3A_510, %select_n3A_509 : i32
        %select_n3A_520 = arith.select %and3A_518, %add3A_519, %rem3A_510 : i32
        %mul3A_521 = arith.constant 64 : i32
        %mul3A_522 = arith.muli %select_n3A_520, %mul3A_521 : i32
        %mul3A_523 = arith.mulf %get3A_425, %mul3A_504 : vector<16xf32>
        %jit3A_524 = arith.constant 2 : i32
        %div3A_525 = arith.divsi %add3A_418, %jit3A_524 : i32
        %sign3A_526 = arith.constant 0 : i32
        %sign3A_527 = arith.cmpi sgt, %add3A_418, %sign3A_526 : i32
        %sign3A_528 = arith.extui %sign3A_527 : i1 to i32
        %sign3A_529 = arith.constant 0 : i32
        %sign3A_530 = arith.cmpi slt, %add3A_418, %sign3A_529 : i32
        %sign3A_531 = arith.extui %sign3A_530 : i1 to i32
        %sign3A_532 = arith.subi %sign3A_528, %sign3A_531 : i32
        %sign3A_533 = arith.constant 0 : i32
        %sign3A_534 = arith.cmpi sgt, %jit3A_524, %sign3A_533 : i32
        %sign3A_535 = arith.extui %sign3A_534 : i1 to i32
        %sign3A_536 = arith.constant 0 : i32
        %sign3A_537 = arith.cmpi slt, %jit3A_524, %sign3A_536 : i32
        %sign3A_538 = arith.extui %sign3A_537 : i1 to i32
        %sign3A_539 = arith.subi %sign3A_535, %sign3A_538 : i32
        %ne3A_540 = arith.cmpi ne, %sign3A_532, %sign3A_539 : i32
        %rem3A_541 = arith.remsi %add3A_418, %jit3A_524 : i32
        %ne3A_542 = arith.constant 0 : i32
        %ne3A_543 = arith.cmpi ne, %rem3A_541, %ne3A_542 : i32
        %and3A_544 = arith.andi %ne3A_540, %ne3A_543 : i1
        %sub3A_545 = arith.constant 1 : i32
        %sub3A_546 = arith.subi %div3A_525, %sub3A_545 : i32
        %select_n3A_547 = arith.select %and3A_544, %sub3A_546, %div3A_525 : i32
        %add3A_548 = arith.constant 0 : i32
        %add3A_549 = arith.addi %mul3A_522, %add3A_548 : i32
        %swap3A_550 = arith.index_cast %select_n3A_547 : i32 to index
        %swap3A_551 = arith.index_cast %add3A_549 : i32 to index
        %swap3A_552 = tpu.vector_load %arg11[%swap3A_550, %swap3A_551] {strides = array<i32>} : memref<64x128xf32, #tpu.memory_space<vmem>>, vector<1x16xf32>,
        %swap3A_553 = vector.shape_cast %swap3A_552 : vector<1x16xf32> to vector<16xf32>
        %swap3A_554 = vector.shape_cast %mul3A_523 : vector<16xf32> to vector<1x16xf32>
        tpu.vector_store %arg11[%swap3A_550, %swap3A_551], %swap3A_554 {strides = array<i32>} : memref<64x128xf32, #tpu.memory_space<vmem>>, vector<1x16xf32>,
        %mul3A_555 = arith.mulf %get3A_432, %mul3A_504 : vector<16xf32>
        %jit3A_556 = arith.constant 2 : i32
        %div3A_557 = arith.divsi %add3A_418, %jit3A_556 : i32
        %sign3A_558 = arith.constant 0 : i32
        %sign3A_559 = arith.cmpi sgt, %add3A_418, %sign3A_558 : i32
        %sign3A_560 = arith.extui %sign3A_559 : i1 to i32
        %sign3A_561 = arith.constant 0 : i32
        %sign3A_562 = arith.cmpi slt, %add3A_418, %sign3A_561 : i32
        %sign3A_563 = arith.extui %sign3A_562 : i1 to i32
        %sign3A_564 = arith.subi %sign3A_560, %sign3A_563 : i32
        %sign3A_565 = arith.constant 0 : i32
        %sign3A_566 = arith.cmpi sgt, %jit3A_556, %sign3A_565 : i32
        %sign3A_567 = arith.extui %sign3A_566 : i1 to i32
        %sign3A_568 = arith.constant 0 : i32
        %sign3A_569 = arith.cmpi slt, %jit3A_556, %sign3A_568 : i32
        %sign3A_570 = arith.extui %sign3A_569 : i1 to i32
        %sign3A_571 = arith.subi %sign3A_567, %sign3A_570 : i32
        %ne3A_572 = arith.cmpi ne, %sign3A_564, %sign3A_571 : i32
        %rem3A_573 = arith.remsi %add3A_418, %jit3A_556 : i32
        %ne3A_574 = arith.constant 0 : i32
        %ne3A_575 = arith.cmpi ne, %rem3A_573, %ne3A_574 : i32
        %and3A_576 = arith.andi %ne3A_572, %ne3A_575 : i1
        %sub3A_577 = arith.constant 1 : i32
        %sub3A_578 = arith.subi %div3A_557, %sub3A_577 : i32
        %select_n3A_579 = arith.select %and3A_576, %sub3A_578, %div3A_557 : i32
        %add3A_580 = arith.constant 16 : i32
        %add3A_581 = arith.addi %mul3A_522, %add3A_580 : i32
        %swap3A_582 = arith.index_cast %select_n3A_579 : i32 to index
        %swap3A_583 = arith.index_cast %add3A_581 : i32 to index
        %swap3A_584 = tpu.vector_load %arg11[%swap3A_582, %swap3A_583] {strides = array<i32>} : memref<64x128xf32, #tpu.memory_space<vmem>>, vector<1x16xf32>,
        %swap3A_585 = vector.shape_cast %swap3A_584 : vector<1x16xf32> to vector<16xf32>
        %swap3A_586 = vector.shape_cast %mul3A_555 : vector<16xf32> to vector<1x16xf32>
        tpu.vector_store %arg11[%swap3A_582, %swap3A_583], %swap3A_586 {strides = array<i32>} : memref<64x128xf32, #tpu.memory_space<vmem>>, vector<1x16xf32>,
        %mul3A_587 = arith.mulf %get3A_439, %mul3A_504 : vector<16xf32>
        %jit3A_588 = arith.constant 2 : i32
        %div3A_589 = arith.divsi %add3A_418, %jit3A_588 : i32
        %sign3A_590 = arith.constant 0 : i32
        %sign3A_591 = arith.cmpi sgt, %add3A_418, %sign3A_590 : i32
        %sign3A_592 = arith.extui %sign3A_591 : i1 to i32
        %sign3A_593 = arith.constant 0 : i32
        %sign3A_594 = arith.cmpi slt, %add3A_418, %sign3A_593 : i32
        %sign3A_595 = arith.extui %sign3A_594 : i1 to i32
        %sign3A_596 = arith.subi %sign3A_592, %sign3A_595 : i32
        %sign3A_597 = arith.constant 0 : i32
        %sign3A_598 = arith.cmpi sgt, %jit3A_588, %sign3A_597 : i32
        %sign3A_599 = arith.extui %sign3A_598 : i1 to i32
        %sign3A_600 = arith.constant 0 : i32
        %sign3A_601 = arith.cmpi slt, %jit3A_588, %sign3A_600 : i32
        %sign3A_602 = arith.extui %sign3A_601 : i1 to i32
        %sign3A_603 = arith.subi %sign3A_599, %sign3A_602 : i32
        %ne3A_604 = arith.cmpi ne, %sign3A_596, %sign3A_603 : i32
        %rem3A_605 = arith.remsi %add3A_418, %jit3A_588 : i32
        %ne3A_606 = arith.constant 0 : i32
        %ne3A_607 = arith.cmpi ne, %rem3A_605, %ne3A_606 : i32
        %and3A_608 = arith.andi %ne3A_604, %ne3A_607 : i1
        %sub3A_609 = arith.constant 1 : i32
        %sub3A_610 = arith.subi %div3A_589, %sub3A_609 : i32
        %select_n3A_611 = arith.select %and3A_608, %sub3A_610, %div3A_589 : i32
        %add3A_612 = arith.constant 32 : i32
        %add3A_613 = arith.addi %mul3A_522, %add3A_612 : i32
        %swap3A_614 = arith.index_cast %select_n3A_611 : i32 to index
        %swap3A_615 = arith.index_cast %add3A_613 : i32 to index
        %swap3A_616 = tpu.vector_load %arg11[%swap3A_614, %swap3A_615] {strides = array<i32>} : memref<64x128xf32, #tpu.memory_space<vmem>>, vector<1x16xf32>,
        %swap3A_617 = vector.shape_cast %swap3A_616 : vector<1x16xf32> to vector<16xf32>
        %swap3A_618 = vector.shape_cast %mul3A_587 : vector<16xf32> to vector<1x16xf32>
        tpu.vector_store %arg11[%swap3A_614, %swap3A_615], %swap3A_618 {strides = array<i32>} : memref<64x128xf32, #tpu.memory_space<vmem>>, vector<1x16xf32>,
        %mul3A_619 = arith.mulf %get3A_446, %mul3A_504 : vector<16xf32>
        %jit3A_620 = arith.constant 2 : i32
        %div3A_621 = arith.divsi %add3A_418, %jit3A_620 : i32
        %sign3A_622 = arith.constant 0 : i32
        %sign3A_623 = arith.cmpi sgt, %add3A_418, %sign3A_622 : i32
        %sign3A_624 = arith.extui %sign3A_623 : i1 to i32
        %sign3A_625 = arith.constant 0 : i32
        %sign3A_626 = arith.cmpi slt, %add3A_418, %sign3A_625 : i32
        %sign3A_627 = arith.extui %sign3A_626 : i1 to i32
        %sign3A_628 = arith.subi %sign3A_624, %sign3A_627 : i32
        %sign3A_629 = arith.constant 0 : i32
        %sign3A_630 = arith.cmpi sgt, %jit3A_620, %sign3A_629 : i32
        %sign3A_631 = arith.extui %sign3A_630 : i1 to i32
        %sign3A_632 = arith.constant 0 : i32
        %sign3A_633 = arith.cmpi slt, %jit3A_620, %sign3A_632 : i32
        %sign3A_634 = arith.extui %sign3A_633 : i1 to i32
        %sign3A_635 = arith.subi %sign3A_631, %sign3A_634 : i32
        %ne3A_636 = arith.cmpi ne, %sign3A_628, %sign3A_635 : i32
        %rem3A_637 = arith.remsi %add3A_418, %jit3A_620 : i32
        %ne3A_638 = arith.constant 0 : i32
        %ne3A_639 = arith.cmpi ne, %rem3A_637, %ne3A_638 : i32
        %and3A_640 = arith.andi %ne3A_636, %ne3A_639 : i1
        %sub3A_641 = arith.constant 1 : i32
        %sub3A_642 = arith.subi %div3A_621, %sub3A_641 : i32
        %select_n3A_643 = arith.select %and3A_640, %sub3A_642, %div3A_621 : i32
        %add3A_644 = arith.constant 48 : i32
        %add3A_645 = arith.addi %mul3A_522, %add3A_644 : i32
        %swap3A_646 = arith.index_cast %select_n3A_643 : i32 to index
        %swap3A_647 = arith.index_cast %add3A_645 : i32 to index
        %swap3A_648 = tpu.vector_load %arg11[%swap3A_646, %swap3A_647] {strides = array<i32>} : memref<64x128xf32, #tpu.memory_space<vmem>>, vector<1x16xf32>,
        %swap3A_649 = vector.shape_cast %swap3A_648 : vector<1x16xf32> to vector<16xf32>
        %swap3A_650 = vector.shape_cast %mul3A_619 : vector<16xf32> to vector<1x16xf32>
        tpu.vector_store %arg11[%swap3A_646, %swap3A_647], %swap3A_650 {strides = array<i32>} : memref<64x128xf32, #tpu.memory_space<vmem>>, vector<1x16xf32>,
        %mul3A_651 = arith.constant 4 : i32
        %mul3A_652 = arith.muli %scan3A_186, %mul3A_651 : i32
        %add3A_653 = arith.constant 2 : i32
        %add3A_654 = arith.addi %mul3A_652, %add3A_653 : i32
        %mul3A_655 = arith.constant 64 : i32
        %mul3A_656 = arith.muli %add3A_654, %mul3A_655 : i32
        %add3A_657 = arith.constant 0 : i32
        %add3A_658 = arith.addi %mul3A_656, %add3A_657 : i32
        %get3A_659 = arith.index_cast %add3A_658 : i32 to index
        %get3A_660 = tpu.vector_load %arg9[%get3A_659] {strides = array<i32>} : memref<8192xf32, #tpu.memory_space<vmem>>, vector<16xf32>,
        %get3A_661 = vector.shape_cast %get3A_660 : vector<16xf32> to vector<16xf32>
        %mul3A_662 = arith.constant 64 : i32
        %mul3A_663 = arith.muli %add3A_654, %mul3A_662 : i32
        %add3A_664 = arith.constant 16 : i32
        %add3A_665 = arith.addi %mul3A_663, %add3A_664 : i32
        %get3A_666 = arith.index_cast %add3A_665 : i32 to index
        %get3A_667 = tpu.vector_load %arg9[%get3A_666] {strides = array<i32>} : memref<8192xf32, #tpu.memory_space<vmem>>, vector<16xf32>,
        %get3A_668 = vector.shape_cast %get3A_667 : vector<16xf32> to vector<16xf32>
        %mul3A_669 = arith.constant 64 : i32
        %mul3A_670 = arith.muli %add3A_654, %mul3A_669 : i32
        %add3A_671 = arith.constant 32 : i32
        %add3A_672 = arith.addi %mul3A_670, %add3A_671 : i32
        %get3A_673 = arith.index_cast %add3A_672 : i32 to index
        %get3A_674 = tpu.vector_load %arg9[%get3A_673] {strides = array<i32>} : memref<8192xf32, #tpu.memory_space<vmem>>, vector<16xf32>,
        %get3A_675 = vector.shape_cast %get3A_674 : vector<16xf32> to vector<16xf32>
        %mul3A_676 = arith.constant 64 : i32
        %mul3A_677 = arith.muli %add3A_654, %mul3A_676 : i32
        %add3A_678 = arith.constant 48 : i32
        %add3A_679 = arith.addi %mul3A_677, %add3A_678 : i32
        %get3A_680 = arith.index_cast %add3A_679 : i32 to index
        %get3A_681 = tpu.vector_load %arg9[%get3A_680] {strides = array<i32>} : memref<8192xf32, #tpu.memory_space<vmem>>, vector<16xf32>,
        %get3A_682 = vector.shape_cast %get3A_681 : vector<16xf32> to vector<16xf32>
        %broadcast_in_dim3A_683 = arith.constant 0.000000e+00 : f32
        %broadcast_in_dim3A_684 = vector.broadcast %broadcast_in_dim3A_683 : f32 to vector<16xf32>
        %mul3A_685 = arith.mulf %get3A_661, %get3A_661 : vector<16xf32>
        %add3A_686 = arith.addf %broadcast_in_dim3A_684, %mul3A_685 : vector<16xf32>
        %mul3A_687 = arith.mulf %get3A_668, %get3A_668 : vector<16xf32>
        %add3A_688 = arith.addf %add3A_686, %mul3A_687 : vector<16xf32>
        %mul3A_689 = arith.mulf %get3A_675, %get3A_675 : vector<16xf32>
        %add3A_690 = arith.addf %add3A_688, %mul3A_689 : vector<16xf32>
        %mul3A_691 = arith.mulf %get3A_682, %get3A_682 : vector<16xf32>
        %add3A_692 = arith.addf %add3A_690, %mul3A_691 : vector<16xf32>
        %reshape3A_693 = vector.shape_cast %xor3A_34 : vector<16xi32> to vector<16x1xi32>
        %gather3A_694 = vector.shape_cast %reshape3A_693 : vector<16x1xi32> to vector<16xi32>
        %gather3A_695 = tpu.dynamic_gather %add3A_692[%gather3A_694] in [0] : vector<16xf32>, vector<16xi32> -> vector<16xf32>
        %add3A_696 = arith.addf %add3A_692, %gather3A_695 : vector<16xf32>
        %reshape3A_697 = vector.shape_cast %xor3A_37 : vector<16xi32> to vector<16x1xi32>
        %gather3A_698 = vector.shape_cast %reshape3A_697 : vector<16x1xi32> to vector<16xi32>
        %gather3A_699 = tpu.dynamic_gather %add3A_696[%gather3A_698] in [0] : vector<16xf32>, vector<16xi32> -> vector<16xf32>
        %add3A_700 = arith.addf %add3A_696, %gather3A_699 : vector<16xf32>
        %reshape3A_701 = vector.shape_cast %xor3A_40 : vector<16xi32> to vector<16x1xi32>
        %gather3A_702 = vector.shape_cast %reshape3A_701 : vector<16x1xi32> to vector<16xi32>
        %gather3A_703 = tpu.dynamic_gather %add3A_700[%gather3A_702] in [0] : vector<16xf32>, vector<16xi32> -> vector<16xf32>
        %add3A_704 = arith.addf %add3A_700, %gather3A_703 : vector<16xf32>
        %reshape3A_705 = vector.shape_cast %xor3A_43 : vector<16xi32> to vector<16x1xi32>
        %gather3A_706 = vector.shape_cast %reshape3A_705 : vector<16x1xi32> to vector<16xi32>
        %gather3A_707 = tpu.dynamic_gather %add3A_704[%gather3A_706] in [0] : vector<16xf32>, vector<16xi32> -> vector<16xf32>
        %add3A_708 = arith.addf %add3A_704, %gather3A_707 : vector<16xf32>
        %max3A_709 = arith.constant 1.000000e-24 : f32
        %max3A_710 = vector.broadcast %max3A_709 : f32 to vector<16xf32>
        %max3A_711 = arith.maximumf %add3A_708, %max3A_710 : vector<16xf32>
        %bitcast_convert_type3A_712 = tpu.bitcast %max3A_711 : vector<16xf32> -> vector<16xi32>
        %shift_right_logical3A_713 = arith.constant 1 : i32
        %shift_right_logical3A_714 = vector.broadcast %shift_right_logical3A_713 : i32 to vector<16xi32>
        %shift_right_logical3A_715 = arith.shrui %bitcast_convert_type3A_712, %shift_right_logical3A_714 : vector<16xi32>
        %sub3A_716 = arith.constant 1597463007 : i32
        %sub3A_717 = vector.broadcast %sub3A_716 : i32 to vector<16xi32>
        %sub3A_718 = arith.subi %sub3A_717, %shift_right_logical3A_715 : vector<16xi32>
        %bitcast_convert_type3A_719 = tpu.bitcast %sub3A_718 : vector<16xi32> -> vector<16xf32>
        %mul3A_720 = arith.constant 5.000000e-01 : f32
        %mul3A_721 = vector.broadcast %mul3A_720 : f32 to vector<16xf32>
        %mul3A_722 = arith.mulf %mul3A_721, %max3A_711 : vector<16xf32>
        %mul3A_723 = arith.mulf %mul3A_722, %bitcast_convert_type3A_719 : vector<16xf32>
        %mul3A_724 = arith.mulf %mul3A_723, %bitcast_convert_type3A_719 : vector<16xf32>
        %sub3A_725 = arith.constant 1.500000e+00 : f32
        %sub3A_726 = vector.broadcast %sub3A_725 : f32 to vector<16xf32>
        %sub3A_727 = arith.subf %sub3A_726, %mul3A_724 : vector<16xf32>
        %mul3A_728 = arith.mulf %bitcast_convert_type3A_719, %sub3A_727 : vector<16xf32>
        %mul3A_729 = arith.mulf %mul3A_722, %mul3A_728 : vector<16xf32>
        %mul3A_730 = arith.mulf %mul3A_729, %mul3A_728 : vector<16xf32>
        %sub3A_731 = arith.constant 1.500000e+00 : f32
        %sub3A_732 = vector.broadcast %sub3A_731 : f32 to vector<16xf32>
        %sub3A_733 = arith.subf %sub3A_732, %mul3A_730 : vector<16xf32>
        %mul3A_734 = arith.mulf %mul3A_728, %sub3A_733 : vector<16xf32>
        %mul3A_735 = arith.mulf %mul3A_722, %mul3A_734 : vector<16xf32>
        %mul3A_736 = arith.mulf %mul3A_735, %mul3A_734 : vector<16xf32>
        %sub3A_737 = arith.constant 1.500000e+00 : f32
        %sub3A_738 = vector.broadcast %sub3A_737 : f32 to vector<16xf32>
        %sub3A_739 = arith.subf %sub3A_738, %mul3A_736 : vector<16xf32>
        %mul3A_740 = arith.mulf %mul3A_734, %sub3A_739 : vector<16xf32>
        %jit3A_741 = arith.constant 2 : i32
        %eq3A_742 = arith.constant 0 : i32
        %eq3A_743 = arith.cmpi eq, %jit3A_741, %eq3A_742 : i32
        %jit3A_744 = arith.constant 1 : i32
        %select_n3A_745 = arith.select %eq3A_743, %jit3A_744, %jit3A_741 : i32
        %rem3A_746 = arith.remsi %add3A_654, %select_n3A_745 : i32
        %ne3A_747 = arith.constant 0 : i32
        %ne3A_748 = arith.cmpi ne, %rem3A_746, %ne3A_747 : i32
        %lt3A_749 = arith.constant 0 : i32
        %lt3A_750 = arith.cmpi slt, %rem3A_746, %lt3A_749 : i32
        %lt3A_751 = arith.constant 0 : i32
        %lt3A_752 = arith.cmpi slt, %select_n3A_745, %lt3A_751 : i32
        %ne3A_753 = arith.xori %lt3A_750, %lt3A_752 : i1
        %and3A_754 = arith.andi %ne3A_753, %ne3A_748 : i1
        %add3A_755 = arith.addi %rem3A_746, %select_n3A_745 : i32
        %select_n3A_756 = arith.select %and3A_754, %add3A_755, %rem3A_746 : i32
        %mul3A_757 = arith.constant 64 : i32
        %mul3A_758 = arith.muli %select_n3A_756, %mul3A_757 : i32
        %mul3A_759 = arith.mulf %get3A_661, %mul3A_740 : vector<16xf32>
        %jit3A_760 = arith.constant 2 : i32
        %div3A_761 = arith.divsi %add3A_654, %jit3A_760 : i32
        %sign3A_762 = arith.constant 0 : i32
        %sign3A_763 = arith.cmpi sgt, %add3A_654, %sign3A_762 : i32
        %sign3A_764 = arith.extui %sign3A_763 : i1 to i32
        %sign3A_765 = arith.constant 0 : i32
        %sign3A_766 = arith.cmpi slt, %add3A_654, %sign3A_765 : i32
        %sign3A_767 = arith.extui %sign3A_766 : i1 to i32
        %sign3A_768 = arith.subi %sign3A_764, %sign3A_767 : i32
        %sign3A_769 = arith.constant 0 : i32
        %sign3A_770 = arith.cmpi sgt, %jit3A_760, %sign3A_769 : i32
        %sign3A_771 = arith.extui %sign3A_770 : i1 to i32
        %sign3A_772 = arith.constant 0 : i32
        %sign3A_773 = arith.cmpi slt, %jit3A_760, %sign3A_772 : i32
        %sign3A_774 = arith.extui %sign3A_773 : i1 to i32
        %sign3A_775 = arith.subi %sign3A_771, %sign3A_774 : i32
        %ne3A_776 = arith.cmpi ne, %sign3A_768, %sign3A_775 : i32
        %rem3A_777 = arith.remsi %add3A_654, %jit3A_760 : i32
        %ne3A_778 = arith.constant 0 : i32
        %ne3A_779 = arith.cmpi ne, %rem3A_777, %ne3A_778 : i32
        %and3A_780 = arith.andi %ne3A_776, %ne3A_779 : i1
        %sub3A_781 = arith.constant 1 : i32
        %sub3A_782 = arith.subi %div3A_761, %sub3A_781 : i32
        %select_n3A_783 = arith.select %and3A_780, %sub3A_782, %div3A_761 : i32
        %add3A_784 = arith.constant 0 : i32
        %add3A_785 = arith.addi %mul3A_758, %add3A_784 : i32
        %swap3A_786 = arith.index_cast %select_n3A_783 : i32 to index
        %swap3A_787 = arith.index_cast %add3A_785 : i32 to index
        %swap3A_788 = tpu.vector_load %arg11[%swap3A_786, %swap3A_787] {strides = array<i32>} : memref<64x128xf32, #tpu.memory_space<vmem>>, vector<1x16xf32>,
        %swap3A_789 = vector.shape_cast %swap3A_788 : vector<1x16xf32> to vector<16xf32>
        %swap3A_790 = vector.shape_cast %mul3A_759 : vector<16xf32> to vector<1x16xf32>
        tpu.vector_store %arg11[%swap3A_786, %swap3A_787], %swap3A_790 {strides = array<i32>} : memref<64x128xf32, #tpu.memory_space<vmem>>, vector<1x16xf32>,
        %mul3A_791 = arith.mulf %get3A_668, %mul3A_740 : vector<16xf32>
        %jit3A_792 = arith.constant 2 : i32
        %div3A_793 = arith.divsi %add3A_654, %jit3A_792 : i32
        %sign3A_794 = arith.constant 0 : i32
        %sign3A_795 = arith.cmpi sgt, %add3A_654, %sign3A_794 : i32
        %sign3A_796 = arith.extui %sign3A_795 : i1 to i32
        %sign3A_797 = arith.constant 0 : i32
        %sign3A_798 = arith.cmpi slt, %add3A_654, %sign3A_797 : i32
        %sign3A_799 = arith.extui %sign3A_798 : i1 to i32
        %sign3A_800 = arith.subi %sign3A_796, %sign3A_799 : i32
        %sign3A_801 = arith.constant 0 : i32
        %sign3A_802 = arith.cmpi sgt, %jit3A_792, %sign3A_801 : i32
        %sign3A_803 = arith.extui %sign3A_802 : i1 to i32
        %sign3A_804 = arith.constant 0 : i32
        %sign3A_805 = arith.cmpi slt, %jit3A_792, %sign3A_804 : i32
        %sign3A_806 = arith.extui %sign3A_805 : i1 to i32
        %sign3A_807 = arith.subi %sign3A_803, %sign3A_806 : i32
        %ne3A_808 = arith.cmpi ne, %sign3A_800, %sign3A_807 : i32
        %rem3A_809 = arith.remsi %add3A_654, %jit3A_792 : i32
        %ne3A_810 = arith.constant 0 : i32
        %ne3A_811 = arith.cmpi ne, %rem3A_809, %ne3A_810 : i32
        %and3A_812 = arith.andi %ne3A_808, %ne3A_811 : i1
        %sub3A_813 = arith.constant 1 : i32
        %sub3A_814 = arith.subi %div3A_793, %sub3A_813 : i32
        %select_n3A_815 = arith.select %and3A_812, %sub3A_814, %div3A_793 : i32
        %add3A_816 = arith.constant 16 : i32
        %add3A_817 = arith.addi %mul3A_758, %add3A_816 : i32
        %swap3A_818 = arith.index_cast %select_n3A_815 : i32 to index
        %swap3A_819 = arith.index_cast %add3A_817 : i32 to index
        %swap3A_820 = tpu.vector_load %arg11[%swap3A_818, %swap3A_819] {strides = array<i32>} : memref<64x128xf32, #tpu.memory_space<vmem>>, vector<1x16xf32>,
        %swap3A_821 = vector.shape_cast %swap3A_820 : vector<1x16xf32> to vector<16xf32>
        %swap3A_822 = vector.shape_cast %mul3A_791 : vector<16xf32> to vector<1x16xf32>
        tpu.vector_store %arg11[%swap3A_818, %swap3A_819], %swap3A_822 {strides = array<i32>} : memref<64x128xf32, #tpu.memory_space<vmem>>, vector<1x16xf32>,
        %mul3A_823 = arith.mulf %get3A_675, %mul3A_740 : vector<16xf32>
        %jit3A_824 = arith.constant 2 : i32
        %div3A_825 = arith.divsi %add3A_654, %jit3A_824 : i32
        %sign3A_826 = arith.constant 0 : i32
        %sign3A_827 = arith.cmpi sgt, %add3A_654, %sign3A_826 : i32
        %sign3A_828 = arith.extui %sign3A_827 : i1 to i32
        %sign3A_829 = arith.constant 0 : i32
        %sign3A_830 = arith.cmpi slt, %add3A_654, %sign3A_829 : i32
        %sign3A_831 = arith.extui %sign3A_830 : i1 to i32
        %sign3A_832 = arith.subi %sign3A_828, %sign3A_831 : i32
        %sign3A_833 = arith.constant 0 : i32
        %sign3A_834 = arith.cmpi sgt, %jit3A_824, %sign3A_833 : i32
        %sign3A_835 = arith.extui %sign3A_834 : i1 to i32
        %sign3A_836 = arith.constant 0 : i32
        %sign3A_837 = arith.cmpi slt, %jit3A_824, %sign3A_836 : i32
        %sign3A_838 = arith.extui %sign3A_837 : i1 to i32
        %sign3A_839 = arith.subi %sign3A_835, %sign3A_838 : i32
        %ne3A_840 = arith.cmpi ne, %sign3A_832, %sign3A_839 : i32
        %rem3A_841 = arith.remsi %add3A_654, %jit3A_824 : i32
        %ne3A_842 = arith.constant 0 : i32
        %ne3A_843 = arith.cmpi ne, %rem3A_841, %ne3A_842 : i32
        %and3A_844 = arith.andi %ne3A_840, %ne3A_843 : i1
        %sub3A_845 = arith.constant 1 : i32
        %sub3A_846 = arith.subi %div3A_825, %sub3A_845 : i32
        %select_n3A_847 = arith.select %and3A_844, %sub3A_846, %div3A_825 : i32
        %add3A_848 = arith.constant 32 : i32
        %add3A_849 = arith.addi %mul3A_758, %add3A_848 : i32
        %swap3A_850 = arith.index_cast %select_n3A_847 : i32 to index
        %swap3A_851 = arith.index_cast %add3A_849 : i32 to index
        %swap3A_852 = tpu.vector_load %arg11[%swap3A_850, %swap3A_851] {strides = array<i32>} : memref<64x128xf32, #tpu.memory_space<vmem>>, vector<1x16xf32>,
        %swap3A_853 = vector.shape_cast %swap3A_852 : vector<1x16xf32> to vector<16xf32>
        %swap3A_854 = vector.shape_cast %mul3A_823 : vector<16xf32> to vector<1x16xf32>
        tpu.vector_store %arg11[%swap3A_850, %swap3A_851], %swap3A_854 {strides = array<i32>} : memref<64x128xf32, #tpu.memory_space<vmem>>, vector<1x16xf32>,
        %mul3A_855 = arith.mulf %get3A_682, %mul3A_740 : vector<16xf32>
        %jit3A_856 = arith.constant 2 : i32
        %div3A_857 = arith.divsi %add3A_654, %jit3A_856 : i32
        %sign3A_858 = arith.constant 0 : i32
        %sign3A_859 = arith.cmpi sgt, %add3A_654, %sign3A_858 : i32
        %sign3A_860 = arith.extui %sign3A_859 : i1 to i32
        %sign3A_861 = arith.constant 0 : i32
        %sign3A_862 = arith.cmpi slt, %add3A_654, %sign3A_861 : i32
        %sign3A_863 = arith.extui %sign3A_862 : i1 to i32
        %sign3A_864 = arith.subi %sign3A_860, %sign3A_863 : i32
        %sign3A_865 = arith.constant 0 : i32
        %sign3A_866 = arith.cmpi sgt, %jit3A_856, %sign3A_865 : i32
        %sign3A_867 = arith.extui %sign3A_866 : i1 to i32
        %sign3A_868 = arith.constant 0 : i32
        %sign3A_869 = arith.cmpi slt, %jit3A_856, %sign3A_868 : i32
        %sign3A_870 = arith.extui %sign3A_869 : i1 to i32
        %sign3A_871 = arith.subi %sign3A_867, %sign3A_870 : i32
        %ne3A_872 = arith.cmpi ne, %sign3A_864, %sign3A_871 : i32
        %rem3A_873 = arith.remsi %add3A_654, %jit3A_856 : i32
        %ne3A_874 = arith.constant 0 : i32
        %ne3A_875 = arith.cmpi ne, %rem3A_873, %ne3A_874 : i32
        %and3A_876 = arith.andi %ne3A_872, %ne3A_875 : i1
        %sub3A_877 = arith.constant 1 : i32
        %sub3A_878 = arith.subi %div3A_857, %sub3A_877 : i32
        %select_n3A_879 = arith.select %and3A_876, %sub3A_878, %div3A_857 : i32
        %add3A_880 = arith.constant 48 : i32
        %add3A_881 = arith.addi %mul3A_758, %add3A_880 : i32
        %swap3A_882 = arith.index_cast %select_n3A_879 : i32 to index
        %swap3A_883 = arith.index_cast %add3A_881 : i32 to index
        %swap3A_884 = tpu.vector_load %arg11[%swap3A_882, %swap3A_883] {strides = array<i32>} : memref<64x128xf32, #tpu.memory_space<vmem>>, vector<1x16xf32>,
        %swap3A_885 = vector.shape_cast %swap3A_884 : vector<1x16xf32> to vector<16xf32>
        %swap3A_886 = vector.shape_cast %mul3A_855 : vector<16xf32> to vector<1x16xf32>
        tpu.vector_store %arg11[%swap3A_882, %swap3A_883], %swap3A_886 {strides = array<i32>} : memref<64x128xf32, #tpu.memory_space<vmem>>, vector<1x16xf32>,
        %mul3A_887 = arith.constant 4 : i32
        %mul3A_888 = arith.muli %scan3A_186, %mul3A_887 : i32
        %add3A_889 = arith.constant 3 : i32
        %add3A_890 = arith.addi %mul3A_888, %add3A_889 : i32
        %mul3A_891 = arith.constant 64 : i32
        %mul3A_892 = arith.muli %add3A_890, %mul3A_891 : i32
        %add3A_893 = arith.constant 0 : i32
        %add3A_894 = arith.addi %mul3A_892, %add3A_893 : i32
        %get3A_895 = arith.index_cast %add3A_894 : i32 to index
        %get3A_896 = tpu.vector_load %arg9[%get3A_895] {strides = array<i32>} : memref<8192xf32, #tpu.memory_space<vmem>>, vector<16xf32>,
        %get3A_897 = vector.shape_cast %get3A_896 : vector<16xf32> to vector<16xf32>
        %mul3A_898 = arith.constant 64 : i32
        %mul3A_899 = arith.muli %add3A_890, %mul3A_898 : i32
        %add3A_900 = arith.constant 16 : i32
        %add3A_901 = arith.addi %mul3A_899, %add3A_900 : i32
        %get3A_902 = arith.index_cast %add3A_901 : i32 to index
        %get3A_903 = tpu.vector_load %arg9[%get3A_902] {strides = array<i32>} : memref<8192xf32, #tpu.memory_space<vmem>>, vector<16xf32>,
        %get3A_904 = vector.shape_cast %get3A_903 : vector<16xf32> to vector<16xf32>
        %mul3A_905 = arith.constant 64 : i32
        %mul3A_906 = arith.muli %add3A_890, %mul3A_905 : i32
        %add3A_907 = arith.constant 32 : i32
        %add3A_908 = arith.addi %mul3A_906, %add3A_907 : i32
        %get3A_909 = arith.index_cast %add3A_908 : i32 to index
        %get3A_910 = tpu.vector_load %arg9[%get3A_909] {strides = array<i32>} : memref<8192xf32, #tpu.memory_space<vmem>>, vector<16xf32>,
        %get3A_911 = vector.shape_cast %get3A_910 : vector<16xf32> to vector<16xf32>
        %mul3A_912 = arith.constant 64 : i32
        %mul3A_913 = arith.muli %add3A_890, %mul3A_912 : i32
        %add3A_914 = arith.constant 48 : i32
        %add3A_915 = arith.addi %mul3A_913, %add3A_914 : i32
        %get3A_916 = arith.index_cast %add3A_915 : i32 to index
        %get3A_917 = tpu.vector_load %arg9[%get3A_916] {strides = array<i32>} : memref<8192xf32, #tpu.memory_space<vmem>>, vector<16xf32>,
        %get3A_918 = vector.shape_cast %get3A_917 : vector<16xf32> to vector<16xf32>
        %broadcast_in_dim3A_919 = arith.constant 0.000000e+00 : f32
        %broadcast_in_dim3A_920 = vector.broadcast %broadcast_in_dim3A_919 : f32 to vector<16xf32>
        %mul3A_921 = arith.mulf %get3A_897, %get3A_897 : vector<16xf32>
        %add3A_922 = arith.addf %broadcast_in_dim3A_920, %mul3A_921 : vector<16xf32>
        %mul3A_923 = arith.mulf %get3A_904, %get3A_904 : vector<16xf32>
        %add3A_924 = arith.addf %add3A_922, %mul3A_923 : vector<16xf32>
        %mul3A_925 = arith.mulf %get3A_911, %get3A_911 : vector<16xf32>
        %add3A_926 = arith.addf %add3A_924, %mul3A_925 : vector<16xf32>
        %mul3A_927 = arith.mulf %get3A_918, %get3A_918 : vector<16xf32>
        %add3A_928 = arith.addf %add3A_926, %mul3A_927 : vector<16xf32>
        %reshape3A_929 = vector.shape_cast %xor3A_34 : vector<16xi32> to vector<16x1xi32>
        %gather3A_930 = vector.shape_cast %reshape3A_929 : vector<16x1xi32> to vector<16xi32>
        %gather3A_931 = tpu.dynamic_gather %add3A_928[%gather3A_930] in [0] : vector<16xf32>, vector<16xi32> -> vector<16xf32>
        %add3A_932 = arith.addf %add3A_928, %gather3A_931 : vector<16xf32>
        %reshape3A_933 = vector.shape_cast %xor3A_37 : vector<16xi32> to vector<16x1xi32>
        %gather3A_934 = vector.shape_cast %reshape3A_933 : vector<16x1xi32> to vector<16xi32>
        %gather3A_935 = tpu.dynamic_gather %add3A_932[%gather3A_934] in [0] : vector<16xf32>, vector<16xi32> -> vector<16xf32>
        %add3A_936 = arith.addf %add3A_932, %gather3A_935 : vector<16xf32>
        %reshape3A_937 = vector.shape_cast %xor3A_40 : vector<16xi32> to vector<16x1xi32>
        %gather3A_938 = vector.shape_cast %reshape3A_937 : vector<16x1xi32> to vector<16xi32>
        %gather3A_939 = tpu.dynamic_gather %add3A_936[%gather3A_938] in [0] : vector<16xf32>, vector<16xi32> -> vector<16xf32>
        %add3A_940 = arith.addf %add3A_936, %gather3A_939 : vector<16xf32>
        %reshape3A_941 = vector.shape_cast %xor3A_43 : vector<16xi32> to vector<16x1xi32>
        %gather3A_942 = vector.shape_cast %reshape3A_941 : vector<16x1xi32> to vector<16xi32>
        %gather3A_943 = tpu.dynamic_gather %add3A_940[%gather3A_942] in [0] : vector<16xf32>, vector<16xi32> -> vector<16xf32>
        %add3A_944 = arith.addf %add3A_940, %gather3A_943 : vector<16xf32>
        %max3A_945 = arith.constant 1.000000e-24 : f32
        %max3A_946 = vector.broadcast %max3A_945 : f32 to vector<16xf32>
        %max3A_947 = arith.maximumf %add3A_944, %max3A_946 : vector<16xf32>
        %bitcast_convert_type3A_948 = tpu.bitcast %max3A_947 : vector<16xf32> -> vector<16xi32>
        %shift_right_logical3A_949 = arith.constant 1 : i32
        %shift_right_logical3A_950 = vector.broadcast %shift_right_logical3A_949 : i32 to vector<16xi32>
        %shift_right_logical3A_951 = arith.shrui %bitcast_convert_type3A_948, %shift_right_logical3A_950 : vector<16xi32>
        %sub3A_952 = arith.constant 1597463007 : i32
        %sub3A_953 = vector.broadcast %sub3A_952 : i32 to vector<16xi32>
        %sub3A_954 = arith.subi %sub3A_953, %shift_right_logical3A_951 : vector<16xi32>
        %bitcast_convert_type3A_955 = tpu.bitcast %sub3A_954 : vector<16xi32> -> vector<16xf32>
        %mul3A_956 = arith.constant 5.000000e-01 : f32
        %mul3A_957 = vector.broadcast %mul3A_956 : f32 to vector<16xf32>
        %mul3A_958 = arith.mulf %mul3A_957, %max3A_947 : vector<16xf32>
        %mul3A_959 = arith.mulf %mul3A_958, %bitcast_convert_type3A_955 : vector<16xf32>
        %mul3A_960 = arith.mulf %mul3A_959, %bitcast_convert_type3A_955 : vector<16xf32>
        %sub3A_961 = arith.constant 1.500000e+00 : f32
        %sub3A_962 = vector.broadcast %sub3A_961 : f32 to vector<16xf32>
        %sub3A_963 = arith.subf %sub3A_962, %mul3A_960 : vector<16xf32>
        %mul3A_964 = arith.mulf %bitcast_convert_type3A_955, %sub3A_963 : vector<16xf32>
        %mul3A_965 = arith.mulf %mul3A_958, %mul3A_964 : vector<16xf32>
        %mul3A_966 = arith.mulf %mul3A_965, %mul3A_964 : vector<16xf32>
        %sub3A_967 = arith.constant 1.500000e+00 : f32
        %sub3A_968 = vector.broadcast %sub3A_967 : f32 to vector<16xf32>
        %sub3A_969 = arith.subf %sub3A_968, %mul3A_966 : vector<16xf32>
        %mul3A_970 = arith.mulf %mul3A_964, %sub3A_969 : vector<16xf32>
        %mul3A_971 = arith.mulf %mul3A_958, %mul3A_970 : vector<16xf32>
        %mul3A_972 = arith.mulf %mul3A_971, %mul3A_970 : vector<16xf32>
        %sub3A_973 = arith.constant 1.500000e+00 : f32
        %sub3A_974 = vector.broadcast %sub3A_973 : f32 to vector<16xf32>
        %sub3A_975 = arith.subf %sub3A_974, %mul3A_972 : vector<16xf32>
        %mul3A_976 = arith.mulf %mul3A_970, %sub3A_975 : vector<16xf32>
        %jit3A_977 = arith.constant 2 : i32
        %eq3A_978 = arith.constant 0 : i32
        %eq3A_979 = arith.cmpi eq, %jit3A_977, %eq3A_978 : i32
        %jit3A_980 = arith.constant 1 : i32
        %select_n3A_981 = arith.select %eq3A_979, %jit3A_980, %jit3A_977 : i32
        %rem3A_982 = arith.remsi %add3A_890, %select_n3A_981 : i32
        %ne3A_983 = arith.constant 0 : i32
        %ne3A_984 = arith.cmpi ne, %rem3A_982, %ne3A_983 : i32
        %lt3A_985 = arith.constant 0 : i32
        %lt3A_986 = arith.cmpi slt, %rem3A_982, %lt3A_985 : i32
        %lt3A_987 = arith.constant 0 : i32
        %lt3A_988 = arith.cmpi slt, %select_n3A_981, %lt3A_987 : i32
        %ne3A_989 = arith.xori %lt3A_986, %lt3A_988 : i1
        %and3A_990 = arith.andi %ne3A_989, %ne3A_984 : i1
        %add3A_991 = arith.addi %rem3A_982, %select_n3A_981 : i32
        %select_n3A_992 = arith.select %and3A_990, %add3A_991, %rem3A_982 : i32
        %mul3A_993 = arith.constant 64 : i32
        %mul3A_994 = arith.muli %select_n3A_992, %mul3A_993 : i32
        %mul3A_995 = arith.mulf %get3A_897, %mul3A_976 : vector<16xf32>
        %jit3A_996 = arith.constant 2 : i32
        %div3A_997 = arith.divsi %add3A_890, %jit3A_996 : i32
        %sign3A_998 = arith.constant 0 : i32
        %sign3A_999 = arith.cmpi sgt, %add3A_890, %sign3A_998 : i32
        %sign3A_1000 = arith.extui %sign3A_999 : i1 to i32
        %sign3A_1001 = arith.constant 0 : i32
        %sign3A_1002 = arith.cmpi slt, %add3A_890, %sign3A_1001 : i32
        %sign3A_1003 = arith.extui %sign3A_1002 : i1 to i32
        %sign3A_1004 = arith.subi %sign3A_1000, %sign3A_1003 : i32
        %sign3A_1005 = arith.constant 0 : i32
        %sign3A_1006 = arith.cmpi sgt, %jit3A_996, %sign3A_1005 : i32
        %sign3A_1007 = arith.extui %sign3A_1006 : i1 to i32
        %sign3A_1008 = arith.constant 0 : i32
        %sign3A_1009 = arith.cmpi slt, %jit3A_996, %sign3A_1008 : i32
        %sign3A_1010 = arith.extui %sign3A_1009 : i1 to i32
        %sign3A_1011 = arith.subi %sign3A_1007, %sign3A_1010 : i32
        %ne3A_1012 = arith.cmpi ne, %sign3A_1004, %sign3A_1011 : i32
        %rem3A_1013 = arith.remsi %add3A_890, %jit3A_996 : i32
        %ne3A_1014 = arith.constant 0 : i32
        %ne3A_1015 = arith.cmpi ne, %rem3A_1013, %ne3A_1014 : i32
        %and3A_1016 = arith.andi %ne3A_1012, %ne3A_1015 : i1
        %sub3A_1017 = arith.constant 1 : i32
        %sub3A_1018 = arith.subi %div3A_997, %sub3A_1017 : i32
        %select_n3A_1019 = arith.select %and3A_1016, %sub3A_1018, %div3A_997 : i32
        %add3A_1020 = arith.constant 0 : i32
        %add3A_1021 = arith.addi %mul3A_994, %add3A_1020 : i32
        %swap3A_1022 = arith.index_cast %select_n3A_1019 : i32 to index
        %swap3A_1023 = arith.index_cast %add3A_1021 : i32 to index
        %swap3A_1024 = tpu.vector_load %arg11[%swap3A_1022, %swap3A_1023] {strides = array<i32>} : memref<64x128xf32, #tpu.memory_space<vmem>>, vector<1x16xf32>,
        %swap3A_1025 = vector.shape_cast %swap3A_1024 : vector<1x16xf32> to vector<16xf32>
        %swap3A_1026 = vector.shape_cast %mul3A_995 : vector<16xf32> to vector<1x16xf32>
        tpu.vector_store %arg11[%swap3A_1022, %swap3A_1023], %swap3A_1026 {strides = array<i32>} : memref<64x128xf32, #tpu.memory_space<vmem>>, vector<1x16xf32>,
        %mul3A_1027 = arith.mulf %get3A_904, %mul3A_976 : vector<16xf32>
        %jit3A_1028 = arith.constant 2 : i32
        %div3A_1029 = arith.divsi %add3A_890, %jit3A_1028 : i32
        %sign3A_1030 = arith.constant 0 : i32
        %sign3A_1031 = arith.cmpi sgt, %add3A_890, %sign3A_1030 : i32
        %sign3A_1032 = arith.extui %sign3A_1031 : i1 to i32
        %sign3A_1033 = arith.constant 0 : i32
        %sign3A_1034 = arith.cmpi slt, %add3A_890, %sign3A_1033 : i32
        %sign3A_1035 = arith.extui %sign3A_1034 : i1 to i32
        %sign3A_1036 = arith.subi %sign3A_1032, %sign3A_1035 : i32
        %sign3A_1037 = arith.constant 0 : i32
        %sign3A_1038 = arith.cmpi sgt, %jit3A_1028, %sign3A_1037 : i32
        %sign3A_1039 = arith.extui %sign3A_1038 : i1 to i32
        %sign3A_1040 = arith.constant 0 : i32
        %sign3A_1041 = arith.cmpi slt, %jit3A_1028, %sign3A_1040 : i32
        %sign3A_1042 = arith.extui %sign3A_1041 : i1 to i32
        %sign3A_1043 = arith.subi %sign3A_1039, %sign3A_1042 : i32
        %ne3A_1044 = arith.cmpi ne, %sign3A_1036, %sign3A_1043 : i32
        %rem3A_1045 = arith.remsi %add3A_890, %jit3A_1028 : i32
        %ne3A_1046 = arith.constant 0 : i32
        %ne3A_1047 = arith.cmpi ne, %rem3A_1045, %ne3A_1046 : i32
        %and3A_1048 = arith.andi %ne3A_1044, %ne3A_1047 : i1
        %sub3A_1049 = arith.constant 1 : i32
        %sub3A_1050 = arith.subi %div3A_1029, %sub3A_1049 : i32
        %select_n3A_1051 = arith.select %and3A_1048, %sub3A_1050, %div3A_1029 : i32
        %add3A_1052 = arith.constant 16 : i32
        %add3A_1053 = arith.addi %mul3A_994, %add3A_1052 : i32
        %swap3A_1054 = arith.index_cast %select_n3A_1051 : i32 to index
        %swap3A_1055 = arith.index_cast %add3A_1053 : i32 to index
        %swap3A_1056 = tpu.vector_load %arg11[%swap3A_1054, %swap3A_1055] {strides = array<i32>} : memref<64x128xf32, #tpu.memory_space<vmem>>, vector<1x16xf32>,
        %swap3A_1057 = vector.shape_cast %swap3A_1056 : vector<1x16xf32> to vector<16xf32>
        %swap3A_1058 = vector.shape_cast %mul3A_1027 : vector<16xf32> to vector<1x16xf32>
        tpu.vector_store %arg11[%swap3A_1054, %swap3A_1055], %swap3A_1058 {strides = array<i32>} : memref<64x128xf32, #tpu.memory_space<vmem>>, vector<1x16xf32>,
        %mul3A_1059 = arith.mulf %get3A_911, %mul3A_976 : vector<16xf32>
        %jit3A_1060 = arith.constant 2 : i32
        %div3A_1061 = arith.divsi %add3A_890, %jit3A_1060 : i32
        %sign3A_1062 = arith.constant 0 : i32
        %sign3A_1063 = arith.cmpi sgt, %add3A_890, %sign3A_1062 : i32
        %sign3A_1064 = arith.extui %sign3A_1063 : i1 to i32
        %sign3A_1065 = arith.constant 0 : i32
        %sign3A_1066 = arith.cmpi slt, %add3A_890, %sign3A_1065 : i32
        %sign3A_1067 = arith.extui %sign3A_1066 : i1 to i32
        %sign3A_1068 = arith.subi %sign3A_1064, %sign3A_1067 : i32
        %sign3A_1069 = arith.constant 0 : i32
        %sign3A_1070 = arith.cmpi sgt, %jit3A_1060, %sign3A_1069 : i32
        %sign3A_1071 = arith.extui %sign3A_1070 : i1 to i32
        %sign3A_1072 = arith.constant 0 : i32
        %sign3A_1073 = arith.cmpi slt, %jit3A_1060, %sign3A_1072 : i32
        %sign3A_1074 = arith.extui %sign3A_1073 : i1 to i32
        %sign3A_1075 = arith.subi %sign3A_1071, %sign3A_1074 : i32
        %ne3A_1076 = arith.cmpi ne, %sign3A_1068, %sign3A_1075 : i32
        %rem3A_1077 = arith.remsi %add3A_890, %jit3A_1060 : i32
        %ne3A_1078 = arith.constant 0 : i32
        %ne3A_1079 = arith.cmpi ne, %rem3A_1077, %ne3A_1078 : i32
        %and3A_1080 = arith.andi %ne3A_1076, %ne3A_1079 : i1
        %sub3A_1081 = arith.constant 1 : i32
        %sub3A_1082 = arith.subi %div3A_1061, %sub3A_1081 : i32
        %select_n3A_1083 = arith.select %and3A_1080, %sub3A_1082, %div3A_1061 : i32
        %add3A_1084 = arith.constant 32 : i32
        %add3A_1085 = arith.addi %mul3A_994, %add3A_1084 : i32
        %swap3A_1086 = arith.index_cast %select_n3A_1083 : i32 to index
        %swap3A_1087 = arith.index_cast %add3A_1085 : i32 to index
        %swap3A_1088 = tpu.vector_load %arg11[%swap3A_1086, %swap3A_1087] {strides = array<i32>} : memref<64x128xf32, #tpu.memory_space<vmem>>, vector<1x16xf32>,
        %swap3A_1089 = vector.shape_cast %swap3A_1088 : vector<1x16xf32> to vector<16xf32>
        %swap3A_1090 = vector.shape_cast %mul3A_1059 : vector<16xf32> to vector<1x16xf32>
        tpu.vector_store %arg11[%swap3A_1086, %swap3A_1087], %swap3A_1090 {strides = array<i32>} : memref<64x128xf32, #tpu.memory_space<vmem>>, vector<1x16xf32>,
        %mul3A_1091 = arith.mulf %get3A_918, %mul3A_976 : vector<16xf32>
        %jit3A_1092 = arith.constant 2 : i32
        %div3A_1093 = arith.divsi %add3A_890, %jit3A_1092 : i32
        %sign3A_1094 = arith.constant 0 : i32
        %sign3A_1095 = arith.cmpi sgt, %add3A_890, %sign3A_1094 : i32
        %sign3A_1096 = arith.extui %sign3A_1095 : i1 to i32
        %sign3A_1097 = arith.constant 0 : i32
        %sign3A_1098 = arith.cmpi slt, %add3A_890, %sign3A_1097 : i32
        %sign3A_1099 = arith.extui %sign3A_1098 : i1 to i32
        %sign3A_1100 = arith.subi %sign3A_1096, %sign3A_1099 : i32
        %sign3A_1101 = arith.constant 0 : i32
        %sign3A_1102 = arith.cmpi sgt, %jit3A_1092, %sign3A_1101 : i32
        %sign3A_1103 = arith.extui %sign3A_1102 : i1 to i32
        %sign3A_1104 = arith.constant 0 : i32
        %sign3A_1105 = arith.cmpi slt, %jit3A_1092, %sign3A_1104 : i32
        %sign3A_1106 = arith.extui %sign3A_1105 : i1 to i32
        %sign3A_1107 = arith.subi %sign3A_1103, %sign3A_1106 : i32
        %ne3A_1108 = arith.cmpi ne, %sign3A_1100, %sign3A_1107 : i32
        %rem3A_1109 = arith.remsi %add3A_890, %jit3A_1092 : i32
        %ne3A_1110 = arith.constant 0 : i32
        %ne3A_1111 = arith.cmpi ne, %rem3A_1109, %ne3A_1110 : i32
        %and3A_1112 = arith.andi %ne3A_1108, %ne3A_1111 : i1
        %sub3A_1113 = arith.constant 1 : i32
        %sub3A_1114 = arith.subi %div3A_1093, %sub3A_1113 : i32
        %select_n3A_1115 = arith.select %and3A_1112, %sub3A_1114, %div3A_1093 : i32
        %add3A_1116 = arith.constant 48 : i32
        %add3A_1117 = arith.addi %mul3A_994, %add3A_1116 : i32
        %swap3A_1118 = arith.index_cast %select_n3A_1115 : i32 to index
        %swap3A_1119 = arith.index_cast %add3A_1117 : i32 to index
        %swap3A_1120 = tpu.vector_load %arg11[%swap3A_1118, %swap3A_1119] {strides = array<i32>} : memref<64x128xf32, #tpu.memory_space<vmem>>, vector<1x16xf32>,
        %swap3A_1121 = vector.shape_cast %swap3A_1120 : vector<1x16xf32> to vector<16xf32>
        %swap3A_1122 = vector.shape_cast %mul3A_1091 : vector<16xf32> to vector<1x16xf32>
        tpu.vector_store %arg11[%swap3A_1118, %swap3A_1119], %swap3A_1122 {strides = array<i32>} : memref<64x128xf32, #tpu.memory_space<vmem>>, vector<1x16xf32>,
      }
      %scan3A_76 = arith.constant 32 : i32
      %mul3A_77 = arith.constant 128 : i32
      %mul3A_78 = arith.muli %mul3A_57, %mul3A_77 : i32
      %add3A_79 = arith.addi %mul3A_32, %mul3A_78 : i32
      %jit3A_80 = arith.constant 2 : i32
      %div3A_81 = arith.divsi %add3A_79, %jit3A_80 : i32
      %sign3A_82 = arith.constant 0 : i32
      %sign3A_83 = arith.cmpi sgt, %add3A_79, %sign3A_82 : i32
      %sign3A_84 = arith.extui %sign3A_83 : i1 to i32
      %sign3A_85 = arith.constant 0 : i32
      %sign3A_86 = arith.cmpi slt, %add3A_79, %sign3A_85 : i32
      %sign3A_87 = arith.extui %sign3A_86 : i1 to i32
      %sign3A_88 = arith.subi %sign3A_84, %sign3A_87 : i32
      %sign3A_89 = arith.constant 0 : i32
      %sign3A_90 = arith.cmpi sgt, %jit3A_80, %sign3A_89 : i32
      %sign3A_91 = arith.extui %sign3A_90 : i1 to i32
      %sign3A_92 = arith.constant 0 : i32
      %sign3A_93 = arith.cmpi slt, %jit3A_80, %sign3A_92 : i32
      %sign3A_94 = arith.extui %sign3A_93 : i1 to i32
      %sign3A_95 = arith.subi %sign3A_91, %sign3A_94 : i32
      %ne3A_96 = arith.cmpi ne, %sign3A_88, %sign3A_95 : i32
      %rem3A_97 = arith.remsi %add3A_79, %jit3A_80 : i32
      %ne3A_98 = arith.constant 0 : i32
      %ne3A_99 = arith.cmpi ne, %rem3A_97, %ne3A_98 : i32
      %and3A_100 = arith.andi %ne3A_96, %ne3A_99 : i1
      %sub3A_101 = arith.constant 1 : i32
      %sub3A_102 = arith.subi %div3A_81, %sub3A_101 : i32
      %select_n3A_103 = arith.select %and3A_100, %sub3A_102, %div3A_81 : i32
      %eq3A_104 = arith.constant 0 : i32
      %eq3A_105 = arith.cmpi eq, %select_n3A, %eq3A_104 : i32
      %convert_element_type3A = arith.extui %eq3A_105 : i1 to i32
      %cond3A = arith.constant 0 : i32
      %cond3A_106 = arith.cmpi ne, %convert_element_type3A, %cond3A : i32
      scf.if %cond3A_106 {
        "tpu.region"() ({
          %run_scoped3A = tpu.sem_alloc : memref<!tpu.dma_semaphore, #tpu.memory_space<semaphore_mem>>
          %dma_start3A = arith.constant 0 : i32
          %dma_start3A_186 = tpu.memref_slice %arg4[%select_n3A_103, %dma_start3A] : memref<8192x128xf32, #tpu.memory_space<hbm>> -> memref<64x128xf32, #tpu.memory_space<hbm>>
          %dma_start3A_187 = arith.constant 0 : i32
          %dma_start3A_188 = tpu.memref_slice %arg4[%select_n3A_103, %dma_start3A_187] : memref<8192x128xf32, #tpu.memory_space<hbm>> -> memref<64x128xf32, #tpu.memory_space<hbm>>
          tpu.enqueue_dma source(%arg11 : memref<64x128xf32, #tpu.memory_space<vmem>>) target(%dma_start3A_188 : memref<64x128xf32, #tpu.memory_space<hbm>>) target_semaphore(%run_scoped3A : memref<!tpu.dma_semaphore, #tpu.memory_space<semaphore_mem>>)
          %dma_wait3A_189 = arith.constant 0 : i32
          %dma_wait3A_190 = tpu.memref_slice %arg4[%select_n3A_103, %dma_wait3A_189] : memref<8192x128xf32, #tpu.memory_space<hbm>> -> memref<64x128xf32, #tpu.memory_space<hbm>>
          %dma_wait3A_191 = arith.constant 0 : i32
          %dma_wait3A_192 = tpu.memref_slice %arg4[%select_n3A_103, %dma_wait3A_191] : memref<8192x128xf32, #tpu.memory_space<hbm>> -> memref<64x128xf32, #tpu.memory_space<hbm>>
          tpu.wait_dma2 semaphore(%run_scoped3A : memref<!tpu.dma_semaphore, #tpu.memory_space<semaphore_mem>>) src(%arg11 : memref<64x128xf32, #tpu.memory_space<vmem>>) dst(%dma_wait3A_192 : memref<64x128xf32, #tpu.memory_space<hbm>>)
          tpu.yield
        }) : () -> ()
      } else {
      }
      %eq3A_107 = arith.constant 1 : i32
      %eq3A_108 = arith.cmpi eq, %select_n3A, %eq3A_107 : i32
      %convert_element_type3A_109 = arith.extui %eq3A_108 : i1 to i32
      %cond3A_110 = arith.constant 0 : i32
      %cond3A_111 = arith.cmpi ne, %convert_element_type3A_109, %cond3A_110 : i32
      scf.if %cond3A_111 {
        "tpu.region"() ({
          %run_scoped3A = tpu.sem_alloc : memref<!tpu.dma_semaphore, #tpu.memory_space<semaphore_mem>>
          %dma_start3A = arith.constant 0 : i32
          %dma_start3A_186 = tpu.memref_slice %arg5[%select_n3A_103, %dma_start3A] : memref<8192x128xf32, #tpu.memory_space<hbm>> -> memref<64x128xf32, #tpu.memory_space<hbm>>
          %dma_start3A_187 = arith.constant 0 : i32
          %dma_start3A_188 = tpu.memref_slice %arg5[%select_n3A_103, %dma_start3A_187] : memref<8192x128xf32, #tpu.memory_space<hbm>> -> memref<64x128xf32, #tpu.memory_space<hbm>>
          tpu.enqueue_dma source(%arg11 : memref<64x128xf32, #tpu.memory_space<vmem>>) target(%dma_start3A_188 : memref<64x128xf32, #tpu.memory_space<hbm>>) target_semaphore(%run_scoped3A : memref<!tpu.dma_semaphore, #tpu.memory_space<semaphore_mem>>)
          %dma_wait3A_189 = arith.constant 0 : i32
          %dma_wait3A_190 = tpu.memref_slice %arg5[%select_n3A_103, %dma_wait3A_189] : memref<8192x128xf32, #tpu.memory_space<hbm>> -> memref<64x128xf32, #tpu.memory_space<hbm>>
          %dma_wait3A_191 = arith.constant 0 : i32
          %dma_wait3A_192 = tpu.memref_slice %arg5[%select_n3A_103, %dma_wait3A_191] : memref<8192x128xf32, #tpu.memory_space<hbm>> -> memref<64x128xf32, #tpu.memory_space<hbm>>
          tpu.wait_dma2 semaphore(%run_scoped3A : memref<!tpu.dma_semaphore, #tpu.memory_space<semaphore_mem>>) src(%arg11 : memref<64x128xf32, #tpu.memory_space<vmem>>) dst(%dma_wait3A_192 : memref<64x128xf32, #tpu.memory_space<hbm>>)
          tpu.yield
        }) : () -> ()
      } else {
      }
      %eq3A_112 = arith.constant 2 : i32
      %eq3A_113 = arith.cmpi eq, %select_n3A, %eq3A_112 : i32
      %convert_element_type3A_114 = arith.extui %eq3A_113 : i1 to i32
      %cond3A_115 = arith.constant 0 : i32
      %cond3A_116 = arith.cmpi ne, %convert_element_type3A_114, %cond3A_115 : i32
      scf.if %cond3A_116 {
        "tpu.region"() ({
          %run_scoped3A = tpu.sem_alloc : memref<!tpu.dma_semaphore, #tpu.memory_space<semaphore_mem>>
          %dma_start3A = arith.constant 0 : i32
          %dma_start3A_186 = tpu.memref_slice %arg6[%select_n3A_103, %dma_start3A] : memref<8192x128xf32, #tpu.memory_space<hbm>> -> memref<64x128xf32, #tpu.memory_space<hbm>>
          %dma_start3A_187 = arith.constant 0 : i32
          %dma_start3A_188 = tpu.memref_slice %arg6[%select_n3A_103, %dma_start3A_187] : memref<8192x128xf32, #tpu.memory_space<hbm>> -> memref<64x128xf32, #tpu.memory_space<hbm>>
          tpu.enqueue_dma source(%arg11 : memref<64x128xf32, #tpu.memory_space<vmem>>) target(%dma_start3A_188 : memref<64x128xf32, #tpu.memory_space<hbm>>) target_semaphore(%run_scoped3A : memref<!tpu.dma_semaphore, #tpu.memory_space<semaphore_mem>>)
          %dma_wait3A_189 = arith.constant 0 : i32
          %dma_wait3A_190 = tpu.memref_slice %arg6[%select_n3A_103, %dma_wait3A_189] : memref<8192x128xf32, #tpu.memory_space<hbm>> -> memref<64x128xf32, #tpu.memory_space<hbm>>
          %dma_wait3A_191 = arith.constant 0 : i32
          %dma_wait3A_192 = tpu.memref_slice %arg6[%select_n3A_103, %dma_wait3A_191] : memref<8192x128xf32, #tpu.memory_space<hbm>> -> memref<64x128xf32, #tpu.memory_space<hbm>>
          tpu.wait_dma2 semaphore(%run_scoped3A : memref<!tpu.dma_semaphore, #tpu.memory_space<semaphore_mem>>) src(%arg11 : memref<64x128xf32, #tpu.memory_space<vmem>>) dst(%dma_wait3A_192 : memref<64x128xf32, #tpu.memory_space<hbm>>)
          tpu.yield
        }) : () -> ()
      } else {
      }
      %eq3A_117 = arith.constant 3 : i32
      %eq3A_118 = arith.cmpi eq, %select_n3A, %eq3A_117 : i32
      %convert_element_type3A_119 = arith.extui %eq3A_118 : i1 to i32
      %cond3A_120 = arith.constant 0 : i32
      %cond3A_121 = arith.cmpi ne, %convert_element_type3A_119, %cond3A_120 : i32
      scf.if %cond3A_121 {
        "tpu.region"() ({
          %run_scoped3A = tpu.sem_alloc : memref<!tpu.dma_semaphore, #tpu.memory_space<semaphore_mem>>
          %dma_start3A = arith.constant 0 : i32
          %dma_start3A_186 = tpu.memref_slice %arg7[%select_n3A_103, %dma_start3A] : memref<8192x128xf32, #tpu.memory_space<hbm>> -> memref<64x128xf32, #tpu.memory_space<hbm>>
          %dma_start3A_187 = arith.constant 0 : i32
          %dma_start3A_188 = tpu.memref_slice %arg7[%select_n3A_103, %dma_start3A_187] : memref<8192x128xf32, #tpu.memory_space<hbm>> -> memref<64x128xf32, #tpu.memory_space<hbm>>
          tpu.enqueue_dma source(%arg11 : memref<64x128xf32, #tpu.memory_space<vmem>>) target(%dma_start3A_188 : memref<64x128xf32, #tpu.memory_space<hbm>>) target_semaphore(%run_scoped3A : memref<!tpu.dma_semaphore, #tpu.memory_space<semaphore_mem>>)
          %dma_wait3A_189 = arith.constant 0 : i32
          %dma_wait3A_190 = tpu.memref_slice %arg7[%select_n3A_103, %dma_wait3A_189] : memref<8192x128xf32, #tpu.memory_space<hbm>> -> memref<64x128xf32, #tpu.memory_space<hbm>>
          %dma_wait3A_191 = arith.constant 0 : i32
          %dma_wait3A_192 = tpu.memref_slice %arg7[%select_n3A_103, %dma_wait3A_191] : memref<8192x128xf32, #tpu.memory_space<hbm>> -> memref<64x128xf32, #tpu.memory_space<hbm>>
          tpu.wait_dma2 semaphore(%run_scoped3A : memref<!tpu.dma_semaphore, #tpu.memory_space<semaphore_mem>>) src(%arg11 : memref<64x128xf32, #tpu.memory_space<vmem>>) dst(%dma_wait3A_192 : memref<64x128xf32, #tpu.memory_space<hbm>>)
          tpu.yield
        }) : () -> ()
      } else {
      }
      %dma_wait3A_122 = arith.constant 0 : i32
      %dma_wait3A_123 = tpu.memref_slice %arg2[%dma_wait3A_122] : memref<65536000xf32, #tpu.memory_space<hbm>> -> memref<8192xf32, #tpu.memory_space<hbm>>
      %dma_wait3A_124 = arith.constant 0 : i32
      %dma_wait3A_125 = tpu.memref_slice %arg2[%dma_wait3A_124] : memref<65536000xf32, #tpu.memory_space<hbm>> -> memref<8192xf32, #tpu.memory_space<hbm>>
      tpu.wait_dma2 semaphore(%arg13 : memref<!tpu.dma_semaphore, #tpu.memory_space<semaphore_mem>>) src(%dma_wait3A_125 : memref<8192xf32, #tpu.memory_space<hbm>>) dst(%arg10 : memref<8192xf32, #tpu.memory_space<vmem>>)
      %add3A_126 = arith.constant 1 : i32
      %add3A_127 = arith.addi %scan3A_55, %add3A_126 : i32
      %lt3A_128 = arith.constant 8 : i32
      %lt3A_129 = arith.cmpi slt, %add3A_127, %lt3A_128 : i32
      %convert_element_type3A_130 = arith.extui %lt3A_129 : i1 to i32
      %cond3A_131 = arith.constant 0 : i32
      %cond3A_132 = arith.cmpi ne, %convert_element_type3A_130, %cond3A_131 : i32
      scf.if %cond3A_132 {
        %add3A_186 = arith.constant 2 : i32
        %add3A_187 = arith.addi %mul3A_57, %add3A_186 : i32
        %scan3A_188 = arith.constant 0 : i32
        %scan3A_189 = arith.constant 0 : i32
        %scan3A_190 = arith.constant 8 : i32
        %scan3A_191 = arith.addi %scan3A_189, %scan3A_190 : i32
        %scan3A_192 = arith.constant 1 : i32
        scf.for %scan3A_194 = %scan3A_189 to %scan3A_191 step %scan3A_192  : i32 {
          %mul3A_195 = arith.constant 16 : i32
          %mul3A_196 = arith.muli %scan3A_194, %mul3A_195 : i32
          %get3A = arith.index_cast %add3A_187 : i32 to index
          %get3A_197 = arith.index_cast %mul3A_196 : i32 to index
          %get3A_198 = tpu.vector_load %arg8[%get3A, %get3A_197] {strides = array<i32>} : memref<16x128xi32, #tpu.memory_space<vmem>>, vector<1x16xi32>,
          %get3A_199 = vector.shape_cast %get3A_198 : vector<1x16xi32> to vector<16xi32>
          %slice3A = vector.extract_strided_slice %get3A_199 {offsets = [0], sizes = [1], strides = [1]} : vector<16xi32> to vector<1xi32>
          %squeeze3A = vector.extract %slice3A[0] : i32 from vector<1xi32>
          %multiple_of3A = tpu.assume_multiple %squeeze3A, 64 : i32
          %mul3A_200 = arith.constant 16 : i32
          %mul3A_201 = arith.muli %scan3A_194, %mul3A_200 : i32
          %add3A_202 = arith.constant 0 : i32
          %add3A_203 = arith.addi %mul3A_201, %add3A_202 : i32
          %mul3A_204 = arith.constant 64 : i32
          %mul3A_205 = arith.muli %add3A_203, %mul3A_204 : i32
          %dma_start3A = tpu.memref_slice %arg9[%mul3A_205] : memref<8192xf32, #tpu.memory_space<vmem>> -> memref<64xf32, #tpu.memory_space<vmem>>
          %dma_start3A_206 = tpu.memref_slice %arg2[%multiple_of3A] : memref<65536000xf32, #tpu.memory_space<hbm>> -> memref<64xf32, #tpu.memory_space<hbm>>
          %dma_start3A_207 = tpu.memref_slice %arg9[%mul3A_205] : memref<8192xf32, #tpu.memory_space<vmem>> -> memref<64xf32, #tpu.memory_space<vmem>>
          %dma_start3A_208 = tpu.memref_slice %arg2[%multiple_of3A] : memref<65536000xf32, #tpu.memory_space<hbm>> -> memref<64xf32, #tpu.memory_space<hbm>>
          tpu.enqueue_dma source(%dma_start3A_208 : memref<64xf32, #tpu.memory_space<hbm>>) target(%dma_start3A_207 : memref<64xf32, #tpu.memory_space<vmem>>) target_semaphore(%arg12 : memref<!tpu.dma_semaphore, #tpu.memory_space<semaphore_mem>>)
          %slice3A_209 = vector.extract_strided_slice %get3A_199 {offsets = [1], sizes = [1], strides = [1]} : vector<16xi32> to vector<1xi32>
          %squeeze3A_210 = vector.extract %slice3A_209[0] : i32 from vector<1xi32>
          %multiple_of3A_211 = tpu.assume_multiple %squeeze3A_210, 64 : i32
          %mul3A_212 = arith.constant 16 : i32
          %mul3A_213 = arith.muli %scan3A_194, %mul3A_212 : i32
          %add3A_214 = arith.constant 1 : i32
          %add3A_215 = arith.addi %mul3A_213, %add3A_214 : i32
          %mul3A_216 = arith.constant 64 : i32
          %mul3A_217 = arith.muli %add3A_215, %mul3A_216 : i32
          %dma_start3A_218 = tpu.memref_slice %arg9[%mul3A_217] : memref<8192xf32, #tpu.memory_space<vmem>> -> memref<64xf32, #tpu.memory_space<vmem>>
          %dma_start3A_219 = tpu.memref_slice %arg2[%multiple_of3A_211] : memref<65536000xf32, #tpu.memory_space<hbm>> -> memref<64xf32, #tpu.memory_space<hbm>>
          %dma_start3A_220 = tpu.memref_slice %arg9[%mul3A_217] : memref<8192xf32, #tpu.memory_space<vmem>> -> memref<64xf32, #tpu.memory_space<vmem>>
          %dma_start3A_221 = tpu.memref_slice %arg2[%multiple_of3A_211] : memref<65536000xf32, #tpu.memory_space<hbm>> -> memref<64xf32, #tpu.memory_space<hbm>>
          tpu.enqueue_dma source(%dma_start3A_221 : memref<64xf32, #tpu.memory_space<hbm>>) target(%dma_start3A_220 : memref<64xf32, #tpu.memory_space<vmem>>) target_semaphore(%arg12 : memref<!tpu.dma_semaphore, #tpu.memory_space<semaphore_mem>>)
          %slice3A_222 = vector.extract_strided_slice %get3A_199 {offsets = [2], sizes = [1], strides = [1]} : vector<16xi32> to vector<1xi32>
          %squeeze3A_223 = vector.extract %slice3A_222[0] : i32 from vector<1xi32>
          %multiple_of3A_224 = tpu.assume_multiple %squeeze3A_223, 64 : i32
          %mul3A_225 = arith.constant 16 : i32
          %mul3A_226 = arith.muli %scan3A_194, %mul3A_225 : i32
          %add3A_227 = arith.constant 2 : i32
          %add3A_228 = arith.addi %mul3A_226, %add3A_227 : i32
          %mul3A_229 = arith.constant 64 : i32
          %mul3A_230 = arith.muli %add3A_228, %mul3A_229 : i32
          %dma_start3A_231 = tpu.memref_slice %arg9[%mul3A_230] : memref<8192xf32, #tpu.memory_space<vmem>> -> memref<64xf32, #tpu.memory_space<vmem>>
          %dma_start3A_232 = tpu.memref_slice %arg2[%multiple_of3A_224] : memref<65536000xf32, #tpu.memory_space<hbm>> -> memref<64xf32, #tpu.memory_space<hbm>>
          %dma_start3A_233 = tpu.memref_slice %arg9[%mul3A_230] : memref<8192xf32, #tpu.memory_space<vmem>> -> memref<64xf32, #tpu.memory_space<vmem>>
          %dma_start3A_234 = tpu.memref_slice %arg2[%multiple_of3A_224] : memref<65536000xf32, #tpu.memory_space<hbm>> -> memref<64xf32, #tpu.memory_space<hbm>>
          tpu.enqueue_dma source(%dma_start3A_234 : memref<64xf32, #tpu.memory_space<hbm>>) target(%dma_start3A_233 : memref<64xf32, #tpu.memory_space<vmem>>) target_semaphore(%arg12 : memref<!tpu.dma_semaphore, #tpu.memory_space<semaphore_mem>>)
          %slice3A_235 = vector.extract_strided_slice %get3A_199 {offsets = [3], sizes = [1], strides = [1]} : vector<16xi32> to vector<1xi32>
          %squeeze3A_236 = vector.extract %slice3A_235[0] : i32 from vector<1xi32>
          %multiple_of3A_237 = tpu.assume_multiple %squeeze3A_236, 64 : i32
          %mul3A_238 = arith.constant 16 : i32
          %mul3A_239 = arith.muli %scan3A_194, %mul3A_238 : i32
          %add3A_240 = arith.constant 3 : i32
          %add3A_241 = arith.addi %mul3A_239, %add3A_240 : i32
          %mul3A_242 = arith.constant 64 : i32
          %mul3A_243 = arith.muli %add3A_241, %mul3A_242 : i32
          %dma_start3A_244 = tpu.memref_slice %arg9[%mul3A_243] : memref<8192xf32, #tpu.memory_space<vmem>> -> memref<64xf32, #tpu.memory_space<vmem>>
          %dma_start3A_245 = tpu.memref_slice %arg2[%multiple_of3A_237] : memref<65536000xf32, #tpu.memory_space<hbm>> -> memref<64xf32, #tpu.memory_space<hbm>>
          %dma_start3A_246 = tpu.memref_slice %arg9[%mul3A_243] : memref<8192xf32, #tpu.memory_space<vmem>> -> memref<64xf32, #tpu.memory_space<vmem>>
          %dma_start3A_247 = tpu.memref_slice %arg2[%multiple_of3A_237] : memref<65536000xf32, #tpu.memory_space<hbm>> -> memref<64xf32, #tpu.memory_space<hbm>>
          tpu.enqueue_dma source(%dma_start3A_247 : memref<64xf32, #tpu.memory_space<hbm>>) target(%dma_start3A_246 : memref<64xf32, #tpu.memory_space<vmem>>) target_semaphore(%arg12 : memref<!tpu.dma_semaphore, #tpu.memory_space<semaphore_mem>>)
          %slice3A_248 = vector.extract_strided_slice %get3A_199 {offsets = [4], sizes = [1], strides = [1]} : vector<16xi32> to vector<1xi32>
          %squeeze3A_249 = vector.extract %slice3A_248[0] : i32 from vector<1xi32>
          %multiple_of3A_250 = tpu.assume_multiple %squeeze3A_249, 64 : i32
          %mul3A_251 = arith.constant 16 : i32
          %mul3A_252 = arith.muli %scan3A_194, %mul3A_251 : i32
          %add3A_253 = arith.constant 4 : i32
          %add3A_254 = arith.addi %mul3A_252, %add3A_253 : i32
          %mul3A_255 = arith.constant 64 : i32
          %mul3A_256 = arith.muli %add3A_254, %mul3A_255 : i32
          %dma_start3A_257 = tpu.memref_slice %arg9[%mul3A_256] : memref<8192xf32, #tpu.memory_space<vmem>> -> memref<64xf32, #tpu.memory_space<vmem>>
          %dma_start3A_258 = tpu.memref_slice %arg2[%multiple_of3A_250] : memref<65536000xf32, #tpu.memory_space<hbm>> -> memref<64xf32, #tpu.memory_space<hbm>>
          %dma_start3A_259 = tpu.memref_slice %arg9[%mul3A_256] : memref<8192xf32, #tpu.memory_space<vmem>> -> memref<64xf32, #tpu.memory_space<vmem>>
          %dma_start3A_260 = tpu.memref_slice %arg2[%multiple_of3A_250] : memref<65536000xf32, #tpu.memory_space<hbm>> -> memref<64xf32, #tpu.memory_space<hbm>>
          tpu.enqueue_dma source(%dma_start3A_260 : memref<64xf32, #tpu.memory_space<hbm>>) target(%dma_start3A_259 : memref<64xf32, #tpu.memory_space<vmem>>) target_semaphore(%arg12 : memref<!tpu.dma_semaphore, #tpu.memory_space<semaphore_mem>>)
          %slice3A_261 = vector.extract_strided_slice %get3A_199 {offsets = [5], sizes = [1], strides = [1]} : vector<16xi32> to vector<1xi32>
          %squeeze3A_262 = vector.extract %slice3A_261[0] : i32 from vector<1xi32>
          %multiple_of3A_263 = tpu.assume_multiple %squeeze3A_262, 64 : i32
          %mul3A_264 = arith.constant 16 : i32
          %mul3A_265 = arith.muli %scan3A_194, %mul3A_264 : i32
          %add3A_266 = arith.constant 5 : i32
          %add3A_267 = arith.addi %mul3A_265, %add3A_266 : i32
          %mul3A_268 = arith.constant 64 : i32
          %mul3A_269 = arith.muli %add3A_267, %mul3A_268 : i32
          %dma_start3A_270 = tpu.memref_slice %arg9[%mul3A_269] : memref<8192xf32, #tpu.memory_space<vmem>> -> memref<64xf32, #tpu.memory_space<vmem>>
          %dma_start3A_271 = tpu.memref_slice %arg2[%multiple_of3A_263] : memref<65536000xf32, #tpu.memory_space<hbm>> -> memref<64xf32, #tpu.memory_space<hbm>>
          %dma_start3A_272 = tpu.memref_slice %arg9[%mul3A_269] : memref<8192xf32, #tpu.memory_space<vmem>> -> memref<64xf32, #tpu.memory_space<vmem>>
          %dma_start3A_273 = tpu.memref_slice %arg2[%multiple_of3A_263] : memref<65536000xf32, #tpu.memory_space<hbm>> -> memref<64xf32, #tpu.memory_space<hbm>>
          tpu.enqueue_dma source(%dma_start3A_273 : memref<64xf32, #tpu.memory_space<hbm>>) target(%dma_start3A_272 : memref<64xf32, #tpu.memory_space<vmem>>) target_semaphore(%arg12 : memref<!tpu.dma_semaphore, #tpu.memory_space<semaphore_mem>>)
          %slice3A_274 = vector.extract_strided_slice %get3A_199 {offsets = [6], sizes = [1], strides = [1]} : vector<16xi32> to vector<1xi32>
          %squeeze3A_275 = vector.extract %slice3A_274[0] : i32 from vector<1xi32>
          %multiple_of3A_276 = tpu.assume_multiple %squeeze3A_275, 64 : i32
          %mul3A_277 = arith.constant 16 : i32
          %mul3A_278 = arith.muli %scan3A_194, %mul3A_277 : i32
          %add3A_279 = arith.constant 6 : i32
          %add3A_280 = arith.addi %mul3A_278, %add3A_279 : i32
          %mul3A_281 = arith.constant 64 : i32
          %mul3A_282 = arith.muli %add3A_280, %mul3A_281 : i32
          %dma_start3A_283 = tpu.memref_slice %arg9[%mul3A_282] : memref<8192xf32, #tpu.memory_space<vmem>> -> memref<64xf32, #tpu.memory_space<vmem>>
          %dma_start3A_284 = tpu.memref_slice %arg2[%multiple_of3A_276] : memref<65536000xf32, #tpu.memory_space<hbm>> -> memref<64xf32, #tpu.memory_space<hbm>>
          %dma_start3A_285 = tpu.memref_slice %arg9[%mul3A_282] : memref<8192xf32, #tpu.memory_space<vmem>> -> memref<64xf32, #tpu.memory_space<vmem>>
          %dma_start3A_286 = tpu.memref_slice %arg2[%multiple_of3A_276] : memref<65536000xf32, #tpu.memory_space<hbm>> -> memref<64xf32, #tpu.memory_space<hbm>>
          tpu.enqueue_dma source(%dma_start3A_286 : memref<64xf32, #tpu.memory_space<hbm>>) target(%dma_start3A_285 : memref<64xf32, #tpu.memory_space<vmem>>) target_semaphore(%arg12 : memref<!tpu.dma_semaphore, #tpu.memory_space<semaphore_mem>>)
          %slice3A_287 = vector.extract_strided_slice %get3A_199 {offsets = [7], sizes = [1], strides = [1]} : vector<16xi32> to vector<1xi32>
          %squeeze3A_288 = vector.extract %slice3A_287[0] : i32 from vector<1xi32>
          %multiple_of3A_289 = tpu.assume_multiple %squeeze3A_288, 64 : i32
          %mul3A_290 = arith.constant 16 : i32
          %mul3A_291 = arith.muli %scan3A_194, %mul3A_290 : i32
          %add3A_292 = arith.constant 7 : i32
          %add3A_293 = arith.addi %mul3A_291, %add3A_292 : i32
          %mul3A_294 = arith.constant 64 : i32
          %mul3A_295 = arith.muli %add3A_293, %mul3A_294 : i32
          %dma_start3A_296 = tpu.memref_slice %arg9[%mul3A_295] : memref<8192xf32, #tpu.memory_space<vmem>> -> memref<64xf32, #tpu.memory_space<vmem>>
          %dma_start3A_297 = tpu.memref_slice %arg2[%multiple_of3A_289] : memref<65536000xf32, #tpu.memory_space<hbm>> -> memref<64xf32, #tpu.memory_space<hbm>>
          %dma_start3A_298 = tpu.memref_slice %arg9[%mul3A_295] : memref<8192xf32, #tpu.memory_space<vmem>> -> memref<64xf32, #tpu.memory_space<vmem>>
          %dma_start3A_299 = tpu.memref_slice %arg2[%multiple_of3A_289] : memref<65536000xf32, #tpu.memory_space<hbm>> -> memref<64xf32, #tpu.memory_space<hbm>>
          tpu.enqueue_dma source(%dma_start3A_299 : memref<64xf32, #tpu.memory_space<hbm>>) target(%dma_start3A_298 : memref<64xf32, #tpu.memory_space<vmem>>) target_semaphore(%arg12 : memref<!tpu.dma_semaphore, #tpu.memory_space<semaphore_mem>>)
          %slice3A_300 = vector.extract_strided_slice %get3A_199 {offsets = [8], sizes = [1], strides = [1]} : vector<16xi32> to vector<1xi32>
          %squeeze3A_301 = vector.extract %slice3A_300[0] : i32 from vector<1xi32>
          %multiple_of3A_302 = tpu.assume_multiple %squeeze3A_301, 64 : i32
          %mul3A_303 = arith.constant 16 : i32
          %mul3A_304 = arith.muli %scan3A_194, %mul3A_303 : i32
          %add3A_305 = arith.constant 8 : i32
          %add3A_306 = arith.addi %mul3A_304, %add3A_305 : i32
          %mul3A_307 = arith.constant 64 : i32
          %mul3A_308 = arith.muli %add3A_306, %mul3A_307 : i32
          %dma_start3A_309 = tpu.memref_slice %arg9[%mul3A_308] : memref<8192xf32, #tpu.memory_space<vmem>> -> memref<64xf32, #tpu.memory_space<vmem>>
          %dma_start3A_310 = tpu.memref_slice %arg2[%multiple_of3A_302] : memref<65536000xf32, #tpu.memory_space<hbm>> -> memref<64xf32, #tpu.memory_space<hbm>>
          %dma_start3A_311 = tpu.memref_slice %arg9[%mul3A_308] : memref<8192xf32, #tpu.memory_space<vmem>> -> memref<64xf32, #tpu.memory_space<vmem>>
          %dma_start3A_312 = tpu.memref_slice %arg2[%multiple_of3A_302] : memref<65536000xf32, #tpu.memory_space<hbm>> -> memref<64xf32, #tpu.memory_space<hbm>>
          tpu.enqueue_dma source(%dma_start3A_312 : memref<64xf32, #tpu.memory_space<hbm>>) target(%dma_start3A_311 : memref<64xf32, #tpu.memory_space<vmem>>) target_semaphore(%arg12 : memref<!tpu.dma_semaphore, #tpu.memory_space<semaphore_mem>>)
          %slice3A_313 = vector.extract_strided_slice %get3A_199 {offsets = [9], sizes = [1], strides = [1]} : vector<16xi32> to vector<1xi32>
          %squeeze3A_314 = vector.extract %slice3A_313[0] : i32 from vector<1xi32>
          %multiple_of3A_315 = tpu.assume_multiple %squeeze3A_314, 64 : i32
          %mul3A_316 = arith.constant 16 : i32
          %mul3A_317 = arith.muli %scan3A_194, %mul3A_316 : i32
          %add3A_318 = arith.constant 9 : i32
          %add3A_319 = arith.addi %mul3A_317, %add3A_318 : i32
          %mul3A_320 = arith.constant 64 : i32
          %mul3A_321 = arith.muli %add3A_319, %mul3A_320 : i32
          %dma_start3A_322 = tpu.memref_slice %arg9[%mul3A_321] : memref<8192xf32, #tpu.memory_space<vmem>> -> memref<64xf32, #tpu.memory_space<vmem>>
          %dma_start3A_323 = tpu.memref_slice %arg2[%multiple_of3A_315] : memref<65536000xf32, #tpu.memory_space<hbm>> -> memref<64xf32, #tpu.memory_space<hbm>>
          %dma_start3A_324 = tpu.memref_slice %arg9[%mul3A_321] : memref<8192xf32, #tpu.memory_space<vmem>> -> memref<64xf32, #tpu.memory_space<vmem>>
          %dma_start3A_325 = tpu.memref_slice %arg2[%multiple_of3A_315] : memref<65536000xf32, #tpu.memory_space<hbm>> -> memref<64xf32, #tpu.memory_space<hbm>>
          tpu.enqueue_dma source(%dma_start3A_325 : memref<64xf32, #tpu.memory_space<hbm>>) target(%dma_start3A_324 : memref<64xf32, #tpu.memory_space<vmem>>) target_semaphore(%arg12 : memref<!tpu.dma_semaphore, #tpu.memory_space<semaphore_mem>>)
          %slice3A_326 = vector.extract_strided_slice %get3A_199 {offsets = [10], sizes = [1], strides = [1]} : vector<16xi32> to vector<1xi32>
          %squeeze3A_327 = vector.extract %slice3A_326[0] : i32 from vector<1xi32>
          %multiple_of3A_328 = tpu.assume_multiple %squeeze3A_327, 64 : i32
          %mul3A_329 = arith.constant 16 : i32
          %mul3A_330 = arith.muli %scan3A_194, %mul3A_329 : i32
          %add3A_331 = arith.constant 10 : i32
          %add3A_332 = arith.addi %mul3A_330, %add3A_331 : i32
          %mul3A_333 = arith.constant 64 : i32
          %mul3A_334 = arith.muli %add3A_332, %mul3A_333 : i32
          %dma_start3A_335 = tpu.memref_slice %arg9[%mul3A_334] : memref<8192xf32, #tpu.memory_space<vmem>> -> memref<64xf32, #tpu.memory_space<vmem>>
          %dma_start3A_336 = tpu.memref_slice %arg2[%multiple_of3A_328] : memref<65536000xf32, #tpu.memory_space<hbm>> -> memref<64xf32, #tpu.memory_space<hbm>>
          %dma_start3A_337 = tpu.memref_slice %arg9[%mul3A_334] : memref<8192xf32, #tpu.memory_space<vmem>> -> memref<64xf32, #tpu.memory_space<vmem>>
          %dma_start3A_338 = tpu.memref_slice %arg2[%multiple_of3A_328] : memref<65536000xf32, #tpu.memory_space<hbm>> -> memref<64xf32, #tpu.memory_space<hbm>>
          tpu.enqueue_dma source(%dma_start3A_338 : memref<64xf32, #tpu.memory_space<hbm>>) target(%dma_start3A_337 : memref<64xf32, #tpu.memory_space<vmem>>) target_semaphore(%arg12 : memref<!tpu.dma_semaphore, #tpu.memory_space<semaphore_mem>>)
          %slice3A_339 = vector.extract_strided_slice %get3A_199 {offsets = [11], sizes = [1], strides = [1]} : vector<16xi32> to vector<1xi32>
          %squeeze3A_340 = vector.extract %slice3A_339[0] : i32 from vector<1xi32>
          %multiple_of3A_341 = tpu.assume_multiple %squeeze3A_340, 64 : i32
          %mul3A_342 = arith.constant 16 : i32
          %mul3A_343 = arith.muli %scan3A_194, %mul3A_342 : i32
          %add3A_344 = arith.constant 11 : i32
          %add3A_345 = arith.addi %mul3A_343, %add3A_344 : i32
          %mul3A_346 = arith.constant 64 : i32
          %mul3A_347 = arith.muli %add3A_345, %mul3A_346 : i32
          %dma_start3A_348 = tpu.memref_slice %arg9[%mul3A_347] : memref<8192xf32, #tpu.memory_space<vmem>> -> memref<64xf32, #tpu.memory_space<vmem>>
          %dma_start3A_349 = tpu.memref_slice %arg2[%multiple_of3A_341] : memref<65536000xf32, #tpu.memory_space<hbm>> -> memref<64xf32, #tpu.memory_space<hbm>>
          %dma_start3A_350 = tpu.memref_slice %arg9[%mul3A_347] : memref<8192xf32, #tpu.memory_space<vmem>> -> memref<64xf32, #tpu.memory_space<vmem>>
          %dma_start3A_351 = tpu.memref_slice %arg2[%multiple_of3A_341] : memref<65536000xf32, #tpu.memory_space<hbm>> -> memref<64xf32, #tpu.memory_space<hbm>>
          tpu.enqueue_dma source(%dma_start3A_351 : memref<64xf32, #tpu.memory_space<hbm>>) target(%dma_start3A_350 : memref<64xf32, #tpu.memory_space<vmem>>) target_semaphore(%arg12 : memref<!tpu.dma_semaphore, #tpu.memory_space<semaphore_mem>>)
          %slice3A_352 = vector.extract_strided_slice %get3A_199 {offsets = [12], sizes = [1], strides = [1]} : vector<16xi32> to vector<1xi32>
          %squeeze3A_353 = vector.extract %slice3A_352[0] : i32 from vector<1xi32>
          %multiple_of3A_354 = tpu.assume_multiple %squeeze3A_353, 64 : i32
          %mul3A_355 = arith.constant 16 : i32
          %mul3A_356 = arith.muli %scan3A_194, %mul3A_355 : i32
          %add3A_357 = arith.constant 12 : i32
          %add3A_358 = arith.addi %mul3A_356, %add3A_357 : i32
          %mul3A_359 = arith.constant 64 : i32
          %mul3A_360 = arith.muli %add3A_358, %mul3A_359 : i32
          %dma_start3A_361 = tpu.memref_slice %arg9[%mul3A_360] : memref<8192xf32, #tpu.memory_space<vmem>> -> memref<64xf32, #tpu.memory_space<vmem>>
          %dma_start3A_362 = tpu.memref_slice %arg2[%multiple_of3A_354] : memref<65536000xf32, #tpu.memory_space<hbm>> -> memref<64xf32, #tpu.memory_space<hbm>>
          %dma_start3A_363 = tpu.memref_slice %arg9[%mul3A_360] : memref<8192xf32, #tpu.memory_space<vmem>> -> memref<64xf32, #tpu.memory_space<vmem>>
          %dma_start3A_364 = tpu.memref_slice %arg2[%multiple_of3A_354] : memref<65536000xf32, #tpu.memory_space<hbm>> -> memref<64xf32, #tpu.memory_space<hbm>>
          tpu.enqueue_dma source(%dma_start3A_364 : memref<64xf32, #tpu.memory_space<hbm>>) target(%dma_start3A_363 : memref<64xf32, #tpu.memory_space<vmem>>) target_semaphore(%arg12 : memref<!tpu.dma_semaphore, #tpu.memory_space<semaphore_mem>>)
          %slice3A_365 = vector.extract_strided_slice %get3A_199 {offsets = [13], sizes = [1], strides = [1]} : vector<16xi32> to vector<1xi32>
          %squeeze3A_366 = vector.extract %slice3A_365[0] : i32 from vector<1xi32>
          %multiple_of3A_367 = tpu.assume_multiple %squeeze3A_366, 64 : i32
          %mul3A_368 = arith.constant 16 : i32
          %mul3A_369 = arith.muli %scan3A_194, %mul3A_368 : i32
          %add3A_370 = arith.constant 13 : i32
          %add3A_371 = arith.addi %mul3A_369, %add3A_370 : i32
          %mul3A_372 = arith.constant 64 : i32
          %mul3A_373 = arith.muli %add3A_371, %mul3A_372 : i32
          %dma_start3A_374 = tpu.memref_slice %arg9[%mul3A_373] : memref<8192xf32, #tpu.memory_space<vmem>> -> memref<64xf32, #tpu.memory_space<vmem>>
          %dma_start3A_375 = tpu.memref_slice %arg2[%multiple_of3A_367] : memref<65536000xf32, #tpu.memory_space<hbm>> -> memref<64xf32, #tpu.memory_space<hbm>>
          %dma_start3A_376 = tpu.memref_slice %arg9[%mul3A_373] : memref<8192xf32, #tpu.memory_space<vmem>> -> memref<64xf32, #tpu.memory_space<vmem>>
          %dma_start3A_377 = tpu.memref_slice %arg2[%multiple_of3A_367] : memref<65536000xf32, #tpu.memory_space<hbm>> -> memref<64xf32, #tpu.memory_space<hbm>>
          tpu.enqueue_dma source(%dma_start3A_377 : memref<64xf32, #tpu.memory_space<hbm>>) target(%dma_start3A_376 : memref<64xf32, #tpu.memory_space<vmem>>) target_semaphore(%arg12 : memref<!tpu.dma_semaphore, #tpu.memory_space<semaphore_mem>>)
          %slice3A_378 = vector.extract_strided_slice %get3A_199 {offsets = [14], sizes = [1], strides = [1]} : vector<16xi32> to vector<1xi32>
          %squeeze3A_379 = vector.extract %slice3A_378[0] : i32 from vector<1xi32>
          %multiple_of3A_380 = tpu.assume_multiple %squeeze3A_379, 64 : i32
          %mul3A_381 = arith.constant 16 : i32
          %mul3A_382 = arith.muli %scan3A_194, %mul3A_381 : i32
          %add3A_383 = arith.constant 14 : i32
          %add3A_384 = arith.addi %mul3A_382, %add3A_383 : i32
          %mul3A_385 = arith.constant 64 : i32
          %mul3A_386 = arith.muli %add3A_384, %mul3A_385 : i32
          %dma_start3A_387 = tpu.memref_slice %arg9[%mul3A_386] : memref<8192xf32, #tpu.memory_space<vmem>> -> memref<64xf32, #tpu.memory_space<vmem>>
          %dma_start3A_388 = tpu.memref_slice %arg2[%multiple_of3A_380] : memref<65536000xf32, #tpu.memory_space<hbm>> -> memref<64xf32, #tpu.memory_space<hbm>>
          %dma_start3A_389 = tpu.memref_slice %arg9[%mul3A_386] : memref<8192xf32, #tpu.memory_space<vmem>> -> memref<64xf32, #tpu.memory_space<vmem>>
          %dma_start3A_390 = tpu.memref_slice %arg2[%multiple_of3A_380] : memref<65536000xf32, #tpu.memory_space<hbm>> -> memref<64xf32, #tpu.memory_space<hbm>>
          tpu.enqueue_dma source(%dma_start3A_390 : memref<64xf32, #tpu.memory_space<hbm>>) target(%dma_start3A_389 : memref<64xf32, #tpu.memory_space<vmem>>) target_semaphore(%arg12 : memref<!tpu.dma_semaphore, #tpu.memory_space<semaphore_mem>>)
          %slice3A_391 = vector.extract_strided_slice %get3A_199 {offsets = [15], sizes = [1], strides = [1]} : vector<16xi32> to vector<1xi32>
          %squeeze3A_392 = vector.extract %slice3A_391[0] : i32 from vector<1xi32>
          %multiple_of3A_393 = tpu.assume_multiple %squeeze3A_392, 64 : i32
          %mul3A_394 = arith.constant 16 : i32
          %mul3A_395 = arith.muli %scan3A_194, %mul3A_394 : i32
          %add3A_396 = arith.constant 15 : i32
          %add3A_397 = arith.addi %mul3A_395, %add3A_396 : i32
          %mul3A_398 = arith.constant 64 : i32
          %mul3A_399 = arith.muli %add3A_397, %mul3A_398 : i32
          %dma_start3A_400 = tpu.memref_slice %arg9[%mul3A_399] : memref<8192xf32, #tpu.memory_space<vmem>> -> memref<64xf32, #tpu.memory_space<vmem>>
          %dma_start3A_401 = tpu.memref_slice %arg2[%multiple_of3A_393] : memref<65536000xf32, #tpu.memory_space<hbm>> -> memref<64xf32, #tpu.memory_space<hbm>>
          %dma_start3A_402 = tpu.memref_slice %arg9[%mul3A_399] : memref<8192xf32, #tpu.memory_space<vmem>> -> memref<64xf32, #tpu.memory_space<vmem>>
          %dma_start3A_403 = tpu.memref_slice %arg2[%multiple_of3A_393] : memref<65536000xf32, #tpu.memory_space<hbm>> -> memref<64xf32, #tpu.memory_space<hbm>>
          tpu.enqueue_dma source(%dma_start3A_403 : memref<64xf32, #tpu.memory_space<hbm>>) target(%dma_start3A_402 : memref<64xf32, #tpu.memory_space<vmem>>) target_semaphore(%arg12 : memref<!tpu.dma_semaphore, #tpu.memory_space<semaphore_mem>>)
        }
        %scan3A_193 = arith.constant 8 : i32
      } else {
      }
      %scan3A_133 = arith.constant 0 : i32
      %scan3A_134 = arith.constant 0 : i32
      %scan3A_135 = arith.constant 32 : i32
      %scan3A_136 = arith.addi %scan3A_134, %scan3A_135 : i32
      %scan3A_137 = arith.constant 1 : i32
      scf.for %scan3A_186 = %scan3A_134 to %scan3A_136 step %scan3A_137  : i32 {
        %mul3A_187 = arith.constant 4 : i32
        %mul3A_188 = arith.muli %scan3A_186, %mul3A_187 : i32
        %add3A_189 = arith.constant 0 : i32
        %add3A_190 = arith.addi %mul3A_188, %add3A_189 : i32
        %mul3A_191 = arith.constant 64 : i32
        %mul3A_192 = arith.muli %add3A_190, %mul3A_191 : i32
        %add3A_193 = arith.constant 0 : i32
        %add3A_194 = arith.addi %mul3A_192, %add3A_193 : i32
        %get3A = arith.index_cast %add3A_194 : i32 to index
        %get3A_195 = tpu.vector_load %arg10[%get3A] {strides = array<i32>} : memref<8192xf32, #tpu.memory_space<vmem>>, vector<16xf32>,
        %get3A_196 = vector.shape_cast %get3A_195 : vector<16xf32> to vector<16xf32>
        %mul3A_197 = arith.constant 64 : i32
        %mul3A_198 = arith.muli %add3A_190, %mul3A_197 : i32
        %add3A_199 = arith.constant 16 : i32
        %add3A_200 = arith.addi %mul3A_198, %add3A_199 : i32
        %get3A_201 = arith.index_cast %add3A_200 : i32 to index
        %get3A_202 = tpu.vector_load %arg10[%get3A_201] {strides = array<i32>} : memref<8192xf32, #tpu.memory_space<vmem>>, vector<16xf32>,
        %get3A_203 = vector.shape_cast %get3A_202 : vector<16xf32> to vector<16xf32>
        %mul3A_204 = arith.constant 64 : i32
        %mul3A_205 = arith.muli %add3A_190, %mul3A_204 : i32
        %add3A_206 = arith.constant 32 : i32
        %add3A_207 = arith.addi %mul3A_205, %add3A_206 : i32
        %get3A_208 = arith.index_cast %add3A_207 : i32 to index
        %get3A_209 = tpu.vector_load %arg10[%get3A_208] {strides = array<i32>} : memref<8192xf32, #tpu.memory_space<vmem>>, vector<16xf32>,
        %get3A_210 = vector.shape_cast %get3A_209 : vector<16xf32> to vector<16xf32>
        %mul3A_211 = arith.constant 64 : i32
        %mul3A_212 = arith.muli %add3A_190, %mul3A_211 : i32
        %add3A_213 = arith.constant 48 : i32
        %add3A_214 = arith.addi %mul3A_212, %add3A_213 : i32
        %get3A_215 = arith.index_cast %add3A_214 : i32 to index
        %get3A_216 = tpu.vector_load %arg10[%get3A_215] {strides = array<i32>} : memref<8192xf32, #tpu.memory_space<vmem>>, vector<16xf32>,
        %get3A_217 = vector.shape_cast %get3A_216 : vector<16xf32> to vector<16xf32>
        %broadcast_in_dim3A = arith.constant 0.000000e+00 : f32
        %broadcast_in_dim3A_218 = vector.broadcast %broadcast_in_dim3A : f32 to vector<16xf32>
        %mul3A_219 = arith.mulf %get3A_196, %get3A_196 : vector<16xf32>
        %add3A_220 = arith.addf %broadcast_in_dim3A_218, %mul3A_219 : vector<16xf32>
        %mul3A_221 = arith.mulf %get3A_203, %get3A_203 : vector<16xf32>
        %add3A_222 = arith.addf %add3A_220, %mul3A_221 : vector<16xf32>
        %mul3A_223 = arith.mulf %get3A_210, %get3A_210 : vector<16xf32>
        %add3A_224 = arith.addf %add3A_222, %mul3A_223 : vector<16xf32>
        %mul3A_225 = arith.mulf %get3A_217, %get3A_217 : vector<16xf32>
        %add3A_226 = arith.addf %add3A_224, %mul3A_225 : vector<16xf32>
        %reshape3A = vector.shape_cast %xor3A_34 : vector<16xi32> to vector<16x1xi32>
        %gather3A = vector.shape_cast %reshape3A : vector<16x1xi32> to vector<16xi32>
        %gather3A_227 = tpu.dynamic_gather %add3A_226[%gather3A] in [0] : vector<16xf32>, vector<16xi32> -> vector<16xf32>
        %add3A_228 = arith.addf %add3A_226, %gather3A_227 : vector<16xf32>
        %reshape3A_229 = vector.shape_cast %xor3A_37 : vector<16xi32> to vector<16x1xi32>
        %gather3A_230 = vector.shape_cast %reshape3A_229 : vector<16x1xi32> to vector<16xi32>
        %gather3A_231 = tpu.dynamic_gather %add3A_228[%gather3A_230] in [0] : vector<16xf32>, vector<16xi32> -> vector<16xf32>
        %add3A_232 = arith.addf %add3A_228, %gather3A_231 : vector<16xf32>
        %reshape3A_233 = vector.shape_cast %xor3A_40 : vector<16xi32> to vector<16x1xi32>
        %gather3A_234 = vector.shape_cast %reshape3A_233 : vector<16x1xi32> to vector<16xi32>
        %gather3A_235 = tpu.dynamic_gather %add3A_232[%gather3A_234] in [0] : vector<16xf32>, vector<16xi32> -> vector<16xf32>
        %add3A_236 = arith.addf %add3A_232, %gather3A_235 : vector<16xf32>
        %reshape3A_237 = vector.shape_cast %xor3A_43 : vector<16xi32> to vector<16x1xi32>
        %gather3A_238 = vector.shape_cast %reshape3A_237 : vector<16x1xi32> to vector<16xi32>
        %gather3A_239 = tpu.dynamic_gather %add3A_236[%gather3A_238] in [0] : vector<16xf32>, vector<16xi32> -> vector<16xf32>
        %add3A_240 = arith.addf %add3A_236, %gather3A_239 : vector<16xf32>
        %max3A = arith.constant 1.000000e-24 : f32
        %max3A_241 = vector.broadcast %max3A : f32 to vector<16xf32>
        %max3A_242 = arith.maximumf %add3A_240, %max3A_241 : vector<16xf32>
        %bitcast_convert_type3A = tpu.bitcast %max3A_242 : vector<16xf32> -> vector<16xi32>
        %shift_right_logical3A = arith.constant 1 : i32
        %shift_right_logical3A_243 = vector.broadcast %shift_right_logical3A : i32 to vector<16xi32>
        %shift_right_logical3A_244 = arith.shrui %bitcast_convert_type3A, %shift_right_logical3A_243 : vector<16xi32>
        %sub3A_245 = arith.constant 1597463007 : i32
        %sub3A_246 = vector.broadcast %sub3A_245 : i32 to vector<16xi32>
        %sub3A_247 = arith.subi %sub3A_246, %shift_right_logical3A_244 : vector<16xi32>
        %bitcast_convert_type3A_248 = tpu.bitcast %sub3A_247 : vector<16xi32> -> vector<16xf32>
        %mul3A_249 = arith.constant 5.000000e-01 : f32
        %mul3A_250 = vector.broadcast %mul3A_249 : f32 to vector<16xf32>
        %mul3A_251 = arith.mulf %mul3A_250, %max3A_242 : vector<16xf32>
        %mul3A_252 = arith.mulf %mul3A_251, %bitcast_convert_type3A_248 : vector<16xf32>
        %mul3A_253 = arith.mulf %mul3A_252, %bitcast_convert_type3A_248 : vector<16xf32>
        %sub3A_254 = arith.constant 1.500000e+00 : f32
        %sub3A_255 = vector.broadcast %sub3A_254 : f32 to vector<16xf32>
        %sub3A_256 = arith.subf %sub3A_255, %mul3A_253 : vector<16xf32>
        %mul3A_257 = arith.mulf %bitcast_convert_type3A_248, %sub3A_256 : vector<16xf32>
        %mul3A_258 = arith.mulf %mul3A_251, %mul3A_257 : vector<16xf32>
        %mul3A_259 = arith.mulf %mul3A_258, %mul3A_257 : vector<16xf32>
        %sub3A_260 = arith.constant 1.500000e+00 : f32
        %sub3A_261 = vector.broadcast %sub3A_260 : f32 to vector<16xf32>
        %sub3A_262 = arith.subf %sub3A_261, %mul3A_259 : vector<16xf32>
        %mul3A_263 = arith.mulf %mul3A_257, %sub3A_262 : vector<16xf32>
        %mul3A_264 = arith.mulf %mul3A_251, %mul3A_263 : vector<16xf32>
        %mul3A_265 = arith.mulf %mul3A_264, %mul3A_263 : vector<16xf32>
        %sub3A_266 = arith.constant 1.500000e+00 : f32
        %sub3A_267 = vector.broadcast %sub3A_266 : f32 to vector<16xf32>
        %sub3A_268 = arith.subf %sub3A_267, %mul3A_265 : vector<16xf32>
        %mul3A_269 = arith.mulf %mul3A_263, %sub3A_268 : vector<16xf32>
        %jit3A_270 = arith.constant 2 : i32
        %eq3A_271 = arith.constant 0 : i32
        %eq3A_272 = arith.cmpi eq, %jit3A_270, %eq3A_271 : i32
        %jit3A_273 = arith.constant 1 : i32
        %select_n3A_274 = arith.select %eq3A_272, %jit3A_273, %jit3A_270 : i32
        %rem3A_275 = arith.remsi %add3A_190, %select_n3A_274 : i32
        %ne3A_276 = arith.constant 0 : i32
        %ne3A_277 = arith.cmpi ne, %rem3A_275, %ne3A_276 : i32
        %lt3A_278 = arith.constant 0 : i32
        %lt3A_279 = arith.cmpi slt, %rem3A_275, %lt3A_278 : i32
        %lt3A_280 = arith.constant 0 : i32
        %lt3A_281 = arith.cmpi slt, %select_n3A_274, %lt3A_280 : i32
        %ne3A_282 = arith.xori %lt3A_279, %lt3A_281 : i1
        %and3A_283 = arith.andi %ne3A_282, %ne3A_277 : i1
        %add3A_284 = arith.addi %rem3A_275, %select_n3A_274 : i32
        %select_n3A_285 = arith.select %and3A_283, %add3A_284, %rem3A_275 : i32
        %mul3A_286 = arith.constant 64 : i32
        %mul3A_287 = arith.muli %select_n3A_285, %mul3A_286 : i32
        %mul3A_288 = arith.mulf %get3A_196, %mul3A_269 : vector<16xf32>
        %jit3A_289 = arith.constant 2 : i32
        %div3A_290 = arith.divsi %add3A_190, %jit3A_289 : i32
        %sign3A_291 = arith.constant 0 : i32
        %sign3A_292 = arith.cmpi sgt, %add3A_190, %sign3A_291 : i32
        %sign3A_293 = arith.extui %sign3A_292 : i1 to i32
        %sign3A_294 = arith.constant 0 : i32
        %sign3A_295 = arith.cmpi slt, %add3A_190, %sign3A_294 : i32
        %sign3A_296 = arith.extui %sign3A_295 : i1 to i32
        %sign3A_297 = arith.subi %sign3A_293, %sign3A_296 : i32
        %sign3A_298 = arith.constant 0 : i32
        %sign3A_299 = arith.cmpi sgt, %jit3A_289, %sign3A_298 : i32
        %sign3A_300 = arith.extui %sign3A_299 : i1 to i32
        %sign3A_301 = arith.constant 0 : i32
        %sign3A_302 = arith.cmpi slt, %jit3A_289, %sign3A_301 : i32
        %sign3A_303 = arith.extui %sign3A_302 : i1 to i32
        %sign3A_304 = arith.subi %sign3A_300, %sign3A_303 : i32
        %ne3A_305 = arith.cmpi ne, %sign3A_297, %sign3A_304 : i32
        %rem3A_306 = arith.remsi %add3A_190, %jit3A_289 : i32
        %ne3A_307 = arith.constant 0 : i32
        %ne3A_308 = arith.cmpi ne, %rem3A_306, %ne3A_307 : i32
        %and3A_309 = arith.andi %ne3A_305, %ne3A_308 : i1
        %sub3A_310 = arith.constant 1 : i32
        %sub3A_311 = arith.subi %div3A_290, %sub3A_310 : i32
        %select_n3A_312 = arith.select %and3A_309, %sub3A_311, %div3A_290 : i32
        %add3A_313 = arith.constant 0 : i32
        %add3A_314 = arith.addi %mul3A_287, %add3A_313 : i32
        %swap3A = arith.index_cast %select_n3A_312 : i32 to index
        %swap3A_315 = arith.index_cast %add3A_314 : i32 to index
        %swap3A_316 = tpu.vector_load %arg11[%swap3A, %swap3A_315] {strides = array<i32>} : memref<64x128xf32, #tpu.memory_space<vmem>>, vector<1x16xf32>,
        %swap3A_317 = vector.shape_cast %swap3A_316 : vector<1x16xf32> to vector<16xf32>
        %swap3A_318 = vector.shape_cast %mul3A_288 : vector<16xf32> to vector<1x16xf32>
        tpu.vector_store %arg11[%swap3A, %swap3A_315], %swap3A_318 {strides = array<i32>} : memref<64x128xf32, #tpu.memory_space<vmem>>, vector<1x16xf32>,
        %mul3A_319 = arith.mulf %get3A_203, %mul3A_269 : vector<16xf32>
        %jit3A_320 = arith.constant 2 : i32
        %div3A_321 = arith.divsi %add3A_190, %jit3A_320 : i32
        %sign3A_322 = arith.constant 0 : i32
        %sign3A_323 = arith.cmpi sgt, %add3A_190, %sign3A_322 : i32
        %sign3A_324 = arith.extui %sign3A_323 : i1 to i32
        %sign3A_325 = arith.constant 0 : i32
        %sign3A_326 = arith.cmpi slt, %add3A_190, %sign3A_325 : i32
        %sign3A_327 = arith.extui %sign3A_326 : i1 to i32
        %sign3A_328 = arith.subi %sign3A_324, %sign3A_327 : i32
        %sign3A_329 = arith.constant 0 : i32
        %sign3A_330 = arith.cmpi sgt, %jit3A_320, %sign3A_329 : i32
        %sign3A_331 = arith.extui %sign3A_330 : i1 to i32
        %sign3A_332 = arith.constant 0 : i32
        %sign3A_333 = arith.cmpi slt, %jit3A_320, %sign3A_332 : i32
        %sign3A_334 = arith.extui %sign3A_333 : i1 to i32
        %sign3A_335 = arith.subi %sign3A_331, %sign3A_334 : i32
        %ne3A_336 = arith.cmpi ne, %sign3A_328, %sign3A_335 : i32
        %rem3A_337 = arith.remsi %add3A_190, %jit3A_320 : i32
        %ne3A_338 = arith.constant 0 : i32
        %ne3A_339 = arith.cmpi ne, %rem3A_337, %ne3A_338 : i32
        %and3A_340 = arith.andi %ne3A_336, %ne3A_339 : i1
        %sub3A_341 = arith.constant 1 : i32
        %sub3A_342 = arith.subi %div3A_321, %sub3A_341 : i32
        %select_n3A_343 = arith.select %and3A_340, %sub3A_342, %div3A_321 : i32
        %add3A_344 = arith.constant 16 : i32
        %add3A_345 = arith.addi %mul3A_287, %add3A_344 : i32
        %swap3A_346 = arith.index_cast %select_n3A_343 : i32 to index
        %swap3A_347 = arith.index_cast %add3A_345 : i32 to index
        %swap3A_348 = tpu.vector_load %arg11[%swap3A_346, %swap3A_347] {strides = array<i32>} : memref<64x128xf32, #tpu.memory_space<vmem>>, vector<1x16xf32>,
        %swap3A_349 = vector.shape_cast %swap3A_348 : vector<1x16xf32> to vector<16xf32>
        %swap3A_350 = vector.shape_cast %mul3A_319 : vector<16xf32> to vector<1x16xf32>
        tpu.vector_store %arg11[%swap3A_346, %swap3A_347], %swap3A_350 {strides = array<i32>} : memref<64x128xf32, #tpu.memory_space<vmem>>, vector<1x16xf32>,
        %mul3A_351 = arith.mulf %get3A_210, %mul3A_269 : vector<16xf32>
        %jit3A_352 = arith.constant 2 : i32
        %div3A_353 = arith.divsi %add3A_190, %jit3A_352 : i32
        %sign3A_354 = arith.constant 0 : i32
        %sign3A_355 = arith.cmpi sgt, %add3A_190, %sign3A_354 : i32
        %sign3A_356 = arith.extui %sign3A_355 : i1 to i32
        %sign3A_357 = arith.constant 0 : i32
        %sign3A_358 = arith.cmpi slt, %add3A_190, %sign3A_357 : i32
        %sign3A_359 = arith.extui %sign3A_358 : i1 to i32
        %sign3A_360 = arith.subi %sign3A_356, %sign3A_359 : i32
        %sign3A_361 = arith.constant 0 : i32
        %sign3A_362 = arith.cmpi sgt, %jit3A_352, %sign3A_361 : i32
        %sign3A_363 = arith.extui %sign3A_362 : i1 to i32
        %sign3A_364 = arith.constant 0 : i32
        %sign3A_365 = arith.cmpi slt, %jit3A_352, %sign3A_364 : i32
        %sign3A_366 = arith.extui %sign3A_365 : i1 to i32
        %sign3A_367 = arith.subi %sign3A_363, %sign3A_366 : i32
        %ne3A_368 = arith.cmpi ne, %sign3A_360, %sign3A_367 : i32
        %rem3A_369 = arith.remsi %add3A_190, %jit3A_352 : i32
        %ne3A_370 = arith.constant 0 : i32
        %ne3A_371 = arith.cmpi ne, %rem3A_369, %ne3A_370 : i32
        %and3A_372 = arith.andi %ne3A_368, %ne3A_371 : i1
        %sub3A_373 = arith.constant 1 : i32
        %sub3A_374 = arith.subi %div3A_353, %sub3A_373 : i32
        %select_n3A_375 = arith.select %and3A_372, %sub3A_374, %div3A_353 : i32
        %add3A_376 = arith.constant 32 : i32
        %add3A_377 = arith.addi %mul3A_287, %add3A_376 : i32
        %swap3A_378 = arith.index_cast %select_n3A_375 : i32 to index
        %swap3A_379 = arith.index_cast %add3A_377 : i32 to index
        %swap3A_380 = tpu.vector_load %arg11[%swap3A_378, %swap3A_379] {strides = array<i32>} : memref<64x128xf32, #tpu.memory_space<vmem>>, vector<1x16xf32>,
        %swap3A_381 = vector.shape_cast %swap3A_380 : vector<1x16xf32> to vector<16xf32>
        %swap3A_382 = vector.shape_cast %mul3A_351 : vector<16xf32> to vector<1x16xf32>
        tpu.vector_store %arg11[%swap3A_378, %swap3A_379], %swap3A_382 {strides = array<i32>} : memref<64x128xf32, #tpu.memory_space<vmem>>, vector<1x16xf32>,
        %mul3A_383 = arith.mulf %get3A_217, %mul3A_269 : vector<16xf32>
        %jit3A_384 = arith.constant 2 : i32
        %div3A_385 = arith.divsi %add3A_190, %jit3A_384 : i32
        %sign3A_386 = arith.constant 0 : i32
        %sign3A_387 = arith.cmpi sgt, %add3A_190, %sign3A_386 : i32
        %sign3A_388 = arith.extui %sign3A_387 : i1 to i32
        %sign3A_389 = arith.constant 0 : i32
        %sign3A_390 = arith.cmpi slt, %add3A_190, %sign3A_389 : i32
        %sign3A_391 = arith.extui %sign3A_390 : i1 to i32
        %sign3A_392 = arith.subi %sign3A_388, %sign3A_391 : i32
        %sign3A_393 = arith.constant 0 : i32
        %sign3A_394 = arith.cmpi sgt, %jit3A_384, %sign3A_393 : i32
        %sign3A_395 = arith.extui %sign3A_394 : i1 to i32
        %sign3A_396 = arith.constant 0 : i32
        %sign3A_397 = arith.cmpi slt, %jit3A_384, %sign3A_396 : i32
        %sign3A_398 = arith.extui %sign3A_397 : i1 to i32
        %sign3A_399 = arith.subi %sign3A_395, %sign3A_398 : i32
        %ne3A_400 = arith.cmpi ne, %sign3A_392, %sign3A_399 : i32
        %rem3A_401 = arith.remsi %add3A_190, %jit3A_384 : i32
        %ne3A_402 = arith.constant 0 : i32
        %ne3A_403 = arith.cmpi ne, %rem3A_401, %ne3A_402 : i32
        %and3A_404 = arith.andi %ne3A_400, %ne3A_403 : i1
        %sub3A_405 = arith.constant 1 : i32
        %sub3A_406 = arith.subi %div3A_385, %sub3A_405 : i32
        %select_n3A_407 = arith.select %and3A_404, %sub3A_406, %div3A_385 : i32
        %add3A_408 = arith.constant 48 : i32
        %add3A_409 = arith.addi %mul3A_287, %add3A_408 : i32
        %swap3A_410 = arith.index_cast %select_n3A_407 : i32 to index
        %swap3A_411 = arith.index_cast %add3A_409 : i32 to index
        %swap3A_412 = tpu.vector_load %arg11[%swap3A_410, %swap3A_411] {strides = array<i32>} : memref<64x128xf32, #tpu.memory_space<vmem>>, vector<1x16xf32>,
        %swap3A_413 = vector.shape_cast %swap3A_412 : vector<1x16xf32> to vector<16xf32>
        %swap3A_414 = vector.shape_cast %mul3A_383 : vector<16xf32> to vector<1x16xf32>
        tpu.vector_store %arg11[%swap3A_410, %swap3A_411], %swap3A_414 {strides = array<i32>} : memref<64x128xf32, #tpu.memory_space<vmem>>, vector<1x16xf32>,
        %mul3A_415 = arith.constant 4 : i32
        %mul3A_416 = arith.muli %scan3A_186, %mul3A_415 : i32
        %add3A_417 = arith.constant 1 : i32
        %add3A_418 = arith.addi %mul3A_416, %add3A_417 : i32
        %mul3A_419 = arith.constant 64 : i32
        %mul3A_420 = arith.muli %add3A_418, %mul3A_419 : i32
        %add3A_421 = arith.constant 0 : i32
        %add3A_422 = arith.addi %mul3A_420, %add3A_421 : i32
        %get3A_423 = arith.index_cast %add3A_422 : i32 to index
        %get3A_424 = tpu.vector_load %arg10[%get3A_423] {strides = array<i32>} : memref<8192xf32, #tpu.memory_space<vmem>>, vector<16xf32>,
        %get3A_425 = vector.shape_cast %get3A_424 : vector<16xf32> to vector<16xf32>
        %mul3A_426 = arith.constant 64 : i32
        %mul3A_427 = arith.muli %add3A_418, %mul3A_426 : i32
        %add3A_428 = arith.constant 16 : i32
        %add3A_429 = arith.addi %mul3A_427, %add3A_428 : i32
        %get3A_430 = arith.index_cast %add3A_429 : i32 to index
        %get3A_431 = tpu.vector_load %arg10[%get3A_430] {strides = array<i32>} : memref<8192xf32, #tpu.memory_space<vmem>>, vector<16xf32>,
        %get3A_432 = vector.shape_cast %get3A_431 : vector<16xf32> to vector<16xf32>
        %mul3A_433 = arith.constant 64 : i32
        %mul3A_434 = arith.muli %add3A_418, %mul3A_433 : i32
        %add3A_435 = arith.constant 32 : i32
        %add3A_436 = arith.addi %mul3A_434, %add3A_435 : i32
        %get3A_437 = arith.index_cast %add3A_436 : i32 to index
        %get3A_438 = tpu.vector_load %arg10[%get3A_437] {strides = array<i32>} : memref<8192xf32, #tpu.memory_space<vmem>>, vector<16xf32>,
        %get3A_439 = vector.shape_cast %get3A_438 : vector<16xf32> to vector<16xf32>
        %mul3A_440 = arith.constant 64 : i32
        %mul3A_441 = arith.muli %add3A_418, %mul3A_440 : i32
        %add3A_442 = arith.constant 48 : i32
        %add3A_443 = arith.addi %mul3A_441, %add3A_442 : i32
        %get3A_444 = arith.index_cast %add3A_443 : i32 to index
        %get3A_445 = tpu.vector_load %arg10[%get3A_444] {strides = array<i32>} : memref<8192xf32, #tpu.memory_space<vmem>>, vector<16xf32>,
        %get3A_446 = vector.shape_cast %get3A_445 : vector<16xf32> to vector<16xf32>
        %broadcast_in_dim3A_447 = arith.constant 0.000000e+00 : f32
        %broadcast_in_dim3A_448 = vector.broadcast %broadcast_in_dim3A_447 : f32 to vector<16xf32>
        %mul3A_449 = arith.mulf %get3A_425, %get3A_425 : vector<16xf32>
        %add3A_450 = arith.addf %broadcast_in_dim3A_448, %mul3A_449 : vector<16xf32>
        %mul3A_451 = arith.mulf %get3A_432, %get3A_432 : vector<16xf32>
        %add3A_452 = arith.addf %add3A_450, %mul3A_451 : vector<16xf32>
        %mul3A_453 = arith.mulf %get3A_439, %get3A_439 : vector<16xf32>
        %add3A_454 = arith.addf %add3A_452, %mul3A_453 : vector<16xf32>
        %mul3A_455 = arith.mulf %get3A_446, %get3A_446 : vector<16xf32>
        %add3A_456 = arith.addf %add3A_454, %mul3A_455 : vector<16xf32>
        %reshape3A_457 = vector.shape_cast %xor3A_34 : vector<16xi32> to vector<16x1xi32>
        %gather3A_458 = vector.shape_cast %reshape3A_457 : vector<16x1xi32> to vector<16xi32>
        %gather3A_459 = tpu.dynamic_gather %add3A_456[%gather3A_458] in [0] : vector<16xf32>, vector<16xi32> -> vector<16xf32>
        %add3A_460 = arith.addf %add3A_456, %gather3A_459 : vector<16xf32>
        %reshape3A_461 = vector.shape_cast %xor3A_37 : vector<16xi32> to vector<16x1xi32>
        %gather3A_462 = vector.shape_cast %reshape3A_461 : vector<16x1xi32> to vector<16xi32>
        %gather3A_463 = tpu.dynamic_gather %add3A_460[%gather3A_462] in [0] : vector<16xf32>, vector<16xi32> -> vector<16xf32>
        %add3A_464 = arith.addf %add3A_460, %gather3A_463 : vector<16xf32>
        %reshape3A_465 = vector.shape_cast %xor3A_40 : vector<16xi32> to vector<16x1xi32>
        %gather3A_466 = vector.shape_cast %reshape3A_465 : vector<16x1xi32> to vector<16xi32>
        %gather3A_467 = tpu.dynamic_gather %add3A_464[%gather3A_466] in [0] : vector<16xf32>, vector<16xi32> -> vector<16xf32>
        %add3A_468 = arith.addf %add3A_464, %gather3A_467 : vector<16xf32>
        %reshape3A_469 = vector.shape_cast %xor3A_43 : vector<16xi32> to vector<16x1xi32>
        %gather3A_470 = vector.shape_cast %reshape3A_469 : vector<16x1xi32> to vector<16xi32>
        %gather3A_471 = tpu.dynamic_gather %add3A_468[%gather3A_470] in [0] : vector<16xf32>, vector<16xi32> -> vector<16xf32>
        %add3A_472 = arith.addf %add3A_468, %gather3A_471 : vector<16xf32>
        %max3A_473 = arith.constant 1.000000e-24 : f32
        %max3A_474 = vector.broadcast %max3A_473 : f32 to vector<16xf32>
        %max3A_475 = arith.maximumf %add3A_472, %max3A_474 : vector<16xf32>
        %bitcast_convert_type3A_476 = tpu.bitcast %max3A_475 : vector<16xf32> -> vector<16xi32>
        %shift_right_logical3A_477 = arith.constant 1 : i32
        %shift_right_logical3A_478 = vector.broadcast %shift_right_logical3A_477 : i32 to vector<16xi32>
        %shift_right_logical3A_479 = arith.shrui %bitcast_convert_type3A_476, %shift_right_logical3A_478 : vector<16xi32>
        %sub3A_480 = arith.constant 1597463007 : i32
        %sub3A_481 = vector.broadcast %sub3A_480 : i32 to vector<16xi32>
        %sub3A_482 = arith.subi %sub3A_481, %shift_right_logical3A_479 : vector<16xi32>
        %bitcast_convert_type3A_483 = tpu.bitcast %sub3A_482 : vector<16xi32> -> vector<16xf32>
        %mul3A_484 = arith.constant 5.000000e-01 : f32
        %mul3A_485 = vector.broadcast %mul3A_484 : f32 to vector<16xf32>
        %mul3A_486 = arith.mulf %mul3A_485, %max3A_475 : vector<16xf32>
        %mul3A_487 = arith.mulf %mul3A_486, %bitcast_convert_type3A_483 : vector<16xf32>
        %mul3A_488 = arith.mulf %mul3A_487, %bitcast_convert_type3A_483 : vector<16xf32>
        %sub3A_489 = arith.constant 1.500000e+00 : f32
        %sub3A_490 = vector.broadcast %sub3A_489 : f32 to vector<16xf32>
        %sub3A_491 = arith.subf %sub3A_490, %mul3A_488 : vector<16xf32>
        %mul3A_492 = arith.mulf %bitcast_convert_type3A_483, %sub3A_491 : vector<16xf32>
        %mul3A_493 = arith.mulf %mul3A_486, %mul3A_492 : vector<16xf32>
        %mul3A_494 = arith.mulf %mul3A_493, %mul3A_492 : vector<16xf32>
        %sub3A_495 = arith.constant 1.500000e+00 : f32
        %sub3A_496 = vector.broadcast %sub3A_495 : f32 to vector<16xf32>
        %sub3A_497 = arith.subf %sub3A_496, %mul3A_494 : vector<16xf32>
        %mul3A_498 = arith.mulf %mul3A_492, %sub3A_497 : vector<16xf32>
        %mul3A_499 = arith.mulf %mul3A_486, %mul3A_498 : vector<16xf32>
        %mul3A_500 = arith.mulf %mul3A_499, %mul3A_498 : vector<16xf32>
        %sub3A_501 = arith.constant 1.500000e+00 : f32
        %sub3A_502 = vector.broadcast %sub3A_501 : f32 to vector<16xf32>
        %sub3A_503 = arith.subf %sub3A_502, %mul3A_500 : vector<16xf32>
        %mul3A_504 = arith.mulf %mul3A_498, %sub3A_503 : vector<16xf32>
        %jit3A_505 = arith.constant 2 : i32
        %eq3A_506 = arith.constant 0 : i32
        %eq3A_507 = arith.cmpi eq, %jit3A_505, %eq3A_506 : i32
        %jit3A_508 = arith.constant 1 : i32
        %select_n3A_509 = arith.select %eq3A_507, %jit3A_508, %jit3A_505 : i32
        %rem3A_510 = arith.remsi %add3A_418, %select_n3A_509 : i32
        %ne3A_511 = arith.constant 0 : i32
        %ne3A_512 = arith.cmpi ne, %rem3A_510, %ne3A_511 : i32
        %lt3A_513 = arith.constant 0 : i32
        %lt3A_514 = arith.cmpi slt, %rem3A_510, %lt3A_513 : i32
        %lt3A_515 = arith.constant 0 : i32
        %lt3A_516 = arith.cmpi slt, %select_n3A_509, %lt3A_515 : i32
        %ne3A_517 = arith.xori %lt3A_514, %lt3A_516 : i1
        %and3A_518 = arith.andi %ne3A_517, %ne3A_512 : i1
        %add3A_519 = arith.addi %rem3A_510, %select_n3A_509 : i32
        %select_n3A_520 = arith.select %and3A_518, %add3A_519, %rem3A_510 : i32
        %mul3A_521 = arith.constant 64 : i32
        %mul3A_522 = arith.muli %select_n3A_520, %mul3A_521 : i32
        %mul3A_523 = arith.mulf %get3A_425, %mul3A_504 : vector<16xf32>
        %jit3A_524 = arith.constant 2 : i32
        %div3A_525 = arith.divsi %add3A_418, %jit3A_524 : i32
        %sign3A_526 = arith.constant 0 : i32
        %sign3A_527 = arith.cmpi sgt, %add3A_418, %sign3A_526 : i32
        %sign3A_528 = arith.extui %sign3A_527 : i1 to i32
        %sign3A_529 = arith.constant 0 : i32
        %sign3A_530 = arith.cmpi slt, %add3A_418, %sign3A_529 : i32
        %sign3A_531 = arith.extui %sign3A_530 : i1 to i32
        %sign3A_532 = arith.subi %sign3A_528, %sign3A_531 : i32
        %sign3A_533 = arith.constant 0 : i32
        %sign3A_534 = arith.cmpi sgt, %jit3A_524, %sign3A_533 : i32
        %sign3A_535 = arith.extui %sign3A_534 : i1 to i32
        %sign3A_536 = arith.constant 0 : i32
        %sign3A_537 = arith.cmpi slt, %jit3A_524, %sign3A_536 : i32
        %sign3A_538 = arith.extui %sign3A_537 : i1 to i32
        %sign3A_539 = arith.subi %sign3A_535, %sign3A_538 : i32
        %ne3A_540 = arith.cmpi ne, %sign3A_532, %sign3A_539 : i32
        %rem3A_541 = arith.remsi %add3A_418, %jit3A_524 : i32
        %ne3A_542 = arith.constant 0 : i32
        %ne3A_543 = arith.cmpi ne, %rem3A_541, %ne3A_542 : i32
        %and3A_544 = arith.andi %ne3A_540, %ne3A_543 : i1
        %sub3A_545 = arith.constant 1 : i32
        %sub3A_546 = arith.subi %div3A_525, %sub3A_545 : i32
        %select_n3A_547 = arith.select %and3A_544, %sub3A_546, %div3A_525 : i32
        %add3A_548 = arith.constant 0 : i32
        %add3A_549 = arith.addi %mul3A_522, %add3A_548 : i32
        %swap3A_550 = arith.index_cast %select_n3A_547 : i32 to index
        %swap3A_551 = arith.index_cast %add3A_549 : i32 to index
        %swap3A_552 = tpu.vector_load %arg11[%swap3A_550, %swap3A_551] {strides = array<i32>} : memref<64x128xf32, #tpu.memory_space<vmem>>, vector<1x16xf32>,
        %swap3A_553 = vector.shape_cast %swap3A_552 : vector<1x16xf32> to vector<16xf32>
        %swap3A_554 = vector.shape_cast %mul3A_523 : vector<16xf32> to vector<1x16xf32>
        tpu.vector_store %arg11[%swap3A_550, %swap3A_551], %swap3A_554 {strides = array<i32>} : memref<64x128xf32, #tpu.memory_space<vmem>>, vector<1x16xf32>,
        %mul3A_555 = arith.mulf %get3A_432, %mul3A_504 : vector<16xf32>
        %jit3A_556 = arith.constant 2 : i32
        %div3A_557 = arith.divsi %add3A_418, %jit3A_556 : i32
        %sign3A_558 = arith.constant 0 : i32
        %sign3A_559 = arith.cmpi sgt, %add3A_418, %sign3A_558 : i32
        %sign3A_560 = arith.extui %sign3A_559 : i1 to i32
        %sign3A_561 = arith.constant 0 : i32
        %sign3A_562 = arith.cmpi slt, %add3A_418, %sign3A_561 : i32
        %sign3A_563 = arith.extui %sign3A_562 : i1 to i32
        %sign3A_564 = arith.subi %sign3A_560, %sign3A_563 : i32
        %sign3A_565 = arith.constant 0 : i32
        %sign3A_566 = arith.cmpi sgt, %jit3A_556, %sign3A_565 : i32
        %sign3A_567 = arith.extui %sign3A_566 : i1 to i32
        %sign3A_568 = arith.constant 0 : i32
        %sign3A_569 = arith.cmpi slt, %jit3A_556, %sign3A_568 : i32
        %sign3A_570 = arith.extui %sign3A_569 : i1 to i32
        %sign3A_571 = arith.subi %sign3A_567, %sign3A_570 : i32
        %ne3A_572 = arith.cmpi ne, %sign3A_564, %sign3A_571 : i32
        %rem3A_573 = arith.remsi %add3A_418, %jit3A_556 : i32
        %ne3A_574 = arith.constant 0 : i32
        %ne3A_575 = arith.cmpi ne, %rem3A_573, %ne3A_574 : i32
        %and3A_576 = arith.andi %ne3A_572, %ne3A_575 : i1
        %sub3A_577 = arith.constant 1 : i32
        %sub3A_578 = arith.subi %div3A_557, %sub3A_577 : i32
        %select_n3A_579 = arith.select %and3A_576, %sub3A_578, %div3A_557 : i32
        %add3A_580 = arith.constant 16 : i32
        %add3A_581 = arith.addi %mul3A_522, %add3A_580 : i32
        %swap3A_582 = arith.index_cast %select_n3A_579 : i32 to index
        %swap3A_583 = arith.index_cast %add3A_581 : i32 to index
        %swap3A_584 = tpu.vector_load %arg11[%swap3A_582, %swap3A_583] {strides = array<i32>} : memref<64x128xf32, #tpu.memory_space<vmem>>, vector<1x16xf32>,
        %swap3A_585 = vector.shape_cast %swap3A_584 : vector<1x16xf32> to vector<16xf32>
        %swap3A_586 = vector.shape_cast %mul3A_555 : vector<16xf32> to vector<1x16xf32>
        tpu.vector_store %arg11[%swap3A_582, %swap3A_583], %swap3A_586 {strides = array<i32>} : memref<64x128xf32, #tpu.memory_space<vmem>>, vector<1x16xf32>,
        %mul3A_587 = arith.mulf %get3A_439, %mul3A_504 : vector<16xf32>
        %jit3A_588 = arith.constant 2 : i32
        %div3A_589 = arith.divsi %add3A_418, %jit3A_588 : i32
        %sign3A_590 = arith.constant 0 : i32
        %sign3A_591 = arith.cmpi sgt, %add3A_418, %sign3A_590 : i32
        %sign3A_592 = arith.extui %sign3A_591 : i1 to i32
        %sign3A_593 = arith.constant 0 : i32
        %sign3A_594 = arith.cmpi slt, %add3A_418, %sign3A_593 : i32
        %sign3A_595 = arith.extui %sign3A_594 : i1 to i32
        %sign3A_596 = arith.subi %sign3A_592, %sign3A_595 : i32
        %sign3A_597 = arith.constant 0 : i32
        %sign3A_598 = arith.cmpi sgt, %jit3A_588, %sign3A_597 : i32
        %sign3A_599 = arith.extui %sign3A_598 : i1 to i32
        %sign3A_600 = arith.constant 0 : i32
        %sign3A_601 = arith.cmpi slt, %jit3A_588, %sign3A_600 : i32
        %sign3A_602 = arith.extui %sign3A_601 : i1 to i32
        %sign3A_603 = arith.subi %sign3A_599, %sign3A_602 : i32
        %ne3A_604 = arith.cmpi ne, %sign3A_596, %sign3A_603 : i32
        %rem3A_605 = arith.remsi %add3A_418, %jit3A_588 : i32
        %ne3A_606 = arith.constant 0 : i32
        %ne3A_607 = arith.cmpi ne, %rem3A_605, %ne3A_606 : i32
        %and3A_608 = arith.andi %ne3A_604, %ne3A_607 : i1
        %sub3A_609 = arith.constant 1 : i32
        %sub3A_610 = arith.subi %div3A_589, %sub3A_609 : i32
        %select_n3A_611 = arith.select %and3A_608, %sub3A_610, %div3A_589 : i32
        %add3A_612 = arith.constant 32 : i32
        %add3A_613 = arith.addi %mul3A_522, %add3A_612 : i32
        %swap3A_614 = arith.index_cast %select_n3A_611 : i32 to index
        %swap3A_615 = arith.index_cast %add3A_613 : i32 to index
        %swap3A_616 = tpu.vector_load %arg11[%swap3A_614, %swap3A_615] {strides = array<i32>} : memref<64x128xf32, #tpu.memory_space<vmem>>, vector<1x16xf32>,
        %swap3A_617 = vector.shape_cast %swap3A_616 : vector<1x16xf32> to vector<16xf32>
        %swap3A_618 = vector.shape_cast %mul3A_587 : vector<16xf32> to vector<1x16xf32>
        tpu.vector_store %arg11[%swap3A_614, %swap3A_615], %swap3A_618 {strides = array<i32>} : memref<64x128xf32, #tpu.memory_space<vmem>>, vector<1x16xf32>,
        %mul3A_619 = arith.mulf %get3A_446, %mul3A_504 : vector<16xf32>
        %jit3A_620 = arith.constant 2 : i32
        %div3A_621 = arith.divsi %add3A_418, %jit3A_620 : i32
        %sign3A_622 = arith.constant 0 : i32
        %sign3A_623 = arith.cmpi sgt, %add3A_418, %sign3A_622 : i32
        %sign3A_624 = arith.extui %sign3A_623 : i1 to i32
        %sign3A_625 = arith.constant 0 : i32
        %sign3A_626 = arith.cmpi slt, %add3A_418, %sign3A_625 : i32
        %sign3A_627 = arith.extui %sign3A_626 : i1 to i32
        %sign3A_628 = arith.subi %sign3A_624, %sign3A_627 : i32
        %sign3A_629 = arith.constant 0 : i32
        %sign3A_630 = arith.cmpi sgt, %jit3A_620, %sign3A_629 : i32
        %sign3A_631 = arith.extui %sign3A_630 : i1 to i32
        %sign3A_632 = arith.constant 0 : i32
        %sign3A_633 = arith.cmpi slt, %jit3A_620, %sign3A_632 : i32
        %sign3A_634 = arith.extui %sign3A_633 : i1 to i32
        %sign3A_635 = arith.subi %sign3A_631, %sign3A_634 : i32
        %ne3A_636 = arith.cmpi ne, %sign3A_628, %sign3A_635 : i32
        %rem3A_637 = arith.remsi %add3A_418, %jit3A_620 : i32
        %ne3A_638 = arith.constant 0 : i32
        %ne3A_639 = arith.cmpi ne, %rem3A_637, %ne3A_638 : i32
        %and3A_640 = arith.andi %ne3A_636, %ne3A_639 : i1
        %sub3A_641 = arith.constant 1 : i32
        %sub3A_642 = arith.subi %div3A_621, %sub3A_641 : i32
        %select_n3A_643 = arith.select %and3A_640, %sub3A_642, %div3A_621 : i32
        %add3A_644 = arith.constant 48 : i32
        %add3A_645 = arith.addi %mul3A_522, %add3A_644 : i32
        %swap3A_646 = arith.index_cast %select_n3A_643 : i32 to index
        %swap3A_647 = arith.index_cast %add3A_645 : i32 to index
        %swap3A_648 = tpu.vector_load %arg11[%swap3A_646, %swap3A_647] {strides = array<i32>} : memref<64x128xf32, #tpu.memory_space<vmem>>, vector<1x16xf32>,
        %swap3A_649 = vector.shape_cast %swap3A_648 : vector<1x16xf32> to vector<16xf32>
        %swap3A_650 = vector.shape_cast %mul3A_619 : vector<16xf32> to vector<1x16xf32>
        tpu.vector_store %arg11[%swap3A_646, %swap3A_647], %swap3A_650 {strides = array<i32>} : memref<64x128xf32, #tpu.memory_space<vmem>>, vector<1x16xf32>,
        %mul3A_651 = arith.constant 4 : i32
        %mul3A_652 = arith.muli %scan3A_186, %mul3A_651 : i32
        %add3A_653 = arith.constant 2 : i32
        %add3A_654 = arith.addi %mul3A_652, %add3A_653 : i32
        %mul3A_655 = arith.constant 64 : i32
        %mul3A_656 = arith.muli %add3A_654, %mul3A_655 : i32
        %add3A_657 = arith.constant 0 : i32
        %add3A_658 = arith.addi %mul3A_656, %add3A_657 : i32
        %get3A_659 = arith.index_cast %add3A_658 : i32 to index
        %get3A_660 = tpu.vector_load %arg10[%get3A_659] {strides = array<i32>} : memref<8192xf32, #tpu.memory_space<vmem>>, vector<16xf32>,
        %get3A_661 = vector.shape_cast %get3A_660 : vector<16xf32> to vector<16xf32>
        %mul3A_662 = arith.constant 64 : i32
        %mul3A_663 = arith.muli %add3A_654, %mul3A_662 : i32
        %add3A_664 = arith.constant 16 : i32
        %add3A_665 = arith.addi %mul3A_663, %add3A_664 : i32
        %get3A_666 = arith.index_cast %add3A_665 : i32 to index
        %get3A_667 = tpu.vector_load %arg10[%get3A_666] {strides = array<i32>} : memref<8192xf32, #tpu.memory_space<vmem>>, vector<16xf32>,
        %get3A_668 = vector.shape_cast %get3A_667 : vector<16xf32> to vector<16xf32>
        %mul3A_669 = arith.constant 64 : i32
        %mul3A_670 = arith.muli %add3A_654, %mul3A_669 : i32
        %add3A_671 = arith.constant 32 : i32
        %add3A_672 = arith.addi %mul3A_670, %add3A_671 : i32
        %get3A_673 = arith.index_cast %add3A_672 : i32 to index
        %get3A_674 = tpu.vector_load %arg10[%get3A_673] {strides = array<i32>} : memref<8192xf32, #tpu.memory_space<vmem>>, vector<16xf32>,
        %get3A_675 = vector.shape_cast %get3A_674 : vector<16xf32> to vector<16xf32>
        %mul3A_676 = arith.constant 64 : i32
        %mul3A_677 = arith.muli %add3A_654, %mul3A_676 : i32
        %add3A_678 = arith.constant 48 : i32
        %add3A_679 = arith.addi %mul3A_677, %add3A_678 : i32
        %get3A_680 = arith.index_cast %add3A_679 : i32 to index
        %get3A_681 = tpu.vector_load %arg10[%get3A_680] {strides = array<i32>} : memref<8192xf32, #tpu.memory_space<vmem>>, vector<16xf32>,
        %get3A_682 = vector.shape_cast %get3A_681 : vector<16xf32> to vector<16xf32>
        %broadcast_in_dim3A_683 = arith.constant 0.000000e+00 : f32
        %broadcast_in_dim3A_684 = vector.broadcast %broadcast_in_dim3A_683 : f32 to vector<16xf32>
        %mul3A_685 = arith.mulf %get3A_661, %get3A_661 : vector<16xf32>
        %add3A_686 = arith.addf %broadcast_in_dim3A_684, %mul3A_685 : vector<16xf32>
        %mul3A_687 = arith.mulf %get3A_668, %get3A_668 : vector<16xf32>
        %add3A_688 = arith.addf %add3A_686, %mul3A_687 : vector<16xf32>
        %mul3A_689 = arith.mulf %get3A_675, %get3A_675 : vector<16xf32>
        %add3A_690 = arith.addf %add3A_688, %mul3A_689 : vector<16xf32>
        %mul3A_691 = arith.mulf %get3A_682, %get3A_682 : vector<16xf32>
        %add3A_692 = arith.addf %add3A_690, %mul3A_691 : vector<16xf32>
        %reshape3A_693 = vector.shape_cast %xor3A_34 : vector<16xi32> to vector<16x1xi32>
        %gather3A_694 = vector.shape_cast %reshape3A_693 : vector<16x1xi32> to vector<16xi32>
        %gather3A_695 = tpu.dynamic_gather %add3A_692[%gather3A_694] in [0] : vector<16xf32>, vector<16xi32> -> vector<16xf32>
        %add3A_696 = arith.addf %add3A_692, %gather3A_695 : vector<16xf32>
        %reshape3A_697 = vector.shape_cast %xor3A_37 : vector<16xi32> to vector<16x1xi32>
        %gather3A_698 = vector.shape_cast %reshape3A_697 : vector<16x1xi32> to vector<16xi32>
        %gather3A_699 = tpu.dynamic_gather %add3A_696[%gather3A_698] in [0] : vector<16xf32>, vector<16xi32> -> vector<16xf32>
        %add3A_700 = arith.addf %add3A_696, %gather3A_699 : vector<16xf32>
        %reshape3A_701 = vector.shape_cast %xor3A_40 : vector<16xi32> to vector<16x1xi32>
        %gather3A_702 = vector.shape_cast %reshape3A_701 : vector<16x1xi32> to vector<16xi32>
        %gather3A_703 = tpu.dynamic_gather %add3A_700[%gather3A_702] in [0] : vector<16xf32>, vector<16xi32> -> vector<16xf32>
        %add3A_704 = arith.addf %add3A_700, %gather3A_703 : vector<16xf32>
        %reshape3A_705 = vector.shape_cast %xor3A_43 : vector<16xi32> to vector<16x1xi32>
        %gather3A_706 = vector.shape_cast %reshape3A_705 : vector<16x1xi32> to vector<16xi32>
        %gather3A_707 = tpu.dynamic_gather %add3A_704[%gather3A_706] in [0] : vector<16xf32>, vector<16xi32> -> vector<16xf32>
        %add3A_708 = arith.addf %add3A_704, %gather3A_707 : vector<16xf32>
        %max3A_709 = arith.constant 1.000000e-24 : f32
        %max3A_710 = vector.broadcast %max3A_709 : f32 to vector<16xf32>
        %max3A_711 = arith.maximumf %add3A_708, %max3A_710 : vector<16xf32>
        %bitcast_convert_type3A_712 = tpu.bitcast %max3A_711 : vector<16xf32> -> vector<16xi32>
        %shift_right_logical3A_713 = arith.constant 1 : i32
        %shift_right_logical3A_714 = vector.broadcast %shift_right_logical3A_713 : i32 to vector<16xi32>
        %shift_right_logical3A_715 = arith.shrui %bitcast_convert_type3A_712, %shift_right_logical3A_714 : vector<16xi32>
        %sub3A_716 = arith.constant 1597463007 : i32
        %sub3A_717 = vector.broadcast %sub3A_716 : i32 to vector<16xi32>
        %sub3A_718 = arith.subi %sub3A_717, %shift_right_logical3A_715 : vector<16xi32>
        %bitcast_convert_type3A_719 = tpu.bitcast %sub3A_718 : vector<16xi32> -> vector<16xf32>
        %mul3A_720 = arith.constant 5.000000e-01 : f32
        %mul3A_721 = vector.broadcast %mul3A_720 : f32 to vector<16xf32>
        %mul3A_722 = arith.mulf %mul3A_721, %max3A_711 : vector<16xf32>
        %mul3A_723 = arith.mulf %mul3A_722, %bitcast_convert_type3A_719 : vector<16xf32>
        %mul3A_724 = arith.mulf %mul3A_723, %bitcast_convert_type3A_719 : vector<16xf32>
        %sub3A_725 = arith.constant 1.500000e+00 : f32
        %sub3A_726 = vector.broadcast %sub3A_725 : f32 to vector<16xf32>
        %sub3A_727 = arith.subf %sub3A_726, %mul3A_724 : vector<16xf32>
        %mul3A_728 = arith.mulf %bitcast_convert_type3A_719, %sub3A_727 : vector<16xf32>
        %mul3A_729 = arith.mulf %mul3A_722, %mul3A_728 : vector<16xf32>
        %mul3A_730 = arith.mulf %mul3A_729, %mul3A_728 : vector<16xf32>
        %sub3A_731 = arith.constant 1.500000e+00 : f32
        %sub3A_732 = vector.broadcast %sub3A_731 : f32 to vector<16xf32>
        %sub3A_733 = arith.subf %sub3A_732, %mul3A_730 : vector<16xf32>
        %mul3A_734 = arith.mulf %mul3A_728, %sub3A_733 : vector<16xf32>
        %mul3A_735 = arith.mulf %mul3A_722, %mul3A_734 : vector<16xf32>
        %mul3A_736 = arith.mulf %mul3A_735, %mul3A_734 : vector<16xf32>
        %sub3A_737 = arith.constant 1.500000e+00 : f32
        %sub3A_738 = vector.broadcast %sub3A_737 : f32 to vector<16xf32>
        %sub3A_739 = arith.subf %sub3A_738, %mul3A_736 : vector<16xf32>
        %mul3A_740 = arith.mulf %mul3A_734, %sub3A_739 : vector<16xf32>
        %jit3A_741 = arith.constant 2 : i32
        %eq3A_742 = arith.constant 0 : i32
        %eq3A_743 = arith.cmpi eq, %jit3A_741, %eq3A_742 : i32
        %jit3A_744 = arith.constant 1 : i32
        %select_n3A_745 = arith.select %eq3A_743, %jit3A_744, %jit3A_741 : i32
        %rem3A_746 = arith.remsi %add3A_654, %select_n3A_745 : i32
        %ne3A_747 = arith.constant 0 : i32
        %ne3A_748 = arith.cmpi ne, %rem3A_746, %ne3A_747 : i32
        %lt3A_749 = arith.constant 0 : i32
        %lt3A_750 = arith.cmpi slt, %rem3A_746, %lt3A_749 : i32
        %lt3A_751 = arith.constant 0 : i32
        %lt3A_752 = arith.cmpi slt, %select_n3A_745, %lt3A_751 : i32
        %ne3A_753 = arith.xori %lt3A_750, %lt3A_752 : i1
        %and3A_754 = arith.andi %ne3A_753, %ne3A_748 : i1
        %add3A_755 = arith.addi %rem3A_746, %select_n3A_745 : i32
        %select_n3A_756 = arith.select %and3A_754, %add3A_755, %rem3A_746 : i32
        %mul3A_757 = arith.constant 64 : i32
        %mul3A_758 = arith.muli %select_n3A_756, %mul3A_757 : i32
        %mul3A_759 = arith.mulf %get3A_661, %mul3A_740 : vector<16xf32>
        %jit3A_760 = arith.constant 2 : i32
        %div3A_761 = arith.divsi %add3A_654, %jit3A_760 : i32
        %sign3A_762 = arith.constant 0 : i32
        %sign3A_763 = arith.cmpi sgt, %add3A_654, %sign3A_762 : i32
        %sign3A_764 = arith.extui %sign3A_763 : i1 to i32
        %sign3A_765 = arith.constant 0 : i32
        %sign3A_766 = arith.cmpi slt, %add3A_654, %sign3A_765 : i32
        %sign3A_767 = arith.extui %sign3A_766 : i1 to i32
        %sign3A_768 = arith.subi %sign3A_764, %sign3A_767 : i32
        %sign3A_769 = arith.constant 0 : i32
        %sign3A_770 = arith.cmpi sgt, %jit3A_760, %sign3A_769 : i32
        %sign3A_771 = arith.extui %sign3A_770 : i1 to i32
        %sign3A_772 = arith.constant 0 : i32
        %sign3A_773 = arith.cmpi slt, %jit3A_760, %sign3A_772 : i32
        %sign3A_774 = arith.extui %sign3A_773 : i1 to i32
        %sign3A_775 = arith.subi %sign3A_771, %sign3A_774 : i32
        %ne3A_776 = arith.cmpi ne, %sign3A_768, %sign3A_775 : i32
        %rem3A_777 = arith.remsi %add3A_654, %jit3A_760 : i32
        %ne3A_778 = arith.constant 0 : i32
        %ne3A_779 = arith.cmpi ne, %rem3A_777, %ne3A_778 : i32
        %and3A_780 = arith.andi %ne3A_776, %ne3A_779 : i1
        %sub3A_781 = arith.constant 1 : i32
        %sub3A_782 = arith.subi %div3A_761, %sub3A_781 : i32
        %select_n3A_783 = arith.select %and3A_780, %sub3A_782, %div3A_761 : i32
        %add3A_784 = arith.constant 0 : i32
        %add3A_785 = arith.addi %mul3A_758, %add3A_784 : i32
        %swap3A_786 = arith.index_cast %select_n3A_783 : i32 to index
        %swap3A_787 = arith.index_cast %add3A_785 : i32 to index
        %swap3A_788 = tpu.vector_load %arg11[%swap3A_786, %swap3A_787] {strides = array<i32>} : memref<64x128xf32, #tpu.memory_space<vmem>>, vector<1x16xf32>,
        %swap3A_789 = vector.shape_cast %swap3A_788 : vector<1x16xf32> to vector<16xf32>
        %swap3A_790 = vector.shape_cast %mul3A_759 : vector<16xf32> to vector<1x16xf32>
        tpu.vector_store %arg11[%swap3A_786, %swap3A_787], %swap3A_790 {strides = array<i32>} : memref<64x128xf32, #tpu.memory_space<vmem>>, vector<1x16xf32>,
        %mul3A_791 = arith.mulf %get3A_668, %mul3A_740 : vector<16xf32>
        %jit3A_792 = arith.constant 2 : i32
        %div3A_793 = arith.divsi %add3A_654, %jit3A_792 : i32
        %sign3A_794 = arith.constant 0 : i32
        %sign3A_795 = arith.cmpi sgt, %add3A_654, %sign3A_794 : i32
        %sign3A_796 = arith.extui %sign3A_795 : i1 to i32
        %sign3A_797 = arith.constant 0 : i32
        %sign3A_798 = arith.cmpi slt, %add3A_654, %sign3A_797 : i32
        %sign3A_799 = arith.extui %sign3A_798 : i1 to i32
        %sign3A_800 = arith.subi %sign3A_796, %sign3A_799 : i32
        %sign3A_801 = arith.constant 0 : i32
        %sign3A_802 = arith.cmpi sgt, %jit3A_792, %sign3A_801 : i32
        %sign3A_803 = arith.extui %sign3A_802 : i1 to i32
        %sign3A_804 = arith.constant 0 : i32
        %sign3A_805 = arith.cmpi slt, %jit3A_792, %sign3A_804 : i32
        %sign3A_806 = arith.extui %sign3A_805 : i1 to i32
        %sign3A_807 = arith.subi %sign3A_803, %sign3A_806 : i32
        %ne3A_808 = arith.cmpi ne, %sign3A_800, %sign3A_807 : i32
        %rem3A_809 = arith.remsi %add3A_654, %jit3A_792 : i32
        %ne3A_810 = arith.constant 0 : i32
        %ne3A_811 = arith.cmpi ne, %rem3A_809, %ne3A_810 : i32
        %and3A_812 = arith.andi %ne3A_808, %ne3A_811 : i1
        %sub3A_813 = arith.constant 1 : i32
        %sub3A_814 = arith.subi %div3A_793, %sub3A_813 : i32
        %select_n3A_815 = arith.select %and3A_812, %sub3A_814, %div3A_793 : i32
        %add3A_816 = arith.constant 16 : i32
        %add3A_817 = arith.addi %mul3A_758, %add3A_816 : i32
        %swap3A_818 = arith.index_cast %select_n3A_815 : i32 to index
        %swap3A_819 = arith.index_cast %add3A_817 : i32 to index
        %swap3A_820 = tpu.vector_load %arg11[%swap3A_818, %swap3A_819] {strides = array<i32>} : memref<64x128xf32, #tpu.memory_space<vmem>>, vector<1x16xf32>,
        %swap3A_821 = vector.shape_cast %swap3A_820 : vector<1x16xf32> to vector<16xf32>
        %swap3A_822 = vector.shape_cast %mul3A_791 : vector<16xf32> to vector<1x16xf32>
        tpu.vector_store %arg11[%swap3A_818, %swap3A_819], %swap3A_822 {strides = array<i32>} : memref<64x128xf32, #tpu.memory_space<vmem>>, vector<1x16xf32>,
        %mul3A_823 = arith.mulf %get3A_675, %mul3A_740 : vector<16xf32>
        %jit3A_824 = arith.constant 2 : i32
        %div3A_825 = arith.divsi %add3A_654, %jit3A_824 : i32
        %sign3A_826 = arith.constant 0 : i32
        %sign3A_827 = arith.cmpi sgt, %add3A_654, %sign3A_826 : i32
        %sign3A_828 = arith.extui %sign3A_827 : i1 to i32
        %sign3A_829 = arith.constant 0 : i32
        %sign3A_830 = arith.cmpi slt, %add3A_654, %sign3A_829 : i32
        %sign3A_831 = arith.extui %sign3A_830 : i1 to i32
        %sign3A_832 = arith.subi %sign3A_828, %sign3A_831 : i32
        %sign3A_833 = arith.constant 0 : i32
        %sign3A_834 = arith.cmpi sgt, %jit3A_824, %sign3A_833 : i32
        %sign3A_835 = arith.extui %sign3A_834 : i1 to i32
        %sign3A_836 = arith.constant 0 : i32
        %sign3A_837 = arith.cmpi slt, %jit3A_824, %sign3A_836 : i32
        %sign3A_838 = arith.extui %sign3A_837 : i1 to i32
        %sign3A_839 = arith.subi %sign3A_835, %sign3A_838 : i32
        %ne3A_840 = arith.cmpi ne, %sign3A_832, %sign3A_839 : i32
        %rem3A_841 = arith.remsi %add3A_654, %jit3A_824 : i32
        %ne3A_842 = arith.constant 0 : i32
        %ne3A_843 = arith.cmpi ne, %rem3A_841, %ne3A_842 : i32
        %and3A_844 = arith.andi %ne3A_840, %ne3A_843 : i1
        %sub3A_845 = arith.constant 1 : i32
        %sub3A_846 = arith.subi %div3A_825, %sub3A_845 : i32
        %select_n3A_847 = arith.select %and3A_844, %sub3A_846, %div3A_825 : i32
        %add3A_848 = arith.constant 32 : i32
        %add3A_849 = arith.addi %mul3A_758, %add3A_848 : i32
        %swap3A_850 = arith.index_cast %select_n3A_847 : i32 to index
        %swap3A_851 = arith.index_cast %add3A_849 : i32 to index
        %swap3A_852 = tpu.vector_load %arg11[%swap3A_850, %swap3A_851] {strides = array<i32>} : memref<64x128xf32, #tpu.memory_space<vmem>>, vector<1x16xf32>,
        %swap3A_853 = vector.shape_cast %swap3A_852 : vector<1x16xf32> to vector<16xf32>
        %swap3A_854 = vector.shape_cast %mul3A_823 : vector<16xf32> to vector<1x16xf32>
        tpu.vector_store %arg11[%swap3A_850, %swap3A_851], %swap3A_854 {strides = array<i32>} : memref<64x128xf32, #tpu.memory_space<vmem>>, vector<1x16xf32>,
        %mul3A_855 = arith.mulf %get3A_682, %mul3A_740 : vector<16xf32>
        %jit3A_856 = arith.constant 2 : i32
        %div3A_857 = arith.divsi %add3A_654, %jit3A_856 : i32
        %sign3A_858 = arith.constant 0 : i32
        %sign3A_859 = arith.cmpi sgt, %add3A_654, %sign3A_858 : i32
        %sign3A_860 = arith.extui %sign3A_859 : i1 to i32
        %sign3A_861 = arith.constant 0 : i32
        %sign3A_862 = arith.cmpi slt, %add3A_654, %sign3A_861 : i32
        %sign3A_863 = arith.extui %sign3A_862 : i1 to i32
        %sign3A_864 = arith.subi %sign3A_860, %sign3A_863 : i32
        %sign3A_865 = arith.constant 0 : i32
        %sign3A_866 = arith.cmpi sgt, %jit3A_856, %sign3A_865 : i32
        %sign3A_867 = arith.extui %sign3A_866 : i1 to i32
        %sign3A_868 = arith.constant 0 : i32
        %sign3A_869 = arith.cmpi slt, %jit3A_856, %sign3A_868 : i32
        %sign3A_870 = arith.extui %sign3A_869 : i1 to i32
        %sign3A_871 = arith.subi %sign3A_867, %sign3A_870 : i32
        %ne3A_872 = arith.cmpi ne, %sign3A_864, %sign3A_871 : i32
        %rem3A_873 = arith.remsi %add3A_654, %jit3A_856 : i32
        %ne3A_874 = arith.constant 0 : i32
        %ne3A_875 = arith.cmpi ne, %rem3A_873, %ne3A_874 : i32
        %and3A_876 = arith.andi %ne3A_872, %ne3A_875 : i1
        %sub3A_877 = arith.constant 1 : i32
        %sub3A_878 = arith.subi %div3A_857, %sub3A_877 : i32
        %select_n3A_879 = arith.select %and3A_876, %sub3A_878, %div3A_857 : i32
        %add3A_880 = arith.constant 48 : i32
        %add3A_881 = arith.addi %mul3A_758, %add3A_880 : i32
        %swap3A_882 = arith.index_cast %select_n3A_879 : i32 to index
        %swap3A_883 = arith.index_cast %add3A_881 : i32 to index
        %swap3A_884 = tpu.vector_load %arg11[%swap3A_882, %swap3A_883] {strides = array<i32>} : memref<64x128xf32, #tpu.memory_space<vmem>>, vector<1x16xf32>,
        %swap3A_885 = vector.shape_cast %swap3A_884 : vector<1x16xf32> to vector<16xf32>
        %swap3A_886 = vector.shape_cast %mul3A_855 : vector<16xf32> to vector<1x16xf32>
        tpu.vector_store %arg11[%swap3A_882, %swap3A_883], %swap3A_886 {strides = array<i32>} : memref<64x128xf32, #tpu.memory_space<vmem>>, vector<1x16xf32>,
        %mul3A_887 = arith.constant 4 : i32
        %mul3A_888 = arith.muli %scan3A_186, %mul3A_887 : i32
        %add3A_889 = arith.constant 3 : i32
        %add3A_890 = arith.addi %mul3A_888, %add3A_889 : i32
        %mul3A_891 = arith.constant 64 : i32
        %mul3A_892 = arith.muli %add3A_890, %mul3A_891 : i32
        %add3A_893 = arith.constant 0 : i32
        %add3A_894 = arith.addi %mul3A_892, %add3A_893 : i32
        %get3A_895 = arith.index_cast %add3A_894 : i32 to index
        %get3A_896 = tpu.vector_load %arg10[%get3A_895] {strides = array<i32>} : memref<8192xf32, #tpu.memory_space<vmem>>, vector<16xf32>,
        %get3A_897 = vector.shape_cast %get3A_896 : vector<16xf32> to vector<16xf32>
        %mul3A_898 = arith.constant 64 : i32
        %mul3A_899 = arith.muli %add3A_890, %mul3A_898 : i32
        %add3A_900 = arith.constant 16 : i32
        %add3A_901 = arith.addi %mul3A_899, %add3A_900 : i32
        %get3A_902 = arith.index_cast %add3A_901 : i32 to index
        %get3A_903 = tpu.vector_load %arg10[%get3A_902] {strides = array<i32>} : memref<8192xf32, #tpu.memory_space<vmem>>, vector<16xf32>,
        %get3A_904 = vector.shape_cast %get3A_903 : vector<16xf32> to vector<16xf32>
        %mul3A_905 = arith.constant 64 : i32
        %mul3A_906 = arith.muli %add3A_890, %mul3A_905 : i32
        %add3A_907 = arith.constant 32 : i32
        %add3A_908 = arith.addi %mul3A_906, %add3A_907 : i32
        %get3A_909 = arith.index_cast %add3A_908 : i32 to index
        %get3A_910 = tpu.vector_load %arg10[%get3A_909] {strides = array<i32>} : memref<8192xf32, #tpu.memory_space<vmem>>, vector<16xf32>,
        %get3A_911 = vector.shape_cast %get3A_910 : vector<16xf32> to vector<16xf32>
        %mul3A_912 = arith.constant 64 : i32
        %mul3A_913 = arith.muli %add3A_890, %mul3A_912 : i32
        %add3A_914 = arith.constant 48 : i32
        %add3A_915 = arith.addi %mul3A_913, %add3A_914 : i32
        %get3A_916 = arith.index_cast %add3A_915 : i32 to index
        %get3A_917 = tpu.vector_load %arg10[%get3A_916] {strides = array<i32>} : memref<8192xf32, #tpu.memory_space<vmem>>, vector<16xf32>,
        %get3A_918 = vector.shape_cast %get3A_917 : vector<16xf32> to vector<16xf32>
        %broadcast_in_dim3A_919 = arith.constant 0.000000e+00 : f32
        %broadcast_in_dim3A_920 = vector.broadcast %broadcast_in_dim3A_919 : f32 to vector<16xf32>
        %mul3A_921 = arith.mulf %get3A_897, %get3A_897 : vector<16xf32>
        %add3A_922 = arith.addf %broadcast_in_dim3A_920, %mul3A_921 : vector<16xf32>
        %mul3A_923 = arith.mulf %get3A_904, %get3A_904 : vector<16xf32>
        %add3A_924 = arith.addf %add3A_922, %mul3A_923 : vector<16xf32>
        %mul3A_925 = arith.mulf %get3A_911, %get3A_911 : vector<16xf32>
        %add3A_926 = arith.addf %add3A_924, %mul3A_925 : vector<16xf32>
        %mul3A_927 = arith.mulf %get3A_918, %get3A_918 : vector<16xf32>
        %add3A_928 = arith.addf %add3A_926, %mul3A_927 : vector<16xf32>
        %reshape3A_929 = vector.shape_cast %xor3A_34 : vector<16xi32> to vector<16x1xi32>
        %gather3A_930 = vector.shape_cast %reshape3A_929 : vector<16x1xi32> to vector<16xi32>
        %gather3A_931 = tpu.dynamic_gather %add3A_928[%gather3A_930] in [0] : vector<16xf32>, vector<16xi32> -> vector<16xf32>
        %add3A_932 = arith.addf %add3A_928, %gather3A_931 : vector<16xf32>
        %reshape3A_933 = vector.shape_cast %xor3A_37 : vector<16xi32> to vector<16x1xi32>
        %gather3A_934 = vector.shape_cast %reshape3A_933 : vector<16x1xi32> to vector<16xi32>
        %gather3A_935 = tpu.dynamic_gather %add3A_932[%gather3A_934] in [0] : vector<16xf32>, vector<16xi32> -> vector<16xf32>
        %add3A_936 = arith.addf %add3A_932, %gather3A_935 : vector<16xf32>
        %reshape3A_937 = vector.shape_cast %xor3A_40 : vector<16xi32> to vector<16x1xi32>
        %gather3A_938 = vector.shape_cast %reshape3A_937 : vector<16x1xi32> to vector<16xi32>
        %gather3A_939 = tpu.dynamic_gather %add3A_936[%gather3A_938] in [0] : vector<16xf32>, vector<16xi32> -> vector<16xf32>
        %add3A_940 = arith.addf %add3A_936, %gather3A_939 : vector<16xf32>
        %reshape3A_941 = vector.shape_cast %xor3A_43 : vector<16xi32> to vector<16x1xi32>
        %gather3A_942 = vector.shape_cast %reshape3A_941 : vector<16x1xi32> to vector<16xi32>
        %gather3A_943 = tpu.dynamic_gather %add3A_940[%gather3A_942] in [0] : vector<16xf32>, vector<16xi32> -> vector<16xf32>
        %add3A_944 = arith.addf %add3A_940, %gather3A_943 : vector<16xf32>
        %max3A_945 = arith.constant 1.000000e-24 : f32
        %max3A_946 = vector.broadcast %max3A_945 : f32 to vector<16xf32>
        %max3A_947 = arith.maximumf %add3A_944, %max3A_946 : vector<16xf32>
        %bitcast_convert_type3A_948 = tpu.bitcast %max3A_947 : vector<16xf32> -> vector<16xi32>
        %shift_right_logical3A_949 = arith.constant 1 : i32
        %shift_right_logical3A_950 = vector.broadcast %shift_right_logical3A_949 : i32 to vector<16xi32>
        %shift_right_logical3A_951 = arith.shrui %bitcast_convert_type3A_948, %shift_right_logical3A_950 : vector<16xi32>
        %sub3A_952 = arith.constant 1597463007 : i32
        %sub3A_953 = vector.broadcast %sub3A_952 : i32 to vector<16xi32>
        %sub3A_954 = arith.subi %sub3A_953, %shift_right_logical3A_951 : vector<16xi32>
        %bitcast_convert_type3A_955 = tpu.bitcast %sub3A_954 : vector<16xi32> -> vector<16xf32>
        %mul3A_956 = arith.constant 5.000000e-01 : f32
        %mul3A_957 = vector.broadcast %mul3A_956 : f32 to vector<16xf32>
        %mul3A_958 = arith.mulf %mul3A_957, %max3A_947 : vector<16xf32>
        %mul3A_959 = arith.mulf %mul3A_958, %bitcast_convert_type3A_955 : vector<16xf32>
        %mul3A_960 = arith.mulf %mul3A_959, %bitcast_convert_type3A_955 : vector<16xf32>
        %sub3A_961 = arith.constant 1.500000e+00 : f32
        %sub3A_962 = vector.broadcast %sub3A_961 : f32 to vector<16xf32>
        %sub3A_963 = arith.subf %sub3A_962, %mul3A_960 : vector<16xf32>
        %mul3A_964 = arith.mulf %bitcast_convert_type3A_955, %sub3A_963 : vector<16xf32>
        %mul3A_965 = arith.mulf %mul3A_958, %mul3A_964 : vector<16xf32>
        %mul3A_966 = arith.mulf %mul3A_965, %mul3A_964 : vector<16xf32>
        %sub3A_967 = arith.constant 1.500000e+00 : f32
        %sub3A_968 = vector.broadcast %sub3A_967 : f32 to vector<16xf32>
        %sub3A_969 = arith.subf %sub3A_968, %mul3A_966 : vector<16xf32>
        %mul3A_970 = arith.mulf %mul3A_964, %sub3A_969 : vector<16xf32>
        %mul3A_971 = arith.mulf %mul3A_958, %mul3A_970 : vector<16xf32>
        %mul3A_972 = arith.mulf %mul3A_971, %mul3A_970 : vector<16xf32>
        %sub3A_973 = arith.constant 1.500000e+00 : f32
        %sub3A_974 = vector.broadcast %sub3A_973 : f32 to vector<16xf32>
        %sub3A_975 = arith.subf %sub3A_974, %mul3A_972 : vector<16xf32>
        %mul3A_976 = arith.mulf %mul3A_970, %sub3A_975 : vector<16xf32>
        %jit3A_977 = arith.constant 2 : i32
        %eq3A_978 = arith.constant 0 : i32
        %eq3A_979 = arith.cmpi eq, %jit3A_977, %eq3A_978 : i32
        %jit3A_980 = arith.constant 1 : i32
        %select_n3A_981 = arith.select %eq3A_979, %jit3A_980, %jit3A_977 : i32
        %rem3A_982 = arith.remsi %add3A_890, %select_n3A_981 : i32
        %ne3A_983 = arith.constant 0 : i32
        %ne3A_984 = arith.cmpi ne, %rem3A_982, %ne3A_983 : i32
        %lt3A_985 = arith.constant 0 : i32
        %lt3A_986 = arith.cmpi slt, %rem3A_982, %lt3A_985 : i32
        %lt3A_987 = arith.constant 0 : i32
        %lt3A_988 = arith.cmpi slt, %select_n3A_981, %lt3A_987 : i32
        %ne3A_989 = arith.xori %lt3A_986, %lt3A_988 : i1
        %and3A_990 = arith.andi %ne3A_989, %ne3A_984 : i1
        %add3A_991 = arith.addi %rem3A_982, %select_n3A_981 : i32
        %select_n3A_992 = arith.select %and3A_990, %add3A_991, %rem3A_982 : i32
        %mul3A_993 = arith.constant 64 : i32
        %mul3A_994 = arith.muli %select_n3A_992, %mul3A_993 : i32
        %mul3A_995 = arith.mulf %get3A_897, %mul3A_976 : vector<16xf32>
        %jit3A_996 = arith.constant 2 : i32
        %div3A_997 = arith.divsi %add3A_890, %jit3A_996 : i32
        %sign3A_998 = arith.constant 0 : i32
        %sign3A_999 = arith.cmpi sgt, %add3A_890, %sign3A_998 : i32
        %sign3A_1000 = arith.extui %sign3A_999 : i1 to i32
        %sign3A_1001 = arith.constant 0 : i32
        %sign3A_1002 = arith.cmpi slt, %add3A_890, %sign3A_1001 : i32
        %sign3A_1003 = arith.extui %sign3A_1002 : i1 to i32
        %sign3A_1004 = arith.subi %sign3A_1000, %sign3A_1003 : i32
        %sign3A_1005 = arith.constant 0 : i32
        %sign3A_1006 = arith.cmpi sgt, %jit3A_996, %sign3A_1005 : i32
        %sign3A_1007 = arith.extui %sign3A_1006 : i1 to i32
        %sign3A_1008 = arith.constant 0 : i32
        %sign3A_1009 = arith.cmpi slt, %jit3A_996, %sign3A_1008 : i32
        %sign3A_1010 = arith.extui %sign3A_1009 : i1 to i32
        %sign3A_1011 = arith.subi %sign3A_1007, %sign3A_1010 : i32
        %ne3A_1012 = arith.cmpi ne, %sign3A_1004, %sign3A_1011 : i32
        %rem3A_1013 = arith.remsi %add3A_890, %jit3A_996 : i32
        %ne3A_1014 = arith.constant 0 : i32
        %ne3A_1015 = arith.cmpi ne, %rem3A_1013, %ne3A_1014 : i32
        %and3A_1016 = arith.andi %ne3A_1012, %ne3A_1015 : i1
        %sub3A_1017 = arith.constant 1 : i32
        %sub3A_1018 = arith.subi %div3A_997, %sub3A_1017 : i32
        %select_n3A_1019 = arith.select %and3A_1016, %sub3A_1018, %div3A_997 : i32
        %add3A_1020 = arith.constant 0 : i32
        %add3A_1021 = arith.addi %mul3A_994, %add3A_1020 : i32
        %swap3A_1022 = arith.index_cast %select_n3A_1019 : i32 to index
        %swap3A_1023 = arith.index_cast %add3A_1021 : i32 to index
        %swap3A_1024 = tpu.vector_load %arg11[%swap3A_1022, %swap3A_1023] {strides = array<i32>} : memref<64x128xf32, #tpu.memory_space<vmem>>, vector<1x16xf32>,
        %swap3A_1025 = vector.shape_cast %swap3A_1024 : vector<1x16xf32> to vector<16xf32>
        %swap3A_1026 = vector.shape_cast %mul3A_995 : vector<16xf32> to vector<1x16xf32>
        tpu.vector_store %arg11[%swap3A_1022, %swap3A_1023], %swap3A_1026 {strides = array<i32>} : memref<64x128xf32, #tpu.memory_space<vmem>>, vector<1x16xf32>,
        %mul3A_1027 = arith.mulf %get3A_904, %mul3A_976 : vector<16xf32>
        %jit3A_1028 = arith.constant 2 : i32
        %div3A_1029 = arith.divsi %add3A_890, %jit3A_1028 : i32
        %sign3A_1030 = arith.constant 0 : i32
        %sign3A_1031 = arith.cmpi sgt, %add3A_890, %sign3A_1030 : i32
        %sign3A_1032 = arith.extui %sign3A_1031 : i1 to i32
        %sign3A_1033 = arith.constant 0 : i32
        %sign3A_1034 = arith.cmpi slt, %add3A_890, %sign3A_1033 : i32
        %sign3A_1035 = arith.extui %sign3A_1034 : i1 to i32
        %sign3A_1036 = arith.subi %sign3A_1032, %sign3A_1035 : i32
        %sign3A_1037 = arith.constant 0 : i32
        %sign3A_1038 = arith.cmpi sgt, %jit3A_1028, %sign3A_1037 : i32
        %sign3A_1039 = arith.extui %sign3A_1038 : i1 to i32
        %sign3A_1040 = arith.constant 0 : i32
        %sign3A_1041 = arith.cmpi slt, %jit3A_1028, %sign3A_1040 : i32
        %sign3A_1042 = arith.extui %sign3A_1041 : i1 to i32
        %sign3A_1043 = arith.subi %sign3A_1039, %sign3A_1042 : i32
        %ne3A_1044 = arith.cmpi ne, %sign3A_1036, %sign3A_1043 : i32
        %rem3A_1045 = arith.remsi %add3A_890, %jit3A_1028 : i32
        %ne3A_1046 = arith.constant 0 : i32
        %ne3A_1047 = arith.cmpi ne, %rem3A_1045, %ne3A_1046 : i32
        %and3A_1048 = arith.andi %ne3A_1044, %ne3A_1047 : i1
        %sub3A_1049 = arith.constant 1 : i32
        %sub3A_1050 = arith.subi %div3A_1029, %sub3A_1049 : i32
        %select_n3A_1051 = arith.select %and3A_1048, %sub3A_1050, %div3A_1029 : i32
        %add3A_1052 = arith.constant 16 : i32
        %add3A_1053 = arith.addi %mul3A_994, %add3A_1052 : i32
        %swap3A_1054 = arith.index_cast %select_n3A_1051 : i32 to index
        %swap3A_1055 = arith.index_cast %add3A_1053 : i32 to index
        %swap3A_1056 = tpu.vector_load %arg11[%swap3A_1054, %swap3A_1055] {strides = array<i32>} : memref<64x128xf32, #tpu.memory_space<vmem>>, vector<1x16xf32>,
        %swap3A_1057 = vector.shape_cast %swap3A_1056 : vector<1x16xf32> to vector<16xf32>
        %swap3A_1058 = vector.shape_cast %mul3A_1027 : vector<16xf32> to vector<1x16xf32>
        tpu.vector_store %arg11[%swap3A_1054, %swap3A_1055], %swap3A_1058 {strides = array<i32>} : memref<64x128xf32, #tpu.memory_space<vmem>>, vector<1x16xf32>,
        %mul3A_1059 = arith.mulf %get3A_911, %mul3A_976 : vector<16xf32>
        %jit3A_1060 = arith.constant 2 : i32
        %div3A_1061 = arith.divsi %add3A_890, %jit3A_1060 : i32
        %sign3A_1062 = arith.constant 0 : i32
        %sign3A_1063 = arith.cmpi sgt, %add3A_890, %sign3A_1062 : i32
        %sign3A_1064 = arith.extui %sign3A_1063 : i1 to i32
        %sign3A_1065 = arith.constant 0 : i32
        %sign3A_1066 = arith.cmpi slt, %add3A_890, %sign3A_1065 : i32
        %sign3A_1067 = arith.extui %sign3A_1066 : i1 to i32
        %sign3A_1068 = arith.subi %sign3A_1064, %sign3A_1067 : i32
        %sign3A_1069 = arith.constant 0 : i32
        %sign3A_1070 = arith.cmpi sgt, %jit3A_1060, %sign3A_1069 : i32
        %sign3A_1071 = arith.extui %sign3A_1070 : i1 to i32
        %sign3A_1072 = arith.constant 0 : i32
        %sign3A_1073 = arith.cmpi slt, %jit3A_1060, %sign3A_1072 : i32
        %sign3A_1074 = arith.extui %sign3A_1073 : i1 to i32
        %sign3A_1075 = arith.subi %sign3A_1071, %sign3A_1074 : i32
        %ne3A_1076 = arith.cmpi ne, %sign3A_1068, %sign3A_1075 : i32
        %rem3A_1077 = arith.remsi %add3A_890, %jit3A_1060 : i32
        %ne3A_1078 = arith.constant 0 : i32
        %ne3A_1079 = arith.cmpi ne, %rem3A_1077, %ne3A_1078 : i32
        %and3A_1080 = arith.andi %ne3A_1076, %ne3A_1079 : i1
        %sub3A_1081 = arith.constant 1 : i32
        %sub3A_1082 = arith.subi %div3A_1061, %sub3A_1081 : i32
        %select_n3A_1083 = arith.select %and3A_1080, %sub3A_1082, %div3A_1061 : i32
        %add3A_1084 = arith.constant 32 : i32
        %add3A_1085 = arith.addi %mul3A_994, %add3A_1084 : i32
        %swap3A_1086 = arith.index_cast %select_n3A_1083 : i32 to index
        %swap3A_1087 = arith.index_cast %add3A_1085 : i32 to index
        %swap3A_1088 = tpu.vector_load %arg11[%swap3A_1086, %swap3A_1087] {strides = array<i32>} : memref<64x128xf32, #tpu.memory_space<vmem>>, vector<1x16xf32>,
        %swap3A_1089 = vector.shape_cast %swap3A_1088 : vector<1x16xf32> to vector<16xf32>
        %swap3A_1090 = vector.shape_cast %mul3A_1059 : vector<16xf32> to vector<1x16xf32>
        tpu.vector_store %arg11[%swap3A_1086, %swap3A_1087], %swap3A_1090 {strides = array<i32>} : memref<64x128xf32, #tpu.memory_space<vmem>>, vector<1x16xf32>,
        %mul3A_1091 = arith.mulf %get3A_918, %mul3A_976 : vector<16xf32>
        %jit3A_1092 = arith.constant 2 : i32
        %div3A_1093 = arith.divsi %add3A_890, %jit3A_1092 : i32
        %sign3A_1094 = arith.constant 0 : i32
        %sign3A_1095 = arith.cmpi sgt, %add3A_890, %sign3A_1094 : i32
        %sign3A_1096 = arith.extui %sign3A_1095 : i1 to i32
        %sign3A_1097 = arith.constant 0 : i32
        %sign3A_1098 = arith.cmpi slt, %add3A_890, %sign3A_1097 : i32
        %sign3A_1099 = arith.extui %sign3A_1098 : i1 to i32
        %sign3A_1100 = arith.subi %sign3A_1096, %sign3A_1099 : i32
        %sign3A_1101 = arith.constant 0 : i32
        %sign3A_1102 = arith.cmpi sgt, %jit3A_1092, %sign3A_1101 : i32
        %sign3A_1103 = arith.extui %sign3A_1102 : i1 to i32
        %sign3A_1104 = arith.constant 0 : i32
        %sign3A_1105 = arith.cmpi slt, %jit3A_1092, %sign3A_1104 : i32
        %sign3A_1106 = arith.extui %sign3A_1105 : i1 to i32
        %sign3A_1107 = arith.subi %sign3A_1103, %sign3A_1106 : i32
        %ne3A_1108 = arith.cmpi ne, %sign3A_1100, %sign3A_1107 : i32
        %rem3A_1109 = arith.remsi %add3A_890, %jit3A_1092 : i32
        %ne3A_1110 = arith.constant 0 : i32
        %ne3A_1111 = arith.cmpi ne, %rem3A_1109, %ne3A_1110 : i32
        %and3A_1112 = arith.andi %ne3A_1108, %ne3A_1111 : i1
        %sub3A_1113 = arith.constant 1 : i32
        %sub3A_1114 = arith.subi %div3A_1093, %sub3A_1113 : i32
        %select_n3A_1115 = arith.select %and3A_1112, %sub3A_1114, %div3A_1093 : i32
        %add3A_1116 = arith.constant 48 : i32
        %add3A_1117 = arith.addi %mul3A_994, %add3A_1116 : i32
        %swap3A_1118 = arith.index_cast %select_n3A_1115 : i32 to index
        %swap3A_1119 = arith.index_cast %add3A_1117 : i32 to index
        %swap3A_1120 = tpu.vector_load %arg11[%swap3A_1118, %swap3A_1119] {strides = array<i32>} : memref<64x128xf32, #tpu.memory_space<vmem>>, vector<1x16xf32>,
        %swap3A_1121 = vector.shape_cast %swap3A_1120 : vector<1x16xf32> to vector<16xf32>
        %swap3A_1122 = vector.shape_cast %mul3A_1091 : vector<16xf32> to vector<1x16xf32>
        tpu.vector_store %arg11[%swap3A_1118, %swap3A_1119], %swap3A_1122 {strides = array<i32>} : memref<64x128xf32, #tpu.memory_space<vmem>>, vector<1x16xf32>,
      }
      %scan3A_138 = arith.constant 32 : i32
      %mul3A_139 = arith.constant 128 : i32
      %mul3A_140 = arith.muli %add3A_61, %mul3A_139 : i32
      %add3A_141 = arith.addi %mul3A_32, %mul3A_140 : i32
      %jit3A_142 = arith.constant 2 : i32
      %div3A_143 = arith.divsi %add3A_141, %jit3A_142 : i32
      %sign3A_144 = arith.constant 0 : i32
      %sign3A_145 = arith.cmpi sgt, %add3A_141, %sign3A_144 : i32
      %sign3A_146 = arith.extui %sign3A_145 : i1 to i32
      %sign3A_147 = arith.constant 0 : i32
      %sign3A_148 = arith.cmpi slt, %add3A_141, %sign3A_147 : i32
      %sign3A_149 = arith.extui %sign3A_148 : i1 to i32
      %sign3A_150 = arith.subi %sign3A_146, %sign3A_149 : i32
      %sign3A_151 = arith.constant 0 : i32
      %sign3A_152 = arith.cmpi sgt, %jit3A_142, %sign3A_151 : i32
      %sign3A_153 = arith.extui %sign3A_152 : i1 to i32
      %sign3A_154 = arith.constant 0 : i32
      %sign3A_155 = arith.cmpi slt, %jit3A_142, %sign3A_154 : i32
      %sign3A_156 = arith.extui %sign3A_155 : i1 to i32
      %sign3A_157 = arith.subi %sign3A_153, %sign3A_156 : i32
      %ne3A_158 = arith.cmpi ne, %sign3A_150, %sign3A_157 : i32
      %rem3A_159 = arith.remsi %add3A_141, %jit3A_142 : i32
      %ne3A_160 = arith.constant 0 : i32
      %ne3A_161 = arith.cmpi ne, %rem3A_159, %ne3A_160 : i32
      %and3A_162 = arith.andi %ne3A_158, %ne3A_161 : i1
      %sub3A_163 = arith.constant 1 : i32
      %sub3A_164 = arith.subi %div3A_143, %sub3A_163 : i32
      %select_n3A_165 = arith.select %and3A_162, %sub3A_164, %div3A_143 : i32
      %eq3A_166 = arith.constant 0 : i32
      %eq3A_167 = arith.cmpi eq, %select_n3A, %eq3A_166 : i32
      %convert_element_type3A_168 = arith.extui %eq3A_167 : i1 to i32
      %cond3A_169 = arith.constant 0 : i32
      %cond3A_170 = arith.cmpi ne, %convert_element_type3A_168, %cond3A_169 : i32
      scf.if %cond3A_170 {
        "tpu.region"() ({
          %run_scoped3A = tpu.sem_alloc : memref<!tpu.dma_semaphore, #tpu.memory_space<semaphore_mem>>
          %dma_start3A = arith.constant 0 : i32
          %dma_start3A_186 = tpu.memref_slice %arg4[%select_n3A_165, %dma_start3A] : memref<8192x128xf32, #tpu.memory_space<hbm>> -> memref<64x128xf32, #tpu.memory_space<hbm>>
          %dma_start3A_187 = arith.constant 0 : i32
          %dma_start3A_188 = tpu.memref_slice %arg4[%select_n3A_165, %dma_start3A_187] : memref<8192x128xf32, #tpu.memory_space<hbm>> -> memref<64x128xf32, #tpu.memory_space<hbm>>
          tpu.enqueue_dma source(%arg11 : memref<64x128xf32, #tpu.memory_space<vmem>>) target(%dma_start3A_188 : memref<64x128xf32, #tpu.memory_space<hbm>>) target_semaphore(%run_scoped3A : memref<!tpu.dma_semaphore, #tpu.memory_space<semaphore_mem>>)
          %dma_wait3A_189 = arith.constant 0 : i32
          %dma_wait3A_190 = tpu.memref_slice %arg4[%select_n3A_165, %dma_wait3A_189] : memref<8192x128xf32, #tpu.memory_space<hbm>> -> memref<64x128xf32, #tpu.memory_space<hbm>>
          %dma_wait3A_191 = arith.constant 0 : i32
          %dma_wait3A_192 = tpu.memref_slice %arg4[%select_n3A_165, %dma_wait3A_191] : memref<8192x128xf32, #tpu.memory_space<hbm>> -> memref<64x128xf32, #tpu.memory_space<hbm>>
          tpu.wait_dma2 semaphore(%run_scoped3A : memref<!tpu.dma_semaphore, #tpu.memory_space<semaphore_mem>>) src(%arg11 : memref<64x128xf32, #tpu.memory_space<vmem>>) dst(%dma_wait3A_192 : memref<64x128xf32, #tpu.memory_space<hbm>>)
          tpu.yield
        }) : () -> ()
      } else {
      }
      %eq3A_171 = arith.constant 1 : i32
      %eq3A_172 = arith.cmpi eq, %select_n3A, %eq3A_171 : i32
      %convert_element_type3A_173 = arith.extui %eq3A_172 : i1 to i32
      %cond3A_174 = arith.constant 0 : i32
      %cond3A_175 = arith.cmpi ne, %convert_element_type3A_173, %cond3A_174 : i32
      scf.if %cond3A_175 {
        "tpu.region"() ({
          %run_scoped3A = tpu.sem_alloc : memref<!tpu.dma_semaphore, #tpu.memory_space<semaphore_mem>>
          %dma_start3A = arith.constant 0 : i32
          %dma_start3A_186 = tpu.memref_slice %arg5[%select_n3A_165, %dma_start3A] : memref<8192x128xf32, #tpu.memory_space<hbm>> -> memref<64x128xf32, #tpu.memory_space<hbm>>
          %dma_start3A_187 = arith.constant 0 : i32
          %dma_start3A_188 = tpu.memref_slice %arg5[%select_n3A_165, %dma_start3A_187] : memref<8192x128xf32, #tpu.memory_space<hbm>> -> memref<64x128xf32, #tpu.memory_space<hbm>>
          tpu.enqueue_dma source(%arg11 : memref<64x128xf32, #tpu.memory_space<vmem>>) target(%dma_start3A_188 : memref<64x128xf32, #tpu.memory_space<hbm>>) target_semaphore(%run_scoped3A : memref<!tpu.dma_semaphore, #tpu.memory_space<semaphore_mem>>)
          %dma_wait3A_189 = arith.constant 0 : i32
          %dma_wait3A_190 = tpu.memref_slice %arg5[%select_n3A_165, %dma_wait3A_189] : memref<8192x128xf32, #tpu.memory_space<hbm>> -> memref<64x128xf32, #tpu.memory_space<hbm>>
          %dma_wait3A_191 = arith.constant 0 : i32
          %dma_wait3A_192 = tpu.memref_slice %arg5[%select_n3A_165, %dma_wait3A_191] : memref<8192x128xf32, #tpu.memory_space<hbm>> -> memref<64x128xf32, #tpu.memory_space<hbm>>
          tpu.wait_dma2 semaphore(%run_scoped3A : memref<!tpu.dma_semaphore, #tpu.memory_space<semaphore_mem>>) src(%arg11 : memref<64x128xf32, #tpu.memory_space<vmem>>) dst(%dma_wait3A_192 : memref<64x128xf32, #tpu.memory_space<hbm>>)
          tpu.yield
        }) : () -> ()
      } else {
      }
      %eq3A_176 = arith.constant 2 : i32
      %eq3A_177 = arith.cmpi eq, %select_n3A, %eq3A_176 : i32
      %convert_element_type3A_178 = arith.extui %eq3A_177 : i1 to i32
      %cond3A_179 = arith.constant 0 : i32
      %cond3A_180 = arith.cmpi ne, %convert_element_type3A_178, %cond3A_179 : i32
      scf.if %cond3A_180 {
        "tpu.region"() ({
          %run_scoped3A = tpu.sem_alloc : memref<!tpu.dma_semaphore, #tpu.memory_space<semaphore_mem>>
          %dma_start3A = arith.constant 0 : i32
          %dma_start3A_186 = tpu.memref_slice %arg6[%select_n3A_165, %dma_start3A] : memref<8192x128xf32, #tpu.memory_space<hbm>> -> memref<64x128xf32, #tpu.memory_space<hbm>>
          %dma_start3A_187 = arith.constant 0 : i32
          %dma_start3A_188 = tpu.memref_slice %arg6[%select_n3A_165, %dma_start3A_187] : memref<8192x128xf32, #tpu.memory_space<hbm>> -> memref<64x128xf32, #tpu.memory_space<hbm>>
          tpu.enqueue_dma source(%arg11 : memref<64x128xf32, #tpu.memory_space<vmem>>) target(%dma_start3A_188 : memref<64x128xf32, #tpu.memory_space<hbm>>) target_semaphore(%run_scoped3A : memref<!tpu.dma_semaphore, #tpu.memory_space<semaphore_mem>>)
          %dma_wait3A_189 = arith.constant 0 : i32
          %dma_wait3A_190 = tpu.memref_slice %arg6[%select_n3A_165, %dma_wait3A_189] : memref<8192x128xf32, #tpu.memory_space<hbm>> -> memref<64x128xf32, #tpu.memory_space<hbm>>
          %dma_wait3A_191 = arith.constant 0 : i32
          %dma_wait3A_192 = tpu.memref_slice %arg6[%select_n3A_165, %dma_wait3A_191] : memref<8192x128xf32, #tpu.memory_space<hbm>> -> memref<64x128xf32, #tpu.memory_space<hbm>>
          tpu.wait_dma2 semaphore(%run_scoped3A : memref<!tpu.dma_semaphore, #tpu.memory_space<semaphore_mem>>) src(%arg11 : memref<64x128xf32, #tpu.memory_space<vmem>>) dst(%dma_wait3A_192 : memref<64x128xf32, #tpu.memory_space<hbm>>)
          tpu.yield
        }) : () -> ()
      } else {
      }
      %eq3A_181 = arith.constant 3 : i32
      %eq3A_182 = arith.cmpi eq, %select_n3A, %eq3A_181 : i32
      %convert_element_type3A_183 = arith.extui %eq3A_182 : i1 to i32
      %cond3A_184 = arith.constant 0 : i32
      %cond3A_185 = arith.cmpi ne, %convert_element_type3A_183, %cond3A_184 : i32
      scf.if %cond3A_185 {
        "tpu.region"() ({
          %run_scoped3A = tpu.sem_alloc : memref<!tpu.dma_semaphore, #tpu.memory_space<semaphore_mem>>
          %dma_start3A = arith.constant 0 : i32
          %dma_start3A_186 = tpu.memref_slice %arg7[%select_n3A_165, %dma_start3A] : memref<8192x128xf32, #tpu.memory_space<hbm>> -> memref<64x128xf32, #tpu.memory_space<hbm>>
          %dma_start3A_187 = arith.constant 0 : i32
          %dma_start3A_188 = tpu.memref_slice %arg7[%select_n3A_165, %dma_start3A_187] : memref<8192x128xf32, #tpu.memory_space<hbm>> -> memref<64x128xf32, #tpu.memory_space<hbm>>
          tpu.enqueue_dma source(%arg11 : memref<64x128xf32, #tpu.memory_space<vmem>>) target(%dma_start3A_188 : memref<64x128xf32, #tpu.memory_space<hbm>>) target_semaphore(%run_scoped3A : memref<!tpu.dma_semaphore, #tpu.memory_space<semaphore_mem>>)
          %dma_wait3A_189 = arith.constant 0 : i32
          %dma_wait3A_190 = tpu.memref_slice %arg7[%select_n3A_165, %dma_wait3A_189] : memref<8192x128xf32, #tpu.memory_space<hbm>> -> memref<64x128xf32, #tpu.memory_space<hbm>>
          %dma_wait3A_191 = arith.constant 0 : i32
          %dma_wait3A_192 = tpu.memref_slice %arg7[%select_n3A_165, %dma_wait3A_191] : memref<8192x128xf32, #tpu.memory_space<hbm>> -> memref<64x128xf32, #tpu.memory_space<hbm>>
          tpu.wait_dma2 semaphore(%run_scoped3A : memref<!tpu.dma_semaphore, #tpu.memory_space<semaphore_mem>>) src(%arg11 : memref<64x128xf32, #tpu.memory_space<vmem>>) dst(%dma_wait3A_192 : memref<64x128xf32, #tpu.memory_space<hbm>>)
          tpu.yield
        }) : () -> ()
      } else {
      }
    }
    %scan3A_54 = arith.constant 8 : i32
    return
  }
}

</mosaic_0001>

<sc_bundles>
// kernel: _gather_normalize.3.cloned.1.call-start
scs
__scs_entry_jumppad:
0x0: {  	(pc) =	sbr.rel $0x88, $3  }
0x1: {  	(tag) =	ssettag $0x0;
	lr =	simm.s32 $0x1  }
0x2: {  	[smem:$0x3F9F] =	sst lr;
	_ =	strace $0xD0000000  }
0x3: {  	_ = 	snop  }
0x4: {  	_ = 	snop  }
0x5: {  	_ = 	snop  }
0x6: {  	_ = 	snop  }
0x7: {  	_ = 	snop  }
__scs_overlays_trampoline_lowered:
0x8: {  	[smem:$0x3FAE] =	sst s0  }
0x9: {  	[smem:$0x3FAF] =	sst s1  }
0xa: {  	[smem:$0x3FB0] =	sst s2  }
0xb: {  	[smem:$0x3FB1] =	sst s3  }
0xc: {  	[smem:$0x3FB2] =	sst s4  }
0xd: {  	[smem:$0x3FB3] =	sst s5  }
0xe: {  	[smem:$0x3FB4] =	sst s6  }
0xf: {  	[smem:$0x3FB5] =	sst s7  }
0x10: {  	[smem:$0x3FB6] =	sst s8  }
0x11: {  	[smem:$0x3FB7] =	sst s9;
	s0 =	simm.s32 @!p0 $0x0  }
0x12: {  	s1 =	sld [smem:$0x3F9D];
	s0 =	simm.s32 @p0 $0x1  }
0x13: {  	[smem:$0x3FB8] =	sst s0;
	s0 =	simm.s32 @!p1 $0x0  }
0x14: {  	s2 =	sld [smem:$0x3F9C];
	s0 =	simm.s32 @p1 $0x1  }
0x15: {  	[smem:$0x3FB9] =	sst s0;
	s0 =	simm.s32 @!p2 $0x0  }
0x16: {  	s3 =	sld [smem:$0x3FDB];
	s0 =	simm.s32 @p2 $0x1  }
0x17: {  	s4 =	simm.s32 $0x1BF5;
	[smem:$0x3FBB] =	sst s0  }
0x18: {  	s0 =	sld [smem:$0x3F9E];
	_ =	swait.ge [sflag:s4], $0x0  }
0x19: {  	s7 =	sld [smem:$0x3F9F]  }
0x1a: {  	s8 =	sadd.s32 $0xFFFFE003, lr  }
0x1b: {  	s9 =	sadd.s32 $0xFFFFFEF7, lr;
	s5 =	simm.s32 $0xFFFFFFFF;
	p2 =	slt.u32 s8, $0xFFFFF086  }
0x1c: {  	p1 =	slt.u32 s9, $0xF7A;
	s5 =	simm.s32 @!p2 $0x0  }
0x1d: {  	s5 =	simm.s32 @p1 $0x1;
	p0 =	seq.s32 s7, s2  }
0x1e: {  	s7 =	smul.u32 @!p0 $0xF7A, s2;
	p2 =	seq.s32 @!p0 s5, $0x0  }
0x1f: {  	s9 =	smul.u32 $0xF7A, s1;
	s8 =	simm.s32 @!p0 $0x1BF5;
	p2 =	por !p2, p0  }
0x20: {  	[sflag:s8] =	ssyncset.s32 @!p0 $0xFFFFF086;
	s6 =	sadd.s32 @!p0 s3, s7;
	s7 =	simm.s32 @!p0 $0x108  }
0x21: {  	s3 =	sadd.s32 s3, s9;
	s6 =	sadd.s32 @!p0 $0x88, s6;
	s7 =	simm.s32 @p2 $0x1082  }
0x22: {  	[simem:s7], [sflag:s8] =	dma.local @!p0 [hbm:s6], $0xF7A  }
0x23: {  	s9 =	sor.u32 $0xD0000000, s2;
	s6 =	simm.s32 $0x108;
	_ =	swait.ge @!p0 [sflag:s8], $0x0  }
0x24: {  	s3 =	sadd.s32 $0x88, s3;
	s6 =	simm.s32 @!p1 $0x1082;
	[sflag:s4] =	ssyncset.s32 $0xFFFFF086  }
0x25: {  	[simem:s6], [sflag:s4] =	dma.local [hbm:s3], $0xF7A  }
0x26: {  	[smem:$0x3F9F] =	sst s1;
	(tag) =	ssettag s2;
	_ =	strace s9  }
0x27: {  	s1 =	sld [smem:$0x3FAF]  }
0x28: {  	s2 =	sld [smem:$0x3FB0]  }
0x29: {  	s4 =	sld [smem:$0x3FB2]  }
0x2a: {  	p0 =	seq.s32 s5, $0x0;
	s5 =	sld [smem:$0x3FB3]  }
0x2b: {  	s6 =	sld [smem:$0x3FB4]  }
0x2c: {  	s7 =	sld [smem:$0x3FB5]  }
0x2d: {  	s3 =	simm.s32 $0x108;
	s8 =	sld [smem:$0x3FB6]  }
0x2e: {  	s3 =	simm.s32 @!p0 $0x1082;
	s9 =	sld [smem:$0x3FB7]  }
0x2f: {  	lr =	sadd.s32 s0, s3;
	s0 =	sld [smem:$0x3FAE]  }
0x30: {  	s3 =	sld [smem:$0x3FB1]  }
0x31: {  	[smem:$0x3FBA] =	sst s10  }
0x32: {  	s10 =	sld [smem:$0x3FB8];
	_ =	sdelay $0x3  }
0x33: {  	p0 =	seq.s32 s10, $0x1;
	s10 =	sld [smem:$0x3FBA];
	_ =	sdelay $0x3  }
0x34: {  	[smem:$0x3FBA] =	sst s10  }
0x35: {  	s10 =	sld [smem:$0x3FB9];
	_ =	sdelay $0x3  }
0x36: {  	p1 =	seq.s32 s10, $0x1;
	s10 =	sld [smem:$0x3FBA];
	_ =	sdelay $0x3  }
0x37: {  	[smem:$0x3FBA] =	sst s10  }
0x38: {  	s10 =	sld [smem:$0x3FBB]  }
0x39: {  	_ = 	snop;
	(pc) =	sbr.ind lr, $3  }
0x3a: {  	_ = 	snop  }
0x3b: {  	_ = 	snop  }
0x3c: {  	p2 =	seq.s32 s10, $0x1;
	s10 =	sld [smem:$0x3FBA]  }
0x3d: {  	_ =	shalt  }
0x3e: {  	_ =	shalt  }
0x3f: {  	_ =	shalt  }
0x40: {  	_ =	shalt  }
0x41: {  	_ =	shalt  }
0x42: {  	_ =	shalt  }
0x43: {  	_ =	shalt  }
0x44: {  	_ =	shalt  }
0x45: {  	_ =	shalt  }
0x46: {  	_ =	shalt  }
0x47: {  	_ =	shalt  }
0x48: {  	_ =	shalt  }
0x49: {  	_ =	shalt  }
0x4a: {  	_ =	shalt  }
0x4b: {  	_ =	shalt  }
0x4c: {  	_ =	shalt  }
0x4d: {  	_ =	shalt  }
0x4e: {  	_ =	shalt  }
0x4f: {  	_ =	shalt  }
0x50: {  	_ =	shalt  }
0x51: {  	_ =	shalt  }
0x52: {  	_ =	shalt  }
0x53: {  	_ =	shalt  }
0x54: {  	_ =	shalt  }
0x55: {  	_ =	shalt  }
0x56: {  	_ =	shalt  }
0x57: {  	_ =	shalt  }
0x58: {  	_ =	shalt  }
0x59: {  	_ =	shalt  }
0x5a: {  	_ =	shalt  }
0x5b: {  	_ =	shalt  }
0x5c: {  	_ =	shalt  }
0x5d: {  	_ =	shalt  }
0x5e: {  	_ =	shalt  }
0x5f: {  	_ =	shalt  }
0x60: {  	_ =	shalt  }
0x61: {  	_ =	shalt  }
0x62: {  	_ =	shalt  }
0x63: {  	_ =	shalt  }
0x64: {  	_ =	shalt  }
0x65: {  	_ =	shalt  }
0x66: {  	_ =	shalt  }
0x67: {  	_ =	shalt  }
0x68: {  	_ =	shalt  }
0x69: {  	_ =	shalt  }
0x6a: {  	_ =	shalt  }
0x6b: {  	_ =	shalt  }
0x6c: {  	_ =	shalt  }
0x6d: {  	_ =	shalt  }
0x6e: {  	_ =	shalt  }
0x6f: {  	_ =	shalt  }
0x70: {  	_ =	shalt  }
0x71: {  	_ =	shalt  }
0x72: {  	_ =	shalt  }
0x73: {  	_ =	shalt  }
0x74: {  	_ =	shalt  }
0x75: {  	_ =	shalt  }
0x76: {  	_ =	shalt  }
0x77: {  	_ =	shalt  }
0x78: {  	_ =	shalt  }
0x79: {  	_ =	shalt  }
0x7a: {  	_ =	shalt  }
0x7b: {  	_ =	shalt  }
0x7c: {  	_ =	shalt  }
0x7d: {  	_ =	shalt  }
0x7e: {  	_ =	shalt  }
0x7f: {  	_ =	shalt  }
0x80: {  	_ =	shalt  }
0x81: {  	_ =	shalt  }
0x82: {  	_ =	shalt  }
0x83: {  	_ =	shalt  }
0x84: {  	_ =	shalt  }
0x85: {  	_ =	shalt  }
0x86: {  	_ =	shalt  }
0x87: {  	_ =	shalt  }
.Lfunc_end0:
.L_simem_size_0:
called_computation_lowered:
.L_overlay_start_0:
0x88: {  	s2 =	sld [smem:$0x3FD9]  }
0x89: {  	s3 =	sld [smem:$0x3FFE];
	_ =	sdelay $0x1  }
0x8a: {  	s1 =	srdreg.scid  }
0x8b: {  	s0 =	sand.u32 $0x1, s1  }
0x8c: {  	s15 =	sshll.u32 s0, $0xA;
	s2 =	sadd.s32 s3, s2  }
0x8d: {  	s2 =	sadd.s32 s2, s15  }
0x8e: {  	[smem:$0x3FC6] =	sst s2  }
0x8f: {  	_ = 	snop  }
0x90: {  	s2 =	sld [smem:$0x3FD0];
	_ =	sdelay $0x1  }
0x91: {  	s16 =	sld [smem:$0x3FC9]  }
0x92: {  	s5 =	simm.s32 $0xA;
	s6 =	simm.s32 $0x10;
	s4 =	sld [smem:$0x3FC8]  }
0x93: {  	[smem:s6], [sflag:s5] =	dma.local [hbm:s2], $0x1  }
0x94: {  	_ =	swait.eq [sflag:s5], $0x1  }
0x95: {  	s17 =	sld [smem:$0x10]  }
0x96: {  	s18 =	sld [smem:$0x11];
	[sflag:s5] =	ssyncset.done $0x0  }
0x97: {  	s7 =	sld [smem:$0x12];
	[sflag:s5] =	ssyncadd.s32 $0xFFFFFFFF  }
0x98: {  	s19 =	sld [smem:$0x13];
	(tm) =	ssettm $0x1  }
0x99: {  	s8 =	sld [smem:$0x3FFB];
	_ =	sdelay $0x3  }
0x9a: {  	_ =	strace s8  }
0x9b: {  	s8 =	sld [smem:$0x3FFC];
	_ =	sdelay $0x3  }
0x9c: {  	_ =	strace s8  }
0x9d: {  	s8 =	sld [smem:$0x3FFD];
	_ =	sdelay $0x3  }
0x9e: {  	_ =	strace s8  }
0x9f: {  	_ =	strace $0x8FFFFFFF  }
0xa0: {  	s20 =	sld [smem:$0x3FDB];
	_ =	sdelay $0x1  }
0xa1: {  	s9 =	simm.s32 $_scs_section_size  }
0xa2: {  	s10 =	simm.s32 $_size__tile_overlayer_lowered;
	s11 =	simm.s32 $_tile_overlayer_lowered  }
0xa3: {  	s23 =	simm.s32 $0x1BFF;
	s22 =	sshll.u32 s11, $0x1;
	s8 =	sadd.s32 s9, s20  }
0xa4: {  	s12 =	simm.s32 $0x0;
	s21 =	sshll.u32 s10, $0x1;
	s10 =	sadd.s32 s22, s8  }
0xa5: {  	[timem:s12], [sflag:s23] =	dma.local [hbm:s10], s21  }
0xa6: {  	_ =	swait.ge [sflag:s23], s21  }
0xa7: {  	s9 =	ssub.s32 $0x0, s21;
	[sflag:s23] =	ssyncset.done $0x0  }
0xa8: {  	[sflag:s23] =	ssyncadd.s32 s9;
	_ =	sdelay $0x1  }
0xa9: {  	s24 =	simm.s32 $0x1B8B  }
0xaa: {  	_ =	swait.ge [sflag:s24], $0x1  }
0xab: {  	[sflag:s24] =	ssyncset.done $0x0  }
0xac: {  	s25 =	simm.s32 $0x1B8E;
	[sflag:s24] =	ssyncadd.s32 $0xFFFFFFFF  }
0xad: {  	s26 =	simm.s32 $execute0_lowered;
	[smem:$0x3FD2] =	sst s25  }
0xae: {  	s9 =	sshll.u32 s26, $0x1;
	_ =	strace $0x80000046;
	[dreg:$0x1] =	wrdreg $0xFFFFFFFF  }
0xaf: {  	s28 =	simm.s32 $_size_execute0_lowered;
	s8 =	sadd.s32 s8, s9;
	[dreg:$0x0] =	wrdreg $0x0  }
0xb0: {  	s9 =	sshll.u32 s28, $0x1;
	[dreg:$0x2] =	wrdreg s8  }
0xb1: {  	[dreg:$0x3] =	wrdreg s9  }
0xb2: {  	[dreg:$0x4] =	wrdreg $0xC0  }
0xb3: {  	_ =	task [dreg:s12], $0x5FFFF  }
0xb4: {  	[dreg:$0x1] =	wrdreg $0xFFFFFFFF  }
0xb5: {  	[dreg:$0x0] =	wrdreg $0x60  }
0xb6: {  	[dreg:$0x2] =	wrdreg s16  }
0xb7: {  	[dreg:$0x3] =	wrdreg s4  }
0xb8: {  	[dreg:$0x4] =	wrdreg s17  }
0xb9: {  	[dreg:$0x5] =	wrdreg s18  }
0xba: {  	[dreg:$0x6] =	wrdreg s7  }
0xbb: {  	[dreg:$0x7] =	wrdreg s19  }
0xbc: {  	[dreg:$0x8] =	wrdreg $0x9  }
0xbd: {  	_ =	task.clear_ibuf [dreg:s12], $0x9FFFF;
	_ =	strace $0x90000046  }
0xbe: {  	s29 =	simm.s32 $0x9;
	_ =	strace $0x80000048  }
0xbf: {  	_ =	swait.ge [sflag:s29], $0x1  }
0xc0: {  	[sflag:s29] =	ssyncadd.s32 $0xFFFFFFFF  }
0xc1: {  	_ =	strace $0x90000048  }
0xc2: {  	_ =	sfence  }
0xc3: {  	s30 =	sld [smem:$0x0];
	_ =	sdelay $0x2  }
0xc4: {  	s31 =	sshll.u32 s1, $0xD;
	s1 =	sshrl.u32 s1, $0x2  }
0xc5: {  	s3 =	sand.u32 $0x4000, s31;
	s1 =	sadd.s32 s1, s30  }
0xc6: {  	s0 =	sor.u32 s3, s0;
	s1 =	sshll.u32 s1, $0x11  }
0xc7: {  	s0 =	sor.u32 s1, s0  }
0xc8: {  	s0 =	sadd.s32 $0x8F2B, s0  }
0xc9: {  	[sflag:s0] =	ssyncadd.remote.s32 $0x1  }
0xca: {  	_ =	sfence.sel $0xFFFF  }
0xcb: {  	[dreg:$0x0] =	wrdreg $0xFFFFFFFF;
	(pc) =	sbr.abs _section_cstart, $3  }
0xcc: {  	[dreg:$0x1] =	wrdreg $0xFFFFFFFF  }
0xcd: {  	_ =	task.clear_ibuf [dreg:s12], $0x2FFFF;
	_ =	strace $0x9FFFFFFF  }
0xce: {  	(tm) =	ssettm $0x7FFFFFFF  }
0xcf: {  	_ =	shalt  }
tec
execute0_lowered:
.L_overlay_start_1:
0x0: {  	(tag) =	ssettag $0x1  }
0x1: {  	s0 =	rddreg [dreg:$0x0]  }
0x2: {  	s9 =	rddreg [dreg:$0x1]  }
0x3: {  	s1 =	rddreg [dreg:$0x2]  }
0x4: {  	v0 =	vimm.s32 $0xFEDCBA98;
	s2 =	rddreg [dreg:$0x3];
	v1 =	vimm.s32 $0x76543210;
	v2 =	vimm.s32 $0xBA98FEDC  }
0x5: {  	s3 =	rddreg [dreg:$0x4];
	v3 =	vimm.s32 $0x32107654;
	v4 =	vimm.s32 $0xDCFE98BA;
	v5 =	vimm.s32 $0x54761032  }
0x6: {  	s4 =	rddreg [dreg:$0x5];
	s5 =	simm.s32 $0x0;
	s7 =	srdreg.scid;
	v6 =	vimm.s32 $0xEFCDAB89;
	v7 =	vimm.s32 $0x67452301;
	v0 =	vunpack.c.l.s4.s8 v0  }
0x7: {  	s6 =	stileid.u32;
	s13 =	simm.s32 $0x1;
	s15 =	simm.s32 $0x4;
	v1 =	vunpack.c.l.s4.s8 v1;
	v2 =	vunpack.c.l.s4.s8 v2;
	v3 =	vunpack.c.l.s4.s8 v3  }
0x8: {  	s16 =	simm.s32 $0x2;
	[smem:$0x7FF] =	sst s5;
	s8 =	sand.u32 $0x1, s7;
	v4 =	vunpack.c.l.s4.s8 v4;
	v5 =	vunpack.c.l.s4.s8 v5;
	v6 =	vunpack.c.l.s4.s8 v6  }
0x9: {  	s7 =	rddreg [dreg:$0x6];
	s11 =	sshll.u32 s6, $0x1;
	v7 =	vunpack.c.l.s4.s8 v7;
	s17 =	sshrl.u32 s6, $0x2;
	v0 =	vunpack.c.0.s8.s32 v0;
	v2 =	vunpack.c.0.s8.s32 v2  }
0xa: {  	s10 =	ssub.s32 $0x2, s8;
	_ =	strace $0x80000047;
	s8 =	sor.u32 s8, s11;
	v3 =	vunpack.c.0.s8.s32 v3;
	v4 =	vunpack.c.0.s8.s32 v4;
	v1 =	vunpack.c.0.s8.s32 v1  }
0xb: {  	p0 =	sgt.s32 s17, $0x1;
	p1 =	seq.s32 s17, $0x0;
	p2 =	sne.s32 s17, $0x0;
	v6 =	vunpack.c.0.s8.s32 v6;
	v7 =	vunpack.c.0.s8.s32 v7;
	v0 =	vand.u32 $0xF, v0  }
0xc: {  	s12 =	sshrl.u32 s10, $0x1;
	s11 =	sshll.u32 s8, $0xB;
	s31 =	sshll.u32 s8, $0x8;
	v5 =	vunpack.c.0.s8.s32 v5;
	v2 =	vcombine.low v3, v2;
	v32 =	vcombine.low v0, v1  }
0xd: {  	s14 =	simm.s32 @!p0 $0x0;
	s10 =	ssub.s32 s10, s12;
	s8 =	sand.u32 $0x3800, s11;
	v63 =	vcombine.low v7, v6  }
0xe: {  	s9 =	sadd.s32 s9, s31;
	s14 =	simm.s32 @p0 $0x1;
	p0 =	seq.s32 s17, $0x3;
	v62 =	vcombine.low v5, v4;
	v29 =	vand.u32 $0xF, v2;
	[tilespmem:$0x1FFC0] =	vst v32  }
0xf: {  	s12 =	simm.s32 $0x3;
	s10 =	smax.u32 s10, $0x1;
	s17 =	simm.s32 @!p0 $0x0;
	v28 =	vand.u32 $0xF, v63;
	[tilespmem:$0x1FFD0] =	vst v29  }
0x10: {  	s11 =	sshll.u32 s8, $0x3;
	[smem:$0x7FC] =	sst s14;
	s17 =	simm.s32 @p0 $0x1;
	v27 =	vand.u32 $0xF, v62;
	[tilespmem:$0x1FFE0] =	vst v28  }
0x11: {  	s14 =	simm.s32 $0x4800;
	[smem:$0x7FD] =	sst s17;
	s17 =	simm.s32 $0x0;
	[tilespmem:$0x1FFF0] =	vst v27  }
.LBB2_1:
0x12: {  	[tilespmem:s5], [sflag:$0x3] =	stream.linear.gather [hbm4b:s9+s5], $0x800, $0x38;
	[tilespmem:$0x6800] =	vst v63  }
0x13: {  	_ =	swait.ge [sflag:s12], $0x800  }
0x14: {  	[sflag:s12] =	ssyncset.done $0x0  }
0x15: {  	[sflag:s12] =	ssyncadd.s32 $0xFFFFF800  }
0x16: {  	v0 =	vld [tilespmem:s5+$0x0];
	_ =	sdelay $0x4  }
0x17: {  	v0 =	vshrl.u32 v0, $0x3  }
0x18: {  	v0 =	vadd.s32 s0, v0  }
0x19: {  	(v2sf) =	vpush v0, $0x0;
	_ =	sdelay $0x1  }
0x1a: {  	(v2sf) =	vpush v0, $0x1;
	_ =	sdelay $0x1  }
0x1b: {  	(v2sf) =	vpush v0, $0x2;
	_ =	sdelay $0x1  }
0x1c: {  	(v2sf) =	vpush v0, $0x3;
	_ =	sdelay $0x1  }
0x1d: {  	(v2sf) =	vpush v0, $0x4;
	_ =	sdelay $0x1  }
0x1e: {  	(v2sf) =	vpush v0, $0x5;
	_ =	sdelay $0x1  }
0x1f: {  	(v2sf) =	vpush v0, $0x6;
	_ =	sdelay $0x1  }
0x20: {  	(v2sf) =	vpush v0, $0x7  }
0x21: {  	s18 =	simm.s32 $0x800;
	s19 =	spop (v2sf)  }
0x22: {  	(v2sf) =	vpush v0, $0x8;
	[tilespmem:s18], [sflag:$0x1] =	stream.linear.gather [hbm4b:s19+s5], $0x40, $0x38;
	[tilespmem:$0x6800] =	vst v63  }
0x23: {  	s28 =	simm.s32 $0x840;
	s29 =	spop (v2sf);
	(v2sf) =	vpush v0, $0x9  }
0x24: {  	[tilespmem:s28], [sflag:$0x1] =	stream.linear.gather [hbm4b:s29+s5], $0x40, $0x38;
	[tilespmem:$0x6800] =	vst v63  }
0x25: {  	s30 =	simm.s32 $0x880;
	s31 =	spop (v2sf);
	(v2sf) =	vpush v0, $0xA  }
0x26: {  	[tilespmem:s30], [sflag:$0x1] =	stream.linear.gather [hbm4b:s31+s5], $0x40, $0x38;
	[tilespmem:$0x6800] =	vst v63  }
0x27: {  	s19 =	simm.s32 $0x8C0;
	s20 =	spop (v2sf);
	(v2sf) =	vpush v0, $0xB  }
0x28: {  	[tilespmem:s19], [sflag:$0x1] =	stream.linear.gather [hbm4b:s20+s5], $0x40, $0x38;
	[tilespmem:$0x6800] =	vst v63  }
0x29: {  	s21 =	simm.s32 $0x900;
	s22 =	spop (v2sf);
	(v2sf) =	vpush v0, $0xC  }
0x2a: {  	[tilespmem:s21], [sflag:$0x1] =	stream.linear.gather [hbm4b:s22+s5], $0x40, $0x38;
	[tilespmem:$0x6800] =	vst v63  }
0x2b: {  	s23 =	simm.s32 $0x940;
	s24 =	spop (v2sf);
	(v2sf) =	vpush v0, $0xD  }
0x2c: {  	[tilespmem:s23], [sflag:$0x1] =	stream.linear.gather [hbm4b:s24+s5], $0x40, $0x38;
	[tilespmem:$0x6800] =	vst v63  }
0x2d: {  	s25 =	simm.s32 $0x980;
	s26 =	spop (v2sf);
	(v2sf) =	vpush v0, $0xE  }
0x2e: {  	[tilespmem:s25], [sflag:$0x1] =	stream.linear.gather [hbm4b:s26+s5], $0x40, $0x38;
	[tilespmem:$0x6800] =	vst v63  }
0x2f: {  	s28 =	simm.s32 $0x9C0;
	s29 =	spop (v2sf);
	(v2sf) =	vpush v0, $0xF  }
0x30: {  	[tilespmem:s28], [sflag:$0x1] =	stream.linear.gather [hbm4b:s29+s5], $0x40, $0x38;
	[tilespmem:$0x6800] =	vst v63  }
0x31: {  	s31 =	spop (v2sf)  }
0x32: {  	s30 =	simm.s32 $0xA00;
	s20 =	spop (v2sf)  }
0x33: {  	[tilespmem:s30], [sflag:$0x1] =	stream.linear.gather [hbm4b:s31+s5], $0x40, $0x38;
	[tilespmem:$0x6800] =	vst v63  }
0x34: {  	s19 =	simm.s32 $0xA40;
	s22 =	spop (v2sf)  }
0x35: {  	[tilespmem:s19], [sflag:$0x1] =	stream.linear.gather [hbm4b:s20+s5], $0x40, $0x38;
	[tilespmem:$0x6800] =	vst v63  }
0x36: {  	s21 =	simm.s32 $0xA80;
	s24 =	spop (v2sf)  }
0x37: {  	[tilespmem:s21], [sflag:$0x1] =	stream.linear.gather [hbm4b:s22+s5], $0x40, $0x38;
	[tilespmem:$0x6800] =	vst v63  }
0x38: {  	s18 =	simm.s32 $0x0;
	s23 =	simm.s32 $0xAC0;
	s26 =	spop (v2sf)  }
0x39: {  	[tilespmem:s23], [sflag:$0x1] =	stream.linear.gather [hbm4b:s24+s5], $0x40, $0x38;
	[tilespmem:$0x6800] =	vst v63  }
0x3a: {  	s25 =	simm.s32 $0xB00;
	s28 =	simm.s32 $0xB40;
	s29 =	spop (v2sf)  }
0x3b: {  	[tilespmem:s25], [sflag:$0x1] =	stream.linear.gather [hbm4b:s26+s5], $0x40, $0x38;
	[tilespmem:$0x6800] =	vst v63  }
0x3c: {  	s30 =	simm.s32 $0xB80;
	s19 =	simm.s32 $0x1000;
	s31 =	spop (v2sf)  }
0x3d: {  	[tilespmem:s28], [sflag:$0x1] =	stream.linear.gather [hbm4b:s29+s5], $0x40, $0x38;
	[tilespmem:$0x6800] =	vst v63  }
0x3e: {  	s20 =	simm.s32 $0x10;
	s21 =	simm.s32 $0xBC0;
	s22 =	spop (v2sf)  }
0x3f: {  	[tilespmem:s30], [sflag:$0x1] =	stream.linear.gather [hbm4b:s31+s5], $0x40, $0x38;
	[tilespmem:$0x6800] =	vst v63  }
.LBB2_2:
0x40: {  	[tilespmem:s21], [sflag:$0x1] =	stream.linear.gather [hbm4b:s22+s18], $0x40, $0x38;
	[tilespmem:$0x6800] =	vst v63  }
0x41: {  	p3 =	sne.s32 s19, $0x7000;
	s18 =	smov.u32 s19;
	s19 =	sadd.s32 $0x1000, s19;
	v0 =	vld [tilespmem:s20+$0x0]  }
0x42: {  	_ =	sdelay $0x3  }
0x43: {  	v0 =	vshrl.u32 v0, $0x3  }
0x44: {  	v0 =	vadd.s32 s0, v0  }
0x45: {  	(v2sf) =	vpush v0, $0x0;
	_ =	sdelay $0x1  }
0x46: {  	(v2sf) =	vpush v0, $0x1;
	_ =	sdelay $0x1  }
0x47: {  	(v2sf) =	vpush v0, $0x2;
	_ =	sdelay $0x1  }
0x48: {  	(v2sf) =	vpush v0, $0x3;
	_ =	sdelay $0x1  }
0x49: {  	(v2sf) =	vpush v0, $0x4;
	_ =	sdelay $0x1  }
0x4a: {  	(v2sf) =	vpush v0, $0x5;
	_ =	sdelay $0x1  }
0x4b: {  	(v2sf) =	vpush v0, $0x6;
	_ =	sdelay $0x1  }
0x4c: {  	s21 =	sshra.s32 s18, $0x2;
	(v2sf) =	vpush v0, $0x7  }
0x4d: {  	s18 =	simm.s32 $0x0;
	s22 =	sadd.s32 $0x800, s21;
	s23 =	spop (v2sf)  }
0x4e: {  	[tilespmem:s22], [sflag:$0x1] =	stream.linear.gather [hbm4b:s23+s18], $0x40, $0x38;
	(v2sf) =	vpush v0, $0x8;
	[tilespmem:$0x6800] =	vst v63  }
0x4f: {  	s22 =	sadd.s32 $0x840, s21;
	s23 =	spop (v2sf)  }
0x50: {  	[tilespmem:s22], [sflag:$0x1] =	stream.linear.gather [hbm4b:s23+s18], $0x40, $0x38;
	(v2sf) =	vpush v0, $0x9;
	[tilespmem:$0x6800] =	vst v63  }
0x51: {  	s22 =	sadd.s32 $0x880, s21;
	s23 =	spop (v2sf)  }
0x52: {  	[tilespmem:s22], [sflag:$0x1] =	stream.linear.gather [hbm4b:s23+s18], $0x40, $0x38;
	(v2sf) =	vpush v0, $0xA;
	[tilespmem:$0x6800] =	vst v63  }
0x53: {  	s22 =	sadd.s32 $0x8C0, s21;
	s23 =	spop (v2sf)  }
0x54: {  	[tilespmem:s22], [sflag:$0x1] =	stream.linear.gather [hbm4b:s23+s18], $0x40, $0x38;
	(v2sf) =	vpush v0, $0xB;
	[tilespmem:$0x6800] =	vst v63  }
0x55: {  	s22 =	sadd.s32 $0x900, s21;
	s23 =	spop (v2sf)  }
0x56: {  	[tilespmem:s22], [sflag:$0x1] =	stream.linear.gather [hbm4b:s23+s18], $0x40, $0x38;
	(v2sf) =	vpush v0, $0xC;
	[tilespmem:$0x6800] =	vst v63  }
0x57: {  	s22 =	sadd.s32 $0x940, s21;
	s23 =	spop (v2sf)  }
0x58: {  	[tilespmem:s22], [sflag:$0x1] =	stream.linear.gather [hbm4b:s23+s18], $0x40, $0x38;
	(v2sf) =	vpush v0, $0xD;
	[tilespmem:$0x6800] =	vst v63  }
0x59: {  	s22 =	sadd.s32 $0x980, s21;
	s23 =	spop (v2sf)  }
0x5a: {  	[tilespmem:s22], [sflag:$0x1] =	stream.linear.gather [hbm4b:s23+s18], $0x40, $0x38;
	(v2sf) =	vpush v0, $0xE;
	[tilespmem:$0x6800] =	vst v63  }
0x5b: {  	s22 =	sadd.s32 $0x9C0, s21;
	s23 =	spop (v2sf)  }
0x5c: {  	[tilespmem:s22], [sflag:$0x1] =	stream.linear.gather [hbm4b:s23+s18], $0x40, $0x38;
	(v2sf) =	vpush v0, $0xF;
	[tilespmem:$0x6800] =	vst v63  }
0x5d: {  	s22 =	sadd.s32 $0xA00, s21;
	s23 =	spop (v2sf)  }
0x5e: {  	[tilespmem:s22], [sflag:$0x1] =	stream.linear.gather [hbm4b:s23+s18], $0x40, $0x38;
	[tilespmem:$0x6800] =	vst v63  }
0x5f: {  	s22 =	sadd.s32 $0xA40, s21;
	s23 =	spop (v2sf)  }
0x60: {  	[tilespmem:s22], [sflag:$0x1] =	stream.linear.gather [hbm4b:s23+s18], $0x40, $0x38;
	[tilespmem:$0x6800] =	vst v63  }
0x61: {  	s22 =	sadd.s32 $0xA80, s21;
	s23 =	spop (v2sf)  }
0x62: {  	[tilespmem:s22], [sflag:$0x1] =	stream.linear.gather [hbm4b:s23+s18], $0x40, $0x38;
	[tilespmem:$0x6800] =	vst v63  }
0x63: {  	s22 =	sadd.s32 $0xAC0, s21;
	s23 =	spop (v2sf)  }
0x64: {  	[tilespmem:s22], [sflag:$0x1] =	stream.linear.gather [hbm4b:s23+s18], $0x40, $0x38;
	[tilespmem:$0x6800] =	vst v63  }
0x65: {  	s22 =	sadd.s32 $0xB00, s21;
	s23 =	spop (v2sf)  }
0x66: {  	[tilespmem:s22], [sflag:$0x1] =	stream.linear.gather [hbm4b:s23+s18], $0x40, $0x38;
	[tilespmem:$0x6800] =	vst v63  }
.Ltmp0:
0x67: {  	s22 =	sadd.s32 $0xB40, s21;
	s23 =	spop (v2sf);
	(pc) =	sbr.rel @p3 .LBB2_2-.Ltmp0, $4  }
0x68: {  	[tilespmem:s22], [sflag:$0x1] =	stream.linear.gather [hbm4b:s23+s18], $0x40, $0x38;
	[tilespmem:$0x6800] =	vst v63  }
0x69: {  	s22 =	sadd.s32 $0xB80, s21;
	s23 =	spop (v2sf)  }
0x6a: {  	[tilespmem:s22], [sflag:$0x1] =	stream.linear.gather [hbm4b:s23+s18], $0x40, $0x38;
	[tilespmem:$0x6800] =	vst v63  }
0x6b: {  	s20 =	sadd.s32 $0x10, s20;
	s21 =	sadd.s32 $0xBC0, s21;
	s22 =	spop (v2sf)  }
0x6c: {  	[tilespmem:s21], [sflag:$0x1] =	stream.linear.gather [hbm4b:s22+s18], $0x40, $0x38;
	[tilespmem:$0x6800] =	vst v63  }
0x6d: {  	s19 =	simm.s32 $0x80;
	s20 =	simm.s32 $0x100  }
.LBB2_4:
0x6e: {  	_ =	swait.ge [sflag:s13], $0x2000  }
0x6f: {  	[sflag:s13] =	ssyncset.done $0x0  }
0x70: {  	[sflag:s13] =	ssyncadd.s32 $0xFFFFE000  }
0x71: {  	v0 =	vld [tilespmem:s19+$0x0];
	_ =	sdelay $0x4  }
0x72: {  	v0 =	vshrl.u32 v0, $0x3  }
0x73: {  	v0 =	vadd.s32 s0, v0  }
0x74: {  	(v2sf) =	vpush v0, $0x0;
	_ =	sdelay $0x1  }
0x75: {  	(v2sf) =	vpush v0, $0x1;
	_ =	sdelay $0x1  }
0x76: {  	(v2sf) =	vpush v0, $0x2;
	_ =	sdelay $0x1  }
0x77: {  	(v2sf) =	vpush v0, $0x3;
	_ =	sdelay $0x1  }
0x78: {  	(v2sf) =	vpush v0, $0x4;
	_ =	sdelay $0x1  }
0x79: {  	(v2sf) =	vpush v0, $0x5;
	_ =	sdelay $0x1  }
0x7a: {  	(v2sf) =	vpush v0, $0x6;
	_ =	sdelay $0x1  }
0x7b: {  	(v2sf) =	vpush v0, $0x7  }
0x7c: {  	s21 =	simm.s32 $0x2800;
	s22 =	simm.s32 $0x0;
	s23 =	spop (v2sf)  }
0x7d: {  	(v2sf) =	vpush v0, $0x8;
	[tilespmem:s21], [sflag:$0x2] =	stream.linear.gather [hbm4b:s23+s22], $0x40, $0x38;
	[tilespmem:$0x6800] =	vst v63  }
0x7e: {  	s28 =	simm.s32 $0x2840;
	s29 =	spop (v2sf);
	(v2sf) =	vpush v0, $0x9  }
0x7f: {  	[tilespmem:s28], [sflag:$0x2] =	stream.linear.gather [hbm4b:s29+s22], $0x40, $0x38;
	[tilespmem:$0x6800] =	vst v63  }
0x80: {  	s30 =	simm.s32 $0x2880;
	s31 =	spop (v2sf);
	(v2sf) =	vpush v0, $0xA  }
0x81: {  	[tilespmem:s30], [sflag:$0x2] =	stream.linear.gather [hbm4b:s31+s22], $0x40, $0x38;
	[tilespmem:$0x6800] =	vst v63  }
0x82: {  	s23 =	simm.s32 $0x28C0;
	s24 =	spop (v2sf);
	(v2sf) =	vpush v0, $0xB  }
0x83: {  	[tilespmem:s23], [sflag:$0x2] =	stream.linear.gather [hbm4b:s24+s22], $0x40, $0x38;
	[tilespmem:$0x6800] =	vst v63  }
0x84: {  	s25 =	simm.s32 $0x2900;
	s26 =	spop (v2sf);
	(v2sf) =	vpush v0, $0xC  }
0x85: {  	[tilespmem:s25], [sflag:$0x2] =	stream.linear.gather [hbm4b:s26+s22], $0x40, $0x38;
	[tilespmem:$0x6800] =	vst v63  }
0x86: {  	s28 =	simm.s32 $0x2940;
	s29 =	spop (v2sf);
	(v2sf) =	vpush v0, $0xD  }
0x87: {  	[tilespmem:s28], [sflag:$0x2] =	stream.linear.gather [hbm4b:s29+s22], $0x40, $0x38;
	[tilespmem:$0x6800] =	vst v63  }
0x88: {  	s30 =	simm.s32 $0x2980;
	s31 =	spop (v2sf);
	(v2sf) =	vpush v0, $0xE  }
0x89: {  	[tilespmem:s30], [sflag:$0x2] =	stream.linear.gather [hbm4b:s31+s22], $0x40, $0x38;
	[tilespmem:$0x6800] =	vst v63  }
0x8a: {  	s23 =	simm.s32 $0x29C0;
	s24 =	spop (v2sf);
	(v2sf) =	vpush v0, $0xF  }
0x8b: {  	[tilespmem:s23], [sflag:$0x2] =	stream.linear.gather [hbm4b:s24+s22], $0x40, $0x38;
	[tilespmem:$0x6800] =	vst v63  }
0x8c: {  	s26 =	spop (v2sf)  }
0x8d: {  	s25 =	simm.s32 $0x2A00;
	s29 =	spop (v2sf)  }
0x8e: {  	[tilespmem:s25], [sflag:$0x2] =	stream.linear.gather [hbm4b:s26+s22], $0x40, $0x38;
	[tilespmem:$0x6800] =	vst v63  }
0x8f: {  	s28 =	simm.s32 $0x2A40;
	s31 =	spop (v2sf)  }
0x90: {  	[tilespmem:s28], [sflag:$0x2] =	stream.linear.gather [hbm4b:s29+s22], $0x40, $0x38;
	[tilespmem:$0x6800] =	vst v63  }
0x91: {  	s30 =	simm.s32 $0x2A80;
	s24 =	spop (v2sf)  }
0x92: {  	[tilespmem:s30], [sflag:$0x2] =	stream.linear.gather [hbm4b:s31+s22], $0x40, $0x38;
	[tilespmem:$0x6800] =	vst v63  }
0x93: {  	s21 =	sshllo.u32 s18, $0x1;
	s23 =	simm.s32 $0x2AC0;
	s26 =	spop (v2sf)  }
0x94: {  	[tilespmem:s23], [sflag:$0x2] =	stream.linear.gather [hbm4b:s24+s22], $0x40, $0x38;
	[tilespmem:$0x6800] =	vst v63  }
0x95: {  	s25 =	simm.s32 $0x2B00;
	s28 =	simm.s32 $0x2B40;
	s29 =	spop (v2sf)  }
0x96: {  	[tilespmem:s25], [sflag:$0x2] =	stream.linear.gather [hbm4b:s26+s22], $0x40, $0x38;
	[tilespmem:$0x6800] =	vst v63  }
0x97: {  	s30 =	simm.s32 $0x2B80;
	s31 =	spop (v2sf);
	s23 =	simm.s32 $0x1000  }
0x98: {  	[tilespmem:s28], [sflag:$0x2] =	stream.linear.gather [hbm4b:s29+s22], $0x40, $0x38;
	[tilespmem:$0x6800] =	vst v63  }
0x99: {  	s24 =	sadd.s32 $0x10, s19;
	s25 =	simm.s32 $0x2BC0;
	s26 =	spop (v2sf)  }
0x9a: {  	[tilespmem:s30], [sflag:$0x2] =	stream.linear.gather [hbm4b:s31+s22], $0x40, $0x38;
	[tilespmem:$0x6800] =	vst v63  }
.LBB2_5:
0x9b: {  	[tilespmem:s25], [sflag:$0x2] =	stream.linear.gather [hbm4b:s26+s22], $0x40, $0x38;
	[tilespmem:$0x6800] =	vst v63  }
0x9c: {  	p3 =	sne.s32 s23, $0x7000;
	s25 =	smov.u32 s23;
	s23 =	sadd.s32 $0x1000, s23;
	v0 =	vld [tilespmem:s24+$0x0]  }
0x9d: {  	_ =	sdelay $0x3  }
0x9e: {  	v0 =	vshrl.u32 v0, $0x3  }
0x9f: {  	v0 =	vadd.s32 s0, v0  }
0xa0: {  	(v2sf) =	vpush v0, $0x0;
	_ =	sdelay $0x1  }
0xa1: {  	(v2sf) =	vpush v0, $0x1;
	_ =	sdelay $0x1  }
0xa2: {  	(v2sf) =	vpush v0, $0x2;
	_ =	sdelay $0x1  }
0xa3: {  	(v2sf) =	vpush v0, $0x3;
	_ =	sdelay $0x1  }
0xa4: {  	(v2sf) =	vpush v0, $0x4;
	_ =	sdelay $0x1  }
0xa5: {  	(v2sf) =	vpush v0, $0x5;
	_ =	sdelay $0x1  }
0xa6: {  	(v2sf) =	vpush v0, $0x6;
	_ =	sdelay $0x1  }
0xa7: {  	s25 =	sshra.s32 s25, $0x2;
	(v2sf) =	vpush v0, $0x7  }
0xa8: {  	s26 =	sadd.s32 $0x2800, s25;
	s28 =	spop (v2sf)  }
0xa9: {  	[tilespmem:s26], [sflag:$0x2] =	stream.linear.gather [hbm4b:s28+s22], $0x40, $0x38;
	(v2sf) =	vpush v0, $0x8;
	[tilespmem:$0x6800] =	vst v63  }
0xaa: {  	s26 =	sadd.s32 $0x2840, s25;
	s28 =	spop (v2sf)  }
0xab: {  	[tilespmem:s26], [sflag:$0x2] =	stream.linear.gather [hbm4b:s28+s22], $0x40, $0x38;
	(v2sf) =	vpush v0, $0x9;
	[tilespmem:$0x6800] =	vst v63  }
0xac: {  	s26 =	sadd.s32 $0x2880, s25;
	s28 =	spop (v2sf)  }
0xad: {  	[tilespmem:s26], [sflag:$0x2] =	stream.linear.gather [hbm4b:s28+s22], $0x40, $0x38;
	(v2sf) =	vpush v0, $0xA;
	[tilespmem:$0x6800] =	vst v63  }
0xae: {  	s26 =	sadd.s32 $0x28C0, s25;
	s28 =	spop (v2sf)  }
0xaf: {  	[tilespmem:s26], [sflag:$0x2] =	stream.linear.gather [hbm4b:s28+s22], $0x40, $0x38;
	(v2sf) =	vpush v0, $0xB;
	[tilespmem:$0x6800] =	vst v63  }
0xb0: {  	s26 =	sadd.s32 $0x2900, s25;
	s28 =	spop (v2sf)  }
0xb1: {  	[tilespmem:s26], [sflag:$0x2] =	stream.linear.gather [hbm4b:s28+s22], $0x40, $0x38;
	(v2sf) =	vpush v0, $0xC;
	[tilespmem:$0x6800] =	vst v63  }
0xb2: {  	s26 =	sadd.s32 $0x2940, s25;
	s28 =	spop (v2sf)  }
0xb3: {  	[tilespmem:s26], [sflag:$0x2] =	stream.linear.gather [hbm4b:s28+s22], $0x40, $0x38;
	(v2sf) =	vpush v0, $0xD;
	[tilespmem:$0x6800] =	vst v63  }
0xb4: {  	s26 =	sadd.s32 $0x2980, s25;
	s28 =	spop (v2sf)  }
0xb5: {  	[tilespmem:s26], [sflag:$0x2] =	stream.linear.gather [hbm4b:s28+s22], $0x40, $0x38;
	(v2sf) =	vpush v0, $0xE;
	[tilespmem:$0x6800] =	vst v63  }
0xb6: {  	s26 =	sadd.s32 $0x29C0, s25;
	s28 =	spop (v2sf)  }
0xb7: {  	[tilespmem:s26], [sflag:$0x2] =	stream.linear.gather [hbm4b:s28+s22], $0x40, $0x38;
	(v2sf) =	vpush v0, $0xF;
	[tilespmem:$0x6800] =	vst v63  }
0xb8: {  	s26 =	sadd.s32 $0x2A00, s25;
	s28 =	spop (v2sf)  }
0xb9: {  	[tilespmem:s26], [sflag:$0x2] =	stream.linear.gather [hbm4b:s28+s22], $0x40, $0x38;
	[tilespmem:$0x6800] =	vst v63  }
0xba: {  	s26 =	sadd.s32 $0x2A40, s25;
	s28 =	spop (v2sf)  }
0xbb: {  	[tilespmem:s26], [sflag:$0x2] =	stream.linear.gather [hbm4b:s28+s22], $0x40, $0x38;
	[tilespmem:$0x6800] =	vst v63  }
0xbc: {  	s26 =	sadd.s32 $0x2A80, s25;
	s28 =	spop (v2sf)  }
0xbd: {  	[tilespmem:s26], [sflag:$0x2] =	stream.linear.gather [hbm4b:s28+s22], $0x40, $0x38;
	[tilespmem:$0x6800] =	vst v63  }
0xbe: {  	s26 =	sadd.s32 $0x2AC0, s25;
	s28 =	spop (v2sf)  }
0xbf: {  	[tilespmem:s26], [sflag:$0x2] =	stream.linear.gather [hbm4b:s28+s22], $0x40, $0x38;
	[tilespmem:$0x6800] =	vst v63  }
0xc0: {  	s26 =	sadd.s32 $0x2B00, s25;
	s28 =	spop (v2sf)  }
0xc1: {  	[tilespmem:s26], [sflag:$0x2] =	stream.linear.gather [hbm4b:s28+s22], $0x40, $0x38;
	[tilespmem:$0x6800] =	vst v63  }
.Ltmp1:
0xc2: {  	s26 =	sadd.s32 $0x2B40, s25;
	s28 =	spop (v2sf);
	(pc) =	sbr.rel @p3 .LBB2_5-.Ltmp1, $4  }
0xc3: {  	[tilespmem:s26], [sflag:$0x2] =	stream.linear.gather [hbm4b:s28+s22], $0x40, $0x38;
	[tilespmem:$0x6800] =	vst v63  }
0xc4: {  	s26 =	sadd.s32 $0x2B80, s25;
	s28 =	spop (v2sf)  }
0xc5: {  	[tilespmem:s26], [sflag:$0x2] =	stream.linear.gather [hbm4b:s28+s22], $0x40, $0x38;
	[tilespmem:$0x6800] =	vst v63  }
0xc6: {  	s24 =	sadd.s32 $0x10, s24;
	s25 =	sadd.s32 $0x2BC0, s25;
	s26 =	spop (v2sf)  }
0xc7: {  	[tilespmem:s25], [sflag:$0x2] =	stream.linear.gather [hbm4b:s26+s22], $0x40, $0x38;
	[tilespmem:$0x6800] =	vst v63  }
0xc8: {  	s23 =	simm.s32 $0x0  }
0xc9: {  	v33 =	vld [tilespmem:s23+$0x820]  }
0xca: {  	v52 =	vld [tilespmem:s23+$0x830]  }
0xcb: {  	v22 =	vld [tilespmem:s23+$0x8C0]  }
0xcc: {  	v19 =	vld [tilespmem:s23+$0x8D0]  }
0xcd: {  	v2 =	vld [tilespmem:s23+$0x8E0]  }
0xce: {  	v25 =	vld [tilespmem:s23+$0x810]  }
0xcf: {  	v43 =	vld [tilespmem:s23+$0x800]  }
0xd0: {  	v57 =	vld [tilespmem:s23+$0x8F0]  }
0xd1: {  	v6 =	vld [tilespmem:s23+$0x890]  }
0xd2: {  	v24 =	vld [tilespmem:s23+$0x880];
	v0 =	vmul.f32 v19, v19;
	v1 =	vmul.f32 v22, v22  }
0xd3: {  	v7 =	vld [tilespmem:s23+$0x8A0];
	[tilespmem:$0x1FE70] =	vst v2;
	v2 =	vmul.f32 v2, v2  }
0xd4: {  	v41 =	vld [tilespmem:s23+$0x850];
	v3 =	vmul.f32 v43, v43;
	v0 =	vadd.f32 v0, v1;
	v1 =	vmul.f32 v25, v25  }
0xd5: {  	v40 =	vld [tilespmem:s23+$0x840];
	v4 =	vmul.f32 v33, v33  }
0xd6: {  	v44 =	vld [tilespmem:s23+$0x860];
	v5 =	vmul.f32 v57, v57;
	v0 =	vadd.f32 v2, v0;
	v1 =	vadd.f32 v1, v3  }
0xd7: {  	v2 =	vmul.f32 v6, v6;
	v3 =	vmul.f32 v24, v24  }
0xd8: {  	v8 =	vld [tilespmem:s23+$0x8B0];
	[tilespmem:$0x1FE80] =	vst v6;
	v6 =	vmul.f32 v52, v52;
	v0 =	vadd.f32 v5, v0;
	v1 =	vadd.f32 v4, v1  }
0xd9: {  	v5 =	vmul.f32 v41, v41;
	v2 =	vadd.f32 v2, v3  }
0xda: {  	v3 =	vmul.f32 v40, v40;
	v4 =	vperm.xlane v0, v32;
	v1 =	vadd.f32 v6, v1  }
0xdb: {  	s22 =	simm.s32 $0x100;
	v48 =	vld [tilespmem:s23+$0x870];
	[tilespmem:$0x1FE90] =	vst v7;
	v7 =	vmul.f32 v7, v7;
	v6 =	vmul.f32 v44, v44  }
0xdc: {  	v9 =	vld [tilespmem:s22+$0x830];
	v3 =	vadd.f32 v5, v3;
	v0 =	vadd.f32 v0, v4;
	v4 =	vperm.xlane v1, v32  }
0xdd: {  	v10 =	vld [tilespmem:s22+$0x8B0];
	[tilespmem:$0x1FEA0] =	vst v8;
	v8 =	vmul.f32 v8, v8;
	v2 =	vadd.f32 v7, v2  }
0xde: {  	v31 =	vld [tilespmem:s22+$0x820];
	v3 =	vadd.f32 v6, v3;
	v6 =	vperm.xlane v0, v29;
	v1 =	vadd.f32 v1, v4  }
0xdf: {  	v2 =	vadd.f32 v8, v2  }
0xe0: {  	v12 =	vld [tilespmem:s22+$0x890];
	v5 =	vmul.f32 v48, v48;
	v0 =	vadd.f32 v0, v6;
	v4 =	vperm.xlane v1, v29  }
0xe1: {  	v63 =	vld [tilespmem:s22+$0x8C0];
	[tilespmem:$0x1FEB0] =	vst v9;
	v9 =	vmul.f32 v9, v9;
	v7 =	vperm.xlane v2, v32  }
0xe2: {  	v14 =	vld [tilespmem:s22+$0x8D0];
	v3 =	vadd.f32 v5, v3;
	v6 =	vperm.xlane v0, v27;
	v1 =	vadd.f32 v1, v4  }
0xe3: {  	[tilespmem:$0x1FEC0] =	vst v10;
	v10 =	vmul.f32 v10, v10;
	v11 =	vmul.f32 v31, v31;
	v2 =	vadd.f32 v2, v7  }
0xe4: {  	v34 =	vld [tilespmem:s22+$0x800];
	v5 =	vperm.xlane v3, v32;
	v0 =	vadd.f32 v0, v6;
	v4 =	vperm.xlane v1, v27  }
0xe5: {  	v35 =	vld [tilespmem:s22+$0x810];
	[tilespmem:$0x1FED0] =	vst v12;
	v12 =	vmul.f32 v12, v12;
	v7 =	vperm.xlane v2, v29  }
0xe6: {  	v30 =	vld [tilespmem:s22+$0x840];
	v3 =	vadd.f32 v3, v5;
	v6 =	vperm.xlane v0, v28;
	v1 =	vadd.f32 v1, v4  }
0xe7: {  	v20 =	vld [tilespmem:s22+$0x870];
	[tilespmem:$0x1FEF0] =	vst v14;
	v14 =	vmul.f32 v14, v14;
	v15 =	vmul.f32 v63, v63;
	v2 =	vadd.f32 v2, v7  }
0xe8: {  	v13 =	vld [tilespmem:s22+$0x8A0];
	v5 =	vperm.xlane v3, v29;
	v0 =	vadd.f32 v0, v6;
	v4 =	vperm.xlane v1, v28  }
0xe9: {  	v46 =	vld [tilespmem:s22+$0x880];
	v8 =	vmul.f32 v34, v34;
	v7 =	vperm.xlane v2, v27  }
0xea: {  	v3 =	vadd.f32 v3, v5;
	v6 =	vmax.f32 v0, $1.000000020e-24;
	v1 =	vadd.f32 v1, v4  }
0xeb: {  	v36 =	vld [tilespmem:s22+$0x850];
	v0 =	vmul.f32 $5.000000000e-01, v6;
	v4 =	vshrl.u32 v6, $0x1;
	v6 =	vmul.f32 v35, v35  }
0xec: {  	v17 =	vld [tilespmem:s22+$0x8E0];
	v16 =	vmul.f32 v30, v30;
	v14 =	vadd.f32 v14, v15;
	v15 =	vmul.f32 v20, v20  }
0xed: {  	v21 =	vld [tilespmem:s22+$0x860];
	v2 =	vadd.f32 v2, v7;
	v5 =	vperm.xlane v3, v27;
	v6 =	vadd.f32 v6, v8  }
0xee: {  	v18 =	vld [tilespmem:s22+$0x8F0];
	[tilespmem:$0x1FEE0] =	vst v13;
	v8 =	vmul.f32 v13, v13;
	v13 =	vmul.f32 v46, v46  }
0xef: {  	v7 =	vperm.xlane v2, v28;
	v4 =	vsub.s32 $0x5F3759DF, v4;
	v6 =	vadd.f32 v11, v6  }
0xf0: {  	v1 =	vmax.f32 v1, $1.000000020e-24;
	v11 =	vmul.f32 v36, v36;
	v12 =	vadd.f32 v12, v13  }
0xf1: {  	v2 =	vadd.f32 v2, v7;
	v13 =	vmul.f32 v17, v17;
	v6 =	vadd.f32 v9, v6  }
0xf2: {  	v9 =	vmul.f32 v21, v21;
	v11 =	vadd.f32 v11, v16;
	v8 =	vadd.f32 v8, v12  }
0xf3: {  	[tilespmem:$0x1FF30] =	vst v20;
	v20 =	vmul.f32 $5.000000000e-01, v1;
	v12 =	vmul.f32 v18, v18;
	v13 =	vadd.f32 v13, v14  }
0xf4: {  	v14 =	vperm.xlane v6, v32;
	v9 =	vadd.f32 v9, v11;
	v8 =	vadd.f32 v10, v8  }
0xf5: {  	v2 =	vmax.f32 v2, $1.000000020e-24;
	v10 =	vshrl.u32 v1, $0x1;
	v11 =	vadd.f32 v12, v13  }
0xf6: {  	v6 =	vadd.f32 v6, v14;
	v1 =	vadd.f32 v15, v9;
	v9 =	vperm.xlane v8, v32  }
0xf7: {  	v61 =	vmul.f32 $5.000000000e-01, v2;
	v10 =	vsub.s32 $0x5F3759DF, v10;
	v12 =	vperm.xlane v11, v32  }
0xf8: {  	v13 =	vperm.xlane v6, v29;
	v14 =	vperm.xlane v1, v32;
	v8 =	vadd.f32 v8, v9  }
0xf9: {  	v15 =	vmul.f32 v10, v20;
	v9 =	vmul.f32 v4, v0;
	v11 =	vadd.f32 v11, v12  }
0xfa: {  	v6 =	vadd.f32 v6, v13;
	v1 =	vadd.f32 v1, v14;
	v12 =	vperm.xlane v8, v29  }
0xfb: {  	s24 =	simm.s32 $0x200;
	v3 =	vadd.f32 v3, v5;
	v9 =	vmul.f32 v4, v9;
	v5 =	vperm.xlane v11, v29  }
0xfc: {  	v42 =	vld [tilespmem:s24+$0x880];
	v13 =	vperm.xlane v6, v27;
	v14 =	vperm.xlane v1, v29;
	v8 =	vadd.f32 v8, v12  }
0xfd: {  	v9 =	vsub.f32 $1.500000000e+00, v9;
	v12 =	vmul.f32 v10, v15;
	v5 =	vadd.f32 v11, v5;
	v15 =	vld [tilespmem:s24+$0x890]  }
0xfe: {  	v55 =	vld [tilespmem:s24+$0x840];
	v6 =	vadd.f32 v6, v13;
	v1 =	vadd.f32 v1, v14;
	v11 =	vperm.xlane v8, v27  }
0xff: {  	[tilespmem:$0x1FF00] =	vst v17;
	v17 =	vld [tilespmem:s24+$0x8A0];
	v4 =	vmul.f32 v4, v9;
	v7 =	vperm.xlane v5, v27;
	v12 =	vsub.f32 $1.500000000e+00, v12  }
0x100: {  	v14 =	vld [tilespmem:s24+$0x850];
	v9 =	vperm.xlane v6, v28;
	v13 =	vperm.xlane v1, v27;
	v8 =	vadd.f32 v8, v11  }
0x101: {  	[tilespmem:$0x1FF10] =	vst v21;
	v16 =	vld [tilespmem:s24+$0x8B0];
	v5 =	vadd.f32 v5, v7;
	v7 =	vmul.f32 v4, v0;
	v21 =	vmul.f32 v10, v12  }
0x102: {  	v47 =	vld [tilespmem:s24+$0x800];
	v11 =	vmul.f32 v42, v42;
	v10 =	vmul.f32 v15, v15;
	v6 =	vadd.f32 v6, v9  }
0x103: {  	v45 =	vld [tilespmem:s24+$0x810];
	v26 =	vadd.f32 v1, v13;
	v1 =	vperm.xlane v8, v28;
	v9 =	vperm.xlane v5, v28  }
0x104: {  	v38 =	vld [tilespmem:s24+$0x870];
	[tilespmem:$0x1FF20] =	vst v18;
	v7 =	vmul.f32 v7, v4;
	v13 =	vmul.f32 v55, v55  }
0x105: {  	v18 =	vld [tilespmem:s24+$0x860];
	[tilespmem:$0x1FF60] =	vst v14;
	v12 =	vmul.f32 v14, v14;
	v14 =	vmul.f32 v17, v17;
	v10 =	vadd.f32 v10, v11  }
0x106: {  	[tilespmem:$0x1FF50] =	vst v15;
	v15 =	vld [tilespmem:s24+$0x8C0];
	v6 =	vmax.f32 v6, $1.000000020e-24;
	v1 =	vadd.f32 v8, v1;
	v8 =	vmul.f32 v16, v16  }
0x107: {  	v49 =	vld [tilespmem:s24+$0x8D0];
	v7 =	vsub.f32 $1.500000000e+00, v7;
	v5 =	vadd.f32 v5, v9;
	v9 =	vmul.f32 v47, v47  }
0x108: {  	[tilespmem:$0x1FF40] =	vst v16;
	v16 =	vld [tilespmem:s24+$0x8E0];
	v39 =	vmul.f32 $5.000000000e-01, v6;
	v6 =	vshrl.u32 v6, $0x1;
	v11 =	vadd.f32 v12, v13  }
0x109: {  	v13 =	vmul.f32 v45, v45;
	v6 =	vsub.s32 $0x5F3759DF, v6;
	v4 =	vmul.f32 v7, v4  }
0x10a: {  	v10 =	vadd.f32 v14, v10;
	v7 =	vmul.f32 v18, v18;
	v12 =	vmul.f32 v6, v39  }
0x10b: {  	v54 =	vld [tilespmem:s24+$0x820];
	v2 =	vshrl.u32 v2, $0x1;
	v14 =	vmul.f32 v38, v38;
	v37 =	vmovc v15;
	v15 =	vmul.f32 v15, v15  }
0x10c: {  	[tilespmem:$0x1FF70] =	vst v17;
	v17 =	vld [tilespmem:s24+$0x8F0];
	v8 =	vadd.f32 v8, v10;
	v7 =	vadd.f32 v7, v11;
	v10 =	vmul.f32 v6, v12  }
0x10d: {  	v9 =	vadd.f32 v13, v9;
	v11 =	vmul.f32 v49, v49;
	v12 =	vmul.f32 v16, v16  }
0x10e: {  	[tilespmem:$0x1FF90] =	vst v16;
	v16 =	vld [tilespmem:s24+$0x830];
	v13 =	vperm.xlane v8, v32;
	v7 =	vadd.f32 v14, v7;
	v10 =	vsub.f32 $1.500000000e+00, v10  }
0x10f: {  	v2 =	vsub.s32 $0x5F3759DF, v2;
	v5 =	vmax.f32 v5, $1.000000020e-24;
	v11 =	vadd.f32 v11, v15  }
0x110: {  	v14 =	vperm.xlane v7, v32;
	v53 =	vmul.f32 v6, v10;
	v6 =	vadd.f32 v8, v13  }
0x111: {  	v15 =	vmul.f32 v17, v17;
	v11 =	vadd.f32 v12, v11;
	v12 =	vmul.f32 v54, v54  }
0x112: {  	v56 =	vmul.f32 $5.000000000e-01, v5;
	v7 =	vadd.f32 v7, v14;
	v10 =	vperm.xlane v6, v29  }
0x113: {  	v8 =	vadd.f32 v12, v9;
	v9 =	vadd.f32 v15, v11;
	v11 =	vmul.f32 v16, v16  }
0x114: {  	v12 =	vperm.xlane v7, v29;
	v6 =	vadd.f32 v6, v10;
	v10 =	vmul.f32 v2, v61  }
0x115: {  	v0 =	vmul.f32 v4, v0;
	v13 =	vperm.xlane v9, v32  }
0x116: {  	v12 =	vadd.f32 v7, v12;
	v7 =	vadd.f32 v11, v8;
	v8 =	vmul.f32 v2, v10  }
0x117: {  	v0 =	vmul.f32 v0, v4;
	v9 =	vadd.f32 v9, v13;
	v10 =	vshrl.u32 v5, $0x1  }
0x118: {  	v5 =	vsub.s32 $0x5F3759DF, v10;
	v10 =	vsub.f32 $1.500000000e+00, v8;
	v8 =	vperm.xlane v6, v27  }
0x119: {  	v0 =	vsub.f32 $1.500000000e+00, v0;
	v13 =	vperm.xlane v7, v32;
	v11 =	vmul.f32 v5, v56  }
0x11a: {  	v8 =	vadd.f32 v6, v8;
	v14 =	vmul.f32 v2, v10;
	v2 =	vperm.xlane v9, v29  }
0x11b: {  	v6 =	vadd.f32 v7, v13;
	v7 =	vmul.f32 v0, v4;
	v0 =	vmul.f32 v5, v11  }
0x11c: {  	v58 =	vmax.f32 v1, $1.000000020e-24;
	v4 =	vperm.xlane v3, v28;
	v10 =	vmul.f32 v21, v20  }
0x11d: {  	v2 =	vadd.f32 v9, v2;
	v9 =	vperm.xlane v12, v27;
	v11 =	vperm.xlane v6, v29  }
0x11e: {  	v0 =	vsub.f32 $1.500000000e+00, v0;
	v59 =	vmul.f32 v10, v21;
	v1 =	vmul.f32 v7, v57  }
0x11f: {  	v57 =	vperm.xlane v26, v28;
	v62 =	vadd.f32 v12, v9;
	v9 =	vmul.f32 v53, v39  }
0x120: {  	[tilespmem:$0x1FF80] =	vst v18;
	v3 =	vadd.f32 v3, v4;
	v13 =	vperm.xlane v2, v27;
	v12 =	vmul.f32 v5, v0  }
0x121: {  	v6 =	vadd.f32 v6, v11;
	v5 =	vperm.xlane v8, v28;
	[tilespmem:s23+$0x48F0] =	vst v1;
	v1 =	vmul.f32 v14, v61  }
0x122: {  	v51 =	vmovc v20;
	[tilespmem:$0x1FFA0] =	vst v17;
	v4 =	vadd.f32 v2, v13;
	v60 =	vmul.f32 v9, v53;
	v9 =	vmax.f32 v3, $1.000000020e-24  }
0x123: {  	s25 =	simm.s32 $0xC00;
	v50 =	vmovc v21;
	[tilespmem:$0x1FFB0] =	vst v16;
	v0 =	vperm.xlane v62, v28;
	v10 =	vmul.f32 v12, v56;
	v11 =	vshrl.u32 v9, $0x1  }
.LBB2_7:
0x124: {  	v13 =	vmul.f32 v1, v14;
	v1 =	vmov v44  }
0x125: {  	[tilespmem:$0x1FDA0] =	vst v1;
	v1 =	vld [tilespmem:$0x1FF10];
	_ =	sdelay $0x4  }
0x126: {  	v3 =	vmov v1  }
0x127: {  	[tilespmem:$0x1FE30] =	vst v3;
	v3 =	vld [tilespmem:$0x1FF80];
	_ =	sdelay $0x4  }
0x128: {  	s26 =	sshra.s32 s25, $0x2;
	v1 =	vmov v3  }
0x129: {  	v15 =	vld [tilespmem:s26+$0x8B0];
	v17 =	vperm.xlane v4, v28  }
0x12a: {  	v2 =	vperm.xlane v6, v27;
	v3 =	vld [tilespmem:$0x1FF60]  }
0x12b: {  	v16 =	vadd.f32 v8, v5;
	v8 =	vld [tilespmem:s26+$0x820];
	v4 =	vadd.f32 v4, v17;
	[tilespmem:$0x1FF10] =	vst v1;
	v1 =	vmov v40  }
0x12c: {  	[tilespmem:$0x1FDC0] =	vst v54;
	v5 =	vld [tilespmem:s26+$0x830];
	v2 =	vadd.f32 v6, v2;
	v6 =	vmul.f32 v10, v12  }
0x12d: {  	[tilespmem:$0x1FD90] =	vst v33;
	v18 =	vmul.f32 $5.000000000e-01, v9;
	v21 =	vmax.f32 v16, $1.000000020e-24;
	v16 =	vmax.f32 v4, $1.000000020e-24;
	v4 =	vld [tilespmem:$0x1FEF0]  }
0x12e: {  	v23 =	vmovc v36;
	v10 =	vsub.f32 $1.500000000e+00, v13;
	v17 =	vld [tilespmem:s26+$0x8A0];
	v13 =	vsub.f32 $1.500000000e+00, v6;
	v6 =	vmul.f32 v7, v22;
	[tilespmem:$0x1FE00] =	vst v1;
	v1 =	vmovc v30  }
0x12f: {  	v20 =	vsub.s32 $0x5F3759DF, v11;
	v54 =	vmovc v52;
	[tilespmem:$0x1FE20] =	vst v23;
	v9 =	vmovc v63;
	v63 =	vld [tilespmem:s26+$0x8F0];
	v52 =	vmov v3;
	v3 =	vmov v37  }
0x130: {  	v33 =	vmul.f32 v20, v18;
	v22 =	vld [tilespmem:s26+$0x8E0];
	[tilespmem:s23+$0x48C0] =	vst v6  }
0x131: {  	v11 =	vperm.xlane v2, v28;
	v23 =	vmul.f32 v10, v14;
	v14 =	vmovc v46;
	v46 =	vld [tilespmem:$0x1FE70];
	[tilespmem:$0x1FD80] =	vst v1;
	v1 =	vmov v55  }
0x132: {  	[tilespmem:$0x1FE50] =	vst v3;
	v3 =	vmov v4;
	v4 =	vmov v49  }
0x133: {  	v27 =	vmul.f32 v20, v33;
	v2 =	vadd.f32 v2, v11;
	v37 =	vld [tilespmem:$0x1FF90];
	[tilespmem:$0x1FEF0] =	vst v4  }
0x134: {  	v4 =	vld [tilespmem:s26+$0x810];
	[tilespmem:$0x1FE10] =	vst v1;
	v1 =	vmov v41;
	v41 =	vmul.f32 v7, v19  }
0x135: {  	v33 =	vsub.f32 $1.500000000e+00, v27;
	v55 =	vmax.f32 v2, $1.000000020e-24;
	v2 =	vld [tilespmem:$0x1FF30]  }
0x136: {  	v7 =	vmul.f32 v7, v46;
	v46 =	vld [tilespmem:$0x1FF00];
	[tilespmem:s23+$0x48D0] =	vst v41  }
0x137: {  	v20 =	vmul.f32 v20, v33;
	v36 =	vld [tilespmem:s26+$0x860];
	_ =	sdelay $0x1  }
0x138: {  	[tilespmem:$0x1FDB0] =	vst v43;
	v29 =	vmul.f32 v20, v18  }
0x139: {  	[tilespmem:$0x1FE60] =	vst v47  }
0x13a: {  	v43 =	vmov v48;
	v29 =	vmul.f32 v29, v20;
	[tilespmem:$0x1FDF0] =	vst v3  }
0x13b: {  	v48 =	vmovc v34;
	v3 =	vmovc v2;
	[tilespmem:$0x1FF80] =	vst v36;
	v34 =	vmul.f32 v36, v36;
	v36 =	vmov v46;
	v46 =	vmov v37  }
0x13c: {  	v47 =	vmov v42;
	[tilespmem:$0x1FDE0] =	vst v9;
	v42 =	vmul.f32 v23, v61;
	v40 =	vld [tilespmem:s26+$0x850]  }
0x13d: {  	v29 =	vsub.f32 $1.500000000e+00, v29;
	v32 =	vshrl.u32 v55, $0x1;
	v10 =	vld [tilespmem:s26+$0x890];
	[tilespmem:$0x1FE40] =	vst v3  }
0x13e: {  	v27 =	vsub.s32 $0x5F3759DF, v32;
	v32 =	vmul.f32 v42, v23;
	v42 =	vld [tilespmem:s26+$0x880];
	v3 =	vmovc v25;
	v25 =	vmul.f32 $5.000000000e-01, v55;
	[tilespmem:$0x1FF00] =	vst v46;
	v46 =	vmovc v22  }
0x13f: {  	v9 =	vmovc v62;
	v33 =	vmul.f32 v17, v17;
	v62 =	vmul.f32 v22, v22;
	v2 =	vld [tilespmem:s26+$0x800];
	[tilespmem:$0x1FF90] =	vst v46;
	v46 =	vsub.f32 $1.500000000e+00, v59  }
0x140: {  	v20 =	vmul.f32 v29, v20;
	v44 =	vmul.f32 v27, v25  }
0x141: {  	v55 =	vld [tilespmem:s26+$0x840];
	[tilespmem:$0x1FF60] =	vst v40;
	v37 =	vmul.f32 v40, v40;
	v40 =	vmul.f32 v46, v50  }
0x142: {  	[tilespmem:$0x1FDD0] =	vst v1;
	v61 =	vmul.f32 v4, v4;
	v1 =	vmov v39;
	v39 =	vld [tilespmem:s26+$0x8C0];
	v30 =	vmul.f32 v10, v10  }
0x143: {  	v32 =	vsub.f32 $1.500000000e+00, v32;
	v29 =	vmul.f32 v42, v42;
	v46 =	vmul.f32 v40, v51;
	v51 =	vmovc v1;
	v1 =	vld [tilespmem:$0x1FE90]  }
0x144: {  	v28 =	vmov v38;
	v38 =	vmul.f32 v27, v44;
	[tilespmem:$0x1FE70] =	vst v36;
	v36 =	vmul.f32 v2, v2  }
0x145: {  	v49 =	vld [tilespmem:s26+$0x8D0];
	v23 =	vmul.f32 v32, v23;
	v29 =	vadd.f32 v30, v29;
	v30 =	vshrl.u32 v58, $0x1;
	v44 =	vmovc v45  }
0x146: {  	v45 =	vmovc v31;
	v31 =	vsub.f32 $1.500000000e+00, v38;
	v38 =	vld [tilespmem:s26+$0x870];
	v22 =	vmul.f32 v55, v55;
	[tilespmem:s23+$0x48E0] =	vst v7;
	v7 =	vadd.f32 v61, v36  }
0x147: {  	v61 =	vmul.f32 $5.000000000e-01, v58;
	v58 =	vmovc v21;
	v21 =	vadd.f32 v33, v29;
	v29 =	vmul.f32 v39, v39  }
0x148: {  	v22 =	vadd.f32 v37, v22;
	v37 =	vmovc v39;
	v39 =	vmov v25;
	v25 =	vmul.f32 v23, v1;
	v1 =	vld [tilespmem:$0x1FEE0];
	_ =	sdelay $0x4  }
0x149: {  	v11 =	vshrl.u32 v16, $0x1;
	v50 =	vmovc v53;
	v53 =	vmul.f32 v27, v31;
	v31 =	vmov v1;
	v1 =	vld [tilespmem:$0x1FEA0];
	_ =	sdelay $0x2  }
0x14a: {  	v6 =	vsub.s32 $0x5F3759DF, v11;
	v11 =	vmov v26;
	v26 =	vmul.f32 v15, v15;
	_ =	sdelay $0x1  }
0x14b: {  	v21 =	vadd.f32 v26, v21;
	v26 =	vmul.f32 v23, v1;
	v1 =	vld [tilespmem:$0x1FEC0];
	_ =	sdelay $0x4  }
0x14c: {  	v27 =	vmov v1;
	v1 =	vld [tilespmem:$0x1FE80];
	_ =	sdelay $0x4  }
0x14d: {  	[tilespmem:$0x1FE90] =	vst v31;
	v31 =	vmul.f32 v23, v1;
	v1 =	vld [tilespmem:$0x1FF40]  }
0x14e: {  	v36 =	vmul.f32 v38, v38;
	_ =	sdelay $0x1  }
0x14f: {  	v22 =	vadd.f32 v34, v22;
	_ =	sdelay $0x1  }
0x150: {  	v18 =	vmul.f32 v20, v18;
	v22 =	vadd.f32 v36, v22;
	v36 =	vmovc v52;
	v52 =	vmovc v1;
	v1 =	vmov v15  }
0x151: {  	[tilespmem:$0x1FF40] =	vst v1;
	v1 =	vld [tilespmem:$0x1FF70]  }
0x152: {  	v18 =	vmul.f32 v18, v20;
	_ =	sdelay $0x1  }
0x153: {  	v18 =	vsub.f32 $1.500000000e+00, v18  }
0x154: {  	v19 =	vmov v24  }
0x155: {  	v18 =	vmul.f32 v18, v20;
	v20 =	vld [tilespmem:$0x1FF50];
	v19 =	vmul.f32 v23, v19;
	v23 =	vmovc v1;
	v1 =	vmov v17  }
0x156: {  	[tilespmem:$0x1FF70] =	vst v1;
	v1 =	vld [tilespmem:$0x1FED0]  }
0x157: {  	v32 =	vld [tilespmem:$0x1FFC0]  }
0x158: {  	v13 =	vmul.f32 v13, v12;
	v24 =	vmul.f32 $5.000000000e-01, v16;
	_ =	sdelay $0x1  }
0x159: {  	v41 =	vmovc v35;
	v35 =	vmul.f32 v13, v56;
	v56 =	vmov v24;
	v24 =	vmul.f32 v49, v49  }
0x15a: {  	[tilespmem:s23+$0x48A0] =	vst v25;
	v17 =	vmov v1;
	v1 =	vmov v20  }
0x15b: {  	v24 =	vadd.f32 v24, v29;
	v29 =	vmul.f32 v46, v40;
	v25 =	vperm.xlane v21, v32;
	[tilespmem:$0x1FED0] =	vst v1;
	v1 =	vld [tilespmem:$0x1FEB0];
	_ =	sdelay $0x1  }
0x15c: {  	v15 =	vadd.f32 v21, v25;
	v21 =	vsub.f32 $1.500000000e+00, v29;
	v29 =	vld [tilespmem:$0x1FFD0]  }
0x15d: {  	[tilespmem:s23+$0x48B0] =	vst v26;
	v26 =	vperm.xlane v22, v32;
	_ =	sdelay $0x1  }
0x15e: {  	v22 =	vadd.f32 v22, v26;
	[tilespmem:$0x1FEC0] =	vst v52;
	v52 =	vmov v1;
	v1 =	vld [tilespmem:$0x1FFB0]  }
0x15f: {  	[tilespmem:s23+$0x4880] =	vst v19  }
0x160: {  	v30 =	vsub.s32 $0x5F3759DF, v30;
	v19 =	vperm.xlane v22, v29;
	[tilespmem:$0x1FEE0] =	vst v23  }
0x161: {  	v23 =	vmul.f32 v30, v61;
	[tilespmem:$0x1FE80] =	vst v17;
	v17 =	vmul.f32 v21, v40;
	_ =	sdelay $0x1  }
0x162: {  	v19 =	vadd.f32 v22, v19;
	v22 =	vmul.f32 v30, v23;
	v23 =	vmul.f32 v17, v3;
	v3 =	vmovc v1;
	v1 =	vld [tilespmem:$0x1FD90];
	_ =	sdelay $0x4  }
0x163: {  	v24 =	vadd.f32 v62, v24;
	v62 =	vmul.f32 v17, v1;
	v1 =	vld [tilespmem:$0x1FDA0];
	_ =	sdelay $0x4  }
0x164: {  	[tilespmem:$0x1FEB0] =	vst v3;
	v3 =	vmul.f32 v18, v1;
	v1 =	vld [tilespmem:$0x1FDB0];
	_ =	sdelay $0x4  }
0x165: {  	v20 =	vmul.f32 v17, v54;
	v17 =	vmul.f32 v17, v1;
	v1 =	vld [tilespmem:$0x1FDC0]  }
0x166: {  	[tilespmem:$0x1FF30] =	vst v28;
	v28 =	vmul.f32 v63, v63  }
0x167: {  	v12 =	vmov v57;
	v57 =	vmov v0;
	v0 =	vmul.f32 v8, v8  }
0x168: {  	v21 =	vadd.f32 v28, v24;
	v24 =	vld [tilespmem:$0x1FFF0]  }
0x169: {  	v0 =	vadd.f32 v0, v7;
	v7 =	vperm.xlane v15, v29  }
0x16a: {  	[tilespmem:s23+$0x4890] =	vst v31;
	v31 =	vmov v1;
	v1 =	vld [tilespmem:$0x1FDD0]  }
0x16b: {  	v7 =	vadd.f32 v15, v7;
	_ =	sdelay $0x1  }
0x16c: {  	v59 =	vmov v60;
	v60 =	vperm.xlane v7, v24  }
0x16d: {  	v16 =	vmul.f32 v5, v5  }
0x16e: {  	v54 =	vmovc v8;
	v8 =	vadd.f32 v7, v60;
	v7 =	vmul.f32 v18, v1;
	v1 =	vmov v5  }
0x16f: {  	[tilespmem:$0x1FFB0] =	vst v1;
	v1 =	vld [tilespmem:$0x1FE00]  }
0x170: {  	v0 =	vadd.f32 v16, v0  }
0x171: {  	v35 =	vmul.f32 v35, v13  }
0x172: {  	v33 =	vmov v45;
	v15 =	vmul.f32 v6, v56;
	[tilespmem:s23+$0x4810] =	vst v23;
	v23 =	vperm.xlane v0, v32  }
0x173: {  	v45 =	vmovc v4;
	v4 =	vmovc v10;
	v10 =	vmov v63;
	v63 =	vld [tilespmem:$0x1FE50];
	v26 =	vmov v9;
	v9 =	vsub.f32 $1.500000000e+00, v22  }
0x174: {  	v16 =	vld [tilespmem:$0x1FFF0];
	[tilespmem:$0x1FEA0] =	vst v27;
	v0 =	vadd.f32 v0, v23;
	v5 =	vmul.f32 v6, v15;
	v1 =	vmul.f32 v18, v1  }
0x175: {  	v27 =	vmul.f32 v53, v39;
	v25 =	vsub.f32 $1.500000000e+00, v35;
	v35 =	vmovc v44;
	v44 =	vld [tilespmem:$0x1FE30];
	[tilespmem:s23+$0x4830] =	vst v20;
	v20 =	vperm.xlane v21, v32  }
0x176: {  	v28 =	vld [tilespmem:$0x1FFE0];
	v24 =	vmovc v14;
	v14 =	vmul.f32 v30, v9;
	v9 =	vsub.f32 $1.500000000e+00, v5;
	[tilespmem:s23+$0x4840] =	vst v1;
	v1 =	vperm.xlane v0, v29  }
0x177: {  	v60 =	vmul.f32 v27, v53;
	v27 =	vld [tilespmem:$0x1FFF0];
	[tilespmem:s23+$0x4860] =	vst v3;
	v3 =	vadd.f32 v21, v20  }
0x178: {  	v11 =	vadd.f32 v11, v12;
	v12 =	vmul.f32 v6, v9;
	v6 =	vadd.f32 v0, v1;
	v0 =	vld [tilespmem:$0x1FF20]  }
0x179: {  	[tilespmem:$0x1FF50] =	vst v4;
	v15 =	vperm.xlane v3, v29;
	v1 =	vld [tilespmem:$0x1FFA0]  }
0x17a: {  	v22 =	vld [tilespmem:$0x1FDE0];
	[tilespmem:s23+$0x4800] =	vst v17  }
0x17b: {  	p4 =	sne.s32 s25, $0x7C00;
	v16 =	vperm.xlane v19, v16;
	v3 =	vadd.f32 v3, v15;
	[tilespmem:$0x1FFA0] =	vst v10;
	v10 =	vld [tilespmem:$0x1FE60]  }
.Ltmp2:
0x17c: {  	v40 =	vld [tilespmem:$0x1FD80];
	v17 =	vmul.f32 v18, v43;
	[tilespmem:s23+$0x4850] =	vst v7;
	v7 =	vmul.f32 v25, v13;
	(pc) =	sbr.rel @p4 .LBB2_7-.Ltmp2, $4  }
0x17d: {  	v46 =	vmovc v47;
	v47 =	vmov v2;
	v30 =	vld [tilespmem:$0x1FE10];
	[tilespmem:s23+$0x4820] =	vst v62;
	v62 =	vadd.f32 v19, v16;
	v4 =	vperm.xlane v3, v27  }
0x17e: {  	v19 =	vld [tilespmem:$0x1FDF0];
	v43 =	vmovc v48;
	[tilespmem:s23+$0x4870] =	vst v17;
	v5 =	vperm.xlane v8, v28;
	v13 =	vmul.f32 v7, v0;
	v0 =	vmov v1  }
0x17f: {  	v48 =	vld [tilespmem:$0x1FE40];
	v25 =	vmovc v41;
	v9 =	vmax.f32 v11, $1.000000020e-24;
	v4 =	vadd.f32 v3, v4;
	s23 =	smov.u32 s22;
	v1 =	vmul.f32 v14, v61;
	[tilespmem:$0x1FF20] =	vst v0  }
0x180: {  	s25 =	sadd.s32 $0x400, s25;
	v41 =	vld [tilespmem:$0x1FE20];
	v11 =	vshrl.u32 v9, $0x1;
	s22 =	smov.u32 s24;
	s24 =	smov.u32 s26;
	v34 =	vmovc v10;
	v10 =	vmul.f32 v12, v56;
	v0 =	vperm.xlane v62, v28;
	[tilespmem:s23+$0x48F0] =	vst v13  }
0x181: {  	v3 =	vmul.f32 $5.000000000e-01, v9  }
0x182: {  	v2 =	vsub.s32 $0x5F3759DF, v11;
	v18 =	vperm.xlane v6, v27;
	v1 =	vmul.f32 v1, v14  }
0x183: {  	v15 =	vsub.f32 $1.500000000e+00, v59;
	v9 =	vmul.f32 v2, v3  }
0x184: {  	v10 =	vmul.f32 v10, v12;
	v6 =	vadd.f32 v6, v18;
	v1 =	vsub.f32 $1.500000000e+00, v1  }
0x185: {  	v15 =	vmul.f32 v15, v50;
	v9 =	vmul.f32 v2, v9  }
0x186: {  	v17 =	vld [tilespmem:$0x1FE70];
	v20 =	vsub.f32 $1.500000000e+00, v10;
	v11 =	vperm.xlane v6, v28;
	v10 =	vmul.f32 v1, v14  }
0x187: {  	v18 =	vmul.f32 v15, v51;
	v9 =	vsub.f32 $1.500000000e+00, v9  }
0x188: {  	v14 =	vmul.f32 v7, v19;
	v6 =	vadd.f32 v6, v11;
	v23 =	vmul.f32 v10, v61  }
0x189: {  	v61 =	vmul.f32 v18, v15;
	v2 =	vmul.f32 v2, v9  }
0x18a: {  	v9 =	vmul.f32 v20, v12;
	v12 =	vmul.f32 v7, v22;
	v22 =	vmax.f32 v6, $1.000000020e-24  }
0x18b: {  	v6 =	vmul.f32 v23, v10;
	v7 =	vmul.f32 v7, v17;
	v17 =	vsub.f32 $1.500000000e+00, v61  }
0x18c: {  	v13 =	vshrl.u32 v22, $0x1;
	v1 =	vmul.f32 $5.000000000e-01, v22;
	v22 =	vperm.xlane v4, v28  }
0x18d: {  	v21 =	vmul.f32 v2, v3;
	v13 =	vsub.s32 $0x5F3759DF, v13;
	v6 =	vsub.f32 $1.500000000e+00, v6  }
0x18e: {  	v57 =	vadd.f32 v26, v57;
	v23 =	vld [tilespmem:$0x1FE90];
	v15 =	vmul.f32 v17, v15;
	v16 =	vmul.f32 v13, v1  }
0x18f: {  	v5 =	vadd.f32 v8, v5;
	v20 =	vld [tilespmem:$0x1FE80];
	v11 =	vmul.f32 v21, v2;
	v6 =	vmul.f32 v6, v10  }
0x190: {  	v50 =	vmul.f32 v13, v16;
	v16 =	vmul.f32 $5.000000000e-01, v58;
	v58 =	vshrl.u32 v58, $0x1  }
0x191: {  	v25 =	vmul.f32 v15, v25;
	v11 =	vsub.f32 $1.500000000e+00, v11;
	v59 =	vsub.s32 $0x5F3759DF, v58  }
0x192: {  	v4 =	vadd.f32 v4, v22;
	v26 =	vmul.f32 v15, v33;
	v21 =	vmul.f32 v59, v16  }
0x193: {  	v19 =	vmul.f32 v6, v23;
	v11 =	vmul.f32 v11, v2;
	v2 =	vsub.f32 $1.500000000e+00, v50;
	v50 =	vld [tilespmem:$0x1FEA0]  }
0x194: {  	v4 =	vmax.f32 v4, $1.000000020e-24;
	v20 =	vmul.f32 v6, v20;
	v18 =	vmul.f32 v59, v21  }
0x195: {  	v58 =	vshrl.u32 v4, $0x1;
	v4 =	vmul.f32 $5.000000000e-01, v4;
	v3 =	vmul.f32 v11, v3  }
0x196: {  	v2 =	vmul.f32 v13, v2;
	v51 =	vsub.f32 $1.500000000e+00, v18;
	v18 =	vmax.f32 v57, $1.000000020e-24  }
0x197: {  	v3 =	vmul.f32 v3, v11;
	v21 =	vshrl.u32 v18, $0x1;
	v18 =	vmul.f32 $5.000000000e-01, v18  }
0x198: {  	v17 =	vsub.s32 $0x5F3759DF, v58;
	v13 =	vmul.f32 v6, v50;
	v6 =	vmul.f32 v6, v24  }
0x199: {  	v10 =	vmul.f32 v59, v51;
	v59 =	vmul.f32 v17, v4;
	v21 =	vsub.s32 $0x5F3759DF, v21  }
0x19a: {  	v51 =	vmul.f32 v9, v56;
	v3 =	vsub.f32 $1.500000000e+00, v3;
	v24 =	vmul.f32 v21, v18  }
0x19b: {  	v0 =	vadd.f32 v62, v0;
	v23 =	vmul.f32 v10, v16;
	v22 =	vmul.f32 v17, v59  }
0x19c: {  	v5 =	vmax.f32 v5, $1.000000020e-24;
	v3 =	vmul.f32 v3, v11;
	v24 =	vmul.f32 v21, v24  }
0x19d: {  	v61 =	vmul.f32 v23, v10;
	v23 =	vmul.f32 v15, v52;
	v22 =	vsub.f32 $1.500000000e+00, v22  }
0x19e: {  	v15 =	vmul.f32 v15, v43;
	v50 =	vsub.f32 $1.500000000e+00, v24;
	v24 =	vmul.f32 v3, v44  }
0x19f: {  	v0 =	vmax.f32 v0, $1.000000020e-24;
	[tilespmem:s23+$0x48C0] =	vst v12;
	v8 =	vmul.f32 v3, v41;
	v12 =	vmul.f32 v3, v48  }
0x1a0: {  	v3 =	vmul.f32 v3, v40;
	v41 =	vsub.f32 $1.500000000e+00, v60;
	v17 =	vmul.f32 v17, v22  }
0x1a1: {  	v44 =	vmul.f32 $5.000000000e-01, v5;
	v11 =	vsub.f32 $1.500000000e+00, v61;
	v21 =	vmul.f32 v21, v50  }
0x1a2: {  	[tilespmem:s23+$0x48A0] =	vst v19;
	v5 =	vshrl.u32 v5, $0x1;
	v19 =	vmul.f32 v41, v53;
	v52 =	vmul.f32 v17, v4  }
0x1a3: {  	v5 =	vsub.s32 $0x5F3759DF, v5;
	v10 =	vmul.f32 v11, v10;
	v11 =	vmul.f32 v51, v9  }
0x1a4: {  	v40 =	vld [tilespmem:$0x1FEF0];
	v48 =	vmul.f32 v5, v44;
	v53 =	vshrl.u32 v0, $0x1;
	v22 =	vmul.f32 v52, v17  }
0x1a5: {  	[tilespmem:s23+$0x48D0] =	vst v14;
	v43 =	vld [tilespmem:$0x1FF00];
	v0 =	vmul.f32 $5.000000000e-01, v0;
	v57 =	vmul.f32 v21, v18;
	v11 =	vsub.f32 $1.500000000e+00, v11  }
0x1a6: {  	[tilespmem:s23+$0x48E0] =	vst v7;
	v50 =	vmul.f32 v19, v39;
	v16 =	vmul.f32 v10, v16;
	v56 =	vsub.f32 $1.500000000e+00, v22  }
0x1a7: {  	[tilespmem:s23+$0x4810] =	vst v25;
	v61 =	vmul.f32 v57, v21;
	v58 =	vmul.f32 v11, v9  }
0x1a8: {  	[tilespmem:s23+$0x4820] =	vst v26;
	v59 =	vmul.f32 v16, v10;
	v22 =	vld [tilespmem:$0x1FF20];
	v11 =	vmul.f32 v56, v17  }
0x1a9: {  	[tilespmem:s23+$0x4890] =	vst v20;
	v51 =	vld [tilespmem:$0x1FEE0];
	v14 =	vsub.f32 $1.500000000e+00, v61;
	v33 =	vmul.f32 v58, v63;
	v17 =	vmul.f32 v58, v40  }
0x1aa: {  	[tilespmem:s23+$0x4880] =	vst v6;
	v52 =	vld [tilespmem:$0x1FEC0];
	v9 =	vsub.f32 $1.500000000e+00, v59;
	v6 =	vmul.f32 v58, v43;
	v56 =	vmul.f32 v50, v19  }
0x1ab: {  	[tilespmem:s23+$0x48B0] =	vst v13;
	v63 =	vmul.f32 v2, v1;
	v14 =	vmul.f32 v14, v21  }
0x1ac: {  	[tilespmem:s23+$0x4830] =	vst v23;
	v9 =	vmul.f32 v9, v10;
	v10 =	vmul.f32 v5, v48  }
0x1ad: {  	[tilespmem:s23+$0x4800] =	vst v15;
	v57 =	vsub.s32 $0x5F3759DF, v53;
	v4 =	vmul.f32 v11, v4;
	v13 =	vmul.f32 v58, v22  }
0x1ae: {  	[tilespmem:s23+$0x4860] =	vst v24;
	v18 =	vmul.f32 v14, v18;
	v22 =	vmul.f32 v57, v0;
	v10 =	vsub.f32 $1.500000000e+00, v10  }
0x1af: {  	[tilespmem:s23+$0x4850] =	vst v8;
	v8 =	vsub.f32 $1.500000000e+00, v56;
	v21 =	vmul.f32 v9, v51;
	v15 =	vmul.f32 v9, v52  }
0x1b0: {  	[tilespmem:s23+$0x4870] =	vst v12;
	v59 =	vmul.f32 v9, v46;
	v5 =	vmul.f32 v5, v10  }
0x1b1: {  	[tilespmem:s23+$0x4840] =	vst v3;
	v58 =	vld [tilespmem:$0x1FED0];
	v8 =	vmul.f32 v8, v19;
	v4 =	vmul.f32 v4, v11  }
0x1b2: {  	[tilespmem:s22+$0x48C0] =	vst v33;
	v60 =	vmul.f32 v18, v14;
	v62 =	vmul.f32 v5, v44  }
0x1b3: {  	v61 =	vmul.f32 v57, v22;
	[tilespmem:s22+$0x48A0] =	vst v21;
	v21 =	vmul.f32 v63, v2  }
0x1b4: {  	[tilespmem:s22+$0x48D0] =	vst v17;
	v22 =	vld [tilespmem:$0x1FEB0];
	v23 =	vmul.f32 v8, v35;
	v19 =	vmul.f32 v62, v5  }
0x1b5: {  	[tilespmem:s22+$0x48E0] =	vst v6;
	v4 =	vsub.f32 $1.500000000e+00, v4;
	v39 =	vmul.f32 v8, v31;
	v10 =	vsub.f32 $1.500000000e+00, v61  }
0x1b6: {  	[tilespmem:s22+$0x48F0] =	vst v13;
	v12 =	vmul.f32 v9, v58;
	v41 =	vsub.f32 $1.500000000e+00, v21;
	v6 =	vsub.f32 $1.500000000e+00, v19  }
0x1b7: {  	v40 =	vld [tilespmem:$0x1FF10];
	[tilespmem:s22+$0x48B0] =	vst v15;
	v9 =	vsub.f32 $1.500000000e+00, v60;
	v4 =	vmul.f32 v4, v11;
	v10 =	vmul.f32 v57, v10  }
0x1b8: {  	[tilespmem:s22+$0x4880] =	vst v59;
	v2 =	vmul.f32 v41, v2;
	v33 =	vmul.f32 v6, v5  }
0x1b9: {  	v9 =	vmul.f32 v9, v14;
	[tilespmem:s22+$0x4890] =	vst v12;
	v12 =	vmul.f32 v8, v22  }
0x1ba: {  	[tilespmem:s22+$0x4810] =	vst v23;
	v1 =	vmul.f32 v2, v1;
	v7 =	vmul.f32 v33, v44;
	v44 =	vld [tilespmem:$0x1FF30]  }
0x1bb: {  	[tilespmem:s22+$0x4820] =	vst v39;
	v8 =	vmul.f32 v8, v34;
	v35 =	vmul.f32 v10, v0  }
0x1bc: {  	[tilespmem:s22+$0x4830] =	vst v12;
	v12 =	vmul.f32 v9, v40;
	v1 =	vmul.f32 v1, v2  }
0x1bd: {  	v43 =	vmul.f32 v9, v36;
	[tilespmem:s22+$0x4800] =	vst v8;
	v5 =	vmul.f32 v35, v10  }
0x1be: {  	v46 =	vmul.f32 v9, v30;
	[tilespmem:s22+$0x4860] =	vst v12;
	v1 =	vsub.f32 $1.500000000e+00, v1  }
0x1bf: {  	v48 =	vld [tilespmem:$0x1FFA0];
	v50 =	vmul.f32 v4, v37;
	[tilespmem:s22+$0x4850] =	vst v43;
	v5 =	vsub.f32 $1.500000000e+00, v5;
	v6 =	vmul.f32 v9, v44  }
0x1c0: {  	v52 =	vld [tilespmem:$0x1FF90];
	[tilespmem:s22+$0x4840] =	vst v46;
	v7 =	vmul.f32 v7, v33;
	v1 =	vmul.f32 v1, v2  }
0x1c1: {  	v57 =	vld [tilespmem:$0x1FF50];
	v51 =	vmul.f32 v4, v49;
	v5 =	vmul.f32 v5, v10;
	[tilespmem:s22+$0x4870] =	vst v6  }
0x1c2: {  	v53 =	vld [tilespmem:$0x1FF70];
	v7 =	vsub.f32 $1.500000000e+00, v7;
	v59 =	vmul.f32 v1, v45;
	[tilespmem:s24+$0x48C0] =	vst v50  }
0x1c3: {  	v56 =	vld [tilespmem:$0x1FF40];
	v0 =	vmul.f32 v5, v0;
	v60 =	vmul.f32 v1, v54;
	[tilespmem:s24+$0x48D0] =	vst v51  }
0x1c4: {  	v3 =	vmul.f32 v7, v33;
	v6 =	vmul.f32 v4, v48;
	[tilespmem:s24+$0x4810] =	vst v59  }
0x1c5: {  	v58 =	vld [tilespmem:$0x1FFB0];
	v4 =	vmul.f32 v4, v52;
	[tilespmem:s24+$0x4820] =	vst v60  }
0x1c6: {  	v0 =	vmul.f32 v0, v5;
	v2 =	vmul.f32 v3, v57;
	[tilespmem:s24+$0x48F0] =	vst v6  }
0x1c7: {  	v61 =	vld [tilespmem:$0x1FF80];
	v6 =	vmul.f32 v3, v53;
	[tilespmem:s24+$0x48E0] =	vst v4  }
0x1c8: {  	v62 =	vld [tilespmem:$0x1FF60];
	v0 =	vsub.f32 $1.500000000e+00, v0;
	v4 =	vmul.f32 v3, v56;
	[tilespmem:s24+$0x4890] =	vst v2  }
0x1c9: {  	s31 =	sld [smem:$0x7FC];
	v3 =	vmul.f32 v3, v42;
	[tilespmem:s24+$0x48A0] =	vst v6  }
0x1ca: {  	v2 =	vmul.f32 v1, v58;
	v0 =	vmul.f32 v0, v5;
	[tilespmem:s24+$0x48B0] =	vst v4  }
0x1cb: {  	v1 =	vmul.f32 v1, v47;
	[tilespmem:s24+$0x4880] =	vst v3  }
0x1cc: {  	p0 =	seq.s32 s31, $0x1;
	[tilespmem:s24+$0x4830] =	vst v2;
	v3 =	vmul.f32 v0, v61  }
.Ltmp3:
0x1cd: {  	v2 =	vmul.f32 v0, v62;
	[tilespmem:s24+$0x4800] =	vst v1;
	(pc) =	sbr.rel @p0 .LBB2_10-.Ltmp3, $4  }
0x1ce: {  	v63 =	vmul.f32 v0, v38;
	[tilespmem:s24+$0x4860] =	vst v3  }
0x1cf: {  	v0 =	vmul.f32 v0, v55;
	[tilespmem:s24+$0x4850] =	vst v2  }
0x1d0: {  	[tilespmem:s24+$0x4870] =	vst v63  }
0x1d1: {  	[tilespmem:s24+$0x4840] =	vst v0  }
.Ltmp4:
0x1d2: {  	(pc) =	sbr.rel .LBB2_13-.Ltmp4, $4  }
0x1d3: {  	p3 =	por @!p1 $0x1, $0x1  }
0x1d4: {  	s22 =	smov.u32 s2;
	p0 =	por @!p1 $0x0, $0x0;
	p4 =	por $0x0, $0x0  }
0x1d5: {  	p6 =	por $0x0, $0x0;
	p5 =	por $0x0, $0x0;
	s22 =	smov.u32 @p1 s1  }
0x1d6: {  	p4 =	por @!p1 p0, p0;
	p6 =	por @!p1 p3, p3;
	p5 =	por @!p1 p0, p0  }
.LBB2_10:
0x1d7: {  	s22 =	sld [smem:$0x7FD];
	_ =	sdelay $0x2  }
0x1d8: {  	p0 =	seq.s32 s22, $0x1  }
.Ltmp5:
0x1d9: {  	_ = 	snop;
	(pc) =	sbr.rel @!p0 .LBB2_11-.Ltmp5, $1  }
0x1da: {  	_ =	sdelay $0x3  }
.Ltmp6:
0x1db: {  	(pc) =	sbr.rel .LBB2_13-.Ltmp6, $3  }
0x1dc: {  	_ =	sdelay $0x1  }
0x1dd: {  	p6 =	por $0x0, $0x0  }
0x1de: {  	p4 =	por $0x1, $0x1;
	s22 =	smov.u32 s4;
	p5 =	por $0x0, $0x0  }
.LBB2_11:
0x1df: {  	p5 =	por $0x1, $0x1  }
0x1e0: {  	p4 =	por $0x0, $0x0;
	s22 =	smov.u32 s3;
	p6 =	por $0x0, $0x0  }
.LBB2_13:
0x1e1: {  	s23 =	sshll.u32 s18, $0xB  }
0x1e2: {  	s23 =	sadd.s32 s11, s23  }
0x1e3: {  	s31 =	simm.s32 $0x0;
	s22 =	sadd.s32 s22, s23  }
0x1e4: {  	[hbm4b:s22+s31] =	stream.linear.scatter [tilespmem:s14], [sflag:$0x4], $0x2000, $0x38;
	[tilespmem:$0x6800] =	vst v63  }
0x1e5: {  	p0 =	seq.s32 s18, $0x7;
	_ =	swait.ge [sflag:s15], $0x2000  }
.Ltmp7:
0x1e6: {  	[sflag:s15] =	ssyncset.done $0x0;
	(pc) =	sbr.rel @p0 .LBB2_17-.Ltmp7, $4  }
0x1e7: {  	[sflag:s15] =	ssyncadd.s32 $0xFFFFE000  }
0x1e8: {  	_ =	swait.ge [sflag:s16], $0x2000  }
0x1e9: {  	[sflag:s16] =	ssyncset.done $0x0  }
0x1ea: {  	[sflag:s16] =	ssyncadd.s32 $0xFFFFE000  }
0x1eb: {  	v0 =	vld [tilespmem:s20+$0x0];
	_ =	sdelay $0x4  }
0x1ec: {  	v0 =	vshrl.u32 v0, $0x3  }
0x1ed: {  	v0 =	vadd.s32 s0, v0  }
0x1ee: {  	(v2sf) =	vpush v0, $0x0;
	_ =	sdelay $0x1  }
0x1ef: {  	(v2sf) =	vpush v0, $0x1;
	_ =	sdelay $0x1  }
0x1f0: {  	(v2sf) =	vpush v0, $0x2;
	_ =	sdelay $0x1  }
0x1f1: {  	(v2sf) =	vpush v0, $0x3;
	_ =	sdelay $0x1  }
0x1f2: {  	(v2sf) =	vpush v0, $0x4;
	_ =	sdelay $0x1  }
0x1f3: {  	(v2sf) =	vpush v0, $0x5;
	_ =	sdelay $0x1  }
0x1f4: {  	(v2sf) =	vpush v0, $0x6;
	_ =	sdelay $0x1  }
0x1f5: {  	(v2sf) =	vpush v0, $0x7  }
0x1f6: {  	s22 =	simm.s32 $0x800;
	s23 =	spop (v2sf)  }
0x1f7: {  	(v2sf) =	vpush v0, $0x8;
	[tilespmem:s22], [sflag:$0x1] =	stream.linear.gather [hbm4b:s23+s5], $0x40, $0x38;
	[tilespmem:$0x6800] =	vst v63  }
0x1f8: {  	s28 =	simm.s32 $0x840;
	s29 =	spop (v2sf);
	(v2sf) =	vpush v0, $0x9  }
0x1f9: {  	[tilespmem:s28], [sflag:$0x1] =	stream.linear.gather [hbm4b:s29+s5], $0x40, $0x38;
	[tilespmem:$0x6800] =	vst v63  }
0x1fa: {  	s30 =	simm.s32 $0x880;
	s31 =	spop (v2sf);
	(v2sf) =	vpush v0, $0xA  }
0x1fb: {  	[tilespmem:s30], [sflag:$0x1] =	stream.linear.gather [hbm4b:s31+s5], $0x40, $0x38;
	[tilespmem:$0x6800] =	vst v63  }
0x1fc: {  	s23 =	simm.s32 $0x8C0;
	s24 =	spop (v2sf);
	(v2sf) =	vpush v0, $0xB  }
0x1fd: {  	[tilespmem:s23], [sflag:$0x1] =	stream.linear.gather [hbm4b:s24+s5], $0x40, $0x38;
	[tilespmem:$0x6800] =	vst v63  }
0x1fe: {  	s25 =	simm.s32 $0x900;
	s26 =	spop (v2sf);
	(v2sf) =	vpush v0, $0xC  }
0x1ff: {  	[tilespmem:s25], [sflag:$0x1] =	stream.linear.gather [hbm4b:s26+s5], $0x40, $0x38;
	[tilespmem:$0x6800] =	vst v63  }
0x200: {  	s28 =	simm.s32 $0x940;
	s29 =	spop (v2sf);
	(v2sf) =	vpush v0, $0xD  }
0x201: {  	[tilespmem:s28], [sflag:$0x1] =	stream.linear.gather [hbm4b:s29+s5], $0x40, $0x38;
	[tilespmem:$0x6800] =	vst v63  }
0x202: {  	s30 =	simm.s32 $0x980;
	s31 =	spop (v2sf);
	(v2sf) =	vpush v0, $0xE  }
0x203: {  	[tilespmem:s30], [sflag:$0x1] =	stream.linear.gather [hbm4b:s31+s5], $0x40, $0x38;
	[tilespmem:$0x6800] =	vst v63  }
0x204: {  	s23 =	simm.s32 $0x9C0;
	s24 =	spop (v2sf);
	(v2sf) =	vpush v0, $0xF  }
0x205: {  	[tilespmem:s23], [sflag:$0x1] =	stream.linear.gather [hbm4b:s24+s5], $0x40, $0x38;
	[tilespmem:$0x6800] =	vst v63  }
0x206: {  	s26 =	spop (v2sf)  }
0x207: {  	s25 =	simm.s32 $0xA00;
	s29 =	spop (v2sf)  }
0x208: {  	[tilespmem:s25], [sflag:$0x1] =	stream.linear.gather [hbm4b:s26+s5], $0x40, $0x38;
	[tilespmem:$0x6800] =	vst v63  }
0x209: {  	s28 =	simm.s32 $0xA40;
	s31 =	spop (v2sf)  }
0x20a: {  	[tilespmem:s28], [sflag:$0x1] =	stream.linear.gather [hbm4b:s29+s5], $0x40, $0x38;
	[tilespmem:$0x6800] =	vst v63  }
0x20b: {  	s30 =	simm.s32 $0xA80;
	s24 =	spop (v2sf)  }
0x20c: {  	[tilespmem:s30], [sflag:$0x1] =	stream.linear.gather [hbm4b:s31+s5], $0x40, $0x38;
	[tilespmem:$0x6800] =	vst v63  }
0x20d: {  	s23 =	simm.s32 $0xAC0;
	s26 =	spop (v2sf)  }
0x20e: {  	[tilespmem:s23], [sflag:$0x1] =	stream.linear.gather [hbm4b:s24+s5], $0x40, $0x38;
	[tilespmem:$0x6800] =	vst v63  }
0x20f: {  	s22 =	simm.s32 $0x1000;
	s25 =	simm.s32 $0xB00;
	s29 =	spop (v2sf)  }
0x210: {  	[tilespmem:s25], [sflag:$0x1] =	stream.linear.gather [hbm4b:s26+s5], $0x40, $0x38;
	[tilespmem:$0x6800] =	vst v63  }
0x211: {  	s28 =	simm.s32 $0xB40;
	s30 =	simm.s32 $0xB80;
	s31 =	spop (v2sf)  }
0x212: {  	[tilespmem:s28], [sflag:$0x1] =	stream.linear.gather [hbm4b:s29+s5], $0x40, $0x38;
	[tilespmem:$0x6800] =	vst v63  }
0x213: {  	s24 =	simm.s32 $0xBC0;
	s23 =	sadd.s32 $0x10, s20;
	s25 =	spop (v2sf)  }
0x214: {  	[tilespmem:s30], [sflag:$0x1] =	stream.linear.gather [hbm4b:s31+s5], $0x40, $0x38;
	[tilespmem:$0x6800] =	vst v63  }
.LBB2_15:
0x215: {  	[tilespmem:s24], [sflag:$0x1] =	stream.linear.gather [hbm4b:s25+s5], $0x40, $0x38;
	[tilespmem:$0x6800] =	vst v63  }
0x216: {  	p3 =	sne.s32 s22, $0x7000;
	s24 =	smov.u32 s22;
	s22 =	sadd.s32 $0x1000, s22;
	v0 =	vld [tilespmem:s23+$0x0]  }
0x217: {  	_ =	sdelay $0x3  }
0x218: {  	v0 =	vshrl.u32 v0, $0x3  }
0x219: {  	v0 =	vadd.s32 s0, v0  }
0x21a: {  	(v2sf) =	vpush v0, $0x0;
	_ =	sdelay $0x1  }
0x21b: {  	(v2sf) =	vpush v0, $0x1;
	_ =	sdelay $0x1  }
0x21c: {  	(v2sf) =	vpush v0, $0x2;
	_ =	sdelay $0x1  }
0x21d: {  	(v2sf) =	vpush v0, $0x3;
	_ =	sdelay $0x1  }
0x21e: {  	(v2sf) =	vpush v0, $0x4;
	_ =	sdelay $0x1  }
0x21f: {  	(v2sf) =	vpush v0, $0x5;
	_ =	sdelay $0x1  }
0x220: {  	(v2sf) =	vpush v0, $0x6;
	_ =	sdelay $0x1  }
0x221: {  	s24 =	sshra.s32 s24, $0x2;
	(v2sf) =	vpush v0, $0x7  }
0x222: {  	s25 =	sadd.s32 $0x800, s24;
	s26 =	spop (v2sf)  }
0x223: {  	[tilespmem:s25], [sflag:$0x1] =	stream.linear.gather [hbm4b:s26+s5], $0x40, $0x38;
	(v2sf) =	vpush v0, $0x8;
	[tilespmem:$0x6800] =	vst v63  }
0x224: {  	s25 =	sadd.s32 $0x840, s24;
	s26 =	spop (v2sf)  }
0x225: {  	[tilespmem:s25], [sflag:$0x1] =	stream.linear.gather [hbm4b:s26+s5], $0x40, $0x38;
	(v2sf) =	vpush v0, $0x9;
	[tilespmem:$0x6800] =	vst v63  }
0x226: {  	s25 =	sadd.s32 $0x880, s24;
	s26 =	spop (v2sf)  }
0x227: {  	[tilespmem:s25], [sflag:$0x1] =	stream.linear.gather [hbm4b:s26+s5], $0x40, $0x38;
	(v2sf) =	vpush v0, $0xA;
	[tilespmem:$0x6800] =	vst v63  }
0x228: {  	s25 =	sadd.s32 $0x8C0, s24;
	s26 =	spop (v2sf)  }
0x229: {  	[tilespmem:s25], [sflag:$0x1] =	stream.linear.gather [hbm4b:s26+s5], $0x40, $0x38;
	(v2sf) =	vpush v0, $0xB;
	[tilespmem:$0x6800] =	vst v63  }
0x22a: {  	s25 =	sadd.s32 $0x900, s24;
	s26 =	spop (v2sf)  }
0x22b: {  	[tilespmem:s25], [sflag:$0x1] =	stream.linear.gather [hbm4b:s26+s5], $0x40, $0x38;
	(v2sf) =	vpush v0, $0xC;
	[tilespmem:$0x6800] =	vst v63  }
0x22c: {  	s25 =	sadd.s32 $0x940, s24;
	s26 =	spop (v2sf)  }
0x22d: {  	[tilespmem:s25], [sflag:$0x1] =	stream.linear.gather [hbm4b:s26+s5], $0x40, $0x38;
	(v2sf) =	vpush v0, $0xD;
	[tilespmem:$0x6800] =	vst v63  }
0x22e: {  	s25 =	sadd.s32 $0x980, s24;
	s26 =	spop (v2sf)  }
0x22f: {  	[tilespmem:s25], [sflag:$0x1] =	stream.linear.gather [hbm4b:s26+s5], $0x40, $0x38;
	(v2sf) =	vpush v0, $0xE;
	[tilespmem:$0x6800] =	vst v63  }
0x230: {  	s25 =	sadd.s32 $0x9C0, s24;
	s26 =	spop (v2sf)  }
0x231: {  	[tilespmem:s25], [sflag:$0x1] =	stream.linear.gather [hbm4b:s26+s5], $0x40, $0x38;
	(v2sf) =	vpush v0, $0xF;
	[tilespmem:$0x6800] =	vst v63  }
0x232: {  	s25 =	sadd.s32 $0xA00, s24;
	s26 =	spop (v2sf)  }
0x233: {  	[tilespmem:s25], [sflag:$0x1] =	stream.linear.gather [hbm4b:s26+s5], $0x40, $0x38;
	[tilespmem:$0x6800] =	vst v63  }
0x234: {  	s25 =	sadd.s32 $0xA40, s24;
	s26 =	spop (v2sf)  }
0x235: {  	[tilespmem:s25], [sflag:$0x1] =	stream.linear.gather [hbm4b:s26+s5], $0x40, $0x38;
	[tilespmem:$0x6800] =	vst v63  }
0x236: {  	s25 =	sadd.s32 $0xA80, s24;
	s26 =	spop (v2sf)  }
0x237: {  	[tilespmem:s25], [sflag:$0x1] =	stream.linear.gather [hbm4b:s26+s5], $0x40, $0x38;
	[tilespmem:$0x6800] =	vst v63  }
0x238: {  	s25 =	sadd.s32 $0xAC0, s24;
	s26 =	spop (v2sf)  }
0x239: {  	[tilespmem:s25], [sflag:$0x1] =	stream.linear.gather [hbm4b:s26+s5], $0x40, $0x38;
	[tilespmem:$0x6800] =	vst v63  }
0x23a: {  	s25 =	sadd.s32 $0xB00, s24;
	s26 =	spop (v2sf)  }
0x23b: {  	[tilespmem:s25], [sflag:$0x1] =	stream.linear.gather [hbm4b:s26+s5], $0x40, $0x38;
	[tilespmem:$0x6800] =	vst v63  }
.Ltmp8:
0x23c: {  	s25 =	sadd.s32 $0xB40, s24;
	s26 =	spop (v2sf);
	(pc) =	sbr.rel @p3 .LBB2_15-.Ltmp8, $4  }
0x23d: {  	[tilespmem:s25], [sflag:$0x1] =	stream.linear.gather [hbm4b:s26+s5], $0x40, $0x38;
	[tilespmem:$0x6800] =	vst v63  }
0x23e: {  	s25 =	sadd.s32 $0xB80, s24;
	s26 =	spop (v2sf)  }
0x23f: {  	[tilespmem:s25], [sflag:$0x1] =	stream.linear.gather [hbm4b:s26+s5], $0x40, $0x38;
	[tilespmem:$0x6800] =	vst v63  }
0x240: {  	s23 =	sadd.s32 $0x10, s23;
	s24 =	sadd.s32 $0xBC0, s24;
	s25 =	spop (v2sf)  }
0x241: {  	[tilespmem:s24], [sflag:$0x1] =	stream.linear.gather [hbm4b:s25+s5], $0x40, $0x38;
	[tilespmem:$0x6800] =	vst v63  }
.LBB2_17:
0x242: {  	s23 =	simm.s32 $0x0  }
0x243: {  	v37 =	vld [tilespmem:s23+$0x2820]  }
0x244: {  	v33 =	vld [tilespmem:s23+$0x2830]  }
0x245: {  	v22 =	vld [tilespmem:s23+$0x28C0]  }
0x246: {  	v19 =	vld [tilespmem:s23+$0x28D0]  }
0x247: {  	v2 =	vld [tilespmem:s23+$0x28E0]  }
0x248: {  	v25 =	vld [tilespmem:s23+$0x2810]  }
0x249: {  	v3 =	vld [tilespmem:s23+$0x2800]  }
0x24a: {  	v57 =	vld [tilespmem:s23+$0x28F0]  }
0x24b: {  	v6 =	vld [tilespmem:s23+$0x2890]  }
0x24c: {  	v24 =	vld [tilespmem:s23+$0x2880];
	v0 =	vmul.f32 v19, v19;
	v1 =	vmul.f32 v22, v22  }
0x24d: {  	v7 =	vld [tilespmem:s23+$0x28A0];
	[tilespmem:$0x1FC30] =	vst v2;
	v2 =	vmul.f32 v2, v2  }
0x24e: {  	v45 =	vld [tilespmem:s23+$0x2850];
	[tilespmem:$0x1FC40] =	vst v3;
	v3 =	vmul.f32 v3, v3;
	v0 =	vadd.f32 v0, v1;
	v1 =	vmul.f32 v25, v25  }
0x24f: {  	v40 =	vld [tilespmem:s23+$0x2840];
	v4 =	vmul.f32 v37, v37  }
0x250: {  	v39 =	vld [tilespmem:s23+$0x2860];
	v5 =	vmul.f32 v57, v57;
	v0 =	vadd.f32 v2, v0;
	v1 =	vadd.f32 v1, v3  }
0x251: {  	v2 =	vmul.f32 v6, v6;
	v3 =	vmul.f32 v24, v24  }
0x252: {  	v8 =	vld [tilespmem:s23+$0x28B0];
	[tilespmem:$0x1FC50] =	vst v6;
	v6 =	vmul.f32 v33, v33;
	v0 =	vadd.f32 v5, v0;
	v1 =	vadd.f32 v4, v1  }
0x253: {  	v5 =	vmul.f32 v45, v45;
	v2 =	vadd.f32 v2, v3  }
0x254: {  	v3 =	vmul.f32 v40, v40;
	v4 =	vperm.xlane v0, v32;
	v1 =	vadd.f32 v6, v1  }
0x255: {  	s22 =	simm.s32 $0x100;
	v52 =	vld [tilespmem:s23+$0x2870];
	[tilespmem:$0x1FC60] =	vst v7;
	v7 =	vmul.f32 v7, v7;
	v6 =	vmul.f32 v39, v39  }
0x256: {  	v9 =	vld [tilespmem:s22+$0x2830];
	v3 =	vadd.f32 v5, v3;
	v0 =	vadd.f32 v0, v4;
	v4 =	vperm.xlane v1, v32  }
0x257: {  	v10 =	vld [tilespmem:s22+$0x28B0];
	[tilespmem:$0x1FC70] =	vst v8;
	v8 =	vmul.f32 v8, v8;
	v2 =	vadd.f32 v7, v2  }
0x258: {  	v31 =	vld [tilespmem:s22+$0x2820];
	v3 =	vadd.f32 v6, v3;
	v6 =	vperm.xlane v0, v29;
	v1 =	vadd.f32 v1, v4  }
0x259: {  	v2 =	vadd.f32 v8, v2  }
0x25a: {  	v12 =	vld [tilespmem:s22+$0x2890];
	v5 =	vmul.f32 v52, v52;
	v0 =	vadd.f32 v0, v6;
	v4 =	vperm.xlane v1, v29  }
0x25b: {  	v23 =	vld [tilespmem:s22+$0x28C0];
	[tilespmem:$0x1FC80] =	vst v9;
	v9 =	vmul.f32 v9, v9;
	v7 =	vperm.xlane v2, v32  }
0x25c: {  	v14 =	vld [tilespmem:s22+$0x28D0];
	v3 =	vadd.f32 v5, v3;
	v6 =	vperm.xlane v0, v27;
	v1 =	vadd.f32 v1, v4  }
0x25d: {  	[tilespmem:$0x1FC90] =	vst v10;
	v10 =	vmul.f32 v10, v10;
	v11 =	vmul.f32 v31, v31;
	v2 =	vadd.f32 v2, v7  }
0x25e: {  	v34 =	vld [tilespmem:s22+$0x2800];
	v5 =	vperm.xlane v3, v32;
	v0 =	vadd.f32 v0, v6;
	v4 =	vperm.xlane v1, v27  }
0x25f: {  	v36 =	vld [tilespmem:s22+$0x2810];
	[tilespmem:$0x1FCA0] =	vst v12;
	v12 =	vmul.f32 v12, v12;
	v7 =	vperm.xlane v2, v29  }
0x260: {  	v30 =	vld [tilespmem:s22+$0x2840];
	v3 =	vadd.f32 v3, v5;
	v6 =	vperm.xlane v0, v28;
	v1 =	vadd.f32 v1, v4  }
0x261: {  	v18 =	vld [tilespmem:s22+$0x2870];
	[tilespmem:$0x1FCC0] =	vst v14;
	v14 =	vmul.f32 v14, v14;
	v15 =	vmul.f32 v23, v23;
	v2 =	vadd.f32 v2, v7  }
0x262: {  	v13 =	vld [tilespmem:s22+$0x28A0];
	v5 =	vperm.xlane v3, v29;
	v0 =	vadd.f32 v0, v6;
	v4 =	vperm.xlane v1, v28  }
0x263: {  	v48 =	vld [tilespmem:s22+$0x2880];
	v8 =	vmul.f32 v34, v34;
	v7 =	vperm.xlane v2, v27  }
0x264: {  	v3 =	vadd.f32 v3, v5;
	v6 =	vmax.f32 v0, $1.000000020e-24;
	v1 =	vadd.f32 v1, v4  }
0x265: {  	v35 =	vld [tilespmem:s22+$0x2850];
	v0 =	vmul.f32 $5.000000000e-01, v6;
	v4 =	vshrl.u32 v6, $0x1;
	v6 =	vmul.f32 v36, v36  }
0x266: {  	v17 =	vld [tilespmem:s22+$0x28E0];
	v16 =	vmul.f32 v30, v30;
	v14 =	vadd.f32 v14, v15;
	v15 =	vmul.f32 v18, v18  }
0x267: {  	v38 =	vld [tilespmem:s22+$0x2860];
	v2 =	vadd.f32 v2, v7;
	v5 =	vperm.xlane v3, v27;
	v6 =	vadd.f32 v6, v8  }
0x268: {  	v49 =	vld [tilespmem:s22+$0x28F0];
	[tilespmem:$0x1FCB0] =	vst v13;
	v8 =	vmul.f32 v13, v13;
	v13 =	vmul.f32 v48, v48  }
0x269: {  	v7 =	vperm.xlane v2, v28;
	v4 =	vsub.s32 $0x5F3759DF, v4;
	v6 =	vadd.f32 v11, v6  }
0x26a: {  	v1 =	vmax.f32 v1, $1.000000020e-24;
	v11 =	vmul.f32 v35, v35;
	v12 =	vadd.f32 v12, v13  }
0x26b: {  	v2 =	vadd.f32 v2, v7;
	v13 =	vmul.f32 v17, v17;
	v6 =	vadd.f32 v9, v6  }
0x26c: {  	v9 =	vmul.f32 v38, v38;
	v11 =	vadd.f32 v11, v16;
	v8 =	vadd.f32 v8, v12  }
0x26d: {  	v21 =	vmul.f32 $5.000000000e-01, v1;
	v12 =	vmul.f32 v49, v49;
	v13 =	vadd.f32 v13, v14  }
0x26e: {  	v14 =	vperm.xlane v6, v32;
	v9 =	vadd.f32 v9, v11;
	v8 =	vadd.f32 v10, v8  }
0x26f: {  	v2 =	vmax.f32 v2, $1.000000020e-24;
	v10 =	vshrl.u32 v1, $0x1;
	v11 =	vadd.f32 v12, v13  }
0x270: {  	v6 =	vadd.f32 v6, v14;
	v1 =	vadd.f32 v15, v9;
	v9 =	vperm.xlane v8, v32  }
0x271: {  	v61 =	vmul.f32 $5.000000000e-01, v2;
	v10 =	vsub.s32 $0x5F3759DF, v10;
	v12 =	vperm.xlane v11, v32  }
0x272: {  	v13 =	vperm.xlane v6, v29;
	v14 =	vperm.xlane v1, v32;
	v8 =	vadd.f32 v8, v9  }
0x273: {  	v15 =	vmul.f32 v10, v21;
	v9 =	vmul.f32 v4, v0;
	v11 =	vadd.f32 v11, v12  }
0x274: {  	v6 =	vadd.f32 v6, v13;
	v1 =	vadd.f32 v1, v14;
	v12 =	vperm.xlane v8, v29  }
0x275: {  	v3 =	vadd.f32 v3, v5;
	v9 =	vmul.f32 v4, v9;
	v5 =	vperm.xlane v11, v29  }
0x276: {  	s24 =	simm.s32 $0x200;
	v13 =	vperm.xlane v6, v27;
	v14 =	vperm.xlane v1, v29;
	v8 =	vadd.f32 v8, v12  }
0x277: {  	v42 =	vld [tilespmem:s24+$0x2880];
	v9 =	vsub.f32 $1.500000000e+00, v9;
	v12 =	vmul.f32 v10, v15;
	v5 =	vadd.f32 v11, v5  }
0x278: {  	v51 =	vld [tilespmem:s24+$0x2850];
	v6 =	vadd.f32 v6, v13;
	v1 =	vadd.f32 v1, v14;
	v11 =	vperm.xlane v8, v27  }
0x279: {  	v50 =	vld [tilespmem:s24+$0x2840];
	v4 =	vmul.f32 v4, v9;
	v7 =	vperm.xlane v5, v27  }
0x27a: {  	v14 =	vld [tilespmem:s24+$0x2890];
	v12 =	vsub.f32 $1.500000000e+00, v12;
	v9 =	vperm.xlane v6, v28;
	v13 =	vperm.xlane v1, v27  }
0x27b: {  	[tilespmem:$0x1FCD0] =	vst v17;
	v17 =	vld [tilespmem:s24+$0x28A0];
	v8 =	vadd.f32 v8, v11;
	v5 =	vadd.f32 v5, v7;
	v7 =	vmul.f32 v4, v0  }
0x27c: {  	v16 =	vld [tilespmem:s24+$0x28B0];
	v55 =	vmul.f32 v10, v12;
	v11 =	vmul.f32 v42, v42  }
0x27d: {  	v46 =	vld [tilespmem:s24+$0x2810];
	v12 =	vmul.f32 v51, v51;
	v41 =	vadd.f32 v1, v13;
	v1 =	vperm.xlane v8, v28  }
0x27e: {  	v47 =	vld [tilespmem:s24+$0x2800];
	v6 =	vadd.f32 v6, v9;
	v9 =	vperm.xlane v5, v28;
	v7 =	vmul.f32 v7, v4  }
0x27f: {  	v63 =	vld [tilespmem:s24+$0x2860];
	v2 =	vshrl.u32 v2, $0x1;
	v13 =	vmul.f32 v50, v50;
	v10 =	vmul.f32 v14, v14  }
0x280: {  	v44 =	vld [tilespmem:s24+$0x28C0];
	[tilespmem:$0x1FD00] =	vst v14;
	v14 =	vmul.f32 v17, v17;
	v6 =	vmax.f32 v6, $1.000000020e-24;
	v1 =	vadd.f32 v8, v1  }
0x281: {  	v15 =	vld [tilespmem:s24+$0x2870];
	v8 =	vmul.f32 v16, v16;
	v7 =	vsub.f32 $1.500000000e+00, v7;
	v5 =	vadd.f32 v5, v9  }
0x282: {  	[tilespmem:$0x1FCE0] =	vst v18;
	v18 =	vld [tilespmem:s24+$0x28D0];
	v20 =	vmul.f32 $5.000000000e-01, v6;
	v6 =	vshrl.u32 v6, $0x1;
	v10 =	vadd.f32 v10, v11  }
0x283: {  	v9 =	vmul.f32 v47, v47;
	v11 =	vadd.f32 v12, v13;
	v6 =	vsub.s32 $0x5F3759DF, v6  }
0x284: {  	[tilespmem:$0x1FCF0] =	vst v16;
	v16 =	vld [tilespmem:s24+$0x28E0];
	v13 =	vmul.f32 v46, v46;
	v12 =	vmul.f32 v6, v20;
	v10 =	vadd.f32 v14, v10  }
0x285: {  	v26 =	vld [tilespmem:s24+$0x2820];
	v2 =	vsub.s32 $0x5F3759DF, v2;
	v4 =	vmul.f32 v7, v4;
	v7 =	vmul.f32 v63, v63  }
0x286: {  	[tilespmem:$0x1FD10] =	vst v17;
	v17 =	vld [tilespmem:s24+$0x28F0];
	v14 =	vmul.f32 v15, v15;
	v8 =	vadd.f32 v8, v10;
	v10 =	vmul.f32 v6, v12  }
0x287: {  	[tilespmem:$0x1FD30] =	vst v15;
	v15 =	vmul.f32 v44, v44;
	v7 =	vadd.f32 v7, v11;
	v11 =	vmul.f32 v18, v18  }
0x288: {  	v9 =	vadd.f32 v13, v9;
	v10 =	vsub.f32 $1.500000000e+00, v10;
	v13 =	vperm.xlane v8, v32  }
0x289: {  	v0 =	vmul.f32 v4, v0;
	[tilespmem:$0x1FD40] =	vst v16;
	v12 =	vmul.f32 v16, v16;
	v16 =	vld [tilespmem:s24+$0x2830];
	v11 =	vadd.f32 v11, v15  }
0x28a: {  	v7 =	vadd.f32 v14, v7;
	v53 =	vmul.f32 v6, v10;
	v6 =	vadd.f32 v8, v13  }
0x28b: {  	v15 =	vmul.f32 v17, v17;
	v11 =	vadd.f32 v12, v11;
	v12 =	vmul.f32 v26, v26  }
0x28c: {  	v5 =	vmax.f32 v5, $1.000000020e-24;
	v0 =	vmul.f32 v0, v4;
	v10 =	vperm.xlane v6, v29  }
0x28d: {  	v14 =	vperm.xlane v7, v32;
	v8 =	vadd.f32 v12, v9;
	v9 =	vadd.f32 v15, v11  }
0x28e: {  	v11 =	vmul.f32 v16, v16;
	v6 =	vadd.f32 v6, v10;
	v10 =	vmul.f32 v2, v61  }
0x28f: {  	v56 =	vmul.f32 $5.000000000e-01, v5;
	v7 =	vadd.f32 v7, v14;
	v13 =	vperm.xlane v9, v32  }
0x290: {  	v0 =	vsub.f32 $1.500000000e+00, v0;
	v11 =	vadd.f32 v11, v8;
	v8 =	vmul.f32 v2, v10  }
0x291: {  	v12 =	vperm.xlane v7, v29;
	v9 =	vadd.f32 v9, v13;
	v10 =	vshrl.u32 v5, $0x1  }
0x292: {  	v5 =	vsub.s32 $0x5F3759DF, v10;
	v10 =	vsub.f32 $1.500000000e+00, v8;
	v8 =	vperm.xlane v6, v27  }
0x293: {  	v7 =	vadd.f32 v7, v12;
	v13 =	vperm.xlane v11, v32;
	v12 =	vmul.f32 v5, v56  }
0x294: {  	v8 =	vadd.f32 v6, v8;
	v14 =	vmul.f32 v2, v10;
	v2 =	vperm.xlane v9, v29  }
0x295: {  	v10 =	vadd.f32 v11, v13;
	v6 =	vmul.f32 v0, v4;
	v0 =	vmul.f32 v5, v12  }
0x296: {  	v58 =	vmax.f32 v1, $1.000000020e-24;
	v4 =	vperm.xlane v3, v28;
	v11 =	vmul.f32 v55, v21  }
0x297: {  	v2 =	vadd.f32 v9, v2;
	v9 =	vperm.xlane v7, v27;
	v13 =	vperm.xlane v10, v29  }
0x298: {  	[tilespmem:$0x1FD20] =	vst v18;
	v0 =	vsub.f32 $1.500000000e+00, v0;
	v59 =	vmul.f32 v11, v55;
	v1 =	vmul.f32 v6, v57  }
0x299: {  	v54 =	vmovc v21;
	v57 =	vperm.xlane v41, v28;
	v62 =	vadd.f32 v7, v9;
	v9 =	vmul.f32 v53, v20  }
0x29a: {  	[tilespmem:$0x1FD70] =	vst v20;
	v3 =	vadd.f32 v3, v4;
	v15 =	vperm.xlane v2, v27;
	v12 =	vmul.f32 v5, v0  }
0x29b: {  	v7 =	vadd.f32 v10, v13;
	v5 =	vperm.xlane v8, v28;
	[tilespmem:s23+$0x48F0] =	vst v1;
	v1 =	vmul.f32 v14, v61  }
0x29c: {  	v43 =	vmovc v55;
	[tilespmem:$0x1FD50] =	vst v17;
	v4 =	vadd.f32 v2, v15;
	v60 =	vmul.f32 v9, v53;
	v9 =	vmax.f32 v3, $1.000000020e-24  }
0x29d: {  	s18 =	sadd.s32 $0x1, s18;
	s25 =	simm.s32 $0xC00;
	[tilespmem:$0x1FD60] =	vst v16;
	v55 =	vmovc v41;
	v0 =	vperm.xlane v62, v28;
	v10 =	vmul.f32 v12, v56;
	v11 =	vshrl.u32 v9, $0x1  }
.LBB2_18:
0x29e: {  	v3 =	vmov v38;
	_ =	sdelay $0x2  }
0x29f: {  	[tilespmem:$0x1FBF0] =	vst v3;
	v3 =	vmov v40;
	_ =	sdelay $0x2  }
0x2a0: {  	v17 =	vperm.xlane v4, v28;
	[tilespmem:$0x1FBB0] =	vst v3;
	v3 =	vmov v30;
	_ =	sdelay $0x1  }
0x2a1: {  	v16 =	vadd.f32 v8, v5;
	v4 =	vadd.f32 v4, v17  }
0x2a2: {  	[tilespmem:$0x1FB20] =	vst v3;
	v3 =	vmov v50  }
0x2a3: {  	v21 =	vmax.f32 v16, $1.000000020e-24;
	v16 =	vmax.f32 v4, $1.000000020e-24;
	v4 =	vld [tilespmem:$0x1FCC0]  }
0x2a4: {  	v2 =	vperm.xlane v7, v27  }
0x2a5: {  	[tilespmem:$0x1FBC0] =	vst v3;
	v3 =	vmov v45  }
0x2a6: {  	v2 =	vadd.f32 v7, v2;
	_ =	sdelay $0x1  }
0x2a7: {  	v20 =	vsub.s32 $0x5F3759DF, v11;
	v38 =	vld [tilespmem:$0x1FCD0];
	v11 =	vperm.xlane v2, v28;
	[tilespmem:$0x1FB80] =	vst v3;
	v3 =	vmov v4  }
0x2a8: {  	s26 =	sshra.s32 s25, $0x2;
	v13 =	vmul.f32 v1, v14;
	[tilespmem:$0x1FBA0] =	vst v3;
	v3 =	vld [tilespmem:$0x1FD20]  }
0x2a9: {  	v8 =	vld [tilespmem:s26+$0x2820];
	v2 =	vadd.f32 v2, v11  }
0x2aa: {  	[tilespmem:$0x1FB30] =	vst v33;
	v5 =	vld [tilespmem:s26+$0x2830];
	v7 =	vmul.f32 v10, v12;
	v10 =	vsub.f32 $1.500000000e+00, v13  }
0x2ab: {  	[tilespmem:$0x1FB70] =	vst v26;
	v32 =	vmax.f32 v2, $1.000000020e-24;
	v2 =	vld [tilespmem:$0x1FCE0]  }
0x2ac: {  	v13 =	vsub.f32 $1.500000000e+00, v7;
	v7 =	vmul.f32 v6, v22;
	v22 =	vmovc v23;
	v23 =	vmul.f32 v10, v14;
	v14 =	vmovc v52;
	v52 =	vld [tilespmem:$0x1FC30]  }
0x2ad: {  	[tilespmem:$0x1FC20] =	vst v47;
	v18 =	vmul.f32 $5.000000000e-01, v9;
	v41 =	vld [tilespmem:s26+$0x28F0];
	v15 =	vmovc v39;
	v4 =	vmov v3;
	v3 =	vmov v42  }
0x2ae: {  	v17 =	vld [tilespmem:s26+$0x28A0];
	[tilespmem:$0x1FB60] =	vst v15  }
0x2af: {  	v47 =	vmov v51;
	v51 =	vmul.f32 v20, v18;
	v15 =	vld [tilespmem:s26+$0x28B0];
	[tilespmem:$0x1FB90] =	vst v22  }
0x2b0: {  	v1 =	vmovc v63;
	v63 =	vmul.f32 v6, v19;
	v22 =	vld [tilespmem:s26+$0x28E0];
	v11 =	vshrl.u32 v16, $0x1;
	[tilespmem:$0x1FC00] =	vst v3;
	v3 =	vmov v2  }
0x2b1: {  	[tilespmem:s23+$0x48C0] =	vst v7;
	v7 =	vsub.s32 $0x5F3759DF, v11;
	v11 =	vmul.f32 v20, v51;
	v6 =	vmul.f32 v6, v52;
	v52 =	vmovc v38;
	v38 =	vld [tilespmem:$0x1FD40]  }
0x2b2: {  	[tilespmem:$0x1FCC0] =	vst v4  }
0x2b3: {  	v26 =	vmovc v35;
	v33 =	vshrl.u32 v32, $0x1;
	v35 =	vsub.f32 $1.500000000e+00, v11;
	v11 =	vld [tilespmem:$0x1FD30];
	[tilespmem:$0x1FBD0] =	vst v3;
	v3 =	vmovc v25;
	v25 =	vmul.f32 $5.000000000e-01, v32  }
0x2b4: {  	v27 =	vsub.s32 $0x5F3759DF, v33;
	v4 =	vld [tilespmem:s26+$0x2810];
	[tilespmem:s23+$0x48D0] =	vst v63  }
0x2b5: {  	[tilespmem:$0x1FB40] =	vst v37;
	v50 =	vld [tilespmem:s26+$0x2840];
	v51 =	vmul.f32 v27, v25  }
0x2b6: {  	[tilespmem:$0x1FC30] =	vst v52;
	v52 =	vmov v38;
	v38 =	vmov v22;
	v37 =	vld [tilespmem:s26+$0x28D0]  }
0x2b7: {  	v40 =	vsub.f32 $1.500000000e+00, v59;
	v39 =	vmul.f32 v27, v51;
	v51 =	vld [tilespmem:s26+$0x2850]  }
0x2b8: {  	[tilespmem:$0x1FB50] =	vst v26;
	v19 =	vmov v24;
	v24 =	vmul.f32 $5.000000000e-01, v16;
	v13 =	vmul.f32 v13, v12  }
0x2b9: {  	v40 =	vmul.f32 v40, v43;
	v20 =	vmul.f32 v20, v35;
	[tilespmem:$0x1FD40] =	vst v38;
	v38 =	vmov v1;
	v1 =	vld [tilespmem:$0x1FD70]  }
0x2ba: {  	v35 =	vmul.f32 v13, v56;
	v26 =	vmovc v11;
	v11 =	vmovc v55;
	v55 =	vmov v62;
	v62 =	vmul.f32 v22, v22  }
0x2bb: {  	v56 =	vmov v24;
	v42 =	vmul.f32 v23, v61;
	v24 =	vmul.f32 v37, v37  }
0x2bc: {  	[tilespmem:$0x1FD20] =	vst v37;
	v22 =	vmul.f32 v50, v50;
	v37 =	vmul.f32 v51, v51  }
0x2bd: {  	v32 =	vmul.f32 v42, v23  }
0x2be: {  	v22 =	vadd.f32 v37, v22;
	v37 =	vmul.f32 v40, v54;
	v54 =	vmov v1;
	v1 =	vld [tilespmem:$0x1FC60]  }
0x2bf: {  	v45 =	vmov v31;
	v32 =	vsub.f32 $1.500000000e+00, v32;
	v31 =	vsub.f32 $1.500000000e+00, v39  }
0x2c0: {  	v29 =	vmul.f32 v20, v18  }
0x2c1: {  	v10 =	vld [tilespmem:s26+$0x2890];
	v23 =	vmul.f32 v32, v23  }
0x2c2: {  	[tilespmem:$0x1FC10] =	vst v49;
	v29 =	vmul.f32 v29, v20;
	v49 =	vld [tilespmem:s26+$0x2880]  }
0x2c3: {  	v43 =	vmovc v53;
	v53 =	vmul.f32 v27, v31;
	v31 =	vmov v25;
	v25 =	vmul.f32 v23, v1;
	v1 =	vld [tilespmem:$0x1FCB0]  }
0x2c4: {  	v29 =	vsub.f32 $1.500000000e+00, v29;
	v2 =	vld [tilespmem:s26+$0x2800];
	_ =	sdelay $0x1  }
0x2c5: {  	v20 =	vmul.f32 v29, v20  }
0x2c6: {  	v30 =	vmul.f32 v10, v10;
	v29 =	vmul.f32 v49, v49  }
0x2c7: {  	v33 =	vmul.f32 v17, v17;
	[tilespmem:$0x1FCD0] =	vst v52;
	v39 =	vmov v1;
	v1 =	vld [tilespmem:$0x1FC70]  }
0x2c8: {  	v52 =	vmovc v36;
	v63 =	vld [tilespmem:s26+$0x2860];
	v61 =	vmul.f32 v4, v4;
	v36 =	vmul.f32 v2, v2;
	v29 =	vadd.f32 v30, v29  }
0x2c9: {  	v9 =	vmov v44;
	[tilespmem:$0x1FCE0] =	vst v26;
	v26 =	vmul.f32 v15, v15;
	v44 =	vld [tilespmem:s26+$0x28C0];
	v30 =	vshrl.u32 v58, $0x1  }
0x2ca: {  	v42 =	vld [tilespmem:s26+$0x2870];
	[tilespmem:s23+$0x48E0] =	vst v6;
	v6 =	vadd.f32 v61, v36;
	v61 =	vmul.f32 $5.000000000e-01, v58;
	v58 =	vmovc v21;
	v21 =	vadd.f32 v33, v29;
	_ =	sdelay $0x1  }
0x2cb: {  	v21 =	vadd.f32 v26, v21;
	v26 =	vmul.f32 v23, v1;
	v1 =	vld [tilespmem:$0x1FC90];
	_ =	sdelay $0x4  }
0x2cc: {  	v27 =	vmov v1;
	v1 =	vld [tilespmem:$0x1FC50];
	_ =	sdelay $0x3  }
0x2cd: {  	[tilespmem:$0x1FD70] =	vst v31  }
0x2ce: {  	[tilespmem:$0x1FC70] =	vst v27;
	v27 =	vmul.f32 v53, v31;
	v31 =	vmul.f32 v23, v1;
	v1 =	vld [tilespmem:$0x1FCF0];
	_ =	sdelay $0x3  }
0x2cf: {  	v18 =	vmul.f32 v20, v18  }
0x2d0: {  	[tilespmem:$0x1FD30] =	vst v42;
	v36 =	vmul.f32 v42, v42;
	v42 =	vmovc v49;
	v49 =	vmov v1;
	v1 =	vmov v15  }
0x2d1: {  	v18 =	vmul.f32 v18, v20;
	[tilespmem:$0x1FCF0] =	vst v1;
	v1 =	vld [tilespmem:$0x1FD10];
	_ =	sdelay $0x1  }
0x2d2: {  	v18 =	vsub.f32 $1.500000000e+00, v18;
	_ =	sdelay $0x1  }
0x2d3: {  	v18 =	vmul.f32 v18, v20;
	v20 =	vld [tilespmem:$0x1FD00]  }
0x2d4: {  	v32 =	vld [tilespmem:$0x1FFC0];
	v19 =	vmul.f32 v23, v19;
	v23 =	vmov v1;
	v1 =	vmov v17  }
0x2d5: {  	[tilespmem:$0x1FD10] =	vst v1;
	v1 =	vld [tilespmem:$0x1FCA0];
	_ =	sdelay $0x1  }
0x2d6: {  	v29 =	vmul.f32 v44, v44;
	_ =	sdelay $0x1  }
0x2d7: {  	v24 =	vadd.f32 v24, v29  }
0x2d8: {  	v29 =	vmul.f32 v37, v40;
	[tilespmem:s23+$0x48A0] =	vst v25;
	v25 =	vperm.xlane v21, v32;
	v17 =	vmovc v1;
	v1 =	vmov v20  }
0x2d9: {  	[tilespmem:$0x1FCA0] =	vst v1;
	v1 =	vld [tilespmem:$0x1FB30]  }
0x2da: {  	v15 =	vadd.f32 v21, v25;
	v21 =	vsub.f32 $1.500000000e+00, v29  }
0x2db: {  	[tilespmem:$0x1FBE0] =	vst v9  }
0x2dc: {  	v9 =	vmovc v48;
	v48 =	vmov v34;
	v34 =	vmul.f32 v63, v63;
	[tilespmem:$0x1FC50] =	vst v17;
	v17 =	vmul.f32 v21, v40;
	_ =	sdelay $0x1  }
0x2dd: {  	v22 =	vadd.f32 v34, v22;
	v20 =	vmul.f32 v17, v1;
	v1 =	vld [tilespmem:$0x1FC80];
	_ =	sdelay $0x1  }
0x2de: {  	v22 =	vadd.f32 v36, v22  }
0x2df: {  	v29 =	vld [tilespmem:$0x1FFD0]  }
0x2e0: {  	[tilespmem:s23+$0x48B0] =	vst v26;
	v26 =	vperm.xlane v22, v32  }
0x2e1: {  	v33 =	vmov v1;
	v1 =	vld [tilespmem:$0x1FD60]  }
0x2e2: {  	v22 =	vadd.f32 v22, v26  }
0x2e3: {  	v30 =	vsub.s32 $0x5F3759DF, v30;
	[tilespmem:s23+$0x4880] =	vst v19  }
0x2e4: {  	v19 =	vperm.xlane v22, v29;
	[tilespmem:$0x1FCB0] =	vst v23;
	v23 =	vmul.f32 v30, v61;
	_ =	sdelay $0x1  }
0x2e5: {  	v19 =	vadd.f32 v22, v19;
	v22 =	vmul.f32 v30, v23;
	v23 =	vmul.f32 v17, v3;
	v3 =	vmovc v1;
	v1 =	vld [tilespmem:$0x1FB40];
	_ =	sdelay $0x4  }
0x2e6: {  	v24 =	vadd.f32 v62, v24;
	v62 =	vmul.f32 v17, v1;
	v1 =	vld [tilespmem:$0x1FB60];
	_ =	sdelay $0x4  }
0x2e7: {  	[tilespmem:$0x1FC80] =	vst v3;
	v3 =	vmul.f32 v18, v1;
	v1 =	vld [tilespmem:$0x1FC40];
	_ =	sdelay $0x4  }
0x2e8: {  	v17 =	vmul.f32 v17, v1;
	v1 =	vld [tilespmem:$0x1FB70]  }
0x2e9: {  	v28 =	vmul.f32 v41, v41  }
0x2ea: {  	v12 =	vmov v57;
	v57 =	vmov v0;
	v0 =	vmul.f32 v8, v8  }
0x2eb: {  	v21 =	vadd.f32 v28, v24;
	v24 =	vld [tilespmem:$0x1FFF0]  }
0x2ec: {  	v0 =	vadd.f32 v0, v6;
	v6 =	vperm.xlane v15, v29  }
0x2ed: {  	[tilespmem:s23+$0x4890] =	vst v31;
	v31 =	vmov v1;
	v1 =	vld [tilespmem:$0x1FB80]  }
0x2ee: {  	v6 =	vadd.f32 v15, v6;
	_ =	sdelay $0x1  }
0x2ef: {  	v59 =	vmov v60;
	v60 =	vperm.xlane v6, v24  }
0x2f0: {  	v16 =	vmul.f32 v5, v5  }
0x2f1: {  	v26 =	vmovc v8;
	v8 =	vadd.f32 v6, v60;
	v6 =	vmul.f32 v18, v1;
	v1 =	vmov v5  }
0x2f2: {  	[tilespmem:$0x1FD60] =	vst v1;
	v1 =	vld [tilespmem:$0x1FBB0]  }
0x2f3: {  	v0 =	vadd.f32 v16, v0  }
0x2f4: {  	v15 =	vmul.f32 v7, v56  }
0x2f5: {  	[tilespmem:s23+$0x4810] =	vst v23;
	v23 =	vperm.xlane v0, v32  }
0x2f6: {  	v24 =	vmov v9;
	v9 =	vsub.f32 $1.500000000e+00, v22;
	v5 =	vmul.f32 v7, v15  }
0x2f7: {  	v35 =	vmul.f32 v35, v13;
	v0 =	vadd.f32 v0, v23;
	v1 =	vmul.f32 v18, v1  }
0x2f8: {  	v16 =	vld [tilespmem:$0x1FFF0];
	[tilespmem:s23+$0x4800] =	vst v17;
	v17 =	vmul.f32 v18, v14;
	v14 =	vmul.f32 v30, v9;
	v9 =	vsub.f32 $1.500000000e+00, v5  }
0x2f9: {  	v11 =	vadd.f32 v11, v12;
	v37 =	vmov v45;
	v45 =	vld [tilespmem:$0x1FB50];
	[tilespmem:s23+$0x4840] =	vst v1;
	v1 =	vperm.xlane v0, v29  }
0x2fa: {  	v36 =	vmovc v46;
	v46 =	vmovc v4;
	v4 =	vmov v48;
	v48 =	vld [tilespmem:$0x1FC00];
	[tilespmem:s23+$0x4830] =	vst v20;
	v12 =	vmul.f32 v7, v9;
	v7 =	vmov v10  }
0x2fb: {  	v20 =	vperm.xlane v21, v32;
	[tilespmem:$0x1FD00] =	vst v7;
	v7 =	vadd.f32 v0, v1;
	v0 =	vld [tilespmem:$0x1FC10]  }
0x2fc: {  	[tilespmem:$0x1FC60] =	vst v39;
	v39 =	vld [tilespmem:$0x1FBF0];
	v25 =	vsub.f32 $1.500000000e+00, v35  }
0x2fd: {  	v40 =	vld [tilespmem:$0x1FB20];
	[tilespmem:s23+$0x4860] =	vst v3;
	v3 =	vadd.f32 v21, v20  }
0x2fe: {  	v60 =	vmul.f32 v27, v53;
	v27 =	vld [tilespmem:$0x1FFF0];
	[tilespmem:s23+$0x4850] =	vst v6;
	v6 =	vmul.f32 v25, v13  }
0x2ff: {  	v28 =	vld [tilespmem:$0x1FFE0];
	v15 =	vperm.xlane v3, v29  }
0x300: {  	v10 =	vmov v41;
	v13 =	vmul.f32 v6, v0;
	v0 =	vld [tilespmem:$0x1FD50]  }
0x301: {  	p3 =	sne.s32 s25, $0x7C00;
	v3 =	vadd.f32 v3, v15;
	[tilespmem:$0x1FD50] =	vst v10;
	v10 =	vld [tilespmem:$0x1FC20]  }
.Ltmp9:
0x302: {  	[tilespmem:$0x1FC90] =	vst v49;
	v16 =	vperm.xlane v19, v16;
	v22 =	vld [tilespmem:$0x1FB90];
	(pc) =	sbr.rel @p3 .LBB2_18-.Ltmp9, $4  }
0x303: {  	v35 =	vmov v47;
	v23 =	vld [tilespmem:$0x1FBE0];
	[tilespmem:$0x1FC40] =	vst v4;
	v4 =	vperm.xlane v3, v27  }
0x304: {  	v47 =	vmovc v2;
	[tilespmem:s23+$0x4820] =	vst v62;
	v62 =	vadd.f32 v19, v16;
	v19 =	vld [tilespmem:$0x1FBA0];
	v5 =	vperm.xlane v8, v28;
	v9 =	vmax.f32 v11, $1.000000020e-24  }
0x305: {  	v30 =	vld [tilespmem:$0x1FBC0];
	[tilespmem:s23+$0x4870] =	vst v17;
	v25 =	vmovc v52;
	v11 =	vshrl.u32 v9, $0x1;
	v4 =	vadd.f32 v3, v4;
	s23 =	smov.u32 s22;
	v1 =	vmul.f32 v14, v61  }
0x306: {  	s25 =	sadd.s32 $0x400, s25;
	v52 =	vld [tilespmem:$0x1FBD0];
	s22 =	smov.u32 s24;
	s24 =	smov.u32 s26;
	[tilespmem:s23+$0x48F0] =	vst v13;
	v49 =	vmovc v0;
	v0 =	vperm.xlane v62, v28;
	v34 =	vmov v10;
	v10 =	vmul.f32 v12, v56  }
0x307: {  	v3 =	vmul.f32 $5.000000000e-01, v9  }
0x308: {  	v2 =	vsub.s32 $0x5F3759DF, v11  }
0x309: {  	v17 =	vperm.xlane v7, v27;
	v9 =	vmul.f32 v2, v3  }
0x30a: {  	v1 =	vmul.f32 v1, v14;
	v15 =	vsub.f32 $1.500000000e+00, v59  }
0x30b: {  	v10 =	vmul.f32 v10, v12;
	v7 =	vadd.f32 v7, v17;
	v9 =	vmul.f32 v2, v9  }
0x30c: {  	v1 =	vsub.f32 $1.500000000e+00, v1;
	v17 =	vld [tilespmem:$0x1FC30];
	v15 =	vmul.f32 v15, v43  }
0x30d: {  	v18 =	vsub.f32 $1.500000000e+00, v10;
	v11 =	vperm.xlane v7, v28;
	v9 =	vsub.f32 $1.500000000e+00, v9  }
0x30e: {  	v10 =	vmul.f32 v1, v14;
	v14 =	vmul.f32 v6, v19  }
0x30f: {  	v7 =	vadd.f32 v7, v11;
	v2 =	vmul.f32 v2, v9;
	v9 =	vmul.f32 v18, v12  }
0x310: {  	v12 =	vmul.f32 v6, v22;
	v22 =	vmul.f32 v10, v61  }
0x311: {  	v21 =	vmax.f32 v7, $1.000000020e-24;
	v6 =	vmul.f32 v6, v17;
	v18 =	vmul.f32 v15, v54  }
0x312: {  	v13 =	vshrl.u32 v21, $0x1;
	v1 =	vmul.f32 $5.000000000e-01, v21;
	v21 =	vperm.xlane v4, v28  }
0x313: {  	v20 =	vmul.f32 v2, v3;
	v13 =	vsub.s32 $0x5F3759DF, v13;
	v7 =	vmul.f32 v22, v10  }
0x314: {  	v43 =	vshrl.u32 v58, $0x1;
	v59 =	vmul.f32 v18, v15;
	v16 =	vmul.f32 v13, v1  }
0x315: {  	v54 =	vadd.f32 v55, v57;
	v22 =	vld [tilespmem:$0x1FC60];
	v4 =	vadd.f32 v4, v21;
	v11 =	vmul.f32 v20, v2  }
0x316: {  	v7 =	vsub.f32 $1.500000000e+00, v7;
	v17 =	vsub.f32 $1.500000000e+00, v59;
	v41 =	vmul.f32 v13, v16  }
0x317: {  	v16 =	vmul.f32 $5.000000000e-01, v58;
	v58 =	vsub.s32 $0x5F3759DF, v43;
	v4 =	vmax.f32 v4, $1.000000020e-24  }
0x318: {  	v20 =	vld [tilespmem:$0x1FC50];
	v11 =	vsub.f32 $1.500000000e+00, v11;
	v7 =	vmul.f32 v7, v10;
	v15 =	vmul.f32 v17, v15  }
0x319: {  	v55 =	vshrl.u32 v4, $0x1;
	v4 =	vmul.f32 $5.000000000e-01, v4;
	v61 =	vmul.f32 v58, v16  }
0x31a: {  	v17 =	vsub.s32 $0x5F3759DF, v55;
	v11 =	vmul.f32 v11, v2;
	v19 =	vmul.f32 v7, v22  }
0x31b: {  	v57 =	vmul.f32 v17, v4;
	v25 =	vmul.f32 v15, v25  }
0x31c: {  	v2 =	vsub.f32 $1.500000000e+00, v41;
	v41 =	vld [tilespmem:$0x1FC70];
	v37 =	vmul.f32 v15, v37;
	v18 =	vmul.f32 v58, v61  }
0x31d: {  	v20 =	vmul.f32 v7, v20;
	v3 =	vmul.f32 v11, v3  }
0x31e: {  	v0 =	vadd.f32 v62, v0;
	v59 =	vld [tilespmem:$0x1FC40];
	v2 =	vmul.f32 v13, v2;
	v22 =	vmul.f32 v17, v57  }
0x31f: {  	v43 =	vsub.f32 $1.500000000e+00, v18;
	v18 =	vmax.f32 v54, $1.000000020e-24;
	v3 =	vmul.f32 v3, v11  }
0x320: {  	v21 =	vshrl.u32 v18, $0x1;
	v18 =	vmul.f32 $5.000000000e-01, v18;
	v62 =	vmul.f32 v2, v1  }
0x321: {  	v22 =	vsub.f32 $1.500000000e+00, v22;
	v13 =	vmul.f32 v7, v41;
	v7 =	vmul.f32 v7, v24  }
0x322: {  	v10 =	vmul.f32 v58, v43;
	v21 =	vsub.s32 $0x5F3759DF, v21;
	v43 =	vmul.f32 v15, v33  }
0x323: {  	v15 =	vmul.f32 v15, v59;
	v3 =	vsub.f32 $1.500000000e+00, v3;
	v24 =	vmul.f32 v21, v18  }
0x324: {  	v17 =	vmul.f32 v17, v22;
	v41 =	vmul.f32 v10, v16  }
0x325: {  	v3 =	vmul.f32 v3, v11;
	v24 =	vmul.f32 v21, v24  }
0x326: {  	v5 =	vadd.f32 v8, v5;
	v33 =	vmul.f32 v9, v56;
	v58 =	vmul.f32 v41, v10  }
0x327: {  	v41 =	vmul.f32 v17, v4;
	v61 =	vsub.f32 $1.500000000e+00, v24;
	v24 =	vmul.f32 v3, v39  }
0x328: {  	v5 =	vmax.f32 v5, $1.000000020e-24;
	[tilespmem:s23+$0x48C0] =	vst v12;
	v8 =	vmul.f32 v3, v45;
	v12 =	vmul.f32 v3, v52  }
0x329: {  	v3 =	vmul.f32 v3, v40;
	v11 =	vsub.f32 $1.500000000e+00, v58;
	v22 =	vmul.f32 v41, v17  }
0x32a: {  	[tilespmem:s23+$0x48D0] =	vst v14;
	v39 =	vsub.f32 $1.500000000e+00, v60;
	v41 =	vmul.f32 $5.000000000e-01, v5;
	v21 =	vmul.f32 v21, v61  }
0x32b: {  	[tilespmem:s23+$0x48E0] =	vst v6;
	v10 =	vmul.f32 v11, v10;
	v11 =	vmul.f32 v33, v9  }
0x32c: {  	[tilespmem:s23+$0x48A0] =	vst v19;
	v40 =	vld [tilespmem:$0x1FCD0];
	v5 =	vshrl.u32 v5, $0x1;
	v19 =	vmul.f32 v39, v53;
	v55 =	vmul.f32 v21, v18  }
0x32d: {  	[tilespmem:s23+$0x4810] =	vst v25;
	v5 =	vsub.s32 $0x5F3759DF, v5;
	v33 =	vld [tilespmem:$0x1FCC0];
	v11 =	vsub.f32 $1.500000000e+00, v11;
	v16 =	vmul.f32 v10, v16  }
0x32e: {  	[tilespmem:s23+$0x4820] =	vst v37;
	v54 =	vsub.f32 $1.500000000e+00, v22;
	v45 =	vmul.f32 v5, v41;
	v58 =	vmul.f32 v55, v21  }
0x32f: {  	v0 =	vmax.f32 v0, $1.000000020e-24;
	[tilespmem:s23+$0x4890] =	vst v20;
	v56 =	vmul.f32 v11, v9;
	v57 =	vmul.f32 v16, v10  }
0x330: {  	[tilespmem:s23+$0x48B0] =	vst v13;
	v52 =	vld [tilespmem:$0x1FCB0];
	v11 =	vmul.f32 v54, v17;
	v54 =	vshrl.u32 v0, $0x1;
	v0 =	vmul.f32 $5.000000000e-01, v0  }
0x331: {  	[tilespmem:s23+$0x4880] =	vst v7;
	v53 =	vld [tilespmem:$0x1FC90];
	v14 =	vsub.f32 $1.500000000e+00, v58;
	v59 =	vmul.f32 v56, v49;
	v61 =	vmul.f32 v56, v23  }
0x332: {  	[tilespmem:s23+$0x4830] =	vst v43;
	v9 =	vsub.f32 $1.500000000e+00, v57;
	v17 =	vmul.f32 v56, v33;
	v6 =	vmul.f32 v56, v40;
	v49 =	vld [tilespmem:$0x1FD70]  }
0x333: {  	[tilespmem:s23+$0x4800] =	vst v15;
	v56 =	vsub.s32 $0x5F3759DF, v54;
	v4 =	vmul.f32 v11, v4;
	v14 =	vmul.f32 v14, v21  }
0x334: {  	[tilespmem:s23+$0x4860] =	vst v24;
	v22 =	vmul.f32 v56, v0;
	v9 =	vmul.f32 v9, v10  }
0x335: {  	[tilespmem:s23+$0x4850] =	vst v8;
	v57 =	vld [tilespmem:$0x1FCA0];
	v10 =	vmul.f32 v5, v45;
	v18 =	vmul.f32 v14, v18  }
0x336: {  	[tilespmem:s23+$0x4870] =	vst v12;
	v60 =	vmul.f32 v56, v22;
	v21 =	vmul.f32 v9, v52  }
0x337: {  	[tilespmem:s23+$0x4840] =	vst v3;
	v15 =	vmul.f32 v9, v53;
	v10 =	vsub.f32 $1.500000000e+00, v10;
	v20 =	vmul.f32 v19, v49  }
0x338: {  	[tilespmem:s22+$0x48F0] =	vst v59;
	v58 =	vmul.f32 v9, v48;
	v59 =	vmul.f32 v18, v14  }
0x339: {  	[tilespmem:s22+$0x48C0] =	vst v61;
	v5 =	vmul.f32 v5, v10;
	v55 =	vmul.f32 v20, v19  }
0x33a: {  	[tilespmem:s22+$0x48D0] =	vst v17;
	v12 =	vmul.f32 v9, v57;
	v10 =	vsub.f32 $1.500000000e+00, v60;
	v9 =	vsub.f32 $1.500000000e+00, v59  }
0x33b: {  	v23 =	vld [tilespmem:$0x1FC80];
	[tilespmem:s22+$0x48E0] =	vst v6;
	v4 =	vmul.f32 v4, v11;
	v61 =	vmul.f32 v5, v41;
	v8 =	vsub.f32 $1.500000000e+00, v55  }
0x33c: {  	[tilespmem:s22+$0x48A0] =	vst v21;
	v10 =	vmul.f32 v56, v10;
	v9 =	vmul.f32 v9, v14  }
0x33d: {  	[tilespmem:s22+$0x48B0] =	vst v15;
	v8 =	vmul.f32 v8, v19;
	v19 =	vmul.f32 v61, v5  }
0x33e: {  	v22 =	vmul.f32 v62, v2;
	[tilespmem:s22+$0x4880] =	vst v58;
	v40 =	vmul.f32 v9, v38  }
0x33f: {  	v45 =	vld [tilespmem:$0x1FCE0];
	[tilespmem:s22+$0x4890] =	vst v12;
	v37 =	vmul.f32 v10, v0;
	v43 =	vmul.f32 v9, v35;
	v6 =	vsub.f32 $1.500000000e+00, v19  }
0x340: {  	v4 =	vsub.f32 $1.500000000e+00, v4;
	v48 =	vmul.f32 v9, v30;
	v12 =	vmul.f32 v8, v23;
	[tilespmem:s22+$0x4860] =	vst v40  }
0x341: {  	v49 =	vld [tilespmem:$0x1FD50];
	v33 =	vmul.f32 v8, v36;
	[tilespmem:s22+$0x4850] =	vst v43;
	v36 =	vmul.f32 v6, v5  }
0x342: {  	v4 =	vmul.f32 v4, v11;
	[tilespmem:s22+$0x4840] =	vst v48;
	v5 =	vmul.f32 v37, v10  }
0x343: {  	v53 =	vld [tilespmem:$0x1FD20];
	v39 =	vmul.f32 v8, v31;
	[tilespmem:s22+$0x4830] =	vst v12;
	v7 =	vmul.f32 v36, v41;
	v41 =	vsub.f32 $1.500000000e+00, v22  }
0x344: {  	v8 =	vmul.f32 v8, v34;
	[tilespmem:s22+$0x4810] =	vst v33;
	v6 =	vmul.f32 v9, v45;
	v5 =	vsub.f32 $1.500000000e+00, v5  }
0x345: {  	v54 =	vld [tilespmem:$0x1FD40];
	[tilespmem:s22+$0x4820] =	vst v39;
	v7 =	vmul.f32 v7, v36;
	v2 =	vmul.f32 v41, v2  }
0x346: {  	v55 =	vld [tilespmem:$0x1FD10];
	[tilespmem:s22+$0x4870] =	vst v6;
	v6 =	vmul.f32 v4, v49;
	v5 =	vmul.f32 v5, v10  }
0x347: {  	v52 =	vmul.f32 v4, v44;
	v56 =	vld [tilespmem:$0x1FCF0];
	[tilespmem:s22+$0x4800] =	vst v8;
	v7 =	vsub.f32 $1.500000000e+00, v7;
	v1 =	vmul.f32 v2, v1  }
0x348: {  	v57 =	vld [tilespmem:$0x1FD00];
	[tilespmem:s24+$0x48F0] =	vst v6;
	v6 =	vmul.f32 v4, v53;
	v0 =	vmul.f32 v5, v0  }
0x349: {  	v3 =	vmul.f32 v7, v36;
	v1 =	vmul.f32 v1, v2  }
0x34a: {  	v58 =	vld [tilespmem:$0x1FD60];
	[tilespmem:s24+$0x48C0] =	vst v52;
	v4 =	vmul.f32 v4, v54;
	v0 =	vmul.f32 v0, v5  }
0x34b: {  	[tilespmem:s24+$0x48D0] =	vst v6;
	v6 =	vmul.f32 v3, v55;
	v1 =	vsub.f32 $1.500000000e+00, v1  }
0x34c: {  	[tilespmem:s24+$0x48E0] =	vst v4;
	v4 =	vmul.f32 v3, v56;
	v0 =	vsub.f32 $1.500000000e+00, v0  }
0x34d: {  	[tilespmem:s24+$0x48A0] =	vst v6;
	v1 =	vmul.f32 v1, v2;
	v2 =	vmul.f32 v3, v57  }
0x34e: {  	[tilespmem:s24+$0x48B0] =	vst v4;
	v3 =	vmul.f32 v3, v42;
	v0 =	vmul.f32 v0, v5  }
0x34f: {  	[tilespmem:s24+$0x4890] =	vst v2;
	v2 =	vmul.f32 v1, v58  }
0x350: {  	[tilespmem:s24+$0x4880] =	vst v3;
	v59 =	vmul.f32 v1, v46;
	v61 =	vmul.f32 v0, v63;
	v63 =	vld [tilespmem:$0x1FD30]  }
0x351: {  	v60 =	vmul.f32 v1, v26;
	[tilespmem:s24+$0x4830] =	vst v2  }
0x352: {  	[tilespmem:s24+$0x4810] =	vst v59  }
0x353: {  	v1 =	vmul.f32 v1, v47;
	[tilespmem:s24+$0x4820] =	vst v60  }
0x354: {  	v62 =	vmul.f32 v0, v51;
	[tilespmem:s24+$0x4860] =	vst v61  }
0x355: {  	s21 =	sshll.u32 s21, $0x7;
	[tilespmem:s24+$0x4800] =	vst v1;
	v1 =	vmul.f32 v0, v63  }
0x356: {  	s21 =	sadd.s32 s8, s21;
	[tilespmem:s24+$0x4850] =	vst v62;
	v0 =	vmul.f32 v0, v50  }
0x357: {  	s22 =	sshll.u32 @!p2 s21, $0x3;
	[tilespmem:s24+$0x4870] =	vst v1  }
0x358: {  	s23 =	simm.s32 @!p2 $0x0;
	s22 =	sadd.s32 @!p2 s1, s22;
	[tilespmem:s24+$0x4840] =	vst v0;
	s24 =	simm.s32 @!p2 $0x4800  }
0x359: {  	[hbm4b:s22+s23] =	stream.linear.scatter @!p2 [tilespmem:s24], [sflag:$0x4], $0x2000, $0x38;
	[tilespmem:$0x6800] =	vst v63  }
0x35a: {  	s22 =	simm.s32 @!p2 $0x4  }
0x35b: {  	_ =	swait.ge @!p2 [sflag:s22], $0x2000  }
0x35c: {  	[sflag:s22] =	ssyncset.done @!p2 $0x0  }
0x35d: {  	[sflag:s22] =	ssyncadd.s32 @!p2 $0xFFFFE000;
	s22 =	sshll.u32 @p6 s21, $0x3  }
0x35e: {  	s23 =	simm.s32 @p6 $0x0;
	s24 =	simm.s32 @p6 $0x4800;
	s22 =	sadd.s32 @p6 s2, s22  }
0x35f: {  	[hbm4b:s22+s23] =	stream.linear.scatter @p6 [tilespmem:s24], [sflag:$0x4], $0x2000, $0x38;
	[tilespmem:$0x6800] =	vst v63  }
0x360: {  	s22 =	simm.s32 @p6 $0x4  }
0x361: {  	_ =	swait.ge @p6 [sflag:s22], $0x2000  }
0x362: {  	[sflag:s22] =	ssyncset.done @p6 $0x0  }
0x363: {  	[sflag:s22] =	ssyncadd.s32 @p6 $0xFFFFE000;
	s22 =	sshll.u32 @p5 s21, $0x3  }
0x364: {  	s23 =	simm.s32 @p5 $0x0;
	s24 =	simm.s32 @p5 $0x4800;
	s22 =	sadd.s32 @p5 s3, s22  }
0x365: {  	[hbm4b:s22+s23] =	stream.linear.scatter @p5 [tilespmem:s24], [sflag:$0x4], $0x2000, $0x38;
	[tilespmem:$0x6800] =	vst v63  }
0x366: {  	s22 =	simm.s32 @p5 $0x4  }
0x367: {  	s21 =	sshll.u32 @p4 s21, $0x3;
	_ =	swait.ge @p5 [sflag:s22], $0x2000  }
0x368: {  	p0 =	sne.s32 s18, $0x8;
	s21 =	sadd.s32 @p4 s4, s21;
	[sflag:s22] =	ssyncset.done @p5 $0x0  }
0x369: {  	s23 =	simm.s32 @p4 $0x4800;
	[sflag:s22] =	ssyncadd.s32 @p5 $0xFFFFE000;
	s22 =	simm.s32 @p4 $0x0  }
0x36a: {  	[hbm4b:s21+s22] =	stream.linear.scatter @p4 [tilespmem:s23], [sflag:$0x3], $0x2000, $0x38;
	[tilespmem:$0x6800] =	vst v63  }
.Ltmp10:
0x36b: {  	_ = 	snop;
	(pc) =	sbr.rel @p0 .LBB2_4-.Ltmp10, $4  }
0x36c: {  	s21 =	simm.s32 @p4 $0x3  }
0x36d: {  	_ =	swait.ge @p4 [sflag:s21], $0x2000  }
0x36e: {  	[sflag:s21] =	ssyncset.done @p4 $0x0  }
0x36f: {  	s19 =	sadd.s32 $0x100, s19;
	s20 =	sadd.s32 $0x100, s20;
	[sflag:s21] =	ssyncadd.s32 @p4 $0xFFFFE000  }
0x370: {  	s17 =	sadd.s32 $0x1, s17  }
0x371: {  	p0 =	sne.s32 s17, s10  }
.Ltmp11:
0x372: {  	_ = 	snop;
	(pc) =	sbr.rel @p0 .LBB2_1-.Ltmp11, $1  }
0x373: {  	_ =	sdelay $0x3  }
0x374: {  	_ =	sfence.sel $0x180000  }
0x375: {  	[bflag:$0x0] =	sbarrier.arrive $0xFFFF  }
0x376: {  	p0 =	sne.s32 s6, $0x0;
	_ =	strace $0x90000047  }
0x377: {  	s0 =	sadd.s32 @!p0 $0x100000, s7;
	[bflag:$0x2] =	sbarrier.arrive $0xFFFF  }
0x378: {  	[sflag:s0] =	ssyncadd.tile.s32 @!p0 $0x1;
	_ =	shalt  }
.Lfunc_end2:
_tile_overlayer_lowered:
.L_overlay_start_2:
0x379: {  	(tag) =	ssettag $0x2  }
0x37a: {  	s0 =	rddreg [dreg:$0x0];
	s2 =	stileid.u32  }
0x37b: {  	s1 =	rddreg [dreg:$0x1];
	p0 =	sne.s32 s2, $0x0  }
0x37c: {  	s3 =	rddreg [dreg:$0x2];
	[bflag:$0x3] =	sbarrier.arrive $0xFFFF;
	s2 =	simm.s32 @!p0 $0x1C03  }
0x37d: {  	[timem:s3], [sflag:s2] =	dma.local @!p0 [hbm:s0], s1  }
0x37e: {  	s0 =	simm.s32 @!p0 $0x3  }
0x37f: {  	_ =	swait.ge @!p0 [sflag:s0], s1  }
0x380: {  	s1 =	ssub.s32 @!p0 $0x0, s1;
	[sflag:s0] =	ssyncset.done @!p0 $0x0  }
0x381: {  	[sflag:s0] =	ssyncadd.s32 @!p0 s1  }
0x382: {  	[bflag:$0x3] =	sbarrier.arrive $0xFFFF  }
0x383: {  	_ =	shalt  }

</sc_bundles>
